<compile_context>
chip_gen: v7x
topology: tpu7x:2x2x1
jax: 0.10.2.dev20260603
libtpu: 0.0.44.dev20260713+nightly
codegen_flags: <defaults>
</compile_context>

<pallas_src>
import functools
import jax
import jax.numpy as jnp
from jax import lax
from jax.experimental import pallas as pl
from jax.experimental.pallas import tpu as pltpu
from jax.experimental.pallas import tpu_sc as plsc

N_NODES = 10000
N_EDGES = 40000
N_ATOMS = 5
T = 8
B = N_NODES // N_ATOMS
IN_NODE_NF = 16
HID_ENC = 64
TIME_EMB_DIM = 32
HID_DEC = 96
DELTA_FRAME = 1.0
XPAD = 16
MSG_ENC = 128
MSG_DEC = 128
BLK = 2000
BLK_E = 2048
EP = 40960
NROW = 10112
NW = 32
GB = 128
CS = 256
CATW = 256


def _silu(z):
    return z * jax.nn.sigmoid(z)


def _mm(a, b):
    return jax.lax.dot_general(a, b, (((1,), (0,)), ((), ())),
                               precision=jax.lax.Precision.DEFAULT,
                               preferred_element_type=jnp.float32)


def _edge_body(hid, hi, hj, ef, we1, be1, we2, be2, wx1, bx1, wx2, bx2,
               out):
    a = hi[...]
    b = hj[...]
    x = a[:, hid:hid + XPAD] - b[:, hid:hid + XPAD]
    d2 = jnp.sum(x * x, axis=1, keepdims=True)
    blk = a.shape[0]
    catpad = jnp.zeros((blk, CATW - 2 * hid - 1 - 4), jnp.float32)
    cat = jnp.concatenate([a[:, :hid], b[:, :hid], d2, ef[...], catpad],
                          axis=1)
    m = _silu(_mm(cat, we1[...]) + be1[...])
    m = _silu(_mm(m, we2[...]) + be2[...])
    u = _silu(_mm(m, wx1[...]) + bx1[...])
    w = _mm(u, wx2[...]) + bx2[...]
    blk = a.shape[0]
    ones = jnp.ones((blk, 1), jnp.float32)
    pad = out.shape[1] - (m.shape[1] + 4 + 1)
    out[...] = jnp.concatenate(
        [m, x[:, :4] * w, ones, jnp.zeros((blk, pad), jnp.float32)], axis=1)


def _edge_mlp(hi, hj, ef, p, hid, msg_w):
    E = hi.shape[0]
    we1 = jnp.pad(p["We1"], ((0, CATW - p["We1"].shape[0]), (0, 0)))
    grid = E // BLK_E
    row = lambda i: (i, 0)
    full = lambda *_: (0, 0)
    return pl.pallas_call(
        functools.partial(_edge_body, hid),
        grid=(grid,),
        in_specs=[
            pl.BlockSpec((BLK_E, 128), row),
            pl.BlockSpec((BLK_E, 128), row),
            pl.BlockSpec((BLK_E, 4), row),
            pl.BlockSpec((CATW, hid), full),
            pl.BlockSpec((1, hid), full),
            pl.BlockSpec((hid, hid), full),
            pl.BlockSpec((1, hid), full),
            pl.BlockSpec((hid, hid), full),
            pl.BlockSpec((1, hid), full),
            pl.BlockSpec((hid, 1), full),
            pl.BlockSpec((1, 1), full),
        ],
        out_specs=pl.BlockSpec((BLK_E, msg_w), row),
        out_shape=jax.ShapeDtypeStruct((E, msg_w), jnp.float32),
    )(hi, hj, ef, we1, p["be1"][None], p["We2"], p["be2"][None],
      p["Wx1"], p["bx1"][None], p["Wx2"], p["bx2"][None])


def _node_body(emit_tab, hid, x4, h, agg, wh1, bh1, wh2, bh2,
               x4o, ho, tabo):
    a = agg[...]
    agg_h = a[:, :hid]
    cnt = jnp.maximum(a[:, hid + 4:hid + 5], 1.0)
    blk = a.shape[0]
    xupd = jnp.concatenate(
        [a[:, hid:hid + 4], jnp.zeros((blk, XPAD - 4), jnp.float32)], axis=1)
    x4n = x4[...] + xupd / cnt
    x4o[...] = x4n
    hh = h[...]
    cat = jnp.concatenate([hh, agg_h], axis=1)
    upd = _silu(_mm(cat, wh1[...]) + bh1[...])
    hn = hh + _mm(upd, wh2[...]) + bh2[...]
    ho[...] = hn
    if emit_tab:
        pad = jnp.zeros((blk, 128 - hn.shape[1] - XPAD), jnp.float32)
        tabo[...] = jnp.concatenate([hn, x4n, pad], axis=1)


def _node_update(x4, h, agg, p, hid, msg_w, emit_tab=False):
    M = h.shape[0]
    grid = M // BLK
    row = lambda i: (i, 0)
    full = lambda *_: (0, 0)
    outs = [jax.ShapeDtypeStruct((M, XPAD), jnp.float32),
            jax.ShapeDtypeStruct((M, hid), jnp.float32),
            jax.ShapeDtypeStruct((M, 128), jnp.float32)]
    res = pl.pallas_call(
        functools.partial(_node_body, emit_tab, hid),
        grid=(grid,),
        in_specs=[
            pl.BlockSpec((BLK, XPAD), row),
            pl.BlockSpec((BLK, hid), row),
            pl.BlockSpec((BLK, msg_w), row),
            pl.BlockSpec((2 * hid, hid), full),
            pl.BlockSpec((1, hid), full),
            pl.BlockSpec((hid, hid), full),
            pl.BlockSpec((1, hid), full),
        ],
        out_specs=[pl.BlockSpec((BLK, XPAD), row),
                   pl.BlockSpec((BLK, hid), row),
                   pl.BlockSpec((BLK, 128), row)],
        out_shape=outs,
    )(x4, h, agg, p["Wh1"], p["bh1"][None], p["Wh2"], p["bh2"][None])
    if emit_tab:
        return res[0], res[1], res[2]
    return res[0], res[1]


def _embed_body(h0, x4, wemb, bemb, ho, tabo):
    hh = _mm(h0[...], wemb[...]) + bemb[...]
    xx = x4[...]
    ho[...] = hh
    pad = jnp.zeros((hh.shape[0], 128 - hh.shape[1] - XPAD), jnp.float32)
    tabo[...] = jnp.concatenate([hh, xx, pad], axis=1)


def _embed(h0, x4, params):
    N = h0.shape[0]
    hid = HID_ENC
    grid = N // BLK
    row = lambda i: (i, 0)
    full = lambda *_: (0, 0)
    return pl.pallas_call(
        _embed_body,
        grid=(grid,),
        in_specs=[
            pl.BlockSpec((BLK, IN_NODE_NF), row),
            pl.BlockSpec((BLK, XPAD), row),
            pl.BlockSpec((IN_NODE_NF, hid), full),
            pl.BlockSpec((1, hid), full),
        ],
        out_specs=[pl.BlockSpec((BLK, hid), row),
                   pl.BlockSpec((BLK, 128), row)],
        out_shape=[jax.ShapeDtypeStruct((N, hid), jnp.float32),
                   jax.ShapeDtypeStruct((N, 128), jnp.float32)],
    )(h0, x4, params["W_emb"], params["b_emb"][None])


def _time_body(wxp, freqs, h, dh, x4, v4, lm, tfc,
               hho, x4o, v4o, tabo):
    w = wxp[...]
    a, bb, c, d = w[:, 0:1], w[:, 1:2], w[:, 2:3], w[:, 3:4]
    tf = tfc[:, :1]
    xtr = x4[...] - lm[...]
    vv = v4[...]
    xo = xtr + tf * (a * xtr + c * vv) + lm[...]
    vo = vv + tf * (bb * xtr + d * vv)
    x4o[...] = xo
    v4o[...] = vo
    ht = h[...] + tf * dh[...]
    args = tf * freqs[...]
    emb = jnp.concatenate([jnp.sin(args), jnp.cos(args)], axis=1)
    hhcat = jnp.concatenate([ht, emb], axis=1)
    hho[...] = hhcat
    pad = jnp.zeros((ht.shape[0], 128 - HID_DEC - XPAD), jnp.float32)
    tabo[...] = jnp.concatenate([hhcat, xo, pad], axis=1)


def _time_expand(h_rep, dh_rep, x4_rep, v4_rep, lm_rep, tf_col, params):
    M = h_rep.shape[0]
    import numpy as np
    half = TIME_EMB_DIM // 2
    scale = np.log(10000.0) / (half - 1)
    freqs = jnp.exp(-scale * jnp.arange(half, dtype=jnp.float32))[None]
    wxp = params["W_x"].reshape(1, 4)
    grid = M // BLK
    row = lambda i: (i, 0)
    full = lambda *_: (0, 0)
    return pl.pallas_call(
        _time_body,
        grid=(grid,),
        in_specs=[
            pl.BlockSpec((1, 4), full),
            pl.BlockSpec((1, half), full),
            pl.BlockSpec((BLK, HID_ENC), row),
            pl.BlockSpec((BLK, HID_ENC), row),
            pl.BlockSpec((BLK, XPAD), row),
            pl.BlockSpec((BLK, XPAD), row),
            pl.BlockSpec((BLK, XPAD), row),
            pl.BlockSpec((BLK, 8), row),
        ],
        out_specs=[pl.BlockSpec((BLK, HID_DEC), row),
                   pl.BlockSpec((BLK, XPAD), row),
                   pl.BlockSpec((BLK, XPAD), row),
                   pl.BlockSpec((BLK, 128), row)],
        out_shape=[jax.ShapeDtypeStruct((M, HID_DEC), jnp.float32),
                   jax.ShapeDtypeStruct((M, XPAD), jnp.float32),
                   jax.ShapeDtypeStruct((M, XPAD), jnp.float32),
                   jax.ShapeDtypeStruct((M, 128), jnp.float32)],
    )(wxp, freqs, h_rep, dh_rep, x4_rep, v4_rep, lm_rep, tf_col)


def _sc_gather(tab, idx0, idx1, E, D, CS=128):
    C = E // (NW * CS)
    R = E // (NW * GB)
    assert CS == GB and C % 2 == 0
    mesh = plsc.VectorSubcoreMesh(core_axis_name="c", subcore_axis_name="s",
                                  num_cores=2, num_subcores=16)

    def body(tab_h, i0_h, i1_h, hi_h, hj_h, iv0, iv1,
             ba0, ba1, bb0, bb1, ga0, ga1, gb0, gb1, oa0, oa1, ob0, ob1):
        w = lax.axis_index("s") * 2 + lax.axis_index("c")
        pltpu.sync_copy(i0_h.at[w], iv0)
        pltpu.sync_copy(i1_h.at[w], iv1)
        base = w * C * CS
        units = [(iv0, hi_h, ba0, ga0, oa0, 0), (iv0, hi_h, ba1, ga1, oa1, 1),
                 (iv1, hj_h, bb0, gb0, ob0, 0), (iv1, hj_h, bb1, gb1, ob1, 1)]

        def pair(i, _):
            for iv, out, buf, gs, osem, par in units:
                @pl.when(i > 0)
                def _():
                    pltpu.make_async_copy(
                        buf, out.at[pl.ds(base, CS)], osem).wait()
                pltpu.async_copy(tab_h.at[iv.at[2 * i + par]], buf, gs)
            for iv, out, buf, gs, osem, par in units:
                pltpu.make_async_copy(tab_h.at[iv.at[0]], buf, gs).wait()
                pltpu.async_copy(
                    buf, out.at[pl.ds(base + (2 * i + par) * CS, CS)], osem)
            return 0

        lax.fori_loop(0, C // 2, pair, 0)
        for iv, out, buf, gs, osem, par in units:
            pltpu.make_async_copy(buf, out.at[pl.ds(base, CS)], osem).wait()

    f = pl.kernel(
        body,
        out_type=[jax.ShapeDtypeStruct((E, D), jnp.float32),
                  jax.ShapeDtypeStruct((E, D), jnp.float32)],
        mesh=mesh,
        scratch_types=[pltpu.VMEM((R, GB), jnp.int32),
                       pltpu.VMEM((R, GB), jnp.int32),
                       pltpu.VMEM((CS, D), jnp.float32),
                       pltpu.VMEM((CS, D), jnp.float32),
                       pltpu.VMEM((CS, D), jnp.float32),
                       pltpu.VMEM((CS, D), jnp.float32),
                       pltpu.SemaphoreType.DMA, pltpu.SemaphoreType.DMA,
                       pltpu.SemaphoreType.DMA, pltpu.SemaphoreType.DMA,
                       pltpu.SemaphoreType.DMA, pltpu.SemaphoreType.DMA,
                       pltpu.SemaphoreType.DMA, pltpu.SemaphoreType.DMA],
    )
    return f(tab, idx0, idx1)


def _sc_scatter(msg, idx, zrows, nt, D):
    SCS = 128
    ET = EP // 16
    CT = ET // SCS
    K = SCS // GB
    RT = EP // GB // 16
    WR = NROW // 16
    mesh = plsc.VectorSubcoreMesh(core_axis_name="c", subcore_axis_name="s", num_cores=2, num_subcores=16)

    def body(msg_h, idx_h, z_h, agg_h, iv, mbuf, acc):
        cc = lax.axis_index("c")
        s = lax.axis_index("s")
        pltpu.sync_copy(idx_h.at[s], iv)
        ncopies = msg_h.shape[0] // EP
        for k in range(nt):
            t = cc * nt + k

            @pl.when(t < ncopies)
            def _per_copy():
                pltpu.sync_copy(z_h, acc.at[pl.ds(s * WR, WR)])
                plsc.subcore_barrier()

                def chunk(c, _):
                    base = t * EP + s * ET + c * SCS
                    pltpu.sync_copy(msg_h.at[pl.ds(base, SCS)], mbuf)
                    for j in range(K):
                        pltpu.sync_copy(mbuf.at[pl.ds(j * GB, GB)],
                                        acc.at[iv.at[c * K + j]], add=True)
                    return 0

                lax.fori_loop(0, CT, chunk, 0)
                plsc.subcore_barrier()

                @pl.when(s < 15)
                def _():
                    pltpu.sync_copy(acc.at[pl.ds(s * WR, WR)],
                                    agg_h.at[pl.ds(t * N_NODES + s * WR, WR)])

                @pl.when(s == 15)
                def _():
                    pltpu.sync_copy(
                        acc.at[pl.ds(15 * WR, N_NODES - 15 * WR)],
                        agg_h.at[pl.ds(t * N_NODES + 15 * WR,
                                       N_NODES - 15 * WR)])

    ncopies = msg.shape[0] // EP
    f = pl.kernel(
        body,
        out_type=jax.ShapeDtypeStruct((ncopies * N_NODES, D), jnp.float32),
        mesh=mesh,
        scratch_types=[pltpu.VMEM((RT, GB), jnp.int32),
                       pltpu.VMEM((SCS, D), jnp.float32),
                       pltpu.VMEM_SHARED((NROW, D), jnp.float32)],
    )
    return f(msg, idx, zrows)


def _pad4(x):
    return jnp.pad(x, ((0, 0), (0, XPAD - x.shape[1])))


def kernel(x, h, edge_index, edge_fea, v, loc_mean, timeframes, params):
    e0 = edge_index[0]
    e1 = edge_index[1]
    npad = EP - N_EDGES

    e0p = jnp.concatenate([e0, jnp.zeros((npad,), e0.dtype)])
    e1p = jnp.concatenate([e1, jnp.zeros((npad,), e1.dtype)])
    scat_idx = jnp.concatenate(
        [e0, jnp.full((npad,), N_NODES, e0.dtype)]).reshape(16, EP // GB // 16, GB)
    offs = jnp.repeat(jnp.arange(T, dtype=e0.dtype) * N_NODES, EP)
    rdec = T * EP // (NW * GB)
    renc = EP // (NW * GB)
    idx0_dec = (jnp.tile(e0p, (T,)) + offs).reshape(NW, rdec, GB)
    idx1_dec = (jnp.tile(e1p, (T,)) + offs).reshape(NW, rdec, GB)
    idx0_enc = e0p.reshape(NW, renc, GB)
    idx1_enc = e1p.reshape(NW, renc, GB)
    efp = jnp.concatenate([edge_fea, jnp.zeros((npad, 4), jnp.float32)])
    ef_dec = jnp.tile(efp, (T, 1))
    zrows_enc = jnp.zeros((NROW // 16, MSG_ENC), jnp.float32)
    zrows_dec = jnp.zeros((NROW // 16, MSG_DEC), jnp.float32)

    x4 = _pad4(x)
    h1, tab = _embed(h, x4, params)
    for i in range(2):
        p = params["enc%d" % i]
        hi, hj = _sc_gather(tab, idx0_enc, idx1_enc, EP, 128)
        msg = _edge_mlp(hi, hj, efp, p, HID_ENC, MSG_ENC)
        agg = _sc_scatter(msg, scat_idx, zrows_enc, 1, MSG_ENC)
        if i == 0:
            x4, h1, tab = _node_update(x4, h1, agg, p, HID_ENC, MSG_ENC, True)
        else:
            x4, h1 = _node_update(x4, h1, agg, p, HID_ENC, MSG_ENC)

    dh = _dh_only(h1, params)

    tf_t = (timeframes / DELTA_FRAME).T
    tf_node = jnp.repeat(tf_t.reshape(-1), N_ATOMS)
    tf_col = jnp.broadcast_to(tf_node[:, None], (T * N_NODES, 8))
    tile = lambda a: jnp.tile(a, (T, 1))
    hh, x4d, v4d, tab = _time_expand(
        tile(h1), tile(dh), tile(x4), tile(_pad4(v)), tile(_pad4(loc_mean)),
        tf_col, params)

    for i in range(2):
        p = params["dec%d" % i]
        hi, hj = _sc_gather(tab, idx0_dec, idx1_dec, T * EP, 128)
        msg = _edge_mlp(hi, hj, ef_dec, p, HID_DEC, MSG_DEC)
        agg = _sc_scatter(msg, scat_idx, zrows_dec, 4, MSG_DEC)
        if i == 0:
            x4d, hh, tab = _node_update(x4d, hh, agg, p, HID_DEC, MSG_DEC,
                                        True)
        else:
            x4d, hh = _node_update(x4d, hh, agg, p, HID_DEC, MSG_DEC)

    xx = x4d[:, :3]
    vv = v4d[:, :3]
    kld = jnp.asarray(0.0, jnp.float32)
    return (xx, vv, hh, kld)


def _dh_body(h, wt, dho):
    dho[...] = _silu(_mm(h[...], wt[...]))


def _dh_only(h1, params):
    N = h1.shape[0]
    grid = N // BLK
    row = lambda i: (i, 0)
    full = lambda *_: (0, 0)
    return pl.pallas_call(
        _dh_body,
        grid=(grid,),
        in_specs=[pl.BlockSpec((BLK, HID_ENC), row),
                  pl.BlockSpec((HID_ENC, HID_ENC), full)],
        out_specs=pl.BlockSpec((BLK, HID_ENC), row),
        out_shape=jax.ShapeDtypeStruct((N, HID_ENC), jnp.float32),
    )(h1, params["W_t"])

# --- scband reference (transcript-rebuilt; emitter-appended) ---
"""Pipeline reference for scband-fourier-md-2619930050780 (READ-ONLY COPY).

The authoritative reference and input builder live on the scoring server;
editing this copy changes nothing except your own understanding.
"""

import jax, jax.numpy as jnp
import numpy as np

N_NODES = 10000
N_EDGES = 40000
N_ATOMS = 5
T = 8
B = N_NODES // N_ATOMS
IN_NODE_NF = 16
IN_EDGE_NF = 4
HID_ENC = 64
TIME_EMB_DIM = 32
HID_DEC = HID_ENC + TIME_EMB_DIM
N_LAYERS = 2
DELTA_FRAME = 1.0


def _lin(key, fi, fo):
    return jax.random.normal(key, (fi, fo), dtype=jnp.float32) / np.sqrt(fi)


def _egnn_params(key, hid):
    ks = jax.random.split(key, 6)
    ein = 2 * hid + 1 + IN_EDGE_NF
    z = lambda d: jnp.zeros((d,), jnp.float32)
    return {"We1": _lin(ks[0], ein, hid), "be1": z(hid),
            "We2": _lin(ks[1], hid, hid), "be2": z(hid),
            "Wx1": _lin(ks[2], hid, hid), "bx1": z(hid),
            "Wx2": _lin(ks[3], hid, 1), "bx2": z(1),
            "Wh1": _lin(ks[4], 2 * hid, hid), "bh1": z(hid),
            "Wh2": _lin(ks[5], hid, hid), "bh2": z(hid)}


def _egnn_apply(p, x, h, e0, e1, ef, v, n_nodes):
    hi = h[e0]
    hj = h[e1]
    xij = x[e0] - x[e1]
    d2 = jnp.sum(xij * xij, axis=1, keepdims=True)
    m = jnp.concatenate([hi, hj, d2, ef], axis=1)
    m = jax.nn.silu(m @ p["We1"] + p["be1"])
    m = jax.nn.silu(m @ p["We2"] + p["be2"])
    w = jax.nn.silu(m @ p["Wx1"] + p["bx1"]) @ p["Wx2"] + p["bx2"]
    cnt = jax.ops.segment_sum(jnp.ones((e0.shape[0], 1), x.dtype), e0, num_segments=n_nodes)
    agg_x = jax.ops.segment_sum(xij * w, e0, num_segments=n_nodes)
    x = x + agg_x / jnp.maximum(cnt, 1.0)
    agg_h = jax.ops.segment_sum(m, e0, num_segments=n_nodes)
    upd = jax.nn.silu(jnp.concatenate([h, agg_h], axis=1) @ p["Wh1"] + p["bh1"]) @ p["Wh2"] + p["bh2"]
    h = h + upd
    return x, v, h


def _timestep_embedding(t, dim, max_positions=10000):
    half = dim // 2
    scale = np.log(max_positions) / (half - 1)
    freqs = jnp.exp(-scale * jnp.arange(half, dtype=jnp.float32))
    args = t[..., None] * freqs
    return jnp.concatenate([jnp.sin(args), jnp.cos(args)], axis=-1)


def _forward(x, h, v, loc_mean, timeframes, edge_fea, params, e0, e1):
    n_nodes = x.shape[0]
    n_edges = e0.shape[0]
    b = n_nodes // N_ATOMS
    h = h @ params["W_emb"] + params["b_emb"]
    for i in range(N_LAYERS):
        x, v, h = _egnn_apply(params["enc%d" % i], x, h, e0, e1, edge_fea, v, n_nodes)
    tf = timeframes / DELTA_FRAME
    hb = h.reshape(b, N_ATOMS, HID_ENC)
    dh = jax.nn.silu(hb @ params["W_t"])
    h_t = hb[None] + tf.T[:, :, None, None] * dh[None]
    x_tr = x - loc_mean
    X = jnp.stack([x_tr, v], axis=-1).reshape(b, N_ATOMS, 3, 2)
    dX = X @ params["W_x"]
    X_t = X[None] + tf.T[:, :, None, None, None] * dX[None]
    loc_rep = jnp.tile(loc_mean, (T, 1))
    x_out = X_t[..., 0].reshape(T * n_nodes, 3) + loc_rep
    v_out = X_t[..., 1].reshape(T * n_nodes, 3)
    temb = _timestep_embedding(timeframes, TIME_EMB_DIM)
    temb = jnp.repeat(temb[:, :, None, :], N_ATOMS, axis=2)
    temb = jnp.swapaxes(temb, 0, 1).reshape(T, n_nodes, TIME_EMB_DIM)
    hh = h_t.reshape(T, n_nodes, HID_ENC)
    hh = jnp.concatenate([hh, temb], axis=-1).reshape(-1, HID_DEC)
    cum = jnp.arange(T, dtype=e0.dtype) * n_nodes
    ce = jnp.repeat(cum, n_edges)
    E0 = jnp.tile(e0, (T,)) + ce
    E1 = jnp.tile(e1, (T,)) + ce
    EF = jnp.tile(edge_fea, (T, 1))
    xx, vv = x_out, v_out
    for i in range(N_LAYERS):
        xx, vv, hh = _egnn_apply(params["dec%d" % i], xx, hh, E0, E1, EF, vv, T * n_nodes)
    return xx, vv, hh


def setup_inputs(seed: int = 0):
    key = jax.random.key(seed)
    ks = jax.random.split(key, 16)
    x = jax.random.normal(ks[0], (N_NODES, 3), jnp.float32)
    h = jax.random.normal(ks[1], (N_NODES, IN_NODE_NF), jnp.float32)
    edge_index = jax.random.randint(ks[2], (2, N_EDGES), 0, N_NODES, dtype=jnp.int32)
    edge_fea = jax.random.normal(ks[3], (N_EDGES, IN_EDGE_NF), jnp.float32)
    v = jax.random.normal(ks[4], (N_NODES, 3), jnp.float32)
    loc_mean = jax.random.normal(ks[5], (N_NODES, 3), jnp.float32)
    timeframes = jax.random.uniform(ks[6], (B, T), jnp.float32)
    params = {"W_emb": _lin(ks[7], IN_NODE_NF, HID_ENC),
              "b_emb": jnp.zeros((HID_ENC,), jnp.float32),
              "W_t": _lin(ks[8], HID_ENC, HID_ENC),
              "W_x": 0.1 * jax.random.normal(ks[9], (2, 2), jnp.float32)}
    for i in range(N_LAYERS):
        params["enc%d" % i] = _egnn_params(ks[10 + i], HID_ENC)
        params["dec%d" % i] = _egnn_params(ks[12 + i], HID_DEC)
    return {"x": x, "h": h, "edge_index": edge_index, "edge_fea": edge_fea,
            "v": v, "loc_mean": loc_mean, "timeframes": timeframes, "params": params}


def reference(x, h, edge_index, edge_fea, v, loc_mean, timeframes, params):
    e0 = edge_index[0]
    e1 = edge_index[1]
    xx, vv, hh = _forward(x, h, v, loc_mean, timeframes, edge_fea, params, e0, e1)
    kld_loss = jnp.asarray(0.0, jnp.float32)
    return (xx, vv, hh, kld_loss)

if __name__ == "__main__":
    import jax
    _d = setup_inputs()
    print(jax.jit(kernel)(*tuple(_d.values())))

</pallas_src>

<mosaic_0001>
#map = affine_map<(d0, d1) -> (0, 0)>
#map1 = affine_map<(d0, d1) -> (0, 0, 0)>
module attributes {stable_mosaic.version = 14 : i64} {
  func.func @body(%arg0: i32, %arg1: i32, %arg2: memref<40960x128xf32, #tpu.memory_space<hbm>>, %arg3: memref<16x20x128xi32, #tpu.memory_space<hbm>>, %arg4: memref<632x128xf32, #tpu.memory_space<hbm>>, %arg5: memref<10000x128xf32, #tpu.memory_space<hbm>>, %arg6: memref<20x128xi32, #tpu.memory_space<vmem>>, %arg7: memref<128x128xf32, #tpu.memory_space<vmem>>, %arg8: memref<10112x128xf32, #tpu.memory_space<vmem_shared>>) attributes {dimension_semantics = [#tpu.dimension_semantics<core_parallel>, #tpu.dimension_semantics<subcore_parallel>], iteration_bounds = array<i64: 2, 16>, scalar_prefetch = 0 : i64, scratch_operands = 3 : i64, tpu.core_type = #tpu.core_type<sc_vector_subcore>, window_params = [{transform_indices = #map}, {transform_indices = #map1}, {transform_indices = #map}, {transform_indices = #map}]} {
    "tpu.region"() ({
      %run_scoped3A = tpu.sem_alloc : memref<!tpu.dma_semaphore, #tpu.memory_space<semaphore_mem>>
      %dma_start3A = arith.constant 0 : i32
      %dma_start3A_4 = arith.constant 0 : i32
      %dma_start3A_5 = tpu.memref_slice %arg3[%arg1, %dma_start3A, %dma_start3A_4] : memref<16x20x128xi32, #tpu.memory_space<hbm>> -> memref<1x20x128xi32, #tpu.memory_space<hbm>>
      %dma_start3A_6 = tpu.memref_squeeze %dma_start3A_5 : memref<1x20x128xi32, #tpu.memory_space<hbm>> -> memref<20x128xi32, #tpu.memory_space<hbm>>
      %dma_start3A_7 = arith.constant 0 : i32
      %dma_start3A_8 = arith.constant 0 : i32
      %dma_start3A_9 = tpu.memref_slice %arg3[%arg1, %dma_start3A_7, %dma_start3A_8] : memref<16x20x128xi32, #tpu.memory_space<hbm>> -> memref<1x20x128xi32, #tpu.memory_space<hbm>>
      %dma_start3A_10 = tpu.memref_squeeze %dma_start3A_9 : memref<1x20x128xi32, #tpu.memory_space<hbm>> -> memref<20x128xi32, #tpu.memory_space<hbm>>
      tpu.enqueue_dma source(%dma_start3A_10 : memref<20x128xi32, #tpu.memory_space<hbm>>) target(%arg6 : memref<20x128xi32, #tpu.memory_space<vmem>>) target_semaphore(%run_scoped3A : memref<!tpu.dma_semaphore, #tpu.memory_space<semaphore_mem>>)
      %dma_wait3A = arith.constant 0 : i32
      %dma_wait3A_11 = arith.constant 0 : i32
      %dma_wait3A_12 = tpu.memref_slice %arg3[%arg1, %dma_wait3A, %dma_wait3A_11] : memref<16x20x128xi32, #tpu.memory_space<hbm>> -> memref<1x20x128xi32, #tpu.memory_space<hbm>>
      %dma_wait3A_13 = tpu.memref_squeeze %dma_wait3A_12 : memref<1x20x128xi32, #tpu.memory_space<hbm>> -> memref<20x128xi32, #tpu.memory_space<hbm>>
      %dma_wait3A_14 = arith.constant 0 : i32
      %dma_wait3A_15 = arith.constant 0 : i32
      %dma_wait3A_16 = tpu.memref_slice %arg3[%arg1, %dma_wait3A_14, %dma_wait3A_15] : memref<16x20x128xi32, #tpu.memory_space<hbm>> -> memref<1x20x128xi32, #tpu.memory_space<hbm>>
      %dma_wait3A_17 = tpu.memref_squeeze %dma_wait3A_16 : memref<1x20x128xi32, #tpu.memory_space<hbm>> -> memref<20x128xi32, #tpu.memory_space<hbm>>
      tpu.wait_dma2 semaphore(%run_scoped3A : memref<!tpu.dma_semaphore, #tpu.memory_space<semaphore_mem>>) src(%dma_wait3A_17 : memref<20x128xi32, #tpu.memory_space<hbm>>) dst(%arg6 : memref<20x128xi32, #tpu.memory_space<vmem>>)
      tpu.yield
    }) : () -> ()
    %mul3A = arith.constant 1 : i32
    %mul3A_0 = arith.muli %arg0, %mul3A : i32
    %add3A = arith.constant 0 : i32
    %add3A_1 = arith.addi %mul3A_0, %add3A : i32
    %lt3A = arith.constant 1 : i32
    %lt3A_2 = arith.cmpi slt, %add3A_1, %lt3A : i32
    %convert_element_type3A = arith.extui %lt3A_2 : i1 to i32
    %cond3A = arith.constant 0 : i32
    %cond3A_3 = arith.cmpi ne, %convert_element_type3A, %cond3A : i32
    scf.if %cond3A_3 {
      %mul3A_4 = arith.constant 632 : i32
      %mul3A_5 = arith.muli %arg1, %mul3A_4 : i32
      "tpu.region"() ({
        %run_scoped3A = tpu.sem_alloc : memref<!tpu.dma_semaphore, #tpu.memory_space<semaphore_mem>>
        %dma_start3A = arith.constant 0 : i32
        %dma_start3A_22 = tpu.memref_slice %arg8[%mul3A_5, %dma_start3A] : memref<10112x128xf32, #tpu.memory_space<vmem_shared>> -> memref<632x128xf32, #tpu.memory_space<vmem_shared>>
        tpu.enqueue_dma source(%arg4 : memref<632x128xf32, #tpu.memory_space<hbm>>) target(%dma_start3A_22 : memref<632x128xf32, #tpu.memory_space<vmem_shared>>) target_semaphore(%run_scoped3A : memref<!tpu.dma_semaphore, #tpu.memory_space<semaphore_mem>>)
        %dma_wait3A = arith.constant 0 : i32
        %dma_wait3A_23 = tpu.memref_slice %arg8[%mul3A_5, %dma_wait3A] : memref<10112x128xf32, #tpu.memory_space<vmem_shared>> -> memref<632x128xf32, #tpu.memory_space<vmem_shared>>
        tpu.wait_dma2 semaphore(%run_scoped3A : memref<!tpu.dma_semaphore, #tpu.memory_space<semaphore_mem>>) src(%arg4 : memref<632x128xf32, #tpu.memory_space<hbm>>) dst(%dma_wait3A_23 : memref<632x128xf32, #tpu.memory_space<vmem_shared>>)
        tpu.yield
      }) : () -> ()
      %barrier3A = arith.constant 0 : index
      tpu.barrier barrier_id(%barrier3A)
      %scan3A = arith.constant 0 : i32
      %scan3A_6 = arith.constant 0 : i32
      %scan3A_7 = arith.constant 20 : i32
      %scan3A_8 = arith.addi %scan3A_6, %scan3A_7 : i32
      %scan3A_9 = arith.constant 1 : i32
      %scan3A_10 = scf.for %scan3A_22 = %scan3A_6 to %scan3A_8 step %scan3A_9 iter_args(%scan3A_23 = %scan3A) -> (i32)  : i32 {
        %mul3A_24 = arith.constant 40960 : i32
        %mul3A_25 = arith.muli %add3A_1, %mul3A_24 : i32
        %mul3A_26 = arith.constant 2560 : i32
        %mul3A_27 = arith.muli %arg1, %mul3A_26 : i32
        %add3A_28 = arith.addi %mul3A_25, %mul3A_27 : i32
        %mul3A_29 = arith.constant 128 : i32
        %mul3A_30 = arith.muli %scan3A_22, %mul3A_29 : i32
        %add3A_31 = arith.addi %add3A_28, %mul3A_30 : i32
        "tpu.region"() ({
          %run_scoped3A = tpu.sem_alloc : memref<!tpu.dma_semaphore, #tpu.memory_space<semaphore_mem>>
          %dma_start3A = arith.constant 0 : i32
          %dma_start3A_37 = tpu.memref_slice %arg2[%add3A_31, %dma_start3A] : memref<40960x128xf32, #tpu.memory_space<hbm>> -> memref<128x128xf32, #tpu.memory_space<hbm>>
          %dma_start3A_38 = arith.constant 0 : i32
          %dma_start3A_39 = tpu.memref_slice %arg2[%add3A_31, %dma_start3A_38] : memref<40960x128xf32, #tpu.memory_space<hbm>> -> memref<128x128xf32, #tpu.memory_space<hbm>>
          tpu.enqueue_dma source(%dma_start3A_39 : memref<128x128xf32, #tpu.memory_space<hbm>>) target(%arg7 : memref<128x128xf32, #tpu.memory_space<vmem>>) target_semaphore(%run_scoped3A : memref<!tpu.dma_semaphore, #tpu.memory_space<semaphore_mem>>)
          %dma_wait3A = arith.constant 0 : i32
          %dma_wait3A_40 = tpu.memref_slice %arg2[%add3A_31, %dma_wait3A] : memref<40960x128xf32, #tpu.memory_space<hbm>> -> memref<128x128xf32, #tpu.memory_space<hbm>>
          %dma_wait3A_41 = arith.constant 0 : i32
          %dma_wait3A_42 = tpu.memref_slice %arg2[%add3A_31, %dma_wait3A_41] : memref<40960x128xf32, #tpu.memory_space<hbm>> -> memref<128x128xf32, #tpu.memory_space<hbm>>
          tpu.wait_dma2 semaphore(%run_scoped3A : memref<!tpu.dma_semaphore, #tpu.memory_space<semaphore_mem>>) src(%dma_wait3A_42 : memref<128x128xf32, #tpu.memory_space<hbm>>) dst(%arg7 : memref<128x128xf32, #tpu.memory_space<vmem>>)
          tpu.yield
        }) : () -> ()
        %mul3A_32 = arith.constant 1 : i32
        %mul3A_33 = arith.muli %scan3A_22, %mul3A_32 : i32
        %add3A_34 = arith.constant 0 : i32
        %add3A_35 = arith.addi %mul3A_33, %add3A_34 : i32
        "tpu.region"() ({
          %run_scoped3A = tpu.sem_alloc : memref<!tpu.dma_semaphore, #tpu.memory_space<semaphore_mem>>
          %dma_start3A = arith.constant 0 : i32
          %dma_start3A_37 = arith.constant 0 : i32
          %dma_start3A_38 = tpu.memref_slice %arg7[%dma_start3A, %dma_start3A_37] : memref<128x128xf32, #tpu.memory_space<vmem>> -> memref<128x128xf32, #tpu.memory_space<vmem>>
          %dma_start3A_39 = arith.constant 0 : i32
          %dma_start3A_40 = tpu.memref_slice %arg6[%add3A_35, %dma_start3A_39] : memref<20x128xi32, #tpu.memory_space<vmem>> -> memref<1x128xi32, #tpu.memory_space<vmem>>
          %dma_start3A_41 = tpu.memref_squeeze %dma_start3A_40 : memref<1x128xi32, #tpu.memory_space<vmem>> -> memref<128xi32, #tpu.memory_space<vmem>>
          %dma_start3A_42 = arith.constant 0 : i32
          %dma_start3A_43 = arith.constant 0 : i32
          %dma_start3A_44 = tpu.memref_slice %arg8[%dma_start3A_42, %dma_start3A_43] : memref<10112x128xf32, #tpu.memory_space<vmem_shared>> -> memref<10112x128xf32, #tpu.memory_space<vmem_shared>>
          tpu.enqueue_indirect_dma source(%dma_start3A_38 : memref<128x128xf32, #tpu.memory_space<vmem>>) target(%dma_start3A_44 : memref<10112x128xf32, #tpu.memory_space<vmem_shared>>) offsets(%dma_start3A_41 : memref<128xi32, #tpu.memory_space<vmem>>) semaphore(%run_scoped3A : memref<!tpu.dma_semaphore, #tpu.memory_space<semaphore_mem>>) {add = true}
          %dma_wait3A = arith.constant 0 : i32
          %dma_wait3A_45 = arith.constant 0 : i32
          %dma_wait3A_46 = tpu.memref_slice %arg7[%dma_wait3A, %dma_wait3A_45] : memref<128x128xf32, #tpu.memory_space<vmem>> -> memref<128x128xf32, #tpu.memory_space<vmem>>
          %dma_wait3A_47 = arith.constant 0 : i32
          %dma_wait3A_48 = tpu.memref_slice %arg6[%add3A_35, %dma_wait3A_47] : memref<20x128xi32, #tpu.memory_space<vmem>> -> memref<1x128xi32, #tpu.memory_space<vmem>>
          %dma_wait3A_49 = tpu.memref_squeeze %dma_wait3A_48 : memref<1x128xi32, #tpu.memory_space<vmem>> -> memref<128xi32, #tpu.memory_space<vmem>>
          %dma_wait3A_50 = arith.constant 0 : i32
          %dma_wait3A_51 = arith.constant 0 : i32
          %dma_wait3A_52 = tpu.memref_slice %arg8[%dma_wait3A_50, %dma_wait3A_51] : memref<10112x128xf32, #tpu.memory_space<vmem_shared>> -> memref<10112x128xf32, #tpu.memory_space<vmem_shared>>
          tpu.wait_indirect_dma semaphore(%run_scoped3A : memref<!tpu.dma_semaphore, #tpu.memory_space<semaphore_mem>>) src(%dma_wait3A_46 : memref<128x128xf32, #tpu.memory_space<vmem>>) dst(%dma_wait3A_52 : memref<10112x128xf32, #tpu.memory_space<vmem_shared>>)
          tpu.yield
        }) : () -> ()
        %scan3A_36 = arith.constant 0 : i32
        scf.yield %scan3A_36 : i32
      }
      %scan3A_11 = arith.constant 20 : i32
      %barrier3A_12 = arith.constant 0 : index
      tpu.barrier barrier_id(%barrier3A_12)
      %lt3A_13 = arith.constant 15 : i32
      %lt3A_14 = arith.cmpi slt, %arg1, %lt3A_13 : i32
      %convert_element_type3A_15 = arith.extui %lt3A_14 : i1 to i32
      %cond3A_16 = arith.constant 0 : i32
      %cond3A_17 = arith.cmpi ne, %convert_element_type3A_15, %cond3A_16 : i32
      scf.if %cond3A_17 {
        %mul3A_22 = arith.constant 632 : i32
        %mul3A_23 = arith.muli %arg1, %mul3A_22 : i32
        %mul3A_24 = arith.constant 10000 : i32
        %mul3A_25 = arith.muli %add3A_1, %mul3A_24 : i32
        %mul3A_26 = arith.constant 632 : i32
        %mul3A_27 = arith.muli %arg1, %mul3A_26 : i32
        %add3A_28 = arith.addi %mul3A_25, %mul3A_27 : i32
        "tpu.region"() ({
          %run_scoped3A = tpu.sem_alloc : memref<!tpu.dma_semaphore, #tpu.memory_space<semaphore_mem>>
          %dma_start3A = arith.constant 0 : i32
          %dma_start3A_29 = tpu.memref_slice %arg5[%add3A_28, %dma_start3A] : memref<10000x128xf32, #tpu.memory_space<hbm>> -> memref<632x128xf32, #tpu.memory_space<hbm>>
          %dma_start3A_30 = arith.constant 0 : i32
          %dma_start3A_31 = tpu.memref_slice %arg8[%mul3A_23, %dma_start3A_30] : memref<10112x128xf32, #tpu.memory_space<vmem_shared>> -> memref<632x128xf32, #tpu.memory_space<vmem_shared>>
          tpu.enqueue_dma source(%dma_start3A_31 : memref<632x128xf32, #tpu.memory_space<vmem_shared>>) target(%dma_start3A_29 : memref<632x128xf32, #tpu.memory_space<hbm>>) target_semaphore(%run_scoped3A : memref<!tpu.dma_semaphore, #tpu.memory_space<semaphore_mem>>)
          %dma_wait3A = arith.constant 0 : i32
          %dma_wait3A_32 = tpu.memref_slice %arg5[%add3A_28, %dma_wait3A] : memref<10000x128xf32, #tpu.memory_space<hbm>> -> memref<632x128xf32, #tpu.memory_space<hbm>>
          %dma_wait3A_33 = arith.constant 0 : i32
          %dma_wait3A_34 = tpu.memref_slice %arg8[%mul3A_23, %dma_wait3A_33] : memref<10112x128xf32, #tpu.memory_space<vmem_shared>> -> memref<632x128xf32, #tpu.memory_space<vmem_shared>>
          tpu.wait_dma2 semaphore(%run_scoped3A : memref<!tpu.dma_semaphore, #tpu.memory_space<semaphore_mem>>) src(%dma_wait3A_34 : memref<632x128xf32, #tpu.memory_space<vmem_shared>>) dst(%dma_wait3A_32 : memref<632x128xf32, #tpu.memory_space<hbm>>)
          tpu.yield
        }) : () -> ()
      } else {
      }
      %eq3A = arith.constant 15 : i32
      %eq3A_18 = arith.cmpi eq, %arg1, %eq3A : i32
      %convert_element_type3A_19 = arith.extui %eq3A_18 : i1 to i32
      %cond3A_20 = arith.constant 0 : i32
      %cond3A_21 = arith.cmpi ne, %convert_element_type3A_19, %cond3A_20 : i32
      scf.if %cond3A_21 {
        %mul3A_22 = arith.constant 10000 : i32
        %mul3A_23 = arith.muli %add3A_1, %mul3A_22 : i32
        %add3A_24 = arith.constant 9480 : i32
        %add3A_25 = arith.addi %mul3A_23, %add3A_24 : i32
        "tpu.region"() ({
          %run_scoped3A = tpu.sem_alloc : memref<!tpu.dma_semaphore, #tpu.memory_space<semaphore_mem>>
          %dma_start3A = arith.constant 0 : i32
          %dma_start3A_26 = tpu.memref_slice %arg5[%add3A_25, %dma_start3A] : memref<10000x128xf32, #tpu.memory_space<hbm>> -> memref<520x128xf32, #tpu.memory_space<hbm>>
          %dma_start3A_27 = arith.constant 9480 : i32
          %dma_start3A_28 = arith.constant 0 : i32
          %dma_start3A_29 = tpu.memref_slice %arg8[%dma_start3A_27, %dma_start3A_28] : memref<10112x128xf32, #tpu.memory_space<vmem_shared>> -> memref<520x128xf32, #tpu.memory_space<vmem_shared>>
          tpu.enqueue_dma source(%dma_start3A_29 : memref<520x128xf32, #tpu.memory_space<vmem_shared>>) target(%dma_start3A_26 : memref<520x128xf32, #tpu.memory_space<hbm>>) target_semaphore(%run_scoped3A : memref<!tpu.dma_semaphore, #tpu.memory_space<semaphore_mem>>)
          %dma_wait3A = arith.constant 0 : i32
          %dma_wait3A_30 = tpu.memref_slice %arg5[%add3A_25, %dma_wait3A] : memref<10000x128xf32, #tpu.memory_space<hbm>> -> memref<520x128xf32, #tpu.memory_space<hbm>>
          %dma_wait3A_31 = arith.constant 9480 : i32
          %dma_wait3A_32 = arith.constant 0 : i32
          %dma_wait3A_33 = tpu.memref_slice %arg8[%dma_wait3A_31, %dma_wait3A_32] : memref<10112x128xf32, #tpu.memory_space<vmem_shared>> -> memref<520x128xf32, #tpu.memory_space<vmem_shared>>
          tpu.wait_dma2 semaphore(%run_scoped3A : memref<!tpu.dma_semaphore, #tpu.memory_space<semaphore_mem>>) src(%dma_wait3A_33 : memref<520x128xf32, #tpu.memory_space<vmem_shared>>) dst(%dma_wait3A_30 : memref<520x128xf32, #tpu.memory_space<hbm>>)
          tpu.yield
        }) : () -> ()
      } else {
      }
    } else {
    }
    return
  }
}

#map = affine_map<(d0, d1) -> (0, 0)>
#map1 = affine_map<(d0, d1) -> (0, 0, 0)>
module attributes {stable_mosaic.version = 14 : i64} {
  func.func @body(%arg0: i32, %arg1: i32, %arg2: memref<10000x128xf32, #tpu.memory_space<hbm>>, %arg3: memref<32x10x128xi32, #tpu.memory_space<hbm>>, %arg4: memref<32x10x128xi32, #tpu.memory_space<hbm>>, %arg5: memref<40960x128xf32, #tpu.memory_space<hbm>>, %arg6: memref<40960x128xf32, #tpu.memory_space<hbm>>, %arg7: memref<10x128xi32, #tpu.memory_space<vmem>>, %arg8: memref<10x128xi32, #tpu.memory_space<vmem>>, %arg9: memref<128x128xf32, #tpu.memory_space<vmem>>, %arg10: memref<128x128xf32, #tpu.memory_space<vmem>>, %arg11: memref<128x128xf32, #tpu.memory_space<vmem>>, %arg12: memref<128x128xf32, #tpu.memory_space<vmem>>, %arg13: memref<!tpu.dma_semaphore, #tpu.memory_space<semaphore_mem>>, %arg14: memref<!tpu.dma_semaphore, #tpu.memory_space<semaphore_mem>>, %arg15: memref<!tpu.dma_semaphore, #tpu.memory_space<semaphore_mem>>, %arg16: memref<!tpu.dma_semaphore, #tpu.memory_space<semaphore_mem>>, %arg17: memref<!tpu.dma_semaphore, #tpu.memory_space<semaphore_mem>>, %arg18: memref<!tpu.dma_semaphore, #tpu.memory_space<semaphore_mem>>, %arg19: memref<!tpu.dma_semaphore, #tpu.memory_space<semaphore_mem>>, %arg20: memref<!tpu.dma_semaphore, #tpu.memory_space<semaphore_mem>>) attributes {dimension_semantics = [#tpu.dimension_semantics<core_parallel>, #tpu.dimension_semantics<subcore_parallel>], iteration_bounds = array<i64: 2, 16>, scalar_prefetch = 0 : i64, scratch_operands = 14 : i64, tpu.core_type = #tpu.core_type<sc_vector_subcore>, window_params = [{transform_indices = #map}, {transform_indices = #map1}, {transform_indices = #map1}, {transform_indices = #map}, {transform_indices = #map}]} {
    %mul3A = arith.constant 2 : i32
    %mul3A_0 = arith.muli %arg1, %mul3A : i32
    %add3A = arith.addi %mul3A_0, %arg0 : i32
    "tpu.region"() ({
      %run_scoped3A = tpu.sem_alloc : memref<!tpu.dma_semaphore, #tpu.memory_space<semaphore_mem>>
      %dma_start3A = arith.constant 0 : i32
      %dma_start3A_26 = arith.constant 0 : i32
      %dma_start3A_27 = tpu.memref_slice %arg3[%add3A, %dma_start3A, %dma_start3A_26] : memref<32x10x128xi32, #tpu.memory_space<hbm>> -> memref<1x10x128xi32, #tpu.memory_space<hbm>>
      %dma_start3A_28 = tpu.memref_squeeze %dma_start3A_27 : memref<1x10x128xi32, #tpu.memory_space<hbm>> -> memref<10x128xi32, #tpu.memory_space<hbm>>
      %dma_start3A_29 = arith.constant 0 : i32
      %dma_start3A_30 = arith.constant 0 : i32
      %dma_start3A_31 = tpu.memref_slice %arg3[%add3A, %dma_start3A_29, %dma_start3A_30] : memref<32x10x128xi32, #tpu.memory_space<hbm>> -> memref<1x10x128xi32, #tpu.memory_space<hbm>>
      %dma_start3A_32 = tpu.memref_squeeze %dma_start3A_31 : memref<1x10x128xi32, #tpu.memory_space<hbm>> -> memref<10x128xi32, #tpu.memory_space<hbm>>
      tpu.enqueue_dma source(%dma_start3A_32 : memref<10x128xi32, #tpu.memory_space<hbm>>) target(%arg7 : memref<10x128xi32, #tpu.memory_space<vmem>>) target_semaphore(%run_scoped3A : memref<!tpu.dma_semaphore, #tpu.memory_space<semaphore_mem>>)
      %dma_wait3A_33 = arith.constant 0 : i32
      %dma_wait3A_34 = arith.constant 0 : i32
      %dma_wait3A_35 = tpu.memref_slice %arg3[%add3A, %dma_wait3A_33, %dma_wait3A_34] : memref<32x10x128xi32, #tpu.memory_space<hbm>> -> memref<1x10x128xi32, #tpu.memory_space<hbm>>
      %dma_wait3A_36 = tpu.memref_squeeze %dma_wait3A_35 : memref<1x10x128xi32, #tpu.memory_space<hbm>> -> memref<10x128xi32, #tpu.memory_space<hbm>>
      %dma_wait3A_37 = arith.constant 0 : i32
      %dma_wait3A_38 = arith.constant 0 : i32
      %dma_wait3A_39 = tpu.memref_slice %arg3[%add3A, %dma_wait3A_37, %dma_wait3A_38] : memref<32x10x128xi32, #tpu.memory_space<hbm>> -> memref<1x10x128xi32, #tpu.memory_space<hbm>>
      %dma_wait3A_40 = tpu.memref_squeeze %dma_wait3A_39 : memref<1x10x128xi32, #tpu.memory_space<hbm>> -> memref<10x128xi32, #tpu.memory_space<hbm>>
      tpu.wait_dma2 semaphore(%run_scoped3A : memref<!tpu.dma_semaphore, #tpu.memory_space<semaphore_mem>>) src(%dma_wait3A_40 : memref<10x128xi32, #tpu.memory_space<hbm>>) dst(%arg7 : memref<10x128xi32, #tpu.memory_space<vmem>>)
      tpu.yield
    }) : () -> ()
    "tpu.region"() ({
      %run_scoped3A = tpu.sem_alloc : memref<!tpu.dma_semaphore, #tpu.memory_space<semaphore_mem>>
      %dma_start3A = arith.constant 0 : i32
      %dma_start3A_26 = arith.constant 0 : i32
      %dma_start3A_27 = tpu.memref_slice %arg4[%add3A, %dma_start3A, %dma_start3A_26] : memref<32x10x128xi32, #tpu.memory_space<hbm>> -> memref<1x10x128xi32, #tpu.memory_space<hbm>>
      %dma_start3A_28 = tpu.memref_squeeze %dma_start3A_27 : memref<1x10x128xi32, #tpu.memory_space<hbm>> -> memref<10x128xi32, #tpu.memory_space<hbm>>
      %dma_start3A_29 = arith.constant 0 : i32
      %dma_start3A_30 = arith.constant 0 : i32
      %dma_start3A_31 = tpu.memref_slice %arg4[%add3A, %dma_start3A_29, %dma_start3A_30] : memref<32x10x128xi32, #tpu.memory_space<hbm>> -> memref<1x10x128xi32, #tpu.memory_space<hbm>>
      %dma_start3A_32 = tpu.memref_squeeze %dma_start3A_31 : memref<1x10x128xi32, #tpu.memory_space<hbm>> -> memref<10x128xi32, #tpu.memory_space<hbm>>
      tpu.enqueue_dma source(%dma_start3A_32 : memref<10x128xi32, #tpu.memory_space<hbm>>) target(%arg8 : memref<10x128xi32, #tpu.memory_space<vmem>>) target_semaphore(%run_scoped3A : memref<!tpu.dma_semaphore, #tpu.memory_space<semaphore_mem>>)
      %dma_wait3A_33 = arith.constant 0 : i32
      %dma_wait3A_34 = arith.constant 0 : i32
      %dma_wait3A_35 = tpu.memref_slice %arg4[%add3A, %dma_wait3A_33, %dma_wait3A_34] : memref<32x10x128xi32, #tpu.memory_space<hbm>> -> memref<1x10x128xi32, #tpu.memory_space<hbm>>
      %dma_wait3A_36 = tpu.memref_squeeze %dma_wait3A_35 : memref<1x10x128xi32, #tpu.memory_space<hbm>> -> memref<10x128xi32, #tpu.memory_space<hbm>>
      %dma_wait3A_37 = arith.constant 0 : i32
      %dma_wait3A_38 = arith.constant 0 : i32
      %dma_wait3A_39 = tpu.memref_slice %arg4[%add3A, %dma_wait3A_37, %dma_wait3A_38] : memref<32x10x128xi32, #tpu.memory_space<hbm>> -> memref<1x10x128xi32, #tpu.memory_space<hbm>>
      %dma_wait3A_40 = tpu.memref_squeeze %dma_wait3A_39 : memref<1x10x128xi32, #tpu.memory_space<hbm>> -> memref<10x128xi32, #tpu.memory_space<hbm>>
      tpu.wait_dma2 semaphore(%run_scoped3A : memref<!tpu.dma_semaphore, #tpu.memory_space<semaphore_mem>>) src(%dma_wait3A_40 : memref<10x128xi32, #tpu.memory_space<hbm>>) dst(%arg8 : memref<10x128xi32, #tpu.memory_space<vmem>>)
      tpu.yield
    }) : () -> ()
    %mul3A_1 = arith.constant 10 : i32
    %mul3A_2 = arith.muli %add3A, %mul3A_1 : i32
    %mul3A_3 = arith.constant 128 : i32
    %mul3A_4 = arith.muli %mul3A_2, %mul3A_3 : i32
    %scan3A = arith.constant 0 : i32
    %scan3A_5 = arith.constant 0 : i32
    %scan3A_6 = arith.constant 5 : i32
    %scan3A_7 = arith.addi %scan3A_5, %scan3A_6 : i32
    %scan3A_8 = arith.constant 1 : i32
    %scan3A_9 = scf.for %scan3A_26 = %scan3A_5 to %scan3A_7 step %scan3A_8 iter_args(%scan3A_27 = %scan3A) -> (i32)  : i32 {
      %gt3A = arith.constant 0 : i32
      %gt3A_28 = arith.cmpi sgt, %scan3A_26, %gt3A : i32
      %convert_element_type3A = arith.extui %gt3A_28 : i1 to i32
      %cond3A = arith.constant 0 : i32
      %cond3A_29 = arith.cmpi ne, %convert_element_type3A, %cond3A : i32
      scf.if %cond3A_29 {
        %dma_wait3A_157 = arith.constant 0 : i32
        %dma_wait3A_158 = tpu.memref_slice %arg5[%mul3A_4, %dma_wait3A_157] : memref<40960x128xf32, #tpu.memory_space<hbm>> -> memref<128x128xf32, #tpu.memory_space<hbm>>
        %dma_wait3A_159 = arith.constant 0 : i32
        %dma_wait3A_160 = tpu.memref_slice %arg5[%mul3A_4, %dma_wait3A_159] : memref<40960x128xf32, #tpu.memory_space<hbm>> -> memref<128x128xf32, #tpu.memory_space<hbm>>
        tpu.wait_dma2 semaphore(%arg17 : memref<!tpu.dma_semaphore, #tpu.memory_space<semaphore_mem>>) src(%arg9 : memref<128x128xf32, #tpu.memory_space<vmem>>) dst(%dma_wait3A_160 : memref<128x128xf32, #tpu.memory_space<hbm>>)
      } else {
      }
      %mul3A_30 = arith.constant 2 : i32
      %mul3A_31 = arith.muli %mul3A_30, %scan3A_26 : i32
      %add3A_32 = arith.constant 0 : i32
      %add3A_33 = arith.addi %mul3A_31, %add3A_32 : i32
      %dma_start3A = arith.constant 0 : i32
      %dma_start3A_34 = tpu.memref_slice %arg7[%add3A_33, %dma_start3A] : memref<10x128xi32, #tpu.memory_space<vmem>> -> memref<1x128xi32, #tpu.memory_space<vmem>>
      %dma_start3A_35 = tpu.memref_squeeze %dma_start3A_34 : memref<1x128xi32, #tpu.memory_space<vmem>> -> memref<128xi32, #tpu.memory_space<vmem>>
      %dma_start3A_36 = arith.constant 0 : i32
      %dma_start3A_37 = arith.constant 0 : i32
      %dma_start3A_38 = tpu.memref_slice %arg2[%dma_start3A_36, %dma_start3A_37] : memref<10000x128xf32, #tpu.memory_space<hbm>> -> memref<10000x128xf32, #tpu.memory_space<hbm>>
      tpu.enqueue_indirect_dma source(%dma_start3A_38 : memref<10000x128xf32, #tpu.memory_space<hbm>>) target(%arg9 : memref<128x128xf32, #tpu.memory_space<vmem>>) offsets(%dma_start3A_35 : memref<128xi32, #tpu.memory_space<vmem>>) semaphore(%arg13 : memref<!tpu.dma_semaphore, #tpu.memory_space<semaphore_mem>>)
      %gt3A_39 = arith.constant 0 : i32
      %gt3A_40 = arith.cmpi sgt, %scan3A_26, %gt3A_39 : i32
      %convert_element_type3A_41 = arith.extui %gt3A_40 : i1 to i32
      %cond3A_42 = arith.constant 0 : i32
      %cond3A_43 = arith.cmpi ne, %convert_element_type3A_41, %cond3A_42 : i32
      scf.if %cond3A_43 {
        %dma_wait3A_157 = arith.constant 0 : i32
        %dma_wait3A_158 = tpu.memref_slice %arg5[%mul3A_4, %dma_wait3A_157] : memref<40960x128xf32, #tpu.memory_space<hbm>> -> memref<128x128xf32, #tpu.memory_space<hbm>>
        %dma_wait3A_159 = arith.constant 0 : i32
        %dma_wait3A_160 = tpu.memref_slice %arg5[%mul3A_4, %dma_wait3A_159] : memref<40960x128xf32, #tpu.memory_space<hbm>> -> memref<128x128xf32, #tpu.memory_space<hbm>>
        tpu.wait_dma2 semaphore(%arg18 : memref<!tpu.dma_semaphore, #tpu.memory_space<semaphore_mem>>) src(%arg10 : memref<128x128xf32, #tpu.memory_space<vmem>>) dst(%dma_wait3A_160 : memref<128x128xf32, #tpu.memory_space<hbm>>)
      } else {
      }
      %mul3A_44 = arith.constant 2 : i32
      %mul3A_45 = arith.muli %mul3A_44, %scan3A_26 : i32
      %add3A_46 = arith.constant 1 : i32
      %add3A_47 = arith.addi %mul3A_45, %add3A_46 : i32
      %dma_start3A_48 = arith.constant 0 : i32
      %dma_start3A_49 = tpu.memref_slice %arg7[%add3A_47, %dma_start3A_48] : memref<10x128xi32, #tpu.memory_space<vmem>> -> memref<1x128xi32, #tpu.memory_space<vmem>>
      %dma_start3A_50 = tpu.memref_squeeze %dma_start3A_49 : memref<1x128xi32, #tpu.memory_space<vmem>> -> memref<128xi32, #tpu.memory_space<vmem>>
      %dma_start3A_51 = arith.constant 0 : i32
      %dma_start3A_52 = arith.constant 0 : i32
      %dma_start3A_53 = tpu.memref_slice %arg2[%dma_start3A_51, %dma_start3A_52] : memref<10000x128xf32, #tpu.memory_space<hbm>> -> memref<10000x128xf32, #tpu.memory_space<hbm>>
      tpu.enqueue_indirect_dma source(%dma_start3A_53 : memref<10000x128xf32, #tpu.memory_space<hbm>>) target(%arg10 : memref<128x128xf32, #tpu.memory_space<vmem>>) offsets(%dma_start3A_50 : memref<128xi32, #tpu.memory_space<vmem>>) semaphore(%arg14 : memref<!tpu.dma_semaphore, #tpu.memory_space<semaphore_mem>>)
      %gt3A_54 = arith.constant 0 : i32
      %gt3A_55 = arith.cmpi sgt, %scan3A_26, %gt3A_54 : i32
      %convert_element_type3A_56 = arith.extui %gt3A_55 : i1 to i32
      %cond3A_57 = arith.constant 0 : i32
      %cond3A_58 = arith.cmpi ne, %convert_element_type3A_56, %cond3A_57 : i32
      scf.if %cond3A_58 {
        %dma_wait3A_157 = arith.constant 0 : i32
        %dma_wait3A_158 = tpu.memref_slice %arg6[%mul3A_4, %dma_wait3A_157] : memref<40960x128xf32, #tpu.memory_space<hbm>> -> memref<128x128xf32, #tpu.memory_space<hbm>>
        %dma_wait3A_159 = arith.constant 0 : i32
        %dma_wait3A_160 = tpu.memref_slice %arg6[%mul3A_4, %dma_wait3A_159] : memref<40960x128xf32, #tpu.memory_space<hbm>> -> memref<128x128xf32, #tpu.memory_space<hbm>>
        tpu.wait_dma2 semaphore(%arg19 : memref<!tpu.dma_semaphore, #tpu.memory_space<semaphore_mem>>) src(%arg11 : memref<128x128xf32, #tpu.memory_space<vmem>>) dst(%dma_wait3A_160 : memref<128x128xf32, #tpu.memory_space<hbm>>)
      } else {
      }
      %mul3A_59 = arith.constant 2 : i32
      %mul3A_60 = arith.muli %mul3A_59, %scan3A_26 : i32
      %add3A_61 = arith.constant 0 : i32
      %add3A_62 = arith.addi %mul3A_60, %add3A_61 : i32
      %dma_start3A_63 = arith.constant 0 : i32
      %dma_start3A_64 = tpu.memref_slice %arg8[%add3A_62, %dma_start3A_63] : memref<10x128xi32, #tpu.memory_space<vmem>> -> memref<1x128xi32, #tpu.memory_space<vmem>>
      %dma_start3A_65 = tpu.memref_squeeze %dma_start3A_64 : memref<1x128xi32, #tpu.memory_space<vmem>> -> memref<128xi32, #tpu.memory_space<vmem>>
      %dma_start3A_66 = arith.constant 0 : i32
      %dma_start3A_67 = arith.constant 0 : i32
      %dma_start3A_68 = tpu.memref_slice %arg2[%dma_start3A_66, %dma_start3A_67] : memref<10000x128xf32, #tpu.memory_space<hbm>> -> memref<10000x128xf32, #tpu.memory_space<hbm>>
      tpu.enqueue_indirect_dma source(%dma_start3A_68 : memref<10000x128xf32, #tpu.memory_space<hbm>>) target(%arg11 : memref<128x128xf32, #tpu.memory_space<vmem>>) offsets(%dma_start3A_65 : memref<128xi32, #tpu.memory_space<vmem>>) semaphore(%arg15 : memref<!tpu.dma_semaphore, #tpu.memory_space<semaphore_mem>>)
      %gt3A_69 = arith.constant 0 : i32
      %gt3A_70 = arith.cmpi sgt, %scan3A_26, %gt3A_69 : i32
      %convert_element_type3A_71 = arith.extui %gt3A_70 : i1 to i32
      %cond3A_72 = arith.constant 0 : i32
      %cond3A_73 = arith.cmpi ne, %convert_element_type3A_71, %cond3A_72 : i32
      scf.if %cond3A_73 {
        %dma_wait3A_157 = arith.constant 0 : i32
        %dma_wait3A_158 = tpu.memref_slice %arg6[%mul3A_4, %dma_wait3A_157] : memref<40960x128xf32, #tpu.memory_space<hbm>> -> memref<128x128xf32, #tpu.memory_space<hbm>>
        %dma_wait3A_159 = arith.constant 0 : i32
        %dma_wait3A_160 = tpu.memref_slice %arg6[%mul3A_4, %dma_wait3A_159] : memref<40960x128xf32, #tpu.memory_space<hbm>> -> memref<128x128xf32, #tpu.memory_space<hbm>>
        tpu.wait_dma2 semaphore(%arg20 : memref<!tpu.dma_semaphore, #tpu.memory_space<semaphore_mem>>) src(%arg12 : memref<128x128xf32, #tpu.memory_space<vmem>>) dst(%dma_wait3A_160 : memref<128x128xf32, #tpu.memory_space<hbm>>)
      } else {
      }
      %mul3A_74 = arith.constant 2 : i32
      %mul3A_75 = arith.muli %mul3A_74, %scan3A_26 : i32
      %add3A_76 = arith.constant 1 : i32
      %add3A_77 = arith.addi %mul3A_75, %add3A_76 : i32
      %dma_start3A_78 = arith.constant 0 : i32
      %dma_start3A_79 = tpu.memref_slice %arg8[%add3A_77, %dma_start3A_78] : memref<10x128xi32, #tpu.memory_space<vmem>> -> memref<1x128xi32, #tpu.memory_space<vmem>>
      %dma_start3A_80 = tpu.memref_squeeze %dma_start3A_79 : memref<1x128xi32, #tpu.memory_space<vmem>> -> memref<128xi32, #tpu.memory_space<vmem>>
      %dma_start3A_81 = arith.constant 0 : i32
      %dma_start3A_82 = arith.constant 0 : i32
      %dma_start3A_83 = tpu.memref_slice %arg2[%dma_start3A_81, %dma_start3A_82] : memref<10000x128xf32, #tpu.memory_space<hbm>> -> memref<10000x128xf32, #tpu.memory_space<hbm>>
      tpu.enqueue_indirect_dma source(%dma_start3A_83 : memref<10000x128xf32, #tpu.memory_space<hbm>>) target(%arg12 : memref<128x128xf32, #tpu.memory_space<vmem>>) offsets(%dma_start3A_80 : memref<128xi32, #tpu.memory_space<vmem>>) semaphore(%arg16 : memref<!tpu.dma_semaphore, #tpu.memory_space<semaphore_mem>>)
      %dma_wait3A_84 = arith.constant 0 : i32
      %dma_wait3A_85 = arith.constant 0 : i32
      %dma_wait3A_86 = tpu.memref_slice %arg7[%dma_wait3A_84, %dma_wait3A_85] : memref<10x128xi32, #tpu.memory_space<vmem>> -> memref<1x128xi32, #tpu.memory_space<vmem>>
      %dma_wait3A_87 = tpu.memref_squeeze %dma_wait3A_86 : memref<1x128xi32, #tpu.memory_space<vmem>> -> memref<128xi32, #tpu.memory_space<vmem>>
      %dma_wait3A_88 = arith.constant 0 : i32
      %dma_wait3A_89 = arith.constant 0 : i32
      %dma_wait3A_90 = tpu.memref_slice %arg2[%dma_wait3A_88, %dma_wait3A_89] : memref<10000x128xf32, #tpu.memory_space<hbm>> -> memref<10000x128xf32, #tpu.memory_space<hbm>>
      tpu.wait_indirect_dma semaphore(%arg13 : memref<!tpu.dma_semaphore, #tpu.memory_space<semaphore_mem>>) src(%dma_wait3A_90 : memref<10000x128xf32, #tpu.memory_space<hbm>>) dst(%arg9 : memref<128x128xf32, #tpu.memory_space<vmem>>)
      %mul3A_91 = arith.constant 2 : i32
      %mul3A_92 = arith.muli %mul3A_91, %scan3A_26 : i32
      %add3A_93 = arith.constant 0 : i32
      %add3A_94 = arith.addi %mul3A_92, %add3A_93 : i32
      %mul3A_95 = arith.constant 128 : i32
      %mul3A_96 = arith.muli %add3A_94, %mul3A_95 : i32
      %add3A_97 = arith.addi %mul3A_4, %mul3A_96 : i32
      %dma_start3A_98 = arith.constant 0 : i32
      %dma_start3A_99 = tpu.memref_slice %arg5[%add3A_97, %dma_start3A_98] : memref<40960x128xf32, #tpu.memory_space<hbm>> -> memref<128x128xf32, #tpu.memory_space<hbm>>
      %dma_start3A_100 = arith.constant 0 : i32
      %dma_start3A_101 = tpu.memref_slice %arg5[%add3A_97, %dma_start3A_100] : memref<40960x128xf32, #tpu.memory_space<hbm>> -> memref<128x128xf32, #tpu.memory_space<hbm>>
      tpu.enqueue_dma source(%arg9 : memref<128x128xf32, #tpu.memory_space<vmem>>) target(%dma_start3A_101 : memref<128x128xf32, #tpu.memory_space<hbm>>) target_semaphore(%arg17 : memref<!tpu.dma_semaphore, #tpu.memory_space<semaphore_mem>>)
      %dma_wait3A_102 = arith.constant 0 : i32
      %dma_wait3A_103 = arith.constant 0 : i32
      %dma_wait3A_104 = tpu.memref_slice %arg7[%dma_wait3A_102, %dma_wait3A_103] : memref<10x128xi32, #tpu.memory_space<vmem>> -> memref<1x128xi32, #tpu.memory_space<vmem>>
      %dma_wait3A_105 = tpu.memref_squeeze %dma_wait3A_104 : memref<1x128xi32, #tpu.memory_space<vmem>> -> memref<128xi32, #tpu.memory_space<vmem>>
      %dma_wait3A_106 = arith.constant 0 : i32
      %dma_wait3A_107 = arith.constant 0 : i32
      %dma_wait3A_108 = tpu.memref_slice %arg2[%dma_wait3A_106, %dma_wait3A_107] : memref<10000x128xf32, #tpu.memory_space<hbm>> -> memref<10000x128xf32, #tpu.memory_space<hbm>>
      tpu.wait_indirect_dma semaphore(%arg14 : memref<!tpu.dma_semaphore, #tpu.memory_space<semaphore_mem>>) src(%dma_wait3A_108 : memref<10000x128xf32, #tpu.memory_space<hbm>>) dst(%arg10 : memref<128x128xf32, #tpu.memory_space<vmem>>)
      %mul3A_109 = arith.constant 2 : i32
      %mul3A_110 = arith.muli %mul3A_109, %scan3A_26 : i32
      %add3A_111 = arith.constant 1 : i32
      %add3A_112 = arith.addi %mul3A_110, %add3A_111 : i32
      %mul3A_113 = arith.constant 128 : i32
      %mul3A_114 = arith.muli %add3A_112, %mul3A_113 : i32
      %add3A_115 = arith.addi %mul3A_4, %mul3A_114 : i32
      %dma_start3A_116 = arith.constant 0 : i32
      %dma_start3A_117 = tpu.memref_slice %arg5[%add3A_115, %dma_start3A_116] : memref<40960x128xf32, #tpu.memory_space<hbm>> -> memref<128x128xf32, #tpu.memory_space<hbm>>
      %dma_start3A_118 = arith.constant 0 : i32
      %dma_start3A_119 = tpu.memref_slice %arg5[%add3A_115, %dma_start3A_118] : memref<40960x128xf32, #tpu.memory_space<hbm>> -> memref<128x128xf32, #tpu.memory_space<hbm>>
      tpu.enqueue_dma source(%arg10 : memref<128x128xf32, #tpu.memory_space<vmem>>) target(%dma_start3A_119 : memref<128x128xf32, #tpu.memory_space<hbm>>) target_semaphore(%arg18 : memref<!tpu.dma_semaphore, #tpu.memory_space<semaphore_mem>>)
      %dma_wait3A_120 = arith.constant 0 : i32
      %dma_wait3A_121 = arith.constant 0 : i32
      %dma_wait3A_122 = tpu.memref_slice %arg8[%dma_wait3A_120, %dma_wait3A_121] : memref<10x128xi32, #tpu.memory_space<vmem>> -> memref<1x128xi32, #tpu.memory_space<vmem>>
      %dma_wait3A_123 = tpu.memref_squeeze %dma_wait3A_122 : memref<1x128xi32, #tpu.memory_space<vmem>> -> memref<128xi32, #tpu.memory_space<vmem>>
      %dma_wait3A_124 = arith.constant 0 : i32
      %dma_wait3A_125 = arith.constant 0 : i32
      %dma_wait3A_126 = tpu.memref_slice %arg2[%dma_wait3A_124, %dma_wait3A_125] : memref<10000x128xf32, #tpu.memory_space<hbm>> -> memref<10000x128xf32, #tpu.memory_space<hbm>>
      tpu.wait_indirect_dma semaphore(%arg15 : memref<!tpu.dma_semaphore, #tpu.memory_space<semaphore_mem>>) src(%dma_wait3A_126 : memref<10000x128xf32, #tpu.memory_space<hbm>>) dst(%arg11 : memref<128x128xf32, #tpu.memory_space<vmem>>)
      %mul3A_127 = arith.constant 2 : i32
      %mul3A_128 = arith.muli %mul3A_127, %scan3A_26 : i32
      %add3A_129 = arith.constant 0 : i32
      %add3A_130 = arith.addi %mul3A_128, %add3A_129 : i32
      %mul3A_131 = arith.constant 128 : i32
      %mul3A_132 = arith.muli %add3A_130, %mul3A_131 : i32
      %add3A_133 = arith.addi %mul3A_4, %mul3A_132 : i32
      %dma_start3A_134 = arith.constant 0 : i32
      %dma_start3A_135 = tpu.memref_slice %arg6[%add3A_133, %dma_start3A_134] : memref<40960x128xf32, #tpu.memory_space<hbm>> -> memref<128x128xf32, #tpu.memory_space<hbm>>
      %dma_start3A_136 = arith.constant 0 : i32
      %dma_start3A_137 = tpu.memref_slice %arg6[%add3A_133, %dma_start3A_136] : memref<40960x128xf32, #tpu.memory_space<hbm>> -> memref<128x128xf32, #tpu.memory_space<hbm>>
      tpu.enqueue_dma source(%arg11 : memref<128x128xf32, #tpu.memory_space<vmem>>) target(%dma_start3A_137 : memref<128x128xf32, #tpu.memory_space<hbm>>) target_semaphore(%arg19 : memref<!tpu.dma_semaphore, #tpu.memory_space<semaphore_mem>>)
      %dma_wait3A_138 = arith.constant 0 : i32
      %dma_wait3A_139 = arith.constant 0 : i32
      %dma_wait3A_140 = tpu.memref_slice %arg8[%dma_wait3A_138, %dma_wait3A_139] : memref<10x128xi32, #tpu.memory_space<vmem>> -> memref<1x128xi32, #tpu.memory_space<vmem>>
      %dma_wait3A_141 = tpu.memref_squeeze %dma_wait3A_140 : memref<1x128xi32, #tpu.memory_space<vmem>> -> memref<128xi32, #tpu.memory_space<vmem>>
      %dma_wait3A_142 = arith.constant 0 : i32
      %dma_wait3A_143 = arith.constant 0 : i32
      %dma_wait3A_144 = tpu.memref_slice %arg2[%dma_wait3A_142, %dma_wait3A_143] : memref<10000x128xf32, #tpu.memory_space<hbm>> -> memref<10000x128xf32, #tpu.memory_space<hbm>>
      tpu.wait_indirect_dma semaphore(%arg16 : memref<!tpu.dma_semaphore, #tpu.memory_space<semaphore_mem>>) src(%dma_wait3A_144 : memref<10000x128xf32, #tpu.memory_space<hbm>>) dst(%arg12 : memref<128x128xf32, #tpu.memory_space<vmem>>)
      %mul3A_145 = arith.constant 2 : i32
      %mul3A_146 = arith.muli %mul3A_145, %scan3A_26 : i32
      %add3A_147 = arith.constant 1 : i32
      %add3A_148 = arith.addi %mul3A_146, %add3A_147 : i32
      %mul3A_149 = arith.constant 128 : i32
      %mul3A_150 = arith.muli %add3A_148, %mul3A_149 : i32
      %add3A_151 = arith.addi %mul3A_4, %mul3A_150 : i32
      %dma_start3A_152 = arith.constant 0 : i32
      %dma_start3A_153 = tpu.memref_slice %arg6[%add3A_151, %dma_start3A_152] : memref<40960x128xf32, #tpu.memory_space<hbm>> -> memref<128x128xf32, #tpu.memory_space<hbm>>
      %dma_start3A_154 = arith.constant 0 : i32
      %dma_start3A_155 = tpu.memref_slice %arg6[%add3A_151, %dma_start3A_154] : memref<40960x128xf32, #tpu.memory_space<hbm>> -> memref<128x128xf32, #tpu.memory_space<hbm>>
      tpu.enqueue_dma source(%arg12 : memref<128x128xf32, #tpu.memory_space<vmem>>) target(%dma_start3A_155 : memref<128x128xf32, #tpu.memory_space<hbm>>) target_semaphore(%arg20 : memref<!tpu.dma_semaphore, #tpu.memory_space<semaphore_mem>>)
      %scan3A_156 = arith.constant 0 : i32
      scf.yield %scan3A_156 : i32
    }
    %scan3A_10 = arith.constant 5 : i32
    %dma_wait3A = arith.constant 0 : i32
    %dma_wait3A_11 = tpu.memref_slice %arg5[%mul3A_4, %dma_wait3A] : memref<40960x128xf32, #tpu.memory_space<hbm>> -> memref<128x128xf32, #tpu.memory_space<hbm>>
    %dma_wait3A_12 = arith.constant 0 : i32
    %dma_wait3A_13 = tpu.memref_slice %arg5[%mul3A_4, %dma_wait3A_12] : memref<40960x128xf32, #tpu.memory_space<hbm>> -> memref<128x128xf32, #tpu.memory_space<hbm>>
    tpu.wait_dma2 semaphore(%arg17 : memref<!tpu.dma_semaphore, #tpu.memory_space<semaphore_mem>>) src(%arg9 : memref<128x128xf32, #tpu.memory_space<vmem>>) dst(%dma_wait3A_13 : memref<128x128xf32, #tpu.memory_space<hbm>>)
    %dma_wait3A_14 = arith.constant 0 : i32
    %dma_wait3A_15 = tpu.memref_slice %arg5[%mul3A_4, %dma_wait3A_14] : memref<40960x128xf32, #tpu.memory_space<hbm>> -> memref<128x128xf32, #tpu.memory_space<hbm>>
    %dma_wait3A_16 = arith.constant 0 : i32
    %dma_wait3A_17 = tpu.memref_slice %arg5[%mul3A_4, %dma_wait3A_16] : memref<40960x128xf32, #tpu.memory_space<hbm>> -> memref<128x128xf32, #tpu.memory_space<hbm>>
    tpu.wait_dma2 semaphore(%arg18 : memref<!tpu.dma_semaphore, #tpu.memory_space<semaphore_mem>>) src(%arg10 : memref<128x128xf32, #tpu.memory_space<vmem>>) dst(%dma_wait3A_17 : memref<128x128xf32, #tpu.memory_space<hbm>>)
    %dma_wait3A_18 = arith.constant 0 : i32
    %dma_wait3A_19 = tpu.memref_slice %arg6[%mul3A_4, %dma_wait3A_18] : memref<40960x128xf32, #tpu.memory_space<hbm>> -> memref<128x128xf32, #tpu.memory_space<hbm>>
    %dma_wait3A_20 = arith.constant 0 : i32
    %dma_wait3A_21 = tpu.memref_slice %arg6[%mul3A_4, %dma_wait3A_20] : memref<40960x128xf32, #tpu.memory_space<hbm>> -> memref<128x128xf32, #tpu.memory_space<hbm>>
    tpu.wait_dma2 semaphore(%arg19 : memref<!tpu.dma_semaphore, #tpu.memory_space<semaphore_mem>>) src(%arg11 : memref<128x128xf32, #tpu.memory_space<vmem>>) dst(%dma_wait3A_21 : memref<128x128xf32, #tpu.memory_space<hbm>>)
    %dma_wait3A_22 = arith.constant 0 : i32
    %dma_wait3A_23 = tpu.memref_slice %arg6[%mul3A_4, %dma_wait3A_22] : memref<40960x128xf32, #tpu.memory_space<hbm>> -> memref<128x128xf32, #tpu.memory_space<hbm>>
    %dma_wait3A_24 = arith.constant 0 : i32
    %dma_wait3A_25 = tpu.memref_slice %arg6[%mul3A_4, %dma_wait3A_24] : memref<40960x128xf32, #tpu.memory_space<hbm>> -> memref<128x128xf32, #tpu.memory_space<hbm>>
    tpu.wait_dma2 semaphore(%arg20 : memref<!tpu.dma_semaphore, #tpu.memory_space<semaphore_mem>>) src(%arg12 : memref<128x128xf32, #tpu.memory_space<vmem>>) dst(%dma_wait3A_25 : memref<128x128xf32, #tpu.memory_space<hbm>>)
    return
  }
}

#map = affine_map<(d0, d1) -> (0, 0)>
#map1 = affine_map<(d0, d1) -> (0, 0, 0)>
module attributes {stable_mosaic.version = 14 : i64} {
  func.func @body(%arg0: i32, %arg1: i32, %arg2: memref<10000x128xf32, #tpu.memory_space<hbm>>, %arg3: memref<32x10x128xi32, #tpu.memory_space<hbm>>, %arg4: memref<32x10x128xi32, #tpu.memory_space<hbm>>, %arg5: memref<40960x128xf32, #tpu.memory_space<hbm>>, %arg6: memref<40960x128xf32, #tpu.memory_space<hbm>>, %arg7: memref<10x128xi32, #tpu.memory_space<vmem>>, %arg8: memref<10x128xi32, #tpu.memory_space<vmem>>, %arg9: memref<128x128xf32, #tpu.memory_space<vmem>>, %arg10: memref<128x128xf32, #tpu.memory_space<vmem>>, %arg11: memref<128x128xf32, #tpu.memory_space<vmem>>, %arg12: memref<128x128xf32, #tpu.memory_space<vmem>>, %arg13: memref<!tpu.dma_semaphore, #tpu.memory_space<semaphore_mem>>, %arg14: memref<!tpu.dma_semaphore, #tpu.memory_space<semaphore_mem>>, %arg15: memref<!tpu.dma_semaphore, #tpu.memory_space<semaphore_mem>>, %arg16: memref<!tpu.dma_semaphore, #tpu.memory_space<semaphore_mem>>, %arg17: memref<!tpu.dma_semaphore, #tpu.memory_space<semaphore_mem>>, %arg18: memref<!tpu.dma_semaphore, #tpu.memory_space<semaphore_mem>>, %arg19: memref<!tpu.dma_semaphore, #tpu.memory_space<semaphore_mem>>, %arg20: memref<!tpu.dma_semaphore, #tpu.memory_space<semaphore_mem>>) attributes {dimension_semantics = [#tpu.dimension_semantics<core_parallel>, #tpu.dimension_semantics<subcore_parallel>], iteration_bounds = array<i64: 2, 16>, scalar_prefetch = 0 : i64, scratch_operands = 14 : i64, tpu.core_type = #tpu.core_type<sc_vector_subcore>, window_params = [{transform_indices = #map}, {transform_indices = #map1}, {transform_indices = #map1}, {transform_indices = #map}, {transform_indices = #map}]} {
    %mul3A = arith.constant 2 : i32
    %mul3A_0 = arith.muli %arg1, %mul3A : i32
    %add3A = arith.addi %mul3A_0, %arg0 : i32
    "tpu.region"() ({
      %run_scoped3A = tpu.sem_alloc : memref<!tpu.dma_semaphore, #tpu.memory_space<semaphore_mem>>
      %dma_start3A = arith.constant 0 : i32
      %dma_start3A_26 = arith.constant 0 : i32
      %dma_start3A_27 = tpu.memref_slice %arg3[%add3A, %dma_start3A, %dma_start3A_26] : memref<32x10x128xi32, #tpu.memory_space<hbm>> -> memref<1x10x128xi32, #tpu.memory_space<hbm>>
      %dma_start3A_28 = tpu.memref_squeeze %dma_start3A_27 : memref<1x10x128xi32, #tpu.memory_space<hbm>> -> memref<10x128xi32, #tpu.memory_space<hbm>>
      %dma_start3A_29 = arith.constant 0 : i32
      %dma_start3A_30 = arith.constant 0 : i32
      %dma_start3A_31 = tpu.memref_slice %arg3[%add3A, %dma_start3A_29, %dma_start3A_30] : memref<32x10x128xi32, #tpu.memory_space<hbm>> -> memref<1x10x128xi32, #tpu.memory_space<hbm>>
      %dma_start3A_32 = tpu.memref_squeeze %dma_start3A_31 : memref<1x10x128xi32, #tpu.memory_space<hbm>> -> memref<10x128xi32, #tpu.memory_space<hbm>>
      tpu.enqueue_dma source(%dma_start3A_32 : memref<10x128xi32, #tpu.memory_space<hbm>>) target(%arg7 : memref<10x128xi32, #tpu.memory_space<vmem>>) target_semaphore(%run_scoped3A : memref<!tpu.dma_semaphore, #tpu.memory_space<semaphore_mem>>)
      %dma_wait3A_33 = arith.constant 0 : i32
      %dma_wait3A_34 = arith.constant 0 : i32
      %dma_wait3A_35 = tpu.memref_slice %arg3[%add3A, %dma_wait3A_33, %dma_wait3A_34] : memref<32x10x128xi32, #tpu.memory_space<hbm>> -> memref<1x10x128xi32, #tpu.memory_space<hbm>>
      %dma_wait3A_36 = tpu.memref_squeeze %dma_wait3A_35 : memref<1x10x128xi32, #tpu.memory_space<hbm>> -> memref<10x128xi32, #tpu.memory_space<hbm>>
      %dma_wait3A_37 = arith.constant 0 : i32
      %dma_wait3A_38 = arith.constant 0 : i32
      %dma_wait3A_39 = tpu.memref_slice %arg3[%add3A, %dma_wait3A_37, %dma_wait3A_38] : memref<32x10x128xi32, #tpu.memory_space<hbm>> -> memref<1x10x128xi32, #tpu.memory_space<hbm>>
      %dma_wait3A_40 = tpu.memref_squeeze %dma_wait3A_39 : memref<1x10x128xi32, #tpu.memory_space<hbm>> -> memref<10x128xi32, #tpu.memory_space<hbm>>
      tpu.wait_dma2 semaphore(%run_scoped3A : memref<!tpu.dma_semaphore, #tpu.memory_space<semaphore_mem>>) src(%dma_wait3A_40 : memref<10x128xi32, #tpu.memory_space<hbm>>) dst(%arg7 : memref<10x128xi32, #tpu.memory_space<vmem>>)
      tpu.yield
    }) : () -> ()
    "tpu.region"() ({
      %run_scoped3A = tpu.sem_alloc : memref<!tpu.dma_semaphore, #tpu.memory_space<semaphore_mem>>
      %dma_start3A = arith.constant 0 : i32
      %dma_start3A_26 = arith.constant 0 : i32
      %dma_start3A_27 = tpu.memref_slice %arg4[%add3A, %dma_start3A, %dma_start3A_26] : memref<32x10x128xi32, #tpu.memory_space<hbm>> -> memref<1x10x128xi32, #tpu.memory_space<hbm>>
      %dma_start3A_28 = tpu.memref_squeeze %dma_start3A_27 : memref<1x10x128xi32, #tpu.memory_space<hbm>> -> memref<10x128xi32, #tpu.memory_space<hbm>>
      %dma_start3A_29 = arith.constant 0 : i32
      %dma_start3A_30 = arith.constant 0 : i32
      %dma_start3A_31 = tpu.memref_slice %arg4[%add3A, %dma_start3A_29, %dma_start3A_30] : memref<32x10x128xi32, #tpu.memory_space<hbm>> -> memref<1x10x128xi32, #tpu.memory_space<hbm>>
      %dma_start3A_32 = tpu.memref_squeeze %dma_start3A_31 : memref<1x10x128xi32, #tpu.memory_space<hbm>> -> memref<10x128xi32, #tpu.memory_space<hbm>>
      tpu.enqueue_dma source(%dma_start3A_32 : memref<10x128xi32, #tpu.memory_space<hbm>>) target(%arg8 : memref<10x128xi32, #tpu.memory_space<vmem>>) target_semaphore(%run_scoped3A : memref<!tpu.dma_semaphore, #tpu.memory_space<semaphore_mem>>)
      %dma_wait3A_33 = arith.constant 0 : i32
      %dma_wait3A_34 = arith.constant 0 : i32
      %dma_wait3A_35 = tpu.memref_slice %arg4[%add3A, %dma_wait3A_33, %dma_wait3A_34] : memref<32x10x128xi32, #tpu.memory_space<hbm>> -> memref<1x10x128xi32, #tpu.memory_space<hbm>>
      %dma_wait3A_36 = tpu.memref_squeeze %dma_wait3A_35 : memref<1x10x128xi32, #tpu.memory_space<hbm>> -> memref<10x128xi32, #tpu.memory_space<hbm>>
      %dma_wait3A_37 = arith.constant 0 : i32
      %dma_wait3A_38 = arith.constant 0 : i32
      %dma_wait3A_39 = tpu.memref_slice %arg4[%add3A, %dma_wait3A_37, %dma_wait3A_38] : memref<32x10x128xi32, #tpu.memory_space<hbm>> -> memref<1x10x128xi32, #tpu.memory_space<hbm>>
      %dma_wait3A_40 = tpu.memref_squeeze %dma_wait3A_39 : memref<1x10x128xi32, #tpu.memory_space<hbm>> -> memref<10x128xi32, #tpu.memory_space<hbm>>
      tpu.wait_dma2 semaphore(%run_scoped3A : memref<!tpu.dma_semaphore, #tpu.memory_space<semaphore_mem>>) src(%dma_wait3A_40 : memref<10x128xi32, #tpu.memory_space<hbm>>) dst(%arg8 : memref<10x128xi32, #tpu.memory_space<vmem>>)
      tpu.yield
    }) : () -> ()
    %mul3A_1 = arith.constant 10 : i32
    %mul3A_2 = arith.muli %add3A, %mul3A_1 : i32
    %mul3A_3 = arith.constant 128 : i32
    %mul3A_4 = arith.muli %mul3A_2, %mul3A_3 : i32
    %scan3A = arith.constant 0 : i32
    %scan3A_5 = arith.constant 0 : i32
    %scan3A_6 = arith.constant 5 : i32
    %scan3A_7 = arith.addi %scan3A_5, %scan3A_6 : i32
    %scan3A_8 = arith.constant 1 : i32
    %scan3A_9 = scf.for %scan3A_26 = %scan3A_5 to %scan3A_7 step %scan3A_8 iter_args(%scan3A_27 = %scan3A) -> (i32)  : i32 {
      %gt3A = arith.constant 0 : i32
      %gt3A_28 = arith.cmpi sgt, %scan3A_26, %gt3A : i32
      %convert_element_type3A = arith.extui %gt3A_28 : i1 to i32
      %cond3A = arith.constant 0 : i32
      %cond3A_29 = arith.cmpi ne, %convert_element_type3A, %cond3A : i32
      scf.if %cond3A_29 {
        %dma_wait3A_157 = arith.constant 0 : i32
        %dma_wait3A_158 = tpu.memref_slice %arg5[%mul3A_4, %dma_wait3A_157] : memref<40960x128xf32, #tpu.memory_space<hbm>> -> memref<128x128xf32, #tpu.memory_space<hbm>>
        %dma_wait3A_159 = arith.constant 0 : i32
        %dma_wait3A_160 = tpu.memref_slice %arg5[%mul3A_4, %dma_wait3A_159] : memref<40960x128xf32, #tpu.memory_space<hbm>> -> memref<128x128xf32, #tpu.memory_space<hbm>>
        tpu.wait_dma2 semaphore(%arg17 : memref<!tpu.dma_semaphore, #tpu.memory_space<semaphore_mem>>) src(%arg9 : memref<128x128xf32, #tpu.memory_space<vmem>>) dst(%dma_wait3A_160 : memref<128x128xf32, #tpu.memory_space<hbm>>)
      } else {
      }
      %mul3A_30 = arith.constant 2 : i32
      %mul3A_31 = arith.muli %mul3A_30, %scan3A_26 : i32
      %add3A_32 = arith.constant 0 : i32
      %add3A_33 = arith.addi %mul3A_31, %add3A_32 : i32
      %dma_start3A = arith.constant 0 : i32
      %dma_start3A_34 = tpu.memref_slice %arg7[%add3A_33, %dma_start3A] : memref<10x128xi32, #tpu.memory_space<vmem>> -> memref<1x128xi32, #tpu.memory_space<vmem>>
      %dma_start3A_35 = tpu.memref_squeeze %dma_start3A_34 : memref<1x128xi32, #tpu.memory_space<vmem>> -> memref<128xi32, #tpu.memory_space<vmem>>
      %dma_start3A_36 = arith.constant 0 : i32
      %dma_start3A_37 = arith.constant 0 : i32
      %dma_start3A_38 = tpu.memref_slice %arg2[%dma_start3A_36, %dma_start3A_37] : memref<10000x128xf32, #tpu.memory_space<hbm>> -> memref<10000x128xf32, #tpu.memory_space<hbm>>
      tpu.enqueue_indirect_dma source(%dma_start3A_38 : memref<10000x128xf32, #tpu.memory_space<hbm>>) target(%arg9 : memref<128x128xf32, #tpu.memory_space<vmem>>) offsets(%dma_start3A_35 : memref<128xi32, #tpu.memory_space<vmem>>) semaphore(%arg13 : memref<!tpu.dma_semaphore, #tpu.memory_space<semaphore_mem>>)
      %gt3A_39 = arith.constant 0 : i32
      %gt3A_40 = arith.cmpi sgt, %scan3A_26, %gt3A_39 : i32
      %convert_element_type3A_41 = arith.extui %gt3A_40 : i1 to i32
      %cond3A_42 = arith.constant 0 : i32
      %cond3A_43 = arith.cmpi ne, %convert_element_type3A_41, %cond3A_42 : i32
      scf.if %cond3A_43 {
        %dma_wait3A_157 = arith.constant 0 : i32
        %dma_wait3A_158 = tpu.memref_slice %arg5[%mul3A_4, %dma_wait3A_157] : memref<40960x128xf32, #tpu.memory_space<hbm>> -> memref<128x128xf32, #tpu.memory_space<hbm>>
        %dma_wait3A_159 = arith.constant 0 : i32
        %dma_wait3A_160 = tpu.memref_slice %arg5[%mul3A_4, %dma_wait3A_159] : memref<40960x128xf32, #tpu.memory_space<hbm>> -> memref<128x128xf32, #tpu.memory_space<hbm>>
        tpu.wait_dma2 semaphore(%arg18 : memref<!tpu.dma_semaphore, #tpu.memory_space<semaphore_mem>>) src(%arg10 : memref<128x128xf32, #tpu.memory_space<vmem>>) dst(%dma_wait3A_160 : memref<128x128xf32, #tpu.memory_space<hbm>>)
      } else {
      }
      %mul3A_44 = arith.constant 2 : i32
      %mul3A_45 = arith.muli %mul3A_44, %scan3A_26 : i32
      %add3A_46 = arith.constant 1 : i32
      %add3A_47 = arith.addi %mul3A_45, %add3A_46 : i32
      %dma_start3A_48 = arith.constant 0 : i32
      %dma_start3A_49 = tpu.memref_slice %arg7[%add3A_47, %dma_start3A_48] : memref<10x128xi32, #tpu.memory_space<vmem>> -> memref<1x128xi32, #tpu.memory_space<vmem>>
      %dma_start3A_50 = tpu.memref_squeeze %dma_start3A_49 : memref<1x128xi32, #tpu.memory_space<vmem>> -> memref<128xi32, #tpu.memory_space<vmem>>
      %dma_start3A_51 = arith.constant 0 : i32
      %dma_start3A_52 = arith.constant 0 : i32
      %dma_start3A_53 = tpu.memref_slice %arg2[%dma_start3A_51, %dma_start3A_52] : memref<10000x128xf32, #tpu.memory_space<hbm>> -> memref<10000x128xf32, #tpu.memory_space<hbm>>
      tpu.enqueue_indirect_dma source(%dma_start3A_53 : memref<10000x128xf32, #tpu.memory_space<hbm>>) target(%arg10 : memref<128x128xf32, #tpu.memory_space<vmem>>) offsets(%dma_start3A_50 : memref<128xi32, #tpu.memory_space<vmem>>) semaphore(%arg14 : memref<!tpu.dma_semaphore, #tpu.memory_space<semaphore_mem>>)
      %gt3A_54 = arith.constant 0 : i32
      %gt3A_55 = arith.cmpi sgt, %scan3A_26, %gt3A_54 : i32
      %convert_element_type3A_56 = arith.extui %gt3A_55 : i1 to i32
      %cond3A_57 = arith.constant 0 : i32
      %cond3A_58 = arith.cmpi ne, %convert_element_type3A_56, %cond3A_57 : i32
      scf.if %cond3A_58 {
        %dma_wait3A_157 = arith.constant 0 : i32
        %dma_wait3A_158 = tpu.memref_slice %arg6[%mul3A_4, %dma_wait3A_157] : memref<40960x128xf32, #tpu.memory_space<hbm>> -> memref<128x128xf32, #tpu.memory_space<hbm>>
        %dma_wait3A_159 = arith.constant 0 : i32
        %dma_wait3A_160 = tpu.memref_slice %arg6[%mul3A_4, %dma_wait3A_159] : memref<40960x128xf32, #tpu.memory_space<hbm>> -> memref<128x128xf32, #tpu.memory_space<hbm>>
        tpu.wait_dma2 semaphore(%arg19 : memref<!tpu.dma_semaphore, #tpu.memory_space<semaphore_mem>>) src(%arg11 : memref<128x128xf32, #tpu.memory_space<vmem>>) dst(%dma_wait3A_160 : memref<128x128xf32, #tpu.memory_space<hbm>>)
      } else {
      }
      %mul3A_59 = arith.constant 2 : i32
      %mul3A_60 = arith.muli %mul3A_59, %scan3A_26 : i32
      %add3A_61 = arith.constant 0 : i32
      %add3A_62 = arith.addi %mul3A_60, %add3A_61 : i32
      %dma_start3A_63 = arith.constant 0 : i32
      %dma_start3A_64 = tpu.memref_slice %arg8[%add3A_62, %dma_start3A_63] : memref<10x128xi32, #tpu.memory_space<vmem>> -> memref<1x128xi32, #tpu.memory_space<vmem>>
      %dma_start3A_65 = tpu.memref_squeeze %dma_start3A_64 : memref<1x128xi32, #tpu.memory_space<vmem>> -> memref<128xi32, #tpu.memory_space<vmem>>
      %dma_start3A_66 = arith.constant 0 : i32
      %dma_start3A_67 = arith.constant 0 : i32
      %dma_start3A_68 = tpu.memref_slice %arg2[%dma_start3A_66, %dma_start3A_67] : memref<10000x128xf32, #tpu.memory_space<hbm>> -> memref<10000x128xf32, #tpu.memory_space<hbm>>
      tpu.enqueue_indirect_dma source(%dma_start3A_68 : memref<10000x128xf32, #tpu.memory_space<hbm>>) target(%arg11 : memref<128x128xf32, #tpu.memory_space<vmem>>) offsets(%dma_start3A_65 : memref<128xi32, #tpu.memory_space<vmem>>) semaphore(%arg15 : memref<!tpu.dma_semaphore, #tpu.memory_space<semaphore_mem>>)
      %gt3A_69 = arith.constant 0 : i32
      %gt3A_70 = arith.cmpi sgt, %scan3A_26, %gt3A_69 : i32
      %convert_element_type3A_71 = arith.extui %gt3A_70 : i1 to i32
      %cond3A_72 = arith.constant 0 : i32
      %cond3A_73 = arith.cmpi ne, %convert_element_type3A_71, %cond3A_72 : i32
      scf.if %cond3A_73 {
        %dma_wait3A_157 = arith.constant 0 : i32
        %dma_wait3A_158 = tpu.memref_slice %arg6[%mul3A_4, %dma_wait3A_157] : memref<40960x128xf32, #tpu.memory_space<hbm>> -> memref<128x128xf32, #tpu.memory_space<hbm>>
        %dma_wait3A_159 = arith.constant 0 : i32
        %dma_wait3A_160 = tpu.memref_slice %arg6[%mul3A_4, %dma_wait3A_159] : memref<40960x128xf32, #tpu.memory_space<hbm>> -> memref<128x128xf32, #tpu.memory_space<hbm>>
        tpu.wait_dma2 semaphore(%arg20 : memref<!tpu.dma_semaphore, #tpu.memory_space<semaphore_mem>>) src(%arg12 : memref<128x128xf32, #tpu.memory_space<vmem>>) dst(%dma_wait3A_160 : memref<128x128xf32, #tpu.memory_space<hbm>>)
      } else {
      }
      %mul3A_74 = arith.constant 2 : i32
      %mul3A_75 = arith.muli %mul3A_74, %scan3A_26 : i32
      %add3A_76 = arith.constant 1 : i32
      %add3A_77 = arith.addi %mul3A_75, %add3A_76 : i32
      %dma_start3A_78 = arith.constant 0 : i32
      %dma_start3A_79 = tpu.memref_slice %arg8[%add3A_77, %dma_start3A_78] : memref<10x128xi32, #tpu.memory_space<vmem>> -> memref<1x128xi32, #tpu.memory_space<vmem>>
      %dma_start3A_80 = tpu.memref_squeeze %dma_start3A_79 : memref<1x128xi32, #tpu.memory_space<vmem>> -> memref<128xi32, #tpu.memory_space<vmem>>
      %dma_start3A_81 = arith.constant 0 : i32
      %dma_start3A_82 = arith.constant 0 : i32
      %dma_start3A_83 = tpu.memref_slice %arg2[%dma_start3A_81, %dma_start3A_82] : memref<10000x128xf32, #tpu.memory_space<hbm>> -> memref<10000x128xf32, #tpu.memory_space<hbm>>
      tpu.enqueue_indirect_dma source(%dma_start3A_83 : memref<10000x128xf32, #tpu.memory_space<hbm>>) target(%arg12 : memref<128x128xf32, #tpu.memory_space<vmem>>) offsets(%dma_start3A_80 : memref<128xi32, #tpu.memory_space<vmem>>) semaphore(%arg16 : memref<!tpu.dma_semaphore, #tpu.memory_space<semaphore_mem>>)
      %dma_wait3A_84 = arith.constant 0 : i32
      %dma_wait3A_85 = arith.constant 0 : i32
      %dma_wait3A_86 = tpu.memref_slice %arg7[%dma_wait3A_84, %dma_wait3A_85] : memref<10x128xi32, #tpu.memory_space<vmem>> -> memref<1x128xi32, #tpu.memory_space<vmem>>
      %dma_wait3A_87 = tpu.memref_squeeze %dma_wait3A_86 : memref<1x128xi32, #tpu.memory_space<vmem>> -> memref<128xi32, #tpu.memory_space<vmem>>
      %dma_wait3A_88 = arith.constant 0 : i32
      %dma_wait3A_89 = arith.constant 0 : i32
      %dma_wait3A_90 = tpu.memref_slice %arg2[%dma_wait3A_88, %dma_wait3A_89] : memref<10000x128xf32, #tpu.memory_space<hbm>> -> memref<10000x128xf32, #tpu.memory_space<hbm>>
      tpu.wait_indirect_dma semaphore(%arg13 : memref<!tpu.dma_semaphore, #tpu.memory_space<semaphore_mem>>) src(%dma_wait3A_90 : memref<10000x128xf32, #tpu.memory_space<hbm>>) dst(%arg9 : memref<128x128xf32, #tpu.memory_space<vmem>>)
      %mul3A_91 = arith.constant 2 : i32
      %mul3A_92 = arith.muli %mul3A_91, %scan3A_26 : i32
      %add3A_93 = arith.constant 0 : i32
      %add3A_94 = arith.addi %mul3A_92, %add3A_93 : i32
      %mul3A_95 = arith.constant 128 : i32
      %mul3A_96 = arith.muli %add3A_94, %mul3A_95 : i32
      %add3A_97 = arith.addi %mul3A_4, %mul3A_96 : i32
      %dma_start3A_98 = arith.constant 0 : i32
      %dma_start3A_99 = tpu.memref_slice %arg5[%add3A_97, %dma_start3A_98] : memref<40960x128xf32, #tpu.memory_space<hbm>> -> memref<128x128xf32, #tpu.memory_space<hbm>>
      %dma_start3A_100 = arith.constant 0 : i32
      %dma_start3A_101 = tpu.memref_slice %arg5[%add3A_97, %dma_start3A_100] : memref<40960x128xf32, #tpu.memory_space<hbm>> -> memref<128x128xf32, #tpu.memory_space<hbm>>
      tpu.enqueue_dma source(%arg9 : memref<128x128xf32, #tpu.memory_space<vmem>>) target(%dma_start3A_101 : memref<128x128xf32, #tpu.memory_space<hbm>>) target_semaphore(%arg17 : memref<!tpu.dma_semaphore, #tpu.memory_space<semaphore_mem>>)
      %dma_wait3A_102 = arith.constant 0 : i32
      %dma_wait3A_103 = arith.constant 0 : i32
      %dma_wait3A_104 = tpu.memref_slice %arg7[%dma_wait3A_102, %dma_wait3A_103] : memref<10x128xi32, #tpu.memory_space<vmem>> -> memref<1x128xi32, #tpu.memory_space<vmem>>
      %dma_wait3A_105 = tpu.memref_squeeze %dma_wait3A_104 : memref<1x128xi32, #tpu.memory_space<vmem>> -> memref<128xi32, #tpu.memory_space<vmem>>
      %dma_wait3A_106 = arith.constant 0 : i32
      %dma_wait3A_107 = arith.constant 0 : i32
      %dma_wait3A_108 = tpu.memref_slice %arg2[%dma_wait3A_106, %dma_wait3A_107] : memref<10000x128xf32, #tpu.memory_space<hbm>> -> memref<10000x128xf32, #tpu.memory_space<hbm>>
      tpu.wait_indirect_dma semaphore(%arg14 : memref<!tpu.dma_semaphore, #tpu.memory_space<semaphore_mem>>) src(%dma_wait3A_108 : memref<10000x128xf32, #tpu.memory_space<hbm>>) dst(%arg10 : memref<128x128xf32, #tpu.memory_space<vmem>>)
      %mul3A_109 = arith.constant 2 : i32
      %mul3A_110 = arith.muli %mul3A_109, %scan3A_26 : i32
      %add3A_111 = arith.constant 1 : i32
      %add3A_112 = arith.addi %mul3A_110, %add3A_111 : i32
      %mul3A_113 = arith.constant 128 : i32
      %mul3A_114 = arith.muli %add3A_112, %mul3A_113 : i32
      %add3A_115 = arith.addi %mul3A_4, %mul3A_114 : i32
      %dma_start3A_116 = arith.constant 0 : i32
      %dma_start3A_117 = tpu.memref_slice %arg5[%add3A_115, %dma_start3A_116] : memref<40960x128xf32, #tpu.memory_space<hbm>> -> memref<128x128xf32, #tpu.memory_space<hbm>>
      %dma_start3A_118 = arith.constant 0 : i32
      %dma_start3A_119 = tpu.memref_slice %arg5[%add3A_115, %dma_start3A_118] : memref<40960x128xf32, #tpu.memory_space<hbm>> -> memref<128x128xf32, #tpu.memory_space<hbm>>
      tpu.enqueue_dma source(%arg10 : memref<128x128xf32, #tpu.memory_space<vmem>>) target(%dma_start3A_119 : memref<128x128xf32, #tpu.memory_space<hbm>>) target_semaphore(%arg18 : memref<!tpu.dma_semaphore, #tpu.memory_space<semaphore_mem>>)
      %dma_wait3A_120 = arith.constant 0 : i32
      %dma_wait3A_121 = arith.constant 0 : i32
      %dma_wait3A_122 = tpu.memref_slice %arg8[%dma_wait3A_120, %dma_wait3A_121] : memref<10x128xi32, #tpu.memory_space<vmem>> -> memref<1x128xi32, #tpu.memory_space<vmem>>
      %dma_wait3A_123 = tpu.memref_squeeze %dma_wait3A_122 : memref<1x128xi32, #tpu.memory_space<vmem>> -> memref<128xi32, #tpu.memory_space<vmem>>
      %dma_wait3A_124 = arith.constant 0 : i32
      %dma_wait3A_125 = arith.constant 0 : i32
      %dma_wait3A_126 = tpu.memref_slice %arg2[%dma_wait3A_124, %dma_wait3A_125] : memref<10000x128xf32, #tpu.memory_space<hbm>> -> memref<10000x128xf32, #tpu.memory_space<hbm>>
      tpu.wait_indirect_dma semaphore(%arg15 : memref<!tpu.dma_semaphore, #tpu.memory_space<semaphore_mem>>) src(%dma_wait3A_126 : memref<10000x128xf32, #tpu.memory_space<hbm>>) dst(%arg11 : memref<128x128xf32, #tpu.memory_space<vmem>>)
      %mul3A_127 = arith.constant 2 : i32
      %mul3A_128 = arith.muli %mul3A_127, %scan3A_26 : i32
      %add3A_129 = arith.constant 0 : i32
      %add3A_130 = arith.addi %mul3A_128, %add3A_129 : i32
      %mul3A_131 = arith.constant 128 : i32
      %mul3A_132 = arith.muli %add3A_130, %mul3A_131 : i32
      %add3A_133 = arith.addi %mul3A_4, %mul3A_132 : i32
      %dma_start3A_134 = arith.constant 0 : i32
      %dma_start3A_135 = tpu.memref_slice %arg6[%add3A_133, %dma_start3A_134] : memref<40960x128xf32, #tpu.memory_space<hbm>> -> memref<128x128xf32, #tpu.memory_space<hbm>>
      %dma_start3A_136 = arith.constant 0 : i32
      %dma_start3A_137 = tpu.memref_slice %arg6[%add3A_133, %dma_start3A_136] : memref<40960x128xf32, #tpu.memory_space<hbm>> -> memref<128x128xf32, #tpu.memory_space<hbm>>
      tpu.enqueue_dma source(%arg11 : memref<128x128xf32, #tpu.memory_space<vmem>>) target(%dma_start3A_137 : memref<128x128xf32, #tpu.memory_space<hbm>>) target_semaphore(%arg19 : memref<!tpu.dma_semaphore, #tpu.memory_space<semaphore_mem>>)
      %dma_wait3A_138 = arith.constant 0 : i32
      %dma_wait3A_139 = arith.constant 0 : i32
      %dma_wait3A_140 = tpu.memref_slice %arg8[%dma_wait3A_138, %dma_wait3A_139] : memref<10x128xi32, #tpu.memory_space<vmem>> -> memref<1x128xi32, #tpu.memory_space<vmem>>
      %dma_wait3A_141 = tpu.memref_squeeze %dma_wait3A_140 : memref<1x128xi32, #tpu.memory_space<vmem>> -> memref<128xi32, #tpu.memory_space<vmem>>
      %dma_wait3A_142 = arith.constant 0 : i32
      %dma_wait3A_143 = arith.constant 0 : i32
      %dma_wait3A_144 = tpu.memref_slice %arg2[%dma_wait3A_142, %dma_wait3A_143] : memref<10000x128xf32, #tpu.memory_space<hbm>> -> memref<10000x128xf32, #tpu.memory_space<hbm>>
      tpu.wait_indirect_dma semaphore(%arg16 : memref<!tpu.dma_semaphore, #tpu.memory_space<semaphore_mem>>) src(%dma_wait3A_144 : memref<10000x128xf32, #tpu.memory_space<hbm>>) dst(%arg12 : memref<128x128xf32, #tpu.memory_space<vmem>>)
      %mul3A_145 = arith.constant 2 : i32
      %mul3A_146 = arith.muli %mul3A_145, %scan3A_26 : i32
      %add3A_147 = arith.constant 1 : i32
      %add3A_148 = arith.addi %mul3A_146, %add3A_147 : i32
      %mul3A_149 = arith.constant 128 : i32
      %mul3A_150 = arith.muli %add3A_148, %mul3A_149 : i32
      %add3A_151 = arith.addi %mul3A_4, %mul3A_150 : i32
      %dma_start3A_152 = arith.constant 0 : i32
      %dma_start3A_153 = tpu.memref_slice %arg6[%add3A_151, %dma_start3A_152] : memref<40960x128xf32, #tpu.memory_space<hbm>> -> memref<128x128xf32, #tpu.memory_space<hbm>>
      %dma_start3A_154 = arith.constant 0 : i32
      %dma_start3A_155 = tpu.memref_slice %arg6[%add3A_151, %dma_start3A_154] : memref<40960x128xf32, #tpu.memory_space<hbm>> -> memref<128x128xf32, #tpu.memory_space<hbm>>
      tpu.enqueue_dma source(%arg12 : memref<128x128xf32, #tpu.memory_space<vmem>>) target(%dma_start3A_155 : memref<128x128xf32, #tpu.memory_space<hbm>>) target_semaphore(%arg20 : memref<!tpu.dma_semaphore, #tpu.memory_space<semaphore_mem>>)
      %scan3A_156 = arith.constant 0 : i32
      scf.yield %scan3A_156 : i32
    }
    %scan3A_10 = arith.constant 5 : i32
    %dma_wait3A = arith.constant 0 : i32
    %dma_wait3A_11 = tpu.memref_slice %arg5[%mul3A_4, %dma_wait3A] : memref<40960x128xf32, #tpu.memory_space<hbm>> -> memref<128x128xf32, #tpu.memory_space<hbm>>
    %dma_wait3A_12 = arith.constant 0 : i32
    %dma_wait3A_13 = tpu.memref_slice %arg5[%mul3A_4, %dma_wait3A_12] : memref<40960x128xf32, #tpu.memory_space<hbm>> -> memref<128x128xf32, #tpu.memory_space<hbm>>
    tpu.wait_dma2 semaphore(%arg17 : memref<!tpu.dma_semaphore, #tpu.memory_space<semaphore_mem>>) src(%arg9 : memref<128x128xf32, #tpu.memory_space<vmem>>) dst(%dma_wait3A_13 : memref<128x128xf32, #tpu.memory_space<hbm>>)
    %dma_wait3A_14 = arith.constant 0 : i32
    %dma_wait3A_15 = tpu.memref_slice %arg5[%mul3A_4, %dma_wait3A_14] : memref<40960x128xf32, #tpu.memory_space<hbm>> -> memref<128x128xf32, #tpu.memory_space<hbm>>
    %dma_wait3A_16 = arith.constant 0 : i32
    %dma_wait3A_17 = tpu.memref_slice %arg5[%mul3A_4, %dma_wait3A_16] : memref<40960x128xf32, #tpu.memory_space<hbm>> -> memref<128x128xf32, #tpu.memory_space<hbm>>
    tpu.wait_dma2 semaphore(%arg18 : memref<!tpu.dma_semaphore, #tpu.memory_space<semaphore_mem>>) src(%arg10 : memref<128x128xf32, #tpu.memory_space<vmem>>) dst(%dma_wait3A_17 : memref<128x128xf32, #tpu.memory_space<hbm>>)
    %dma_wait3A_18 = arith.constant 0 : i32
    %dma_wait3A_19 = tpu.memref_slice %arg6[%mul3A_4, %dma_wait3A_18] : memref<40960x128xf32, #tpu.memory_space<hbm>> -> memref<128x128xf32, #tpu.memory_space<hbm>>
    %dma_wait3A_20 = arith.constant 0 : i32
    %dma_wait3A_21 = tpu.memref_slice %arg6[%mul3A_4, %dma_wait3A_20] : memref<40960x128xf32, #tpu.memory_space<hbm>> -> memref<128x128xf32, #tpu.memory_space<hbm>>
    tpu.wait_dma2 semaphore(%arg19 : memref<!tpu.dma_semaphore, #tpu.memory_space<semaphore_mem>>) src(%arg11 : memref<128x128xf32, #tpu.memory_space<vmem>>) dst(%dma_wait3A_21 : memref<128x128xf32, #tpu.memory_space<hbm>>)
    %dma_wait3A_22 = arith.constant 0 : i32
    %dma_wait3A_23 = tpu.memref_slice %arg6[%mul3A_4, %dma_wait3A_22] : memref<40960x128xf32, #tpu.memory_space<hbm>> -> memref<128x128xf32, #tpu.memory_space<hbm>>
    %dma_wait3A_24 = arith.constant 0 : i32
    %dma_wait3A_25 = tpu.memref_slice %arg6[%mul3A_4, %dma_wait3A_24] : memref<40960x128xf32, #tpu.memory_space<hbm>> -> memref<128x128xf32, #tpu.memory_space<hbm>>
    tpu.wait_dma2 semaphore(%arg20 : memref<!tpu.dma_semaphore, #tpu.memory_space<semaphore_mem>>) src(%arg12 : memref<128x128xf32, #tpu.memory_space<vmem>>) dst(%dma_wait3A_25 : memref<128x128xf32, #tpu.memory_space<hbm>>)
    return
  }
}

#map = affine_map<(d0, d1) -> (0, 0)>
#map1 = affine_map<(d0, d1) -> (0, 0, 0)>
module attributes {stable_mosaic.version = 14 : i64} {
  func.func @body(%arg0: i32, %arg1: i32, %arg2: memref<40960x128xf32, #tpu.memory_space<hbm>>, %arg3: memref<16x20x128xi32, #tpu.memory_space<hbm>>, %arg4: memref<632x128xf32, #tpu.memory_space<hbm>>, %arg5: memref<10000x128xf32, #tpu.memory_space<hbm>>, %arg6: memref<20x128xi32, #tpu.memory_space<vmem>>, %arg7: memref<128x128xf32, #tpu.memory_space<vmem>>, %arg8: memref<10112x128xf32, #tpu.memory_space<vmem_shared>>) attributes {dimension_semantics = [#tpu.dimension_semantics<core_parallel>, #tpu.dimension_semantics<subcore_parallel>], iteration_bounds = array<i64: 2, 16>, scalar_prefetch = 0 : i64, scratch_operands = 3 : i64, tpu.core_type = #tpu.core_type<sc_vector_subcore>, window_params = [{transform_indices = #map}, {transform_indices = #map1}, {transform_indices = #map}, {transform_indices = #map}]} {
    "tpu.region"() ({
      %run_scoped3A = tpu.sem_alloc : memref<!tpu.dma_semaphore, #tpu.memory_space<semaphore_mem>>
      %dma_start3A = arith.constant 0 : i32
      %dma_start3A_4 = arith.constant 0 : i32
      %dma_start3A_5 = tpu.memref_slice %arg3[%arg1, %dma_start3A, %dma_start3A_4] : memref<16x20x128xi32, #tpu.memory_space<hbm>> -> memref<1x20x128xi32, #tpu.memory_space<hbm>>
      %dma_start3A_6 = tpu.memref_squeeze %dma_start3A_5 : memref<1x20x128xi32, #tpu.memory_space<hbm>> -> memref<20x128xi32, #tpu.memory_space<hbm>>
      %dma_start3A_7 = arith.constant 0 : i32
      %dma_start3A_8 = arith.constant 0 : i32
      %dma_start3A_9 = tpu.memref_slice %arg3[%arg1, %dma_start3A_7, %dma_start3A_8] : memref<16x20x128xi32, #tpu.memory_space<hbm>> -> memref<1x20x128xi32, #tpu.memory_space<hbm>>
      %dma_start3A_10 = tpu.memref_squeeze %dma_start3A_9 : memref<1x20x128xi32, #tpu.memory_space<hbm>> -> memref<20x128xi32, #tpu.memory_space<hbm>>
      tpu.enqueue_dma source(%dma_start3A_10 : memref<20x128xi32, #tpu.memory_space<hbm>>) target(%arg6 : memref<20x128xi32, #tpu.memory_space<vmem>>) target_semaphore(%run_scoped3A : memref<!tpu.dma_semaphore, #tpu.memory_space<semaphore_mem>>)
      %dma_wait3A = arith.constant 0 : i32
      %dma_wait3A_11 = arith.constant 0 : i32
      %dma_wait3A_12 = tpu.memref_slice %arg3[%arg1, %dma_wait3A, %dma_wait3A_11] : memref<16x20x128xi32, #tpu.memory_space<hbm>> -> memref<1x20x128xi32, #tpu.memory_space<hbm>>
      %dma_wait3A_13 = tpu.memref_squeeze %dma_wait3A_12 : memref<1x20x128xi32, #tpu.memory_space<hbm>> -> memref<20x128xi32, #tpu.memory_space<hbm>>
      %dma_wait3A_14 = arith.constant 0 : i32
      %dma_wait3A_15 = arith.constant 0 : i32
      %dma_wait3A_16 = tpu.memref_slice %arg3[%arg1, %dma_wait3A_14, %dma_wait3A_15] : memref<16x20x128xi32, #tpu.memory_space<hbm>> -> memref<1x20x128xi32, #tpu.memory_space<hbm>>
      %dma_wait3A_17 = tpu.memref_squeeze %dma_wait3A_16 : memref<1x20x128xi32, #tpu.memory_space<hbm>> -> memref<20x128xi32, #tpu.memory_space<hbm>>
      tpu.wait_dma2 semaphore(%run_scoped3A : memref<!tpu.dma_semaphore, #tpu.memory_space<semaphore_mem>>) src(%dma_wait3A_17 : memref<20x128xi32, #tpu.memory_space<hbm>>) dst(%arg6 : memref<20x128xi32, #tpu.memory_space<vmem>>)
      tpu.yield
    }) : () -> ()
    %mul3A = arith.constant 1 : i32
    %mul3A_0 = arith.muli %arg0, %mul3A : i32
    %add3A = arith.constant 0 : i32
    %add3A_1 = arith.addi %mul3A_0, %add3A : i32
    %lt3A = arith.constant 1 : i32
    %lt3A_2 = arith.cmpi slt, %add3A_1, %lt3A : i32
    %convert_element_type3A = arith.extui %lt3A_2 : i1 to i32
    %cond3A = arith.constant 0 : i32
    %cond3A_3 = arith.cmpi ne, %convert_element_type3A, %cond3A : i32
    scf.if %cond3A_3 {
      %mul3A_4 = arith.constant 632 : i32
      %mul3A_5 = arith.muli %arg1, %mul3A_4 : i32
      "tpu.region"() ({
        %run_scoped3A = tpu.sem_alloc : memref<!tpu.dma_semaphore, #tpu.memory_space<semaphore_mem>>
        %dma_start3A = arith.constant 0 : i32
        %dma_start3A_22 = tpu.memref_slice %arg8[%mul3A_5, %dma_start3A] : memref<10112x128xf32, #tpu.memory_space<vmem_shared>> -> memref<632x128xf32, #tpu.memory_space<vmem_shared>>
        tpu.enqueue_dma source(%arg4 : memref<632x128xf32, #tpu.memory_space<hbm>>) target(%dma_start3A_22 : memref<632x128xf32, #tpu.memory_space<vmem_shared>>) target_semaphore(%run_scoped3A : memref<!tpu.dma_semaphore, #tpu.memory_space<semaphore_mem>>)
        %dma_wait3A = arith.constant 0 : i32
        %dma_wait3A_23 = tpu.memref_slice %arg8[%mul3A_5, %dma_wait3A] : memref<10112x128xf32, #tpu.memory_space<vmem_shared>> -> memref<632x128xf32, #tpu.memory_space<vmem_shared>>
        tpu.wait_dma2 semaphore(%run_scoped3A : memref<!tpu.dma_semaphore, #tpu.memory_space<semaphore_mem>>) src(%arg4 : memref<632x128xf32, #tpu.memory_space<hbm>>) dst(%dma_wait3A_23 : memref<632x128xf32, #tpu.memory_space<vmem_shared>>)
        tpu.yield
      }) : () -> ()
      %barrier3A = arith.constant 0 : index
      tpu.barrier barrier_id(%barrier3A)
      %scan3A = arith.constant 0 : i32
      %scan3A_6 = arith.constant 0 : i32
      %scan3A_7 = arith.constant 20 : i32
      %scan3A_8 = arith.addi %scan3A_6, %scan3A_7 : i32
      %scan3A_9 = arith.constant 1 : i32
      %scan3A_10 = scf.for %scan3A_22 = %scan3A_6 to %scan3A_8 step %scan3A_9 iter_args(%scan3A_23 = %scan3A) -> (i32)  : i32 {
        %mul3A_24 = arith.constant 40960 : i32
        %mul3A_25 = arith.muli %add3A_1, %mul3A_24 : i32
        %mul3A_26 = arith.constant 2560 : i32
        %mul3A_27 = arith.muli %arg1, %mul3A_26 : i32
        %add3A_28 = arith.addi %mul3A_25, %mul3A_27 : i32
        %mul3A_29 = arith.constant 128 : i32
        %mul3A_30 = arith.muli %scan3A_22, %mul3A_29 : i32
        %add3A_31 = arith.addi %add3A_28, %mul3A_30 : i32
        "tpu.region"() ({
          %run_scoped3A = tpu.sem_alloc : memref<!tpu.dma_semaphore, #tpu.memory_space<semaphore_mem>>
          %dma_start3A = arith.constant 0 : i32
          %dma_start3A_37 = tpu.memref_slice %arg2[%add3A_31, %dma_start3A] : memref<40960x128xf32, #tpu.memory_space<hbm>> -> memref<128x128xf32, #tpu.memory_space<hbm>>
          %dma_start3A_38 = arith.constant 0 : i32
          %dma_start3A_39 = tpu.memref_slice %arg2[%add3A_31, %dma_start3A_38] : memref<40960x128xf32, #tpu.memory_space<hbm>> -> memref<128x128xf32, #tpu.memory_space<hbm>>
          tpu.enqueue_dma source(%dma_start3A_39 : memref<128x128xf32, #tpu.memory_space<hbm>>) target(%arg7 : memref<128x128xf32, #tpu.memory_space<vmem>>) target_semaphore(%run_scoped3A : memref<!tpu.dma_semaphore, #tpu.memory_space<semaphore_mem>>)
          %dma_wait3A = arith.constant 0 : i32
          %dma_wait3A_40 = tpu.memref_slice %arg2[%add3A_31, %dma_wait3A] : memref<40960x128xf32, #tpu.memory_space<hbm>> -> memref<128x128xf32, #tpu.memory_space<hbm>>
          %dma_wait3A_41 = arith.constant 0 : i32
          %dma_wait3A_42 = tpu.memref_slice %arg2[%add3A_31, %dma_wait3A_41] : memref<40960x128xf32, #tpu.memory_space<hbm>> -> memref<128x128xf32, #tpu.memory_space<hbm>>
          tpu.wait_dma2 semaphore(%run_scoped3A : memref<!tpu.dma_semaphore, #tpu.memory_space<semaphore_mem>>) src(%dma_wait3A_42 : memref<128x128xf32, #tpu.memory_space<hbm>>) dst(%arg7 : memref<128x128xf32, #tpu.memory_space<vmem>>)
          tpu.yield
        }) : () -> ()
        %mul3A_32 = arith.constant 1 : i32
        %mul3A_33 = arith.muli %scan3A_22, %mul3A_32 : i32
        %add3A_34 = arith.constant 0 : i32
        %add3A_35 = arith.addi %mul3A_33, %add3A_34 : i32
        "tpu.region"() ({
          %run_scoped3A = tpu.sem_alloc : memref<!tpu.dma_semaphore, #tpu.memory_space<semaphore_mem>>
          %dma_start3A = arith.constant 0 : i32
          %dma_start3A_37 = arith.constant 0 : i32
          %dma_start3A_38 = tpu.memref_slice %arg7[%dma_start3A, %dma_start3A_37] : memref<128x128xf32, #tpu.memory_space<vmem>> -> memref<128x128xf32, #tpu.memory_space<vmem>>
          %dma_start3A_39 = arith.constant 0 : i32
          %dma_start3A_40 = tpu.memref_slice %arg6[%add3A_35, %dma_start3A_39] : memref<20x128xi32, #tpu.memory_space<vmem>> -> memref<1x128xi32, #tpu.memory_space<vmem>>
          %dma_start3A_41 = tpu.memref_squeeze %dma_start3A_40 : memref<1x128xi32, #tpu.memory_space<vmem>> -> memref<128xi32, #tpu.memory_space<vmem>>
          %dma_start3A_42 = arith.constant 0 : i32
          %dma_start3A_43 = arith.constant 0 : i32
          %dma_start3A_44 = tpu.memref_slice %arg8[%dma_start3A_42, %dma_start3A_43] : memref<10112x128xf32, #tpu.memory_space<vmem_shared>> -> memref<10112x128xf32, #tpu.memory_space<vmem_shared>>
          tpu.enqueue_indirect_dma source(%dma_start3A_38 : memref<128x128xf32, #tpu.memory_space<vmem>>) target(%dma_start3A_44 : memref<10112x128xf32, #tpu.memory_space<vmem_shared>>) offsets(%dma_start3A_41 : memref<128xi32, #tpu.memory_space<vmem>>) semaphore(%run_scoped3A : memref<!tpu.dma_semaphore, #tpu.memory_space<semaphore_mem>>) {add = true}
          %dma_wait3A = arith.constant 0 : i32
          %dma_wait3A_45 = arith.constant 0 : i32
          %dma_wait3A_46 = tpu.memref_slice %arg7[%dma_wait3A, %dma_wait3A_45] : memref<128x128xf32, #tpu.memory_space<vmem>> -> memref<128x128xf32, #tpu.memory_space<vmem>>
          %dma_wait3A_47 = arith.constant 0 : i32
          %dma_wait3A_48 = tpu.memref_slice %arg6[%add3A_35, %dma_wait3A_47] : memref<20x128xi32, #tpu.memory_space<vmem>> -> memref<1x128xi32, #tpu.memory_space<vmem>>
          %dma_wait3A_49 = tpu.memref_squeeze %dma_wait3A_48 : memref<1x128xi32, #tpu.memory_space<vmem>> -> memref<128xi32, #tpu.memory_space<vmem>>
          %dma_wait3A_50 = arith.constant 0 : i32
          %dma_wait3A_51 = arith.constant 0 : i32
          %dma_wait3A_52 = tpu.memref_slice %arg8[%dma_wait3A_50, %dma_wait3A_51] : memref<10112x128xf32, #tpu.memory_space<vmem_shared>> -> memref<10112x128xf32, #tpu.memory_space<vmem_shared>>
          tpu.wait_indirect_dma semaphore(%run_scoped3A : memref<!tpu.dma_semaphore, #tpu.memory_space<semaphore_mem>>) src(%dma_wait3A_46 : memref<128x128xf32, #tpu.memory_space<vmem>>) dst(%dma_wait3A_52 : memref<10112x128xf32, #tpu.memory_space<vmem_shared>>)
          tpu.yield
        }) : () -> ()
        %scan3A_36 = arith.constant 0 : i32
        scf.yield %scan3A_36 : i32
      }
      %scan3A_11 = arith.constant 20 : i32
      %barrier3A_12 = arith.constant 0 : index
      tpu.barrier barrier_id(%barrier3A_12)
      %lt3A_13 = arith.constant 15 : i32
      %lt3A_14 = arith.cmpi slt, %arg1, %lt3A_13 : i32
      %convert_element_type3A_15 = arith.extui %lt3A_14 : i1 to i32
      %cond3A_16 = arith.constant 0 : i32
      %cond3A_17 = arith.cmpi ne, %convert_element_type3A_15, %cond3A_16 : i32
      scf.if %cond3A_17 {
        %mul3A_22 = arith.constant 632 : i32
        %mul3A_23 = arith.muli %arg1, %mul3A_22 : i32
        %mul3A_24 = arith.constant 10000 : i32
        %mul3A_25 = arith.muli %add3A_1, %mul3A_24 : i32
        %mul3A_26 = arith.constant 632 : i32
        %mul3A_27 = arith.muli %arg1, %mul3A_26 : i32
        %add3A_28 = arith.addi %mul3A_25, %mul3A_27 : i32
        "tpu.region"() ({
          %run_scoped3A = tpu.sem_alloc : memref<!tpu.dma_semaphore, #tpu.memory_space<semaphore_mem>>
          %dma_start3A = arith.constant 0 : i32
          %dma_start3A_29 = tpu.memref_slice %arg5[%add3A_28, %dma_start3A] : memref<10000x128xf32, #tpu.memory_space<hbm>> -> memref<632x128xf32, #tpu.memory_space<hbm>>
          %dma_start3A_30 = arith.constant 0 : i32
          %dma_start3A_31 = tpu.memref_slice %arg8[%mul3A_23, %dma_start3A_30] : memref<10112x128xf32, #tpu.memory_space<vmem_shared>> -> memref<632x128xf32, #tpu.memory_space<vmem_shared>>
          tpu.enqueue_dma source(%dma_start3A_31 : memref<632x128xf32, #tpu.memory_space<vmem_shared>>) target(%dma_start3A_29 : memref<632x128xf32, #tpu.memory_space<hbm>>) target_semaphore(%run_scoped3A : memref<!tpu.dma_semaphore, #tpu.memory_space<semaphore_mem>>)
          %dma_wait3A = arith.constant 0 : i32
          %dma_wait3A_32 = tpu.memref_slice %arg5[%add3A_28, %dma_wait3A] : memref<10000x128xf32, #tpu.memory_space<hbm>> -> memref<632x128xf32, #tpu.memory_space<hbm>>
          %dma_wait3A_33 = arith.constant 0 : i32
          %dma_wait3A_34 = tpu.memref_slice %arg8[%mul3A_23, %dma_wait3A_33] : memref<10112x128xf32, #tpu.memory_space<vmem_shared>> -> memref<632x128xf32, #tpu.memory_space<vmem_shared>>
          tpu.wait_dma2 semaphore(%run_scoped3A : memref<!tpu.dma_semaphore, #tpu.memory_space<semaphore_mem>>) src(%dma_wait3A_34 : memref<632x128xf32, #tpu.memory_space<vmem_shared>>) dst(%dma_wait3A_32 : memref<632x128xf32, #tpu.memory_space<hbm>>)
          tpu.yield
        }) : () -> ()
      } else {
      }
      %eq3A = arith.constant 15 : i32
      %eq3A_18 = arith.cmpi eq, %arg1, %eq3A : i32
      %convert_element_type3A_19 = arith.extui %eq3A_18 : i1 to i32
      %cond3A_20 = arith.constant 0 : i32
      %cond3A_21 = arith.cmpi ne, %convert_element_type3A_19, %cond3A_20 : i32
      scf.if %cond3A_21 {
        %mul3A_22 = arith.constant 10000 : i32
        %mul3A_23 = arith.muli %add3A_1, %mul3A_22 : i32
        %add3A_24 = arith.constant 9480 : i32
        %add3A_25 = arith.addi %mul3A_23, %add3A_24 : i32
        "tpu.region"() ({
          %run_scoped3A = tpu.sem_alloc : memref<!tpu.dma_semaphore, #tpu.memory_space<semaphore_mem>>
          %dma_start3A = arith.constant 0 : i32
          %dma_start3A_26 = tpu.memref_slice %arg5[%add3A_25, %dma_start3A] : memref<10000x128xf32, #tpu.memory_space<hbm>> -> memref<520x128xf32, #tpu.memory_space<hbm>>
          %dma_start3A_27 = arith.constant 9480 : i32
          %dma_start3A_28 = arith.constant 0 : i32
          %dma_start3A_29 = tpu.memref_slice %arg8[%dma_start3A_27, %dma_start3A_28] : memref<10112x128xf32, #tpu.memory_space<vmem_shared>> -> memref<520x128xf32, #tpu.memory_space<vmem_shared>>
          tpu.enqueue_dma source(%dma_start3A_29 : memref<520x128xf32, #tpu.memory_space<vmem_shared>>) target(%dma_start3A_26 : memref<520x128xf32, #tpu.memory_space<hbm>>) target_semaphore(%run_scoped3A : memref<!tpu.dma_semaphore, #tpu.memory_space<semaphore_mem>>)
          %dma_wait3A = arith.constant 0 : i32
          %dma_wait3A_30 = tpu.memref_slice %arg5[%add3A_25, %dma_wait3A] : memref<10000x128xf32, #tpu.memory_space<hbm>> -> memref<520x128xf32, #tpu.memory_space<hbm>>
          %dma_wait3A_31 = arith.constant 9480 : i32
          %dma_wait3A_32 = arith.constant 0 : i32
          %dma_wait3A_33 = tpu.memref_slice %arg8[%dma_wait3A_31, %dma_wait3A_32] : memref<10112x128xf32, #tpu.memory_space<vmem_shared>> -> memref<520x128xf32, #tpu.memory_space<vmem_shared>>
          tpu.wait_dma2 semaphore(%run_scoped3A : memref<!tpu.dma_semaphore, #tpu.memory_space<semaphore_mem>>) src(%dma_wait3A_33 : memref<520x128xf32, #tpu.memory_space<vmem_shared>>) dst(%dma_wait3A_30 : memref<520x128xf32, #tpu.memory_space<hbm>>)
          tpu.yield
        }) : () -> ()
      } else {
      }
    } else {
    }
    return
  }
}

#map = affine_map<(d0, d1) -> (0, 0)>
#map1 = affine_map<(d0, d1) -> (0, 0, 0)>
module attributes {stable_mosaic.version = 14 : i64} {
  func.func @body(%arg0: i32, %arg1: i32, %arg2: memref<327680x128xf32, #tpu.memory_space<hbm>>, %arg3: memref<16x20x128xi32, #tpu.memory_space<hbm>>, %arg4: memref<632x128xf32, #tpu.memory_space<hbm>>, %arg5: memref<80000x128xf32, #tpu.memory_space<hbm>>, %arg6: memref<20x128xi32, #tpu.memory_space<vmem>>, %arg7: memref<128x128xf32, #tpu.memory_space<vmem>>, %arg8: memref<10112x128xf32, #tpu.memory_space<vmem_shared>>) attributes {dimension_semantics = [#tpu.dimension_semantics<core_parallel>, #tpu.dimension_semantics<subcore_parallel>], iteration_bounds = array<i64: 2, 16>, scalar_prefetch = 0 : i64, scratch_operands = 3 : i64, tpu.core_type = #tpu.core_type<sc_vector_subcore>, window_params = [{transform_indices = #map}, {transform_indices = #map1}, {transform_indices = #map}, {transform_indices = #map}]} {
    "tpu.region"() ({
      %run_scoped3A = tpu.sem_alloc : memref<!tpu.dma_semaphore, #tpu.memory_space<semaphore_mem>>
      %dma_start3A = arith.constant 0 : i32
      %dma_start3A_31 = arith.constant 0 : i32
      %dma_start3A_32 = tpu.memref_slice %arg3[%arg1, %dma_start3A, %dma_start3A_31] : memref<16x20x128xi32, #tpu.memory_space<hbm>> -> memref<1x20x128xi32, #tpu.memory_space<hbm>>
      %dma_start3A_33 = tpu.memref_squeeze %dma_start3A_32 : memref<1x20x128xi32, #tpu.memory_space<hbm>> -> memref<20x128xi32, #tpu.memory_space<hbm>>
      %dma_start3A_34 = arith.constant 0 : i32
      %dma_start3A_35 = arith.constant 0 : i32
      %dma_start3A_36 = tpu.memref_slice %arg3[%arg1, %dma_start3A_34, %dma_start3A_35] : memref<16x20x128xi32, #tpu.memory_space<hbm>> -> memref<1x20x128xi32, #tpu.memory_space<hbm>>
      %dma_start3A_37 = tpu.memref_squeeze %dma_start3A_36 : memref<1x20x128xi32, #tpu.memory_space<hbm>> -> memref<20x128xi32, #tpu.memory_space<hbm>>
      tpu.enqueue_dma source(%dma_start3A_37 : memref<20x128xi32, #tpu.memory_space<hbm>>) target(%arg6 : memref<20x128xi32, #tpu.memory_space<vmem>>) target_semaphore(%run_scoped3A : memref<!tpu.dma_semaphore, #tpu.memory_space<semaphore_mem>>)
      %dma_wait3A = arith.constant 0 : i32
      %dma_wait3A_38 = arith.constant 0 : i32
      %dma_wait3A_39 = tpu.memref_slice %arg3[%arg1, %dma_wait3A, %dma_wait3A_38] : memref<16x20x128xi32, #tpu.memory_space<hbm>> -> memref<1x20x128xi32, #tpu.memory_space<hbm>>
      %dma_wait3A_40 = tpu.memref_squeeze %dma_wait3A_39 : memref<1x20x128xi32, #tpu.memory_space<hbm>> -> memref<20x128xi32, #tpu.memory_space<hbm>>
      %dma_wait3A_41 = arith.constant 0 : i32
      %dma_wait3A_42 = arith.constant 0 : i32
      %dma_wait3A_43 = tpu.memref_slice %arg3[%arg1, %dma_wait3A_41, %dma_wait3A_42] : memref<16x20x128xi32, #tpu.memory_space<hbm>> -> memref<1x20x128xi32, #tpu.memory_space<hbm>>
      %dma_wait3A_44 = tpu.memref_squeeze %dma_wait3A_43 : memref<1x20x128xi32, #tpu.memory_space<hbm>> -> memref<20x128xi32, #tpu.memory_space<hbm>>
      tpu.wait_dma2 semaphore(%run_scoped3A : memref<!tpu.dma_semaphore, #tpu.memory_space<semaphore_mem>>) src(%dma_wait3A_44 : memref<20x128xi32, #tpu.memory_space<hbm>>) dst(%arg6 : memref<20x128xi32, #tpu.memory_space<vmem>>)
      tpu.yield
    }) : () -> ()
    %mul3A = arith.constant 4 : i32
    %mul3A_0 = arith.muli %arg0, %mul3A : i32
    %add3A = arith.constant 0 : i32
    %add3A_1 = arith.addi %mul3A_0, %add3A : i32
    %lt3A = arith.constant 8 : i32
    %lt3A_2 = arith.cmpi slt, %add3A_1, %lt3A : i32
    %convert_element_type3A = arith.extui %lt3A_2 : i1 to i32
    %cond3A = arith.constant 0 : i32
    %cond3A_3 = arith.cmpi ne, %convert_element_type3A, %cond3A : i32
    scf.if %cond3A_3 {
      %mul3A_31 = arith.constant 632 : i32
      %mul3A_32 = arith.muli %arg1, %mul3A_31 : i32
      "tpu.region"() ({
        %run_scoped3A = tpu.sem_alloc : memref<!tpu.dma_semaphore, #tpu.memory_space<semaphore_mem>>
        %dma_start3A = arith.constant 0 : i32
        %dma_start3A_49 = tpu.memref_slice %arg8[%mul3A_32, %dma_start3A] : memref<10112x128xf32, #tpu.memory_space<vmem_shared>> -> memref<632x128xf32, #tpu.memory_space<vmem_shared>>
        tpu.enqueue_dma source(%arg4 : memref<632x128xf32, #tpu.memory_space<hbm>>) target(%dma_start3A_49 : memref<632x128xf32, #tpu.memory_space<vmem_shared>>) target_semaphore(%run_scoped3A : memref<!tpu.dma_semaphore, #tpu.memory_space<semaphore_mem>>)
        %dma_wait3A = arith.constant 0 : i32
        %dma_wait3A_50 = tpu.memref_slice %arg8[%mul3A_32, %dma_wait3A] : memref<10112x128xf32, #tpu.memory_space<vmem_shared>> -> memref<632x128xf32, #tpu.memory_space<vmem_shared>>
        tpu.wait_dma2 semaphore(%run_scoped3A : memref<!tpu.dma_semaphore, #tpu.memory_space<semaphore_mem>>) src(%arg4 : memref<632x128xf32, #tpu.memory_space<hbm>>) dst(%dma_wait3A_50 : memref<632x128xf32, #tpu.memory_space<vmem_shared>>)
        tpu.yield
      }) : () -> ()
      %barrier3A = arith.constant 0 : index
      tpu.barrier barrier_id(%barrier3A)
      %scan3A = arith.constant 0 : i32
      %scan3A_33 = arith.constant 0 : i32
      %scan3A_34 = arith.constant 20 : i32
      %scan3A_35 = arith.addi %scan3A_33, %scan3A_34 : i32
      %scan3A_36 = arith.constant 1 : i32
      %scan3A_37 = scf.for %scan3A_49 = %scan3A_33 to %scan3A_35 step %scan3A_36 iter_args(%scan3A_50 = %scan3A) -> (i32)  : i32 {
        %mul3A_51 = arith.constant 40960 : i32
        %mul3A_52 = arith.muli %add3A_1, %mul3A_51 : i32
        %mul3A_53 = arith.constant 2560 : i32
        %mul3A_54 = arith.muli %arg1, %mul3A_53 : i32
        %add3A_55 = arith.addi %mul3A_52, %mul3A_54 : i32
        %mul3A_56 = arith.constant 128 : i32
        %mul3A_57 = arith.muli %scan3A_49, %mul3A_56 : i32
        %add3A_58 = arith.addi %add3A_55, %mul3A_57 : i32
        "tpu.region"() ({
          %run_scoped3A = tpu.sem_alloc : memref<!tpu.dma_semaphore, #tpu.memory_space<semaphore_mem>>
          %dma_start3A = arith.constant 0 : i32
          %dma_start3A_64 = tpu.memref_slice %arg2[%add3A_58, %dma_start3A] : memref<327680x128xf32, #tpu.memory_space<hbm>> -> memref<128x128xf32, #tpu.memory_space<hbm>>
          %dma_start3A_65 = arith.constant 0 : i32
          %dma_start3A_66 = tpu.memref_slice %arg2[%add3A_58, %dma_start3A_65] : memref<327680x128xf32, #tpu.memory_space<hbm>> -> memref<128x128xf32, #tpu.memory_space<hbm>>
          tpu.enqueue_dma source(%dma_start3A_66 : memref<128x128xf32, #tpu.memory_space<hbm>>) target(%arg7 : memref<128x128xf32, #tpu.memory_space<vmem>>) target_semaphore(%run_scoped3A : memref<!tpu.dma_semaphore, #tpu.memory_space<semaphore_mem>>)
          %dma_wait3A = arith.constant 0 : i32
          %dma_wait3A_67 = tpu.memref_slice %arg2[%add3A_58, %dma_wait3A] : memref<327680x128xf32, #tpu.memory_space<hbm>> -> memref<128x128xf32, #tpu.memory_space<hbm>>
          %dma_wait3A_68 = arith.constant 0 : i32
          %dma_wait3A_69 = tpu.memref_slice %arg2[%add3A_58, %dma_wait3A_68] : memref<327680x128xf32, #tpu.memory_space<hbm>> -> memref<128x128xf32, #tpu.memory_space<hbm>>
          tpu.wait_dma2 semaphore(%run_scoped3A : memref<!tpu.dma_semaphore, #tpu.memory_space<semaphore_mem>>) src(%dma_wait3A_69 : memref<128x128xf32, #tpu.memory_space<hbm>>) dst(%arg7 : memref<128x128xf32, #tpu.memory_space<vmem>>)
          tpu.yield
        }) : () -> ()
        %mul3A_59 = arith.constant 1 : i32
        %mul3A_60 = arith.muli %scan3A_49, %mul3A_59 : i32
        %add3A_61 = arith.constant 0 : i32
        %add3A_62 = arith.addi %mul3A_60, %add3A_61 : i32
        "tpu.region"() ({
          %run_scoped3A = tpu.sem_alloc : memref<!tpu.dma_semaphore, #tpu.memory_space<semaphore_mem>>
          %dma_start3A = arith.constant 0 : i32
          %dma_start3A_64 = arith.constant 0 : i32
          %dma_start3A_65 = tpu.memref_slice %arg7[%dma_start3A, %dma_start3A_64] : memref<128x128xf32, #tpu.memory_space<vmem>> -> memref<128x128xf32, #tpu.memory_space<vmem>>
          %dma_start3A_66 = arith.constant 0 : i32
          %dma_start3A_67 = tpu.memref_slice %arg6[%add3A_62, %dma_start3A_66] : memref<20x128xi32, #tpu.memory_space<vmem>> -> memref<1x128xi32, #tpu.memory_space<vmem>>
          %dma_start3A_68 = tpu.memref_squeeze %dma_start3A_67 : memref<1x128xi32, #tpu.memory_space<vmem>> -> memref<128xi32, #tpu.memory_space<vmem>>
          %dma_start3A_69 = arith.constant 0 : i32
          %dma_start3A_70 = arith.constant 0 : i32
          %dma_start3A_71 = tpu.memref_slice %arg8[%dma_start3A_69, %dma_start3A_70] : memref<10112x128xf32, #tpu.memory_space<vmem_shared>> -> memref<10112x128xf32, #tpu.memory_space<vmem_shared>>
          tpu.enqueue_indirect_dma source(%dma_start3A_65 : memref<128x128xf32, #tpu.memory_space<vmem>>) target(%dma_start3A_71 : memref<10112x128xf32, #tpu.memory_space<vmem_shared>>) offsets(%dma_start3A_68 : memref<128xi32, #tpu.memory_space<vmem>>) semaphore(%run_scoped3A : memref<!tpu.dma_semaphore, #tpu.memory_space<semaphore_mem>>) {add = true}
          %dma_wait3A = arith.constant 0 : i32
          %dma_wait3A_72 = arith.constant 0 : i32
          %dma_wait3A_73 = tpu.memref_slice %arg7[%dma_wait3A, %dma_wait3A_72] : memref<128x128xf32, #tpu.memory_space<vmem>> -> memref<128x128xf32, #tpu.memory_space<vmem>>
          %dma_wait3A_74 = arith.constant 0 : i32
          %dma_wait3A_75 = tpu.memref_slice %arg6[%add3A_62, %dma_wait3A_74] : memref<20x128xi32, #tpu.memory_space<vmem>> -> memref<1x128xi32, #tpu.memory_space<vmem>>
          %dma_wait3A_76 = tpu.memref_squeeze %dma_wait3A_75 : memref<1x128xi32, #tpu.memory_space<vmem>> -> memref<128xi32, #tpu.memory_space<vmem>>
          %dma_wait3A_77 = arith.constant 0 : i32
          %dma_wait3A_78 = arith.constant 0 : i32
          %dma_wait3A_79 = tpu.memref_slice %arg8[%dma_wait3A_77, %dma_wait3A_78] : memref<10112x128xf32, #tpu.memory_space<vmem_shared>> -> memref<10112x128xf32, #tpu.memory_space<vmem_shared>>
          tpu.wait_indirect_dma semaphore(%run_scoped3A : memref<!tpu.dma_semaphore, #tpu.memory_space<semaphore_mem>>) src(%dma_wait3A_73 : memref<128x128xf32, #tpu.memory_space<vmem>>) dst(%dma_wait3A_79 : memref<10112x128xf32, #tpu.memory_space<vmem_shared>>)
          tpu.yield
        }) : () -> ()
        %scan3A_63 = arith.constant 0 : i32
        scf.yield %scan3A_63 : i32
      }
      %scan3A_38 = arith.constant 20 : i32
      %barrier3A_39 = arith.constant 0 : index
      tpu.barrier barrier_id(%barrier3A_39)
      %lt3A_40 = arith.constant 15 : i32
      %lt3A_41 = arith.cmpi slt, %arg1, %lt3A_40 : i32
      %convert_element_type3A_42 = arith.extui %lt3A_41 : i1 to i32
      %cond3A_43 = arith.constant 0 : i32
      %cond3A_44 = arith.cmpi ne, %convert_element_type3A_42, %cond3A_43 : i32
      scf.if %cond3A_44 {
        %mul3A_49 = arith.constant 632 : i32
        %mul3A_50 = arith.muli %arg1, %mul3A_49 : i32
        %mul3A_51 = arith.constant 10000 : i32
        %mul3A_52 = arith.muli %add3A_1, %mul3A_51 : i32
        %mul3A_53 = arith.constant 632 : i32
        %mul3A_54 = arith.muli %arg1, %mul3A_53 : i32
        %add3A_55 = arith.addi %mul3A_52, %mul3A_54 : i32
        "tpu.region"() ({
          %run_scoped3A = tpu.sem_alloc : memref<!tpu.dma_semaphore, #tpu.memory_space<semaphore_mem>>
          %dma_start3A = arith.constant 0 : i32
          %dma_start3A_56 = tpu.memref_slice %arg5[%add3A_55, %dma_start3A] : memref<80000x128xf32, #tpu.memory_space<hbm>> -> memref<632x128xf32, #tpu.memory_space<hbm>>
          %dma_start3A_57 = arith.constant 0 : i32
          %dma_start3A_58 = tpu.memref_slice %arg8[%mul3A_50, %dma_start3A_57] : memref<10112x128xf32, #tpu.memory_space<vmem_shared>> -> memref<632x128xf32, #tpu.memory_space<vmem_shared>>
          tpu.enqueue_dma source(%dma_start3A_58 : memref<632x128xf32, #tpu.memory_space<vmem_shared>>) target(%dma_start3A_56 : memref<632x128xf32, #tpu.memory_space<hbm>>) target_semaphore(%run_scoped3A : memref<!tpu.dma_semaphore, #tpu.memory_space<semaphore_mem>>)
          %dma_wait3A = arith.constant 0 : i32
          %dma_wait3A_59 = tpu.memref_slice %arg5[%add3A_55, %dma_wait3A] : memref<80000x128xf32, #tpu.memory_space<hbm>> -> memref<632x128xf32, #tpu.memory_space<hbm>>
          %dma_wait3A_60 = arith.constant 0 : i32
          %dma_wait3A_61 = tpu.memref_slice %arg8[%mul3A_50, %dma_wait3A_60] : memref<10112x128xf32, #tpu.memory_space<vmem_shared>> -> memref<632x128xf32, #tpu.memory_space<vmem_shared>>
          tpu.wait_dma2 semaphore(%run_scoped3A : memref<!tpu.dma_semaphore, #tpu.memory_space<semaphore_mem>>) src(%dma_wait3A_61 : memref<632x128xf32, #tpu.memory_space<vmem_shared>>) dst(%dma_wait3A_59 : memref<632x128xf32, #tpu.memory_space<hbm>>)
          tpu.yield
        }) : () -> ()
      } else {
      }
      %eq3A = arith.constant 15 : i32
      %eq3A_45 = arith.cmpi eq, %arg1, %eq3A : i32
      %convert_element_type3A_46 = arith.extui %eq3A_45 : i1 to i32
      %cond3A_47 = arith.constant 0 : i32
      %cond3A_48 = arith.cmpi ne, %convert_element_type3A_46, %cond3A_47 : i32
      scf.if %cond3A_48 {
        %mul3A_49 = arith.constant 10000 : i32
        %mul3A_50 = arith.muli %add3A_1, %mul3A_49 : i32
        %add3A_51 = arith.constant 9480 : i32
        %add3A_52 = arith.addi %mul3A_50, %add3A_51 : i32
        "tpu.region"() ({
          %run_scoped3A = tpu.sem_alloc : memref<!tpu.dma_semaphore, #tpu.memory_space<semaphore_mem>>
          %dma_start3A = arith.constant 0 : i32
          %dma_start3A_53 = tpu.memref_slice %arg5[%add3A_52, %dma_start3A] : memref<80000x128xf32, #tpu.memory_space<hbm>> -> memref<520x128xf32, #tpu.memory_space<hbm>>
          %dma_start3A_54 = arith.constant 9480 : i32
          %dma_start3A_55 = arith.constant 0 : i32
          %dma_start3A_56 = tpu.memref_slice %arg8[%dma_start3A_54, %dma_start3A_55] : memref<10112x128xf32, #tpu.memory_space<vmem_shared>> -> memref<520x128xf32, #tpu.memory_space<vmem_shared>>
          tpu.enqueue_dma source(%dma_start3A_56 : memref<520x128xf32, #tpu.memory_space<vmem_shared>>) target(%dma_start3A_53 : memref<520x128xf32, #tpu.memory_space<hbm>>) target_semaphore(%run_scoped3A : memref<!tpu.dma_semaphore, #tpu.memory_space<semaphore_mem>>)
          %dma_wait3A = arith.constant 0 : i32
          %dma_wait3A_57 = tpu.memref_slice %arg5[%add3A_52, %dma_wait3A] : memref<80000x128xf32, #tpu.memory_space<hbm>> -> memref<520x128xf32, #tpu.memory_space<hbm>>
          %dma_wait3A_58 = arith.constant 9480 : i32
          %dma_wait3A_59 = arith.constant 0 : i32
          %dma_wait3A_60 = tpu.memref_slice %arg8[%dma_wait3A_58, %dma_wait3A_59] : memref<10112x128xf32, #tpu.memory_space<vmem_shared>> -> memref<520x128xf32, #tpu.memory_space<vmem_shared>>
          tpu.wait_dma2 semaphore(%run_scoped3A : memref<!tpu.dma_semaphore, #tpu.memory_space<semaphore_mem>>) src(%dma_wait3A_60 : memref<520x128xf32, #tpu.memory_space<vmem_shared>>) dst(%dma_wait3A_57 : memref<520x128xf32, #tpu.memory_space<hbm>>)
          tpu.yield
        }) : () -> ()
      } else {
      }
    } else {
    }
    %mul3A_4 = arith.constant 4 : i32
    %mul3A_5 = arith.muli %arg0, %mul3A_4 : i32
    %add3A_6 = arith.constant 1 : i32
    %add3A_7 = arith.addi %mul3A_5, %add3A_6 : i32
    %lt3A_8 = arith.constant 8 : i32
    %lt3A_9 = arith.cmpi slt, %add3A_7, %lt3A_8 : i32
    %convert_element_type3A_10 = arith.extui %lt3A_9 : i1 to i32
    %cond3A_11 = arith.constant 0 : i32
    %cond3A_12 = arith.cmpi ne, %convert_element_type3A_10, %cond3A_11 : i32
    scf.if %cond3A_12 {
      %mul3A_31 = arith.constant 632 : i32
      %mul3A_32 = arith.muli %arg1, %mul3A_31 : i32
      "tpu.region"() ({
        %run_scoped3A = tpu.sem_alloc : memref<!tpu.dma_semaphore, #tpu.memory_space<semaphore_mem>>
        %dma_start3A = arith.constant 0 : i32
        %dma_start3A_49 = tpu.memref_slice %arg8[%mul3A_32, %dma_start3A] : memref<10112x128xf32, #tpu.memory_space<vmem_shared>> -> memref<632x128xf32, #tpu.memory_space<vmem_shared>>
        tpu.enqueue_dma source(%arg4 : memref<632x128xf32, #tpu.memory_space<hbm>>) target(%dma_start3A_49 : memref<632x128xf32, #tpu.memory_space<vmem_shared>>) target_semaphore(%run_scoped3A : memref<!tpu.dma_semaphore, #tpu.memory_space<semaphore_mem>>)
        %dma_wait3A = arith.constant 0 : i32
        %dma_wait3A_50 = tpu.memref_slice %arg8[%mul3A_32, %dma_wait3A] : memref<10112x128xf32, #tpu.memory_space<vmem_shared>> -> memref<632x128xf32, #tpu.memory_space<vmem_shared>>
        tpu.wait_dma2 semaphore(%run_scoped3A : memref<!tpu.dma_semaphore, #tpu.memory_space<semaphore_mem>>) src(%arg4 : memref<632x128xf32, #tpu.memory_space<hbm>>) dst(%dma_wait3A_50 : memref<632x128xf32, #tpu.memory_space<vmem_shared>>)
        tpu.yield
      }) : () -> ()
      %barrier3A = arith.constant 0 : index
      tpu.barrier barrier_id(%barrier3A)
      %scan3A = arith.constant 0 : i32
      %scan3A_33 = arith.constant 0 : i32
      %scan3A_34 = arith.constant 20 : i32
      %scan3A_35 = arith.addi %scan3A_33, %scan3A_34 : i32
      %scan3A_36 = arith.constant 1 : i32
      %scan3A_37 = scf.for %scan3A_49 = %scan3A_33 to %scan3A_35 step %scan3A_36 iter_args(%scan3A_50 = %scan3A) -> (i32)  : i32 {
        %mul3A_51 = arith.constant 40960 : i32
        %mul3A_52 = arith.muli %add3A_7, %mul3A_51 : i32
        %mul3A_53 = arith.constant 2560 : i32
        %mul3A_54 = arith.muli %arg1, %mul3A_53 : i32
        %add3A_55 = arith.addi %mul3A_52, %mul3A_54 : i32
        %mul3A_56 = arith.constant 128 : i32
        %mul3A_57 = arith.muli %scan3A_49, %mul3A_56 : i32
        %add3A_58 = arith.addi %add3A_55, %mul3A_57 : i32
        "tpu.region"() ({
          %run_scoped3A = tpu.sem_alloc : memref<!tpu.dma_semaphore, #tpu.memory_space<semaphore_mem>>
          %dma_start3A = arith.constant 0 : i32
          %dma_start3A_64 = tpu.memref_slice %arg2[%add3A_58, %dma_start3A] : memref<327680x128xf32, #tpu.memory_space<hbm>> -> memref<128x128xf32, #tpu.memory_space<hbm>>
          %dma_start3A_65 = arith.constant 0 : i32
          %dma_start3A_66 = tpu.memref_slice %arg2[%add3A_58, %dma_start3A_65] : memref<327680x128xf32, #tpu.memory_space<hbm>> -> memref<128x128xf32, #tpu.memory_space<hbm>>
          tpu.enqueue_dma source(%dma_start3A_66 : memref<128x128xf32, #tpu.memory_space<hbm>>) target(%arg7 : memref<128x128xf32, #tpu.memory_space<vmem>>) target_semaphore(%run_scoped3A : memref<!tpu.dma_semaphore, #tpu.memory_space<semaphore_mem>>)
          %dma_wait3A = arith.constant 0 : i32
          %dma_wait3A_67 = tpu.memref_slice %arg2[%add3A_58, %dma_wait3A] : memref<327680x128xf32, #tpu.memory_space<hbm>> -> memref<128x128xf32, #tpu.memory_space<hbm>>
          %dma_wait3A_68 = arith.constant 0 : i32
          %dma_wait3A_69 = tpu.memref_slice %arg2[%add3A_58, %dma_wait3A_68] : memref<327680x128xf32, #tpu.memory_space<hbm>> -> memref<128x128xf32, #tpu.memory_space<hbm>>
          tpu.wait_dma2 semaphore(%run_scoped3A : memref<!tpu.dma_semaphore, #tpu.memory_space<semaphore_mem>>) src(%dma_wait3A_69 : memref<128x128xf32, #tpu.memory_space<hbm>>) dst(%arg7 : memref<128x128xf32, #tpu.memory_space<vmem>>)
          tpu.yield
        }) : () -> ()
        %mul3A_59 = arith.constant 1 : i32
        %mul3A_60 = arith.muli %scan3A_49, %mul3A_59 : i32
        %add3A_61 = arith.constant 0 : i32
        %add3A_62 = arith.addi %mul3A_60, %add3A_61 : i32
        "tpu.region"() ({
          %run_scoped3A = tpu.sem_alloc : memref<!tpu.dma_semaphore, #tpu.memory_space<semaphore_mem>>
          %dma_start3A = arith.constant 0 : i32
          %dma_start3A_64 = arith.constant 0 : i32
          %dma_start3A_65 = tpu.memref_slice %arg7[%dma_start3A, %dma_start3A_64] : memref<128x128xf32, #tpu.memory_space<vmem>> -> memref<128x128xf32, #tpu.memory_space<vmem>>
          %dma_start3A_66 = arith.constant 0 : i32
          %dma_start3A_67 = tpu.memref_slice %arg6[%add3A_62, %dma_start3A_66] : memref<20x128xi32, #tpu.memory_space<vmem>> -> memref<1x128xi32, #tpu.memory_space<vmem>>
          %dma_start3A_68 = tpu.memref_squeeze %dma_start3A_67 : memref<1x128xi32, #tpu.memory_space<vmem>> -> memref<128xi32, #tpu.memory_space<vmem>>
          %dma_start3A_69 = arith.constant 0 : i32
          %dma_start3A_70 = arith.constant 0 : i32
          %dma_start3A_71 = tpu.memref_slice %arg8[%dma_start3A_69, %dma_start3A_70] : memref<10112x128xf32, #tpu.memory_space<vmem_shared>> -> memref<10112x128xf32, #tpu.memory_space<vmem_shared>>
          tpu.enqueue_indirect_dma source(%dma_start3A_65 : memref<128x128xf32, #tpu.memory_space<vmem>>) target(%dma_start3A_71 : memref<10112x128xf32, #tpu.memory_space<vmem_shared>>) offsets(%dma_start3A_68 : memref<128xi32, #tpu.memory_space<vmem>>) semaphore(%run_scoped3A : memref<!tpu.dma_semaphore, #tpu.memory_space<semaphore_mem>>) {add = true}
          %dma_wait3A = arith.constant 0 : i32
          %dma_wait3A_72 = arith.constant 0 : i32
          %dma_wait3A_73 = tpu.memref_slice %arg7[%dma_wait3A, %dma_wait3A_72] : memref<128x128xf32, #tpu.memory_space<vmem>> -> memref<128x128xf32, #tpu.memory_space<vmem>>
          %dma_wait3A_74 = arith.constant 0 : i32
          %dma_wait3A_75 = tpu.memref_slice %arg6[%add3A_62, %dma_wait3A_74] : memref<20x128xi32, #tpu.memory_space<vmem>> -> memref<1x128xi32, #tpu.memory_space<vmem>>
          %dma_wait3A_76 = tpu.memref_squeeze %dma_wait3A_75 : memref<1x128xi32, #tpu.memory_space<vmem>> -> memref<128xi32, #tpu.memory_space<vmem>>
          %dma_wait3A_77 = arith.constant 0 : i32
          %dma_wait3A_78 = arith.constant 0 : i32
          %dma_wait3A_79 = tpu.memref_slice %arg8[%dma_wait3A_77, %dma_wait3A_78] : memref<10112x128xf32, #tpu.memory_space<vmem_shared>> -> memref<10112x128xf32, #tpu.memory_space<vmem_shared>>
          tpu.wait_indirect_dma semaphore(%run_scoped3A : memref<!tpu.dma_semaphore, #tpu.memory_space<semaphore_mem>>) src(%dma_wait3A_73 : memref<128x128xf32, #tpu.memory_space<vmem>>) dst(%dma_wait3A_79 : memref<10112x128xf32, #tpu.memory_space<vmem_shared>>)
          tpu.yield
        }) : () -> ()
        %scan3A_63 = arith.constant 0 : i32
        scf.yield %scan3A_63 : i32
      }
      %scan3A_38 = arith.constant 20 : i32
      %barrier3A_39 = arith.constant 0 : index
      tpu.barrier barrier_id(%barrier3A_39)
      %lt3A_40 = arith.constant 15 : i32
      %lt3A_41 = arith.cmpi slt, %arg1, %lt3A_40 : i32
      %convert_element_type3A_42 = arith.extui %lt3A_41 : i1 to i32
      %cond3A_43 = arith.constant 0 : i32
      %cond3A_44 = arith.cmpi ne, %convert_element_type3A_42, %cond3A_43 : i32
      scf.if %cond3A_44 {
        %mul3A_49 = arith.constant 632 : i32
        %mul3A_50 = arith.muli %arg1, %mul3A_49 : i32
        %mul3A_51 = arith.constant 10000 : i32
        %mul3A_52 = arith.muli %add3A_7, %mul3A_51 : i32
        %mul3A_53 = arith.constant 632 : i32
        %mul3A_54 = arith.muli %arg1, %mul3A_53 : i32
        %add3A_55 = arith.addi %mul3A_52, %mul3A_54 : i32
        "tpu.region"() ({
          %run_scoped3A = tpu.sem_alloc : memref<!tpu.dma_semaphore, #tpu.memory_space<semaphore_mem>>
          %dma_start3A = arith.constant 0 : i32
          %dma_start3A_56 = tpu.memref_slice %arg5[%add3A_55, %dma_start3A] : memref<80000x128xf32, #tpu.memory_space<hbm>> -> memref<632x128xf32, #tpu.memory_space<hbm>>
          %dma_start3A_57 = arith.constant 0 : i32
          %dma_start3A_58 = tpu.memref_slice %arg8[%mul3A_50, %dma_start3A_57] : memref<10112x128xf32, #tpu.memory_space<vmem_shared>> -> memref<632x128xf32, #tpu.memory_space<vmem_shared>>
          tpu.enqueue_dma source(%dma_start3A_58 : memref<632x128xf32, #tpu.memory_space<vmem_shared>>) target(%dma_start3A_56 : memref<632x128xf32, #tpu.memory_space<hbm>>) target_semaphore(%run_scoped3A : memref<!tpu.dma_semaphore, #tpu.memory_space<semaphore_mem>>)
          %dma_wait3A = arith.constant 0 : i32
          %dma_wait3A_59 = tpu.memref_slice %arg5[%add3A_55, %dma_wait3A] : memref<80000x128xf32, #tpu.memory_space<hbm>> -> memref<632x128xf32, #tpu.memory_space<hbm>>
          %dma_wait3A_60 = arith.constant 0 : i32
          %dma_wait3A_61 = tpu.memref_slice %arg8[%mul3A_50, %dma_wait3A_60] : memref<10112x128xf32, #tpu.memory_space<vmem_shared>> -> memref<632x128xf32, #tpu.memory_space<vmem_shared>>
          tpu.wait_dma2 semaphore(%run_scoped3A : memref<!tpu.dma_semaphore, #tpu.memory_space<semaphore_mem>>) src(%dma_wait3A_61 : memref<632x128xf32, #tpu.memory_space<vmem_shared>>) dst(%dma_wait3A_59 : memref<632x128xf32, #tpu.memory_space<hbm>>)
          tpu.yield
        }) : () -> ()
      } else {
      }
      %eq3A = arith.constant 15 : i32
      %eq3A_45 = arith.cmpi eq, %arg1, %eq3A : i32
      %convert_element_type3A_46 = arith.extui %eq3A_45 : i1 to i32
      %cond3A_47 = arith.constant 0 : i32
      %cond3A_48 = arith.cmpi ne, %convert_element_type3A_46, %cond3A_47 : i32
      scf.if %cond3A_48 {
        %mul3A_49 = arith.constant 10000 : i32
        %mul3A_50 = arith.muli %add3A_7, %mul3A_49 : i32
        %add3A_51 = arith.constant 9480 : i32
        %add3A_52 = arith.addi %mul3A_50, %add3A_51 : i32
        "tpu.region"() ({
          %run_scoped3A = tpu.sem_alloc : memref<!tpu.dma_semaphore, #tpu.memory_space<semaphore_mem>>
          %dma_start3A = arith.constant 0 : i32
          %dma_start3A_53 = tpu.memref_slice %arg5[%add3A_52, %dma_start3A] : memref<80000x128xf32, #tpu.memory_space<hbm>> -> memref<520x128xf32, #tpu.memory_space<hbm>>
          %dma_start3A_54 = arith.constant 9480 : i32
          %dma_start3A_55 = arith.constant 0 : i32
          %dma_start3A_56 = tpu.memref_slice %arg8[%dma_start3A_54, %dma_start3A_55] : memref<10112x128xf32, #tpu.memory_space<vmem_shared>> -> memref<520x128xf32, #tpu.memory_space<vmem_shared>>
          tpu.enqueue_dma source(%dma_start3A_56 : memref<520x128xf32, #tpu.memory_space<vmem_shared>>) target(%dma_start3A_53 : memref<520x128xf32, #tpu.memory_space<hbm>>) target_semaphore(%run_scoped3A : memref<!tpu.dma_semaphore, #tpu.memory_space<semaphore_mem>>)
          %dma_wait3A = arith.constant 0 : i32
          %dma_wait3A_57 = tpu.memref_slice %arg5[%add3A_52, %dma_wait3A] : memref<80000x128xf32, #tpu.memory_space<hbm>> -> memref<520x128xf32, #tpu.memory_space<hbm>>
          %dma_wait3A_58 = arith.constant 9480 : i32
          %dma_wait3A_59 = arith.constant 0 : i32
          %dma_wait3A_60 = tpu.memref_slice %arg8[%dma_wait3A_58, %dma_wait3A_59] : memref<10112x128xf32, #tpu.memory_space<vmem_shared>> -> memref<520x128xf32, #tpu.memory_space<vmem_shared>>
          tpu.wait_dma2 semaphore(%run_scoped3A : memref<!tpu.dma_semaphore, #tpu.memory_space<semaphore_mem>>) src(%dma_wait3A_60 : memref<520x128xf32, #tpu.memory_space<vmem_shared>>) dst(%dma_wait3A_57 : memref<520x128xf32, #tpu.memory_space<hbm>>)
          tpu.yield
        }) : () -> ()
      } else {
      }
    } else {
    }
    %mul3A_13 = arith.constant 4 : i32
    %mul3A_14 = arith.muli %arg0, %mul3A_13 : i32
    %add3A_15 = arith.constant 2 : i32
    %add3A_16 = arith.addi %mul3A_14, %add3A_15 : i32
    %lt3A_17 = arith.constant 8 : i32
    %lt3A_18 = arith.cmpi slt, %add3A_16, %lt3A_17 : i32
    %convert_element_type3A_19 = arith.extui %lt3A_18 : i1 to i32
    %cond3A_20 = arith.constant 0 : i32
    %cond3A_21 = arith.cmpi ne, %convert_element_type3A_19, %cond3A_20 : i32
    scf.if %cond3A_21 {
      %mul3A_31 = arith.constant 632 : i32
      %mul3A_32 = arith.muli %arg1, %mul3A_31 : i32
      "tpu.region"() ({
        %run_scoped3A = tpu.sem_alloc : memref<!tpu.dma_semaphore, #tpu.memory_space<semaphore_mem>>
        %dma_start3A = arith.constant 0 : i32
        %dma_start3A_49 = tpu.memref_slice %arg8[%mul3A_32, %dma_start3A] : memref<10112x128xf32, #tpu.memory_space<vmem_shared>> -> memref<632x128xf32, #tpu.memory_space<vmem_shared>>
        tpu.enqueue_dma source(%arg4 : memref<632x128xf32, #tpu.memory_space<hbm>>) target(%dma_start3A_49 : memref<632x128xf32, #tpu.memory_space<vmem_shared>>) target_semaphore(%run_scoped3A : memref<!tpu.dma_semaphore, #tpu.memory_space<semaphore_mem>>)
        %dma_wait3A = arith.constant 0 : i32
        %dma_wait3A_50 = tpu.memref_slice %arg8[%mul3A_32, %dma_wait3A] : memref<10112x128xf32, #tpu.memory_space<vmem_shared>> -> memref<632x128xf32, #tpu.memory_space<vmem_shared>>
        tpu.wait_dma2 semaphore(%run_scoped3A : memref<!tpu.dma_semaphore, #tpu.memory_space<semaphore_mem>>) src(%arg4 : memref<632x128xf32, #tpu.memory_space<hbm>>) dst(%dma_wait3A_50 : memref<632x128xf32, #tpu.memory_space<vmem_shared>>)
        tpu.yield
      }) : () -> ()
      %barrier3A = arith.constant 0 : index
      tpu.barrier barrier_id(%barrier3A)
      %scan3A = arith.constant 0 : i32
      %scan3A_33 = arith.constant 0 : i32
      %scan3A_34 = arith.constant 20 : i32
      %scan3A_35 = arith.addi %scan3A_33, %scan3A_34 : i32
      %scan3A_36 = arith.constant 1 : i32
      %scan3A_37 = scf.for %scan3A_49 = %scan3A_33 to %scan3A_35 step %scan3A_36 iter_args(%scan3A_50 = %scan3A) -> (i32)  : i32 {
        %mul3A_51 = arith.constant 40960 : i32
        %mul3A_52 = arith.muli %add3A_16, %mul3A_51 : i32
        %mul3A_53 = arith.constant 2560 : i32
        %mul3A_54 = arith.muli %arg1, %mul3A_53 : i32
        %add3A_55 = arith.addi %mul3A_52, %mul3A_54 : i32
        %mul3A_56 = arith.constant 128 : i32
        %mul3A_57 = arith.muli %scan3A_49, %mul3A_56 : i32
        %add3A_58 = arith.addi %add3A_55, %mul3A_57 : i32
        "tpu.region"() ({
          %run_scoped3A = tpu.sem_alloc : memref<!tpu.dma_semaphore, #tpu.memory_space<semaphore_mem>>
          %dma_start3A = arith.constant 0 : i32
          %dma_start3A_64 = tpu.memref_slice %arg2[%add3A_58, %dma_start3A] : memref<327680x128xf32, #tpu.memory_space<hbm>> -> memref<128x128xf32, #tpu.memory_space<hbm>>
          %dma_start3A_65 = arith.constant 0 : i32
          %dma_start3A_66 = tpu.memref_slice %arg2[%add3A_58, %dma_start3A_65] : memref<327680x128xf32, #tpu.memory_space<hbm>> -> memref<128x128xf32, #tpu.memory_space<hbm>>
          tpu.enqueue_dma source(%dma_start3A_66 : memref<128x128xf32, #tpu.memory_space<hbm>>) target(%arg7 : memref<128x128xf32, #tpu.memory_space<vmem>>) target_semaphore(%run_scoped3A : memref<!tpu.dma_semaphore, #tpu.memory_space<semaphore_mem>>)
          %dma_wait3A = arith.constant 0 : i32
          %dma_wait3A_67 = tpu.memref_slice %arg2[%add3A_58, %dma_wait3A] : memref<327680x128xf32, #tpu.memory_space<hbm>> -> memref<128x128xf32, #tpu.memory_space<hbm>>
          %dma_wait3A_68 = arith.constant 0 : i32
          %dma_wait3A_69 = tpu.memref_slice %arg2[%add3A_58, %dma_wait3A_68] : memref<327680x128xf32, #tpu.memory_space<hbm>> -> memref<128x128xf32, #tpu.memory_space<hbm>>
          tpu.wait_dma2 semaphore(%run_scoped3A : memref<!tpu.dma_semaphore, #tpu.memory_space<semaphore_mem>>) src(%dma_wait3A_69 : memref<128x128xf32, #tpu.memory_space<hbm>>) dst(%arg7 : memref<128x128xf32, #tpu.memory_space<vmem>>)
          tpu.yield
        }) : () -> ()
        %mul3A_59 = arith.constant 1 : i32
        %mul3A_60 = arith.muli %scan3A_49, %mul3A_59 : i32
        %add3A_61 = arith.constant 0 : i32
        %add3A_62 = arith.addi %mul3A_60, %add3A_61 : i32
        "tpu.region"() ({
          %run_scoped3A = tpu.sem_alloc : memref<!tpu.dma_semaphore, #tpu.memory_space<semaphore_mem>>
          %dma_start3A = arith.constant 0 : i32
          %dma_start3A_64 = arith.constant 0 : i32
          %dma_start3A_65 = tpu.memref_slice %arg7[%dma_start3A, %dma_start3A_64] : memref<128x128xf32, #tpu.memory_space<vmem>> -> memref<128x128xf32, #tpu.memory_space<vmem>>
          %dma_start3A_66 = arith.constant 0 : i32
          %dma_start3A_67 = tpu.memref_slice %arg6[%add3A_62, %dma_start3A_66] : memref<20x128xi32, #tpu.memory_space<vmem>> -> memref<1x128xi32, #tpu.memory_space<vmem>>
          %dma_start3A_68 = tpu.memref_squeeze %dma_start3A_67 : memref<1x128xi32, #tpu.memory_space<vmem>> -> memref<128xi32, #tpu.memory_space<vmem>>
          %dma_start3A_69 = arith.constant 0 : i32
          %dma_start3A_70 = arith.constant 0 : i32
          %dma_start3A_71 = tpu.memref_slice %arg8[%dma_start3A_69, %dma_start3A_70] : memref<10112x128xf32, #tpu.memory_space<vmem_shared>> -> memref<10112x128xf32, #tpu.memory_space<vmem_shared>>
          tpu.enqueue_indirect_dma source(%dma_start3A_65 : memref<128x128xf32, #tpu.memory_space<vmem>>) target(%dma_start3A_71 : memref<10112x128xf32, #tpu.memory_space<vmem_shared>>) offsets(%dma_start3A_68 : memref<128xi32, #tpu.memory_space<vmem>>) semaphore(%run_scoped3A : memref<!tpu.dma_semaphore, #tpu.memory_space<semaphore_mem>>) {add = true}
          %dma_wait3A = arith.constant 0 : i32
          %dma_wait3A_72 = arith.constant 0 : i32
          %dma_wait3A_73 = tpu.memref_slice %arg7[%dma_wait3A, %dma_wait3A_72] : memref<128x128xf32, #tpu.memory_space<vmem>> -> memref<128x128xf32, #tpu.memory_space<vmem>>
          %dma_wait3A_74 = arith.constant 0 : i32
          %dma_wait3A_75 = tpu.memref_slice %arg6[%add3A_62, %dma_wait3A_74] : memref<20x128xi32, #tpu.memory_space<vmem>> -> memref<1x128xi32, #tpu.memory_space<vmem>>
          %dma_wait3A_76 = tpu.memref_squeeze %dma_wait3A_75 : memref<1x128xi32, #tpu.memory_space<vmem>> -> memref<128xi32, #tpu.memory_space<vmem>>
          %dma_wait3A_77 = arith.constant 0 : i32
          %dma_wait3A_78 = arith.constant 0 : i32
          %dma_wait3A_79 = tpu.memref_slice %arg8[%dma_wait3A_77, %dma_wait3A_78] : memref<10112x128xf32, #tpu.memory_space<vmem_shared>> -> memref<10112x128xf32, #tpu.memory_space<vmem_shared>>
          tpu.wait_indirect_dma semaphore(%run_scoped3A : memref<!tpu.dma_semaphore, #tpu.memory_space<semaphore_mem>>) src(%dma_wait3A_73 : memref<128x128xf32, #tpu.memory_space<vmem>>) dst(%dma_wait3A_79 : memref<10112x128xf32, #tpu.memory_space<vmem_shared>>)
          tpu.yield
        }) : () -> ()
        %scan3A_63 = arith.constant 0 : i32
        scf.yield %scan3A_63 : i32
      }
      %scan3A_38 = arith.constant 20 : i32
      %barrier3A_39 = arith.constant 0 : index
      tpu.barrier barrier_id(%barrier3A_39)
      %lt3A_40 = arith.constant 15 : i32
      %lt3A_41 = arith.cmpi slt, %arg1, %lt3A_40 : i32
      %convert_element_type3A_42 = arith.extui %lt3A_41 : i1 to i32
      %cond3A_43 = arith.constant 0 : i32
      %cond3A_44 = arith.cmpi ne, %convert_element_type3A_42, %cond3A_43 : i32
      scf.if %cond3A_44 {
        %mul3A_49 = arith.constant 632 : i32
        %mul3A_50 = arith.muli %arg1, %mul3A_49 : i32
        %mul3A_51 = arith.constant 10000 : i32
        %mul3A_52 = arith.muli %add3A_16, %mul3A_51 : i32
        %mul3A_53 = arith.constant 632 : i32
        %mul3A_54 = arith.muli %arg1, %mul3A_53 : i32
        %add3A_55 = arith.addi %mul3A_52, %mul3A_54 : i32
        "tpu.region"() ({
          %run_scoped3A = tpu.sem_alloc : memref<!tpu.dma_semaphore, #tpu.memory_space<semaphore_mem>>
          %dma_start3A = arith.constant 0 : i32
          %dma_start3A_56 = tpu.memref_slice %arg5[%add3A_55, %dma_start3A] : memref<80000x128xf32, #tpu.memory_space<hbm>> -> memref<632x128xf32, #tpu.memory_space<hbm>>
          %dma_start3A_57 = arith.constant 0 : i32
          %dma_start3A_58 = tpu.memref_slice %arg8[%mul3A_50, %dma_start3A_57] : memref<10112x128xf32, #tpu.memory_space<vmem_shared>> -> memref<632x128xf32, #tpu.memory_space<vmem_shared>>
          tpu.enqueue_dma source(%dma_start3A_58 : memref<632x128xf32, #tpu.memory_space<vmem_shared>>) target(%dma_start3A_56 : memref<632x128xf32, #tpu.memory_space<hbm>>) target_semaphore(%run_scoped3A : memref<!tpu.dma_semaphore, #tpu.memory_space<semaphore_mem>>)
          %dma_wait3A = arith.constant 0 : i32
          %dma_wait3A_59 = tpu.memref_slice %arg5[%add3A_55, %dma_wait3A] : memref<80000x128xf32, #tpu.memory_space<hbm>> -> memref<632x128xf32, #tpu.memory_space<hbm>>
          %dma_wait3A_60 = arith.constant 0 : i32
          %dma_wait3A_61 = tpu.memref_slice %arg8[%mul3A_50, %dma_wait3A_60] : memref<10112x128xf32, #tpu.memory_space<vmem_shared>> -> memref<632x128xf32, #tpu.memory_space<vmem_shared>>
          tpu.wait_dma2 semaphore(%run_scoped3A : memref<!tpu.dma_semaphore, #tpu.memory_space<semaphore_mem>>) src(%dma_wait3A_61 : memref<632x128xf32, #tpu.memory_space<vmem_shared>>) dst(%dma_wait3A_59 : memref<632x128xf32, #tpu.memory_space<hbm>>)
          tpu.yield
        }) : () -> ()
      } else {
      }
      %eq3A = arith.constant 15 : i32
      %eq3A_45 = arith.cmpi eq, %arg1, %eq3A : i32
      %convert_element_type3A_46 = arith.extui %eq3A_45 : i1 to i32
      %cond3A_47 = arith.constant 0 : i32
      %cond3A_48 = arith.cmpi ne, %convert_element_type3A_46, %cond3A_47 : i32
      scf.if %cond3A_48 {
        %mul3A_49 = arith.constant 10000 : i32
        %mul3A_50 = arith.muli %add3A_16, %mul3A_49 : i32
        %add3A_51 = arith.constant 9480 : i32
        %add3A_52 = arith.addi %mul3A_50, %add3A_51 : i32
        "tpu.region"() ({
          %run_scoped3A = tpu.sem_alloc : memref<!tpu.dma_semaphore, #tpu.memory_space<semaphore_mem>>
          %dma_start3A = arith.constant 0 : i32
          %dma_start3A_53 = tpu.memref_slice %arg5[%add3A_52, %dma_start3A] : memref<80000x128xf32, #tpu.memory_space<hbm>> -> memref<520x128xf32, #tpu.memory_space<hbm>>
          %dma_start3A_54 = arith.constant 9480 : i32
          %dma_start3A_55 = arith.constant 0 : i32
          %dma_start3A_56 = tpu.memref_slice %arg8[%dma_start3A_54, %dma_start3A_55] : memref<10112x128xf32, #tpu.memory_space<vmem_shared>> -> memref<520x128xf32, #tpu.memory_space<vmem_shared>>
          tpu.enqueue_dma source(%dma_start3A_56 : memref<520x128xf32, #tpu.memory_space<vmem_shared>>) target(%dma_start3A_53 : memref<520x128xf32, #tpu.memory_space<hbm>>) target_semaphore(%run_scoped3A : memref<!tpu.dma_semaphore, #tpu.memory_space<semaphore_mem>>)
          %dma_wait3A = arith.constant 0 : i32
          %dma_wait3A_57 = tpu.memref_slice %arg5[%add3A_52, %dma_wait3A] : memref<80000x128xf32, #tpu.memory_space<hbm>> -> memref<520x128xf32, #tpu.memory_space<hbm>>
          %dma_wait3A_58 = arith.constant 9480 : i32
          %dma_wait3A_59 = arith.constant 0 : i32
          %dma_wait3A_60 = tpu.memref_slice %arg8[%dma_wait3A_58, %dma_wait3A_59] : memref<10112x128xf32, #tpu.memory_space<vmem_shared>> -> memref<520x128xf32, #tpu.memory_space<vmem_shared>>
          tpu.wait_dma2 semaphore(%run_scoped3A : memref<!tpu.dma_semaphore, #tpu.memory_space<semaphore_mem>>) src(%dma_wait3A_60 : memref<520x128xf32, #tpu.memory_space<vmem_shared>>) dst(%dma_wait3A_57 : memref<520x128xf32, #tpu.memory_space<hbm>>)
          tpu.yield
        }) : () -> ()
      } else {
      }
    } else {
    }
    %mul3A_22 = arith.constant 4 : i32
    %mul3A_23 = arith.muli %arg0, %mul3A_22 : i32
    %add3A_24 = arith.constant 3 : i32
    %add3A_25 = arith.addi %mul3A_23, %add3A_24 : i32
    %lt3A_26 = arith.constant 8 : i32
    %lt3A_27 = arith.cmpi slt, %add3A_25, %lt3A_26 : i32
    %convert_element_type3A_28 = arith.extui %lt3A_27 : i1 to i32
    %cond3A_29 = arith.constant 0 : i32
    %cond3A_30 = arith.cmpi ne, %convert_element_type3A_28, %cond3A_29 : i32
    scf.if %cond3A_30 {
      %mul3A_31 = arith.constant 632 : i32
      %mul3A_32 = arith.muli %arg1, %mul3A_31 : i32
      "tpu.region"() ({
        %run_scoped3A = tpu.sem_alloc : memref<!tpu.dma_semaphore, #tpu.memory_space<semaphore_mem>>
        %dma_start3A = arith.constant 0 : i32
        %dma_start3A_49 = tpu.memref_slice %arg8[%mul3A_32, %dma_start3A] : memref<10112x128xf32, #tpu.memory_space<vmem_shared>> -> memref<632x128xf32, #tpu.memory_space<vmem_shared>>
        tpu.enqueue_dma source(%arg4 : memref<632x128xf32, #tpu.memory_space<hbm>>) target(%dma_start3A_49 : memref<632x128xf32, #tpu.memory_space<vmem_shared>>) target_semaphore(%run_scoped3A : memref<!tpu.dma_semaphore, #tpu.memory_space<semaphore_mem>>)
        %dma_wait3A = arith.constant 0 : i32
        %dma_wait3A_50 = tpu.memref_slice %arg8[%mul3A_32, %dma_wait3A] : memref<10112x128xf32, #tpu.memory_space<vmem_shared>> -> memref<632x128xf32, #tpu.memory_space<vmem_shared>>
        tpu.wait_dma2 semaphore(%run_scoped3A : memref<!tpu.dma_semaphore, #tpu.memory_space<semaphore_mem>>) src(%arg4 : memref<632x128xf32, #tpu.memory_space<hbm>>) dst(%dma_wait3A_50 : memref<632x128xf32, #tpu.memory_space<vmem_shared>>)
        tpu.yield
      }) : () -> ()
      %barrier3A = arith.constant 0 : index
      tpu.barrier barrier_id(%barrier3A)
      %scan3A = arith.constant 0 : i32
      %scan3A_33 = arith.constant 0 : i32
      %scan3A_34 = arith.constant 20 : i32
      %scan3A_35 = arith.addi %scan3A_33, %scan3A_34 : i32
      %scan3A_36 = arith.constant 1 : i32
      %scan3A_37 = scf.for %scan3A_49 = %scan3A_33 to %scan3A_35 step %scan3A_36 iter_args(%scan3A_50 = %scan3A) -> (i32)  : i32 {
        %mul3A_51 = arith.constant 40960 : i32
        %mul3A_52 = arith.muli %add3A_25, %mul3A_51 : i32
        %mul3A_53 = arith.constant 2560 : i32
        %mul3A_54 = arith.muli %arg1, %mul3A_53 : i32
        %add3A_55 = arith.addi %mul3A_52, %mul3A_54 : i32
        %mul3A_56 = arith.constant 128 : i32
        %mul3A_57 = arith.muli %scan3A_49, %mul3A_56 : i32
        %add3A_58 = arith.addi %add3A_55, %mul3A_57 : i32
        "tpu.region"() ({
          %run_scoped3A = tpu.sem_alloc : memref<!tpu.dma_semaphore, #tpu.memory_space<semaphore_mem>>
          %dma_start3A = arith.constant 0 : i32
          %dma_start3A_64 = tpu.memref_slice %arg2[%add3A_58, %dma_start3A] : memref<327680x128xf32, #tpu.memory_space<hbm>> -> memref<128x128xf32, #tpu.memory_space<hbm>>
          %dma_start3A_65 = arith.constant 0 : i32
          %dma_start3A_66 = tpu.memref_slice %arg2[%add3A_58, %dma_start3A_65] : memref<327680x128xf32, #tpu.memory_space<hbm>> -> memref<128x128xf32, #tpu.memory_space<hbm>>
          tpu.enqueue_dma source(%dma_start3A_66 : memref<128x128xf32, #tpu.memory_space<hbm>>) target(%arg7 : memref<128x128xf32, #tpu.memory_space<vmem>>) target_semaphore(%run_scoped3A : memref<!tpu.dma_semaphore, #tpu.memory_space<semaphore_mem>>)
          %dma_wait3A = arith.constant 0 : i32
          %dma_wait3A_67 = tpu.memref_slice %arg2[%add3A_58, %dma_wait3A] : memref<327680x128xf32, #tpu.memory_space<hbm>> -> memref<128x128xf32, #tpu.memory_space<hbm>>
          %dma_wait3A_68 = arith.constant 0 : i32
          %dma_wait3A_69 = tpu.memref_slice %arg2[%add3A_58, %dma_wait3A_68] : memref<327680x128xf32, #tpu.memory_space<hbm>> -> memref<128x128xf32, #tpu.memory_space<hbm>>
          tpu.wait_dma2 semaphore(%run_scoped3A : memref<!tpu.dma_semaphore, #tpu.memory_space<semaphore_mem>>) src(%dma_wait3A_69 : memref<128x128xf32, #tpu.memory_space<hbm>>) dst(%arg7 : memref<128x128xf32, #tpu.memory_space<vmem>>)
          tpu.yield
        }) : () -> ()
        %mul3A_59 = arith.constant 1 : i32
        %mul3A_60 = arith.muli %scan3A_49, %mul3A_59 : i32
        %add3A_61 = arith.constant 0 : i32
        %add3A_62 = arith.addi %mul3A_60, %add3A_61 : i32
        "tpu.region"() ({
          %run_scoped3A = tpu.sem_alloc : memref<!tpu.dma_semaphore, #tpu.memory_space<semaphore_mem>>
          %dma_start3A = arith.constant 0 : i32
          %dma_start3A_64 = arith.constant 0 : i32
          %dma_start3A_65 = tpu.memref_slice %arg7[%dma_start3A, %dma_start3A_64] : memref<128x128xf32, #tpu.memory_space<vmem>> -> memref<128x128xf32, #tpu.memory_space<vmem>>
          %dma_start3A_66 = arith.constant 0 : i32
          %dma_start3A_67 = tpu.memref_slice %arg6[%add3A_62, %dma_start3A_66] : memref<20x128xi32, #tpu.memory_space<vmem>> -> memref<1x128xi32, #tpu.memory_space<vmem>>
          %dma_start3A_68 = tpu.memref_squeeze %dma_start3A_67 : memref<1x128xi32, #tpu.memory_space<vmem>> -> memref<128xi32, #tpu.memory_space<vmem>>
          %dma_start3A_69 = arith.constant 0 : i32
          %dma_start3A_70 = arith.constant 0 : i32
          %dma_start3A_71 = tpu.memref_slice %arg8[%dma_start3A_69, %dma_start3A_70] : memref<10112x128xf32, #tpu.memory_space<vmem_shared>> -> memref<10112x128xf32, #tpu.memory_space<vmem_shared>>
          tpu.enqueue_indirect_dma source(%dma_start3A_65 : memref<128x128xf32, #tpu.memory_space<vmem>>) target(%dma_start3A_71 : memref<10112x128xf32, #tpu.memory_space<vmem_shared>>) offsets(%dma_start3A_68 : memref<128xi32, #tpu.memory_space<vmem>>) semaphore(%run_scoped3A : memref<!tpu.dma_semaphore, #tpu.memory_space<semaphore_mem>>) {add = true}
          %dma_wait3A = arith.constant 0 : i32
          %dma_wait3A_72 = arith.constant 0 : i32
          %dma_wait3A_73 = tpu.memref_slice %arg7[%dma_wait3A, %dma_wait3A_72] : memref<128x128xf32, #tpu.memory_space<vmem>> -> memref<128x128xf32, #tpu.memory_space<vmem>>
          %dma_wait3A_74 = arith.constant 0 : i32
          %dma_wait3A_75 = tpu.memref_slice %arg6[%add3A_62, %dma_wait3A_74] : memref<20x128xi32, #tpu.memory_space<vmem>> -> memref<1x128xi32, #tpu.memory_space<vmem>>
          %dma_wait3A_76 = tpu.memref_squeeze %dma_wait3A_75 : memref<1x128xi32, #tpu.memory_space<vmem>> -> memref<128xi32, #tpu.memory_space<vmem>>
          %dma_wait3A_77 = arith.constant 0 : i32
          %dma_wait3A_78 = arith.constant 0 : i32
          %dma_wait3A_79 = tpu.memref_slice %arg8[%dma_wait3A_77, %dma_wait3A_78] : memref<10112x128xf32, #tpu.memory_space<vmem_shared>> -> memref<10112x128xf32, #tpu.memory_space<vmem_shared>>
          tpu.wait_indirect_dma semaphore(%run_scoped3A : memref<!tpu.dma_semaphore, #tpu.memory_space<semaphore_mem>>) src(%dma_wait3A_73 : memref<128x128xf32, #tpu.memory_space<vmem>>) dst(%dma_wait3A_79 : memref<10112x128xf32, #tpu.memory_space<vmem_shared>>)
          tpu.yield
        }) : () -> ()
        %scan3A_63 = arith.constant 0 : i32
        scf.yield %scan3A_63 : i32
      }
      %scan3A_38 = arith.constant 20 : i32
      %barrier3A_39 = arith.constant 0 : index
      tpu.barrier barrier_id(%barrier3A_39)
      %lt3A_40 = arith.constant 15 : i32
      %lt3A_41 = arith.cmpi slt, %arg1, %lt3A_40 : i32
      %convert_element_type3A_42 = arith.extui %lt3A_41 : i1 to i32
      %cond3A_43 = arith.constant 0 : i32
      %cond3A_44 = arith.cmpi ne, %convert_element_type3A_42, %cond3A_43 : i32
      scf.if %cond3A_44 {
        %mul3A_49 = arith.constant 632 : i32
        %mul3A_50 = arith.muli %arg1, %mul3A_49 : i32
        %mul3A_51 = arith.constant 10000 : i32
        %mul3A_52 = arith.muli %add3A_25, %mul3A_51 : i32
        %mul3A_53 = arith.constant 632 : i32
        %mul3A_54 = arith.muli %arg1, %mul3A_53 : i32
        %add3A_55 = arith.addi %mul3A_52, %mul3A_54 : i32
        "tpu.region"() ({
          %run_scoped3A = tpu.sem_alloc : memref<!tpu.dma_semaphore, #tpu.memory_space<semaphore_mem>>
          %dma_start3A = arith.constant 0 : i32
          %dma_start3A_56 = tpu.memref_slice %arg5[%add3A_55, %dma_start3A] : memref<80000x128xf32, #tpu.memory_space<hbm>> -> memref<632x128xf32, #tpu.memory_space<hbm>>
          %dma_start3A_57 = arith.constant 0 : i32
          %dma_start3A_58 = tpu.memref_slice %arg8[%mul3A_50, %dma_start3A_57] : memref<10112x128xf32, #tpu.memory_space<vmem_shared>> -> memref<632x128xf32, #tpu.memory_space<vmem_shared>>
          tpu.enqueue_dma source(%dma_start3A_58 : memref<632x128xf32, #tpu.memory_space<vmem_shared>>) target(%dma_start3A_56 : memref<632x128xf32, #tpu.memory_space<hbm>>) target_semaphore(%run_scoped3A : memref<!tpu.dma_semaphore, #tpu.memory_space<semaphore_mem>>)
          %dma_wait3A = arith.constant 0 : i32
          %dma_wait3A_59 = tpu.memref_slice %arg5[%add3A_55, %dma_wait3A] : memref<80000x128xf32, #tpu.memory_space<hbm>> -> memref<632x128xf32, #tpu.memory_space<hbm>>
          %dma_wait3A_60 = arith.constant 0 : i32
          %dma_wait3A_61 = tpu.memref_slice %arg8[%mul3A_50, %dma_wait3A_60] : memref<10112x128xf32, #tpu.memory_space<vmem_shared>> -> memref<632x128xf32, #tpu.memory_space<vmem_shared>>
          tpu.wait_dma2 semaphore(%run_scoped3A : memref<!tpu.dma_semaphore, #tpu.memory_space<semaphore_mem>>) src(%dma_wait3A_61 : memref<632x128xf32, #tpu.memory_space<vmem_shared>>) dst(%dma_wait3A_59 : memref<632x128xf32, #tpu.memory_space<hbm>>)
          tpu.yield
        }) : () -> ()
      } else {
      }
      %eq3A = arith.constant 15 : i32
      %eq3A_45 = arith.cmpi eq, %arg1, %eq3A : i32
      %convert_element_type3A_46 = arith.extui %eq3A_45 : i1 to i32
      %cond3A_47 = arith.constant 0 : i32
      %cond3A_48 = arith.cmpi ne, %convert_element_type3A_46, %cond3A_47 : i32
      scf.if %cond3A_48 {
        %mul3A_49 = arith.constant 10000 : i32
        %mul3A_50 = arith.muli %add3A_25, %mul3A_49 : i32
        %add3A_51 = arith.constant 9480 : i32
        %add3A_52 = arith.addi %mul3A_50, %add3A_51 : i32
        "tpu.region"() ({
          %run_scoped3A = tpu.sem_alloc : memref<!tpu.dma_semaphore, #tpu.memory_space<semaphore_mem>>
          %dma_start3A = arith.constant 0 : i32
          %dma_start3A_53 = tpu.memref_slice %arg5[%add3A_52, %dma_start3A] : memref<80000x128xf32, #tpu.memory_space<hbm>> -> memref<520x128xf32, #tpu.memory_space<hbm>>
          %dma_start3A_54 = arith.constant 9480 : i32
          %dma_start3A_55 = arith.constant 0 : i32
          %dma_start3A_56 = tpu.memref_slice %arg8[%dma_start3A_54, %dma_start3A_55] : memref<10112x128xf32, #tpu.memory_space<vmem_shared>> -> memref<520x128xf32, #tpu.memory_space<vmem_shared>>
          tpu.enqueue_dma source(%dma_start3A_56 : memref<520x128xf32, #tpu.memory_space<vmem_shared>>) target(%dma_start3A_53 : memref<520x128xf32, #tpu.memory_space<hbm>>) target_semaphore(%run_scoped3A : memref<!tpu.dma_semaphore, #tpu.memory_space<semaphore_mem>>)
          %dma_wait3A = arith.constant 0 : i32
          %dma_wait3A_57 = tpu.memref_slice %arg5[%add3A_52, %dma_wait3A] : memref<80000x128xf32, #tpu.memory_space<hbm>> -> memref<520x128xf32, #tpu.memory_space<hbm>>
          %dma_wait3A_58 = arith.constant 9480 : i32
          %dma_wait3A_59 = arith.constant 0 : i32
          %dma_wait3A_60 = tpu.memref_slice %arg8[%dma_wait3A_58, %dma_wait3A_59] : memref<10112x128xf32, #tpu.memory_space<vmem_shared>> -> memref<520x128xf32, #tpu.memory_space<vmem_shared>>
          tpu.wait_dma2 semaphore(%run_scoped3A : memref<!tpu.dma_semaphore, #tpu.memory_space<semaphore_mem>>) src(%dma_wait3A_60 : memref<520x128xf32, #tpu.memory_space<vmem_shared>>) dst(%dma_wait3A_57 : memref<520x128xf32, #tpu.memory_space<hbm>>)
          tpu.yield
        }) : () -> ()
      } else {
      }
    } else {
    }
    return
  }
}

#map = affine_map<(d0, d1) -> (0, 0)>
#map1 = affine_map<(d0, d1) -> (0, 0, 0)>
module attributes {stable_mosaic.version = 14 : i64} {
  func.func @body(%arg0: i32, %arg1: i32, %arg2: memref<80000x128xf32, #tpu.memory_space<hbm>>, %arg3: memref<32x80x128xi32, #tpu.memory_space<hbm>>, %arg4: memref<32x80x128xi32, #tpu.memory_space<hbm>>, %arg5: memref<327680x128xf32, #tpu.memory_space<hbm>>, %arg6: memref<327680x128xf32, #tpu.memory_space<hbm>>, %arg7: memref<80x128xi32, #tpu.memory_space<vmem>>, %arg8: memref<80x128xi32, #tpu.memory_space<vmem>>, %arg9: memref<128x128xf32, #tpu.memory_space<vmem>>, %arg10: memref<128x128xf32, #tpu.memory_space<vmem>>, %arg11: memref<128x128xf32, #tpu.memory_space<vmem>>, %arg12: memref<128x128xf32, #tpu.memory_space<vmem>>, %arg13: memref<!tpu.dma_semaphore, #tpu.memory_space<semaphore_mem>>, %arg14: memref<!tpu.dma_semaphore, #tpu.memory_space<semaphore_mem>>, %arg15: memref<!tpu.dma_semaphore, #tpu.memory_space<semaphore_mem>>, %arg16: memref<!tpu.dma_semaphore, #tpu.memory_space<semaphore_mem>>, %arg17: memref<!tpu.dma_semaphore, #tpu.memory_space<semaphore_mem>>, %arg18: memref<!tpu.dma_semaphore, #tpu.memory_space<semaphore_mem>>, %arg19: memref<!tpu.dma_semaphore, #tpu.memory_space<semaphore_mem>>, %arg20: memref<!tpu.dma_semaphore, #tpu.memory_space<semaphore_mem>>) attributes {dimension_semantics = [#tpu.dimension_semantics<core_parallel>, #tpu.dimension_semantics<subcore_parallel>], iteration_bounds = array<i64: 2, 16>, scalar_prefetch = 0 : i64, scratch_operands = 14 : i64, tpu.core_type = #tpu.core_type<sc_vector_subcore>, window_params = [{transform_indices = #map}, {transform_indices = #map1}, {transform_indices = #map1}, {transform_indices = #map}, {transform_indices = #map}]} {
    %mul3A = arith.constant 2 : i32
    %mul3A_0 = arith.muli %arg1, %mul3A : i32
    %add3A = arith.addi %mul3A_0, %arg0 : i32
    "tpu.region"() ({
      %run_scoped3A = tpu.sem_alloc : memref<!tpu.dma_semaphore, #tpu.memory_space<semaphore_mem>>
      %dma_start3A = arith.constant 0 : i32
      %dma_start3A_26 = arith.constant 0 : i32
      %dma_start3A_27 = tpu.memref_slice %arg3[%add3A, %dma_start3A, %dma_start3A_26] : memref<32x80x128xi32, #tpu.memory_space<hbm>> -> memref<1x80x128xi32, #tpu.memory_space<hbm>>
      %dma_start3A_28 = tpu.memref_squeeze %dma_start3A_27 : memref<1x80x128xi32, #tpu.memory_space<hbm>> -> memref<80x128xi32, #tpu.memory_space<hbm>>
      %dma_start3A_29 = arith.constant 0 : i32
      %dma_start3A_30 = arith.constant 0 : i32
      %dma_start3A_31 = tpu.memref_slice %arg3[%add3A, %dma_start3A_29, %dma_start3A_30] : memref<32x80x128xi32, #tpu.memory_space<hbm>> -> memref<1x80x128xi32, #tpu.memory_space<hbm>>
      %dma_start3A_32 = tpu.memref_squeeze %dma_start3A_31 : memref<1x80x128xi32, #tpu.memory_space<hbm>> -> memref<80x128xi32, #tpu.memory_space<hbm>>
      tpu.enqueue_dma source(%dma_start3A_32 : memref<80x128xi32, #tpu.memory_space<hbm>>) target(%arg7 : memref<80x128xi32, #tpu.memory_space<vmem>>) target_semaphore(%run_scoped3A : memref<!tpu.dma_semaphore, #tpu.memory_space<semaphore_mem>>)
      %dma_wait3A_33 = arith.constant 0 : i32
      %dma_wait3A_34 = arith.constant 0 : i32
      %dma_wait3A_35 = tpu.memref_slice %arg3[%add3A, %dma_wait3A_33, %dma_wait3A_34] : memref<32x80x128xi32, #tpu.memory_space<hbm>> -> memref<1x80x128xi32, #tpu.memory_space<hbm>>
      %dma_wait3A_36 = tpu.memref_squeeze %dma_wait3A_35 : memref<1x80x128xi32, #tpu.memory_space<hbm>> -> memref<80x128xi32, #tpu.memory_space<hbm>>
      %dma_wait3A_37 = arith.constant 0 : i32
      %dma_wait3A_38 = arith.constant 0 : i32
      %dma_wait3A_39 = tpu.memref_slice %arg3[%add3A, %dma_wait3A_37, %dma_wait3A_38] : memref<32x80x128xi32, #tpu.memory_space<hbm>> -> memref<1x80x128xi32, #tpu.memory_space<hbm>>
      %dma_wait3A_40 = tpu.memref_squeeze %dma_wait3A_39 : memref<1x80x128xi32, #tpu.memory_space<hbm>> -> memref<80x128xi32, #tpu.memory_space<hbm>>
      tpu.wait_dma2 semaphore(%run_scoped3A : memref<!tpu.dma_semaphore, #tpu.memory_space<semaphore_mem>>) src(%dma_wait3A_40 : memref<80x128xi32, #tpu.memory_space<hbm>>) dst(%arg7 : memref<80x128xi32, #tpu.memory_space<vmem>>)
      tpu.yield
    }) : () -> ()
    "tpu.region"() ({
      %run_scoped3A = tpu.sem_alloc : memref<!tpu.dma_semaphore, #tpu.memory_space<semaphore_mem>>
      %dma_start3A = arith.constant 0 : i32
      %dma_start3A_26 = arith.constant 0 : i32
      %dma_start3A_27 = tpu.memref_slice %arg4[%add3A, %dma_start3A, %dma_start3A_26] : memref<32x80x128xi32, #tpu.memory_space<hbm>> -> memref<1x80x128xi32, #tpu.memory_space<hbm>>
      %dma_start3A_28 = tpu.memref_squeeze %dma_start3A_27 : memref<1x80x128xi32, #tpu.memory_space<hbm>> -> memref<80x128xi32, #tpu.memory_space<hbm>>
      %dma_start3A_29 = arith.constant 0 : i32
      %dma_start3A_30 = arith.constant 0 : i32
      %dma_start3A_31 = tpu.memref_slice %arg4[%add3A, %dma_start3A_29, %dma_start3A_30] : memref<32x80x128xi32, #tpu.memory_space<hbm>> -> memref<1x80x128xi32, #tpu.memory_space<hbm>>
      %dma_start3A_32 = tpu.memref_squeeze %dma_start3A_31 : memref<1x80x128xi32, #tpu.memory_space<hbm>> -> memref<80x128xi32, #tpu.memory_space<hbm>>
      tpu.enqueue_dma source(%dma_start3A_32 : memref<80x128xi32, #tpu.memory_space<hbm>>) target(%arg8 : memref<80x128xi32, #tpu.memory_space<vmem>>) target_semaphore(%run_scoped3A : memref<!tpu.dma_semaphore, #tpu.memory_space<semaphore_mem>>)
      %dma_wait3A_33 = arith.constant 0 : i32
      %dma_wait3A_34 = arith.constant 0 : i32
      %dma_wait3A_35 = tpu.memref_slice %arg4[%add3A, %dma_wait3A_33, %dma_wait3A_34] : memref<32x80x128xi32, #tpu.memory_space<hbm>> -> memref<1x80x128xi32, #tpu.memory_space<hbm>>
      %dma_wait3A_36 = tpu.memref_squeeze %dma_wait3A_35 : memref<1x80x128xi32, #tpu.memory_space<hbm>> -> memref<80x128xi32, #tpu.memory_space<hbm>>
      %dma_wait3A_37 = arith.constant 0 : i32
      %dma_wait3A_38 = arith.constant 0 : i32
      %dma_wait3A_39 = tpu.memref_slice %arg4[%add3A, %dma_wait3A_37, %dma_wait3A_38] : memref<32x80x128xi32, #tpu.memory_space<hbm>> -> memref<1x80x128xi32, #tpu.memory_space<hbm>>
      %dma_wait3A_40 = tpu.memref_squeeze %dma_wait3A_39 : memref<1x80x128xi32, #tpu.memory_space<hbm>> -> memref<80x128xi32, #tpu.memory_space<hbm>>
      tpu.wait_dma2 semaphore(%run_scoped3A : memref<!tpu.dma_semaphore, #tpu.memory_space<semaphore_mem>>) src(%dma_wait3A_40 : memref<80x128xi32, #tpu.memory_space<hbm>>) dst(%arg8 : memref<80x128xi32, #tpu.memory_space<vmem>>)
      tpu.yield
    }) : () -> ()
    %mul3A_1 = arith.constant 80 : i32
    %mul3A_2 = arith.muli %add3A, %mul3A_1 : i32
    %mul3A_3 = arith.constant 128 : i32
    %mul3A_4 = arith.muli %mul3A_2, %mul3A_3 : i32
    %scan3A = arith.constant 0 : i32
    %scan3A_5 = arith.constant 0 : i32
    %scan3A_6 = arith.constant 40 : i32
    %scan3A_7 = arith.addi %scan3A_5, %scan3A_6 : i32
    %scan3A_8 = arith.constant 1 : i32
    %scan3A_9 = scf.for %scan3A_26 = %scan3A_5 to %scan3A_7 step %scan3A_8 iter_args(%scan3A_27 = %scan3A) -> (i32)  : i32 {
      %gt3A = arith.constant 0 : i32
      %gt3A_28 = arith.cmpi sgt, %scan3A_26, %gt3A : i32
      %convert_element_type3A = arith.extui %gt3A_28 : i1 to i32
      %cond3A = arith.constant 0 : i32
      %cond3A_29 = arith.cmpi ne, %convert_element_type3A, %cond3A : i32
      scf.if %cond3A_29 {
        %dma_wait3A_157 = arith.constant 0 : i32
        %dma_wait3A_158 = tpu.memref_slice %arg5[%mul3A_4, %dma_wait3A_157] : memref<327680x128xf32, #tpu.memory_space<hbm>> -> memref<128x128xf32, #tpu.memory_space<hbm>>
        %dma_wait3A_159 = arith.constant 0 : i32
        %dma_wait3A_160 = tpu.memref_slice %arg5[%mul3A_4, %dma_wait3A_159] : memref<327680x128xf32, #tpu.memory_space<hbm>> -> memref<128x128xf32, #tpu.memory_space<hbm>>
        tpu.wait_dma2 semaphore(%arg17 : memref<!tpu.dma_semaphore, #tpu.memory_space<semaphore_mem>>) src(%arg9 : memref<128x128xf32, #tpu.memory_space<vmem>>) dst(%dma_wait3A_160 : memref<128x128xf32, #tpu.memory_space<hbm>>)
      } else {
      }
      %mul3A_30 = arith.constant 2 : i32
      %mul3A_31 = arith.muli %mul3A_30, %scan3A_26 : i32
      %add3A_32 = arith.constant 0 : i32
      %add3A_33 = arith.addi %mul3A_31, %add3A_32 : i32
      %dma_start3A = arith.constant 0 : i32
      %dma_start3A_34 = tpu.memref_slice %arg7[%add3A_33, %dma_start3A] : memref<80x128xi32, #tpu.memory_space<vmem>> -> memref<1x128xi32, #tpu.memory_space<vmem>>
      %dma_start3A_35 = tpu.memref_squeeze %dma_start3A_34 : memref<1x128xi32, #tpu.memory_space<vmem>> -> memref<128xi32, #tpu.memory_space<vmem>>
      %dma_start3A_36 = arith.constant 0 : i32
      %dma_start3A_37 = arith.constant 0 : i32
      %dma_start3A_38 = tpu.memref_slice %arg2[%dma_start3A_36, %dma_start3A_37] : memref<80000x128xf32, #tpu.memory_space<hbm>> -> memref<80000x128xf32, #tpu.memory_space<hbm>>
      tpu.enqueue_indirect_dma source(%dma_start3A_38 : memref<80000x128xf32, #tpu.memory_space<hbm>>) target(%arg9 : memref<128x128xf32, #tpu.memory_space<vmem>>) offsets(%dma_start3A_35 : memref<128xi32, #tpu.memory_space<vmem>>) semaphore(%arg13 : memref<!tpu.dma_semaphore, #tpu.memory_space<semaphore_mem>>)
      %gt3A_39 = arith.constant 0 : i32
      %gt3A_40 = arith.cmpi sgt, %scan3A_26, %gt3A_39 : i32
      %convert_element_type3A_41 = arith.extui %gt3A_40 : i1 to i32
      %cond3A_42 = arith.constant 0 : i32
      %cond3A_43 = arith.cmpi ne, %convert_element_type3A_41, %cond3A_42 : i32
      scf.if %cond3A_43 {
        %dma_wait3A_157 = arith.constant 0 : i32
        %dma_wait3A_158 = tpu.memref_slice %arg5[%mul3A_4, %dma_wait3A_157] : memref<327680x128xf32, #tpu.memory_space<hbm>> -> memref<128x128xf32, #tpu.memory_space<hbm>>
        %dma_wait3A_159 = arith.constant 0 : i32
        %dma_wait3A_160 = tpu.memref_slice %arg5[%mul3A_4, %dma_wait3A_159] : memref<327680x128xf32, #tpu.memory_space<hbm>> -> memref<128x128xf32, #tpu.memory_space<hbm>>
        tpu.wait_dma2 semaphore(%arg18 : memref<!tpu.dma_semaphore, #tpu.memory_space<semaphore_mem>>) src(%arg10 : memref<128x128xf32, #tpu.memory_space<vmem>>) dst(%dma_wait3A_160 : memref<128x128xf32, #tpu.memory_space<hbm>>)
      } else {
      }
      %mul3A_44 = arith.constant 2 : i32
      %mul3A_45 = arith.muli %mul3A_44, %scan3A_26 : i32
      %add3A_46 = arith.constant 1 : i32
      %add3A_47 = arith.addi %mul3A_45, %add3A_46 : i32
      %dma_start3A_48 = arith.constant 0 : i32
      %dma_start3A_49 = tpu.memref_slice %arg7[%add3A_47, %dma_start3A_48] : memref<80x128xi32, #tpu.memory_space<vmem>> -> memref<1x128xi32, #tpu.memory_space<vmem>>
      %dma_start3A_50 = tpu.memref_squeeze %dma_start3A_49 : memref<1x128xi32, #tpu.memory_space<vmem>> -> memref<128xi32, #tpu.memory_space<vmem>>
      %dma_start3A_51 = arith.constant 0 : i32
      %dma_start3A_52 = arith.constant 0 : i32
      %dma_start3A_53 = tpu.memref_slice %arg2[%dma_start3A_51, %dma_start3A_52] : memref<80000x128xf32, #tpu.memory_space<hbm>> -> memref<80000x128xf32, #tpu.memory_space<hbm>>
      tpu.enqueue_indirect_dma source(%dma_start3A_53 : memref<80000x128xf32, #tpu.memory_space<hbm>>) target(%arg10 : memref<128x128xf32, #tpu.memory_space<vmem>>) offsets(%dma_start3A_50 : memref<128xi32, #tpu.memory_space<vmem>>) semaphore(%arg14 : memref<!tpu.dma_semaphore, #tpu.memory_space<semaphore_mem>>)
      %gt3A_54 = arith.constant 0 : i32
      %gt3A_55 = arith.cmpi sgt, %scan3A_26, %gt3A_54 : i32
      %convert_element_type3A_56 = arith.extui %gt3A_55 : i1 to i32
      %cond3A_57 = arith.constant 0 : i32
      %cond3A_58 = arith.cmpi ne, %convert_element_type3A_56, %cond3A_57 : i32
      scf.if %cond3A_58 {
        %dma_wait3A_157 = arith.constant 0 : i32
        %dma_wait3A_158 = tpu.memref_slice %arg6[%mul3A_4, %dma_wait3A_157] : memref<327680x128xf32, #tpu.memory_space<hbm>> -> memref<128x128xf32, #tpu.memory_space<hbm>>
        %dma_wait3A_159 = arith.constant 0 : i32
        %dma_wait3A_160 = tpu.memref_slice %arg6[%mul3A_4, %dma_wait3A_159] : memref<327680x128xf32, #tpu.memory_space<hbm>> -> memref<128x128xf32, #tpu.memory_space<hbm>>
        tpu.wait_dma2 semaphore(%arg19 : memref<!tpu.dma_semaphore, #tpu.memory_space<semaphore_mem>>) src(%arg11 : memref<128x128xf32, #tpu.memory_space<vmem>>) dst(%dma_wait3A_160 : memref<128x128xf32, #tpu.memory_space<hbm>>)
      } else {
      }
      %mul3A_59 = arith.constant 2 : i32
      %mul3A_60 = arith.muli %mul3A_59, %scan3A_26 : i32
      %add3A_61 = arith.constant 0 : i32
      %add3A_62 = arith.addi %mul3A_60, %add3A_61 : i32
      %dma_start3A_63 = arith.constant 0 : i32
      %dma_start3A_64 = tpu.memref_slice %arg8[%add3A_62, %dma_start3A_63] : memref<80x128xi32, #tpu.memory_space<vmem>> -> memref<1x128xi32, #tpu.memory_space<vmem>>
      %dma_start3A_65 = tpu.memref_squeeze %dma_start3A_64 : memref<1x128xi32, #tpu.memory_space<vmem>> -> memref<128xi32, #tpu.memory_space<vmem>>
      %dma_start3A_66 = arith.constant 0 : i32
      %dma_start3A_67 = arith.constant 0 : i32
      %dma_start3A_68 = tpu.memref_slice %arg2[%dma_start3A_66, %dma_start3A_67] : memref<80000x128xf32, #tpu.memory_space<hbm>> -> memref<80000x128xf32, #tpu.memory_space<hbm>>
      tpu.enqueue_indirect_dma source(%dma_start3A_68 : memref<80000x128xf32, #tpu.memory_space<hbm>>) target(%arg11 : memref<128x128xf32, #tpu.memory_space<vmem>>) offsets(%dma_start3A_65 : memref<128xi32, #tpu.memory_space<vmem>>) semaphore(%arg15 : memref<!tpu.dma_semaphore, #tpu.memory_space<semaphore_mem>>)
      %gt3A_69 = arith.constant 0 : i32
      %gt3A_70 = arith.cmpi sgt, %scan3A_26, %gt3A_69 : i32
      %convert_element_type3A_71 = arith.extui %gt3A_70 : i1 to i32
      %cond3A_72 = arith.constant 0 : i32
      %cond3A_73 = arith.cmpi ne, %convert_element_type3A_71, %cond3A_72 : i32
      scf.if %cond3A_73 {
        %dma_wait3A_157 = arith.constant 0 : i32
        %dma_wait3A_158 = tpu.memref_slice %arg6[%mul3A_4, %dma_wait3A_157] : memref<327680x128xf32, #tpu.memory_space<hbm>> -> memref<128x128xf32, #tpu.memory_space<hbm>>
        %dma_wait3A_159 = arith.constant 0 : i32
        %dma_wait3A_160 = tpu.memref_slice %arg6[%mul3A_4, %dma_wait3A_159] : memref<327680x128xf32, #tpu.memory_space<hbm>> -> memref<128x128xf32, #tpu.memory_space<hbm>>
        tpu.wait_dma2 semaphore(%arg20 : memref<!tpu.dma_semaphore, #tpu.memory_space<semaphore_mem>>) src(%arg12 : memref<128x128xf32, #tpu.memory_space<vmem>>) dst(%dma_wait3A_160 : memref<128x128xf32, #tpu.memory_space<hbm>>)
      } else {
      }
      %mul3A_74 = arith.constant 2 : i32
      %mul3A_75 = arith.muli %mul3A_74, %scan3A_26 : i32
      %add3A_76 = arith.constant 1 : i32
      %add3A_77 = arith.addi %mul3A_75, %add3A_76 : i32
      %dma_start3A_78 = arith.constant 0 : i32
      %dma_start3A_79 = tpu.memref_slice %arg8[%add3A_77, %dma_start3A_78] : memref<80x128xi32, #tpu.memory_space<vmem>> -> memref<1x128xi32, #tpu.memory_space<vmem>>
      %dma_start3A_80 = tpu.memref_squeeze %dma_start3A_79 : memref<1x128xi32, #tpu.memory_space<vmem>> -> memref<128xi32, #tpu.memory_space<vmem>>
      %dma_start3A_81 = arith.constant 0 : i32
      %dma_start3A_82 = arith.constant 0 : i32
      %dma_start3A_83 = tpu.memref_slice %arg2[%dma_start3A_81, %dma_start3A_82] : memref<80000x128xf32, #tpu.memory_space<hbm>> -> memref<80000x128xf32, #tpu.memory_space<hbm>>
      tpu.enqueue_indirect_dma source(%dma_start3A_83 : memref<80000x128xf32, #tpu.memory_space<hbm>>) target(%arg12 : memref<128x128xf32, #tpu.memory_space<vmem>>) offsets(%dma_start3A_80 : memref<128xi32, #tpu.memory_space<vmem>>) semaphore(%arg16 : memref<!tpu.dma_semaphore, #tpu.memory_space<semaphore_mem>>)
      %dma_wait3A_84 = arith.constant 0 : i32
      %dma_wait3A_85 = arith.constant 0 : i32
      %dma_wait3A_86 = tpu.memref_slice %arg7[%dma_wait3A_84, %dma_wait3A_85] : memref<80x128xi32, #tpu.memory_space<vmem>> -> memref<1x128xi32, #tpu.memory_space<vmem>>
      %dma_wait3A_87 = tpu.memref_squeeze %dma_wait3A_86 : memref<1x128xi32, #tpu.memory_space<vmem>> -> memref<128xi32, #tpu.memory_space<vmem>>
      %dma_wait3A_88 = arith.constant 0 : i32
      %dma_wait3A_89 = arith.constant 0 : i32
      %dma_wait3A_90 = tpu.memref_slice %arg2[%dma_wait3A_88, %dma_wait3A_89] : memref<80000x128xf32, #tpu.memory_space<hbm>> -> memref<80000x128xf32, #tpu.memory_space<hbm>>
      tpu.wait_indirect_dma semaphore(%arg13 : memref<!tpu.dma_semaphore, #tpu.memory_space<semaphore_mem>>) src(%dma_wait3A_90 : memref<80000x128xf32, #tpu.memory_space<hbm>>) dst(%arg9 : memref<128x128xf32, #tpu.memory_space<vmem>>)
      %mul3A_91 = arith.constant 2 : i32
      %mul3A_92 = arith.muli %mul3A_91, %scan3A_26 : i32
      %add3A_93 = arith.constant 0 : i32
      %add3A_94 = arith.addi %mul3A_92, %add3A_93 : i32
      %mul3A_95 = arith.constant 128 : i32
      %mul3A_96 = arith.muli %add3A_94, %mul3A_95 : i32
      %add3A_97 = arith.addi %mul3A_4, %mul3A_96 : i32
      %dma_start3A_98 = arith.constant 0 : i32
      %dma_start3A_99 = tpu.memref_slice %arg5[%add3A_97, %dma_start3A_98] : memref<327680x128xf32, #tpu.memory_space<hbm>> -> memref<128x128xf32, #tpu.memory_space<hbm>>
      %dma_start3A_100 = arith.constant 0 : i32
      %dma_start3A_101 = tpu.memref_slice %arg5[%add3A_97, %dma_start3A_100] : memref<327680x128xf32, #tpu.memory_space<hbm>> -> memref<128x128xf32, #tpu.memory_space<hbm>>
      tpu.enqueue_dma source(%arg9 : memref<128x128xf32, #tpu.memory_space<vmem>>) target(%dma_start3A_101 : memref<128x128xf32, #tpu.memory_space<hbm>>) target_semaphore(%arg17 : memref<!tpu.dma_semaphore, #tpu.memory_space<semaphore_mem>>)
      %dma_wait3A_102 = arith.constant 0 : i32
      %dma_wait3A_103 = arith.constant 0 : i32
      %dma_wait3A_104 = tpu.memref_slice %arg7[%dma_wait3A_102, %dma_wait3A_103] : memref<80x128xi32, #tpu.memory_space<vmem>> -> memref<1x128xi32, #tpu.memory_space<vmem>>
      %dma_wait3A_105 = tpu.memref_squeeze %dma_wait3A_104 : memref<1x128xi32, #tpu.memory_space<vmem>> -> memref<128xi32, #tpu.memory_space<vmem>>
      %dma_wait3A_106 = arith.constant 0 : i32
      %dma_wait3A_107 = arith.constant 0 : i32
      %dma_wait3A_108 = tpu.memref_slice %arg2[%dma_wait3A_106, %dma_wait3A_107] : memref<80000x128xf32, #tpu.memory_space<hbm>> -> memref<80000x128xf32, #tpu.memory_space<hbm>>
      tpu.wait_indirect_dma semaphore(%arg14 : memref<!tpu.dma_semaphore, #tpu.memory_space<semaphore_mem>>) src(%dma_wait3A_108 : memref<80000x128xf32, #tpu.memory_space<hbm>>) dst(%arg10 : memref<128x128xf32, #tpu.memory_space<vmem>>)
      %mul3A_109 = arith.constant 2 : i32
      %mul3A_110 = arith.muli %mul3A_109, %scan3A_26 : i32
      %add3A_111 = arith.constant 1 : i32
      %add3A_112 = arith.addi %mul3A_110, %add3A_111 : i32
      %mul3A_113 = arith.constant 128 : i32
      %mul3A_114 = arith.muli %add3A_112, %mul3A_113 : i32
      %add3A_115 = arith.addi %mul3A_4, %mul3A_114 : i32
      %dma_start3A_116 = arith.constant 0 : i32
      %dma_start3A_117 = tpu.memref_slice %arg5[%add3A_115, %dma_start3A_116] : memref<327680x128xf32, #tpu.memory_space<hbm>> -> memref<128x128xf32, #tpu.memory_space<hbm>>
      %dma_start3A_118 = arith.constant 0 : i32
      %dma_start3A_119 = tpu.memref_slice %arg5[%add3A_115, %dma_start3A_118] : memref<327680x128xf32, #tpu.memory_space<hbm>> -> memref<128x128xf32, #tpu.memory_space<hbm>>
      tpu.enqueue_dma source(%arg10 : memref<128x128xf32, #tpu.memory_space<vmem>>) target(%dma_start3A_119 : memref<128x128xf32, #tpu.memory_space<hbm>>) target_semaphore(%arg18 : memref<!tpu.dma_semaphore, #tpu.memory_space<semaphore_mem>>)
      %dma_wait3A_120 = arith.constant 0 : i32
      %dma_wait3A_121 = arith.constant 0 : i32
      %dma_wait3A_122 = tpu.memref_slice %arg8[%dma_wait3A_120, %dma_wait3A_121] : memref<80x128xi32, #tpu.memory_space<vmem>> -> memref<1x128xi32, #tpu.memory_space<vmem>>
      %dma_wait3A_123 = tpu.memref_squeeze %dma_wait3A_122 : memref<1x128xi32, #tpu.memory_space<vmem>> -> memref<128xi32, #tpu.memory_space<vmem>>
      %dma_wait3A_124 = arith.constant 0 : i32
      %dma_wait3A_125 = arith.constant 0 : i32
      %dma_wait3A_126 = tpu.memref_slice %arg2[%dma_wait3A_124, %dma_wait3A_125] : memref<80000x128xf32, #tpu.memory_space<hbm>> -> memref<80000x128xf32, #tpu.memory_space<hbm>>
      tpu.wait_indirect_dma semaphore(%arg15 : memref<!tpu.dma_semaphore, #tpu.memory_space<semaphore_mem>>) src(%dma_wait3A_126 : memref<80000x128xf32, #tpu.memory_space<hbm>>) dst(%arg11 : memref<128x128xf32, #tpu.memory_space<vmem>>)
      %mul3A_127 = arith.constant 2 : i32
      %mul3A_128 = arith.muli %mul3A_127, %scan3A_26 : i32
      %add3A_129 = arith.constant 0 : i32
      %add3A_130 = arith.addi %mul3A_128, %add3A_129 : i32
      %mul3A_131 = arith.constant 128 : i32
      %mul3A_132 = arith.muli %add3A_130, %mul3A_131 : i32
      %add3A_133 = arith.addi %mul3A_4, %mul3A_132 : i32
      %dma_start3A_134 = arith.constant 0 : i32
      %dma_start3A_135 = tpu.memref_slice %arg6[%add3A_133, %dma_start3A_134] : memref<327680x128xf32, #tpu.memory_space<hbm>> -> memref<128x128xf32, #tpu.memory_space<hbm>>
      %dma_start3A_136 = arith.constant 0 : i32
      %dma_start3A_137 = tpu.memref_slice %arg6[%add3A_133, %dma_start3A_136] : memref<327680x128xf32, #tpu.memory_space<hbm>> -> memref<128x128xf32, #tpu.memory_space<hbm>>
      tpu.enqueue_dma source(%arg11 : memref<128x128xf32, #tpu.memory_space<vmem>>) target(%dma_start3A_137 : memref<128x128xf32, #tpu.memory_space<hbm>>) target_semaphore(%arg19 : memref<!tpu.dma_semaphore, #tpu.memory_space<semaphore_mem>>)
      %dma_wait3A_138 = arith.constant 0 : i32
      %dma_wait3A_139 = arith.constant 0 : i32
      %dma_wait3A_140 = tpu.memref_slice %arg8[%dma_wait3A_138, %dma_wait3A_139] : memref<80x128xi32, #tpu.memory_space<vmem>> -> memref<1x128xi32, #tpu.memory_space<vmem>>
      %dma_wait3A_141 = tpu.memref_squeeze %dma_wait3A_140 : memref<1x128xi32, #tpu.memory_space<vmem>> -> memref<128xi32, #tpu.memory_space<vmem>>
      %dma_wait3A_142 = arith.constant 0 : i32
      %dma_wait3A_143 = arith.constant 0 : i32
      %dma_wait3A_144 = tpu.memref_slice %arg2[%dma_wait3A_142, %dma_wait3A_143] : memref<80000x128xf32, #tpu.memory_space<hbm>> -> memref<80000x128xf32, #tpu.memory_space<hbm>>
      tpu.wait_indirect_dma semaphore(%arg16 : memref<!tpu.dma_semaphore, #tpu.memory_space<semaphore_mem>>) src(%dma_wait3A_144 : memref<80000x128xf32, #tpu.memory_space<hbm>>) dst(%arg12 : memref<128x128xf32, #tpu.memory_space<vmem>>)
      %mul3A_145 = arith.constant 2 : i32
      %mul3A_146 = arith.muli %mul3A_145, %scan3A_26 : i32
      %add3A_147 = arith.constant 1 : i32
      %add3A_148 = arith.addi %mul3A_146, %add3A_147 : i32
      %mul3A_149 = arith.constant 128 : i32
      %mul3A_150 = arith.muli %add3A_148, %mul3A_149 : i32
      %add3A_151 = arith.addi %mul3A_4, %mul3A_150 : i32
      %dma_start3A_152 = arith.constant 0 : i32
      %dma_start3A_153 = tpu.memref_slice %arg6[%add3A_151, %dma_start3A_152] : memref<327680x128xf32, #tpu.memory_space<hbm>> -> memref<128x128xf32, #tpu.memory_space<hbm>>
      %dma_start3A_154 = arith.constant 0 : i32
      %dma_start3A_155 = tpu.memref_slice %arg6[%add3A_151, %dma_start3A_154] : memref<327680x128xf32, #tpu.memory_space<hbm>> -> memref<128x128xf32, #tpu.memory_space<hbm>>
      tpu.enqueue_dma source(%arg12 : memref<128x128xf32, #tpu.memory_space<vmem>>) target(%dma_start3A_155 : memref<128x128xf32, #tpu.memory_space<hbm>>) target_semaphore(%arg20 : memref<!tpu.dma_semaphore, #tpu.memory_space<semaphore_mem>>)
      %scan3A_156 = arith.constant 0 : i32
      scf.yield %scan3A_156 : i32
    }
    %scan3A_10 = arith.constant 40 : i32
    %dma_wait3A = arith.constant 0 : i32
    %dma_wait3A_11 = tpu.memref_slice %arg5[%mul3A_4, %dma_wait3A] : memref<327680x128xf32, #tpu.memory_space<hbm>> -> memref<128x128xf32, #tpu.memory_space<hbm>>
    %dma_wait3A_12 = arith.constant 0 : i32
    %dma_wait3A_13 = tpu.memref_slice %arg5[%mul3A_4, %dma_wait3A_12] : memref<327680x128xf32, #tpu.memory_space<hbm>> -> memref<128x128xf32, #tpu.memory_space<hbm>>
    tpu.wait_dma2 semaphore(%arg17 : memref<!tpu.dma_semaphore, #tpu.memory_space<semaphore_mem>>) src(%arg9 : memref<128x128xf32, #tpu.memory_space<vmem>>) dst(%dma_wait3A_13 : memref<128x128xf32, #tpu.memory_space<hbm>>)
    %dma_wait3A_14 = arith.constant 0 : i32
    %dma_wait3A_15 = tpu.memref_slice %arg5[%mul3A_4, %dma_wait3A_14] : memref<327680x128xf32, #tpu.memory_space<hbm>> -> memref<128x128xf32, #tpu.memory_space<hbm>>
    %dma_wait3A_16 = arith.constant 0 : i32
    %dma_wait3A_17 = tpu.memref_slice %arg5[%mul3A_4, %dma_wait3A_16] : memref<327680x128xf32, #tpu.memory_space<hbm>> -> memref<128x128xf32, #tpu.memory_space<hbm>>
    tpu.wait_dma2 semaphore(%arg18 : memref<!tpu.dma_semaphore, #tpu.memory_space<semaphore_mem>>) src(%arg10 : memref<128x128xf32, #tpu.memory_space<vmem>>) dst(%dma_wait3A_17 : memref<128x128xf32, #tpu.memory_space<hbm>>)
    %dma_wait3A_18 = arith.constant 0 : i32
    %dma_wait3A_19 = tpu.memref_slice %arg6[%mul3A_4, %dma_wait3A_18] : memref<327680x128xf32, #tpu.memory_space<hbm>> -> memref<128x128xf32, #tpu.memory_space<hbm>>
    %dma_wait3A_20 = arith.constant 0 : i32
    %dma_wait3A_21 = tpu.memref_slice %arg6[%mul3A_4, %dma_wait3A_20] : memref<327680x128xf32, #tpu.memory_space<hbm>> -> memref<128x128xf32, #tpu.memory_space<hbm>>
    tpu.wait_dma2 semaphore(%arg19 : memref<!tpu.dma_semaphore, #tpu.memory_space<semaphore_mem>>) src(%arg11 : memref<128x128xf32, #tpu.memory_space<vmem>>) dst(%dma_wait3A_21 : memref<128x128xf32, #tpu.memory_space<hbm>>)
    %dma_wait3A_22 = arith.constant 0 : i32
    %dma_wait3A_23 = tpu.memref_slice %arg6[%mul3A_4, %dma_wait3A_22] : memref<327680x128xf32, #tpu.memory_space<hbm>> -> memref<128x128xf32, #tpu.memory_space<hbm>>
    %dma_wait3A_24 = arith.constant 0 : i32
    %dma_wait3A_25 = tpu.memref_slice %arg6[%mul3A_4, %dma_wait3A_24] : memref<327680x128xf32, #tpu.memory_space<hbm>> -> memref<128x128xf32, #tpu.memory_space<hbm>>
    tpu.wait_dma2 semaphore(%arg20 : memref<!tpu.dma_semaphore, #tpu.memory_space<semaphore_mem>>) src(%arg12 : memref<128x128xf32, #tpu.memory_space<vmem>>) dst(%dma_wait3A_25 : memref<128x128xf32, #tpu.memory_space<hbm>>)
    return
  }
}

#map = affine_map<(d0, d1) -> (0, 0)>
#map1 = affine_map<(d0, d1) -> (0, 0, 0)>
module attributes {stable_mosaic.version = 14 : i64} {
  func.func @body(%arg0: i32, %arg1: i32, %arg2: memref<80000x128xf32, #tpu.memory_space<hbm>>, %arg3: memref<32x80x128xi32, #tpu.memory_space<hbm>>, %arg4: memref<32x80x128xi32, #tpu.memory_space<hbm>>, %arg5: memref<327680x128xf32, #tpu.memory_space<hbm>>, %arg6: memref<327680x128xf32, #tpu.memory_space<hbm>>, %arg7: memref<80x128xi32, #tpu.memory_space<vmem>>, %arg8: memref<80x128xi32, #tpu.memory_space<vmem>>, %arg9: memref<128x128xf32, #tpu.memory_space<vmem>>, %arg10: memref<128x128xf32, #tpu.memory_space<vmem>>, %arg11: memref<128x128xf32, #tpu.memory_space<vmem>>, %arg12: memref<128x128xf32, #tpu.memory_space<vmem>>, %arg13: memref<!tpu.dma_semaphore, #tpu.memory_space<semaphore_mem>>, %arg14: memref<!tpu.dma_semaphore, #tpu.memory_space<semaphore_mem>>, %arg15: memref<!tpu.dma_semaphore, #tpu.memory_space<semaphore_mem>>, %arg16: memref<!tpu.dma_semaphore, #tpu.memory_space<semaphore_mem>>, %arg17: memref<!tpu.dma_semaphore, #tpu.memory_space<semaphore_mem>>, %arg18: memref<!tpu.dma_semaphore, #tpu.memory_space<semaphore_mem>>, %arg19: memref<!tpu.dma_semaphore, #tpu.memory_space<semaphore_mem>>, %arg20: memref<!tpu.dma_semaphore, #tpu.memory_space<semaphore_mem>>) attributes {dimension_semantics = [#tpu.dimension_semantics<core_parallel>, #tpu.dimension_semantics<subcore_parallel>], iteration_bounds = array<i64: 2, 16>, scalar_prefetch = 0 : i64, scratch_operands = 14 : i64, tpu.core_type = #tpu.core_type<sc_vector_subcore>, window_params = [{transform_indices = #map}, {transform_indices = #map1}, {transform_indices = #map1}, {transform_indices = #map}, {transform_indices = #map}]} {
    %mul3A = arith.constant 2 : i32
    %mul3A_0 = arith.muli %arg1, %mul3A : i32
    %add3A = arith.addi %mul3A_0, %arg0 : i32
    "tpu.region"() ({
      %run_scoped3A = tpu.sem_alloc : memref<!tpu.dma_semaphore, #tpu.memory_space<semaphore_mem>>
      %dma_start3A = arith.constant 0 : i32
      %dma_start3A_26 = arith.constant 0 : i32
      %dma_start3A_27 = tpu.memref_slice %arg3[%add3A, %dma_start3A, %dma_start3A_26] : memref<32x80x128xi32, #tpu.memory_space<hbm>> -> memref<1x80x128xi32, #tpu.memory_space<hbm>>
      %dma_start3A_28 = tpu.memref_squeeze %dma_start3A_27 : memref<1x80x128xi32, #tpu.memory_space<hbm>> -> memref<80x128xi32, #tpu.memory_space<hbm>>
      %dma_start3A_29 = arith.constant 0 : i32
      %dma_start3A_30 = arith.constant 0 : i32
      %dma_start3A_31 = tpu.memref_slice %arg3[%add3A, %dma_start3A_29, %dma_start3A_30] : memref<32x80x128xi32, #tpu.memory_space<hbm>> -> memref<1x80x128xi32, #tpu.memory_space<hbm>>
      %dma_start3A_32 = tpu.memref_squeeze %dma_start3A_31 : memref<1x80x128xi32, #tpu.memory_space<hbm>> -> memref<80x128xi32, #tpu.memory_space<hbm>>
      tpu.enqueue_dma source(%dma_start3A_32 : memref<80x128xi32, #tpu.memory_space<hbm>>) target(%arg7 : memref<80x128xi32, #tpu.memory_space<vmem>>) target_semaphore(%run_scoped3A : memref<!tpu.dma_semaphore, #tpu.memory_space<semaphore_mem>>)
      %dma_wait3A_33 = arith.constant 0 : i32
      %dma_wait3A_34 = arith.constant 0 : i32
      %dma_wait3A_35 = tpu.memref_slice %arg3[%add3A, %dma_wait3A_33, %dma_wait3A_34] : memref<32x80x128xi32, #tpu.memory_space<hbm>> -> memref<1x80x128xi32, #tpu.memory_space<hbm>>
      %dma_wait3A_36 = tpu.memref_squeeze %dma_wait3A_35 : memref<1x80x128xi32, #tpu.memory_space<hbm>> -> memref<80x128xi32, #tpu.memory_space<hbm>>
      %dma_wait3A_37 = arith.constant 0 : i32
      %dma_wait3A_38 = arith.constant 0 : i32
      %dma_wait3A_39 = tpu.memref_slice %arg3[%add3A, %dma_wait3A_37, %dma_wait3A_38] : memref<32x80x128xi32, #tpu.memory_space<hbm>> -> memref<1x80x128xi32, #tpu.memory_space<hbm>>
      %dma_wait3A_40 = tpu.memref_squeeze %dma_wait3A_39 : memref<1x80x128xi32, #tpu.memory_space<hbm>> -> memref<80x128xi32, #tpu.memory_space<hbm>>
      tpu.wait_dma2 semaphore(%run_scoped3A : memref<!tpu.dma_semaphore, #tpu.memory_space<semaphore_mem>>) src(%dma_wait3A_40 : memref<80x128xi32, #tpu.memory_space<hbm>>) dst(%arg7 : memref<80x128xi32, #tpu.memory_space<vmem>>)
      tpu.yield
    }) : () -> ()
    "tpu.region"() ({
      %run_scoped3A = tpu.sem_alloc : memref<!tpu.dma_semaphore, #tpu.memory_space<semaphore_mem>>
      %dma_start3A = arith.constant 0 : i32
      %dma_start3A_26 = arith.constant 0 : i32
      %dma_start3A_27 = tpu.memref_slice %arg4[%add3A, %dma_start3A, %dma_start3A_26] : memref<32x80x128xi32, #tpu.memory_space<hbm>> -> memref<1x80x128xi32, #tpu.memory_space<hbm>>
      %dma_start3A_28 = tpu.memref_squeeze %dma_start3A_27 : memref<1x80x128xi32, #tpu.memory_space<hbm>> -> memref<80x128xi32, #tpu.memory_space<hbm>>
      %dma_start3A_29 = arith.constant 0 : i32
      %dma_start3A_30 = arith.constant 0 : i32
      %dma_start3A_31 = tpu.memref_slice %arg4[%add3A, %dma_start3A_29, %dma_start3A_30] : memref<32x80x128xi32, #tpu.memory_space<hbm>> -> memref<1x80x128xi32, #tpu.memory_space<hbm>>
      %dma_start3A_32 = tpu.memref_squeeze %dma_start3A_31 : memref<1x80x128xi32, #tpu.memory_space<hbm>> -> memref<80x128xi32, #tpu.memory_space<hbm>>
      tpu.enqueue_dma source(%dma_start3A_32 : memref<80x128xi32, #tpu.memory_space<hbm>>) target(%arg8 : memref<80x128xi32, #tpu.memory_space<vmem>>) target_semaphore(%run_scoped3A : memref<!tpu.dma_semaphore, #tpu.memory_space<semaphore_mem>>)
      %dma_wait3A_33 = arith.constant 0 : i32
      %dma_wait3A_34 = arith.constant 0 : i32
      %dma_wait3A_35 = tpu.memref_slice %arg4[%add3A, %dma_wait3A_33, %dma_wait3A_34] : memref<32x80x128xi32, #tpu.memory_space<hbm>> -> memref<1x80x128xi32, #tpu.memory_space<hbm>>
      %dma_wait3A_36 = tpu.memref_squeeze %dma_wait3A_35 : memref<1x80x128xi32, #tpu.memory_space<hbm>> -> memref<80x128xi32, #tpu.memory_space<hbm>>
      %dma_wait3A_37 = arith.constant 0 : i32
      %dma_wait3A_38 = arith.constant 0 : i32
      %dma_wait3A_39 = tpu.memref_slice %arg4[%add3A, %dma_wait3A_37, %dma_wait3A_38] : memref<32x80x128xi32, #tpu.memory_space<hbm>> -> memref<1x80x128xi32, #tpu.memory_space<hbm>>
      %dma_wait3A_40 = tpu.memref_squeeze %dma_wait3A_39 : memref<1x80x128xi32, #tpu.memory_space<hbm>> -> memref<80x128xi32, #tpu.memory_space<hbm>>
      tpu.wait_dma2 semaphore(%run_scoped3A : memref<!tpu.dma_semaphore, #tpu.memory_space<semaphore_mem>>) src(%dma_wait3A_40 : memref<80x128xi32, #tpu.memory_space<hbm>>) dst(%arg8 : memref<80x128xi32, #tpu.memory_space<vmem>>)
      tpu.yield
    }) : () -> ()
    %mul3A_1 = arith.constant 80 : i32
    %mul3A_2 = arith.muli %add3A, %mul3A_1 : i32
    %mul3A_3 = arith.constant 128 : i32
    %mul3A_4 = arith.muli %mul3A_2, %mul3A_3 : i32
    %scan3A = arith.constant 0 : i32
    %scan3A_5 = arith.constant 0 : i32
    %scan3A_6 = arith.constant 40 : i32
    %scan3A_7 = arith.addi %scan3A_5, %scan3A_6 : i32
    %scan3A_8 = arith.constant 1 : i32
    %scan3A_9 = scf.for %scan3A_26 = %scan3A_5 to %scan3A_7 step %scan3A_8 iter_args(%scan3A_27 = %scan3A) -> (i32)  : i32 {
      %gt3A = arith.constant 0 : i32
      %gt3A_28 = arith.cmpi sgt, %scan3A_26, %gt3A : i32
      %convert_element_type3A = arith.extui %gt3A_28 : i1 to i32
      %cond3A = arith.constant 0 : i32
      %cond3A_29 = arith.cmpi ne, %convert_element_type3A, %cond3A : i32
      scf.if %cond3A_29 {
        %dma_wait3A_157 = arith.constant 0 : i32
        %dma_wait3A_158 = tpu.memref_slice %arg5[%mul3A_4, %dma_wait3A_157] : memref<327680x128xf32, #tpu.memory_space<hbm>> -> memref<128x128xf32, #tpu.memory_space<hbm>>
        %dma_wait3A_159 = arith.constant 0 : i32
        %dma_wait3A_160 = tpu.memref_slice %arg5[%mul3A_4, %dma_wait3A_159] : memref<327680x128xf32, #tpu.memory_space<hbm>> -> memref<128x128xf32, #tpu.memory_space<hbm>>
        tpu.wait_dma2 semaphore(%arg17 : memref<!tpu.dma_semaphore, #tpu.memory_space<semaphore_mem>>) src(%arg9 : memref<128x128xf32, #tpu.memory_space<vmem>>) dst(%dma_wait3A_160 : memref<128x128xf32, #tpu.memory_space<hbm>>)
      } else {
      }
      %mul3A_30 = arith.constant 2 : i32
      %mul3A_31 = arith.muli %mul3A_30, %scan3A_26 : i32
      %add3A_32 = arith.constant 0 : i32
      %add3A_33 = arith.addi %mul3A_31, %add3A_32 : i32
      %dma_start3A = arith.constant 0 : i32
      %dma_start3A_34 = tpu.memref_slice %arg7[%add3A_33, %dma_start3A] : memref<80x128xi32, #tpu.memory_space<vmem>> -> memref<1x128xi32, #tpu.memory_space<vmem>>
      %dma_start3A_35 = tpu.memref_squeeze %dma_start3A_34 : memref<1x128xi32, #tpu.memory_space<vmem>> -> memref<128xi32, #tpu.memory_space<vmem>>
      %dma_start3A_36 = arith.constant 0 : i32
      %dma_start3A_37 = arith.constant 0 : i32
      %dma_start3A_38 = tpu.memref_slice %arg2[%dma_start3A_36, %dma_start3A_37] : memref<80000x128xf32, #tpu.memory_space<hbm>> -> memref<80000x128xf32, #tpu.memory_space<hbm>>
      tpu.enqueue_indirect_dma source(%dma_start3A_38 : memref<80000x128xf32, #tpu.memory_space<hbm>>) target(%arg9 : memref<128x128xf32, #tpu.memory_space<vmem>>) offsets(%dma_start3A_35 : memref<128xi32, #tpu.memory_space<vmem>>) semaphore(%arg13 : memref<!tpu.dma_semaphore, #tpu.memory_space<semaphore_mem>>)
      %gt3A_39 = arith.constant 0 : i32
      %gt3A_40 = arith.cmpi sgt, %scan3A_26, %gt3A_39 : i32
      %convert_element_type3A_41 = arith.extui %gt3A_40 : i1 to i32
      %cond3A_42 = arith.constant 0 : i32
      %cond3A_43 = arith.cmpi ne, %convert_element_type3A_41, %cond3A_42 : i32
      scf.if %cond3A_43 {
        %dma_wait3A_157 = arith.constant 0 : i32
        %dma_wait3A_158 = tpu.memref_slice %arg5[%mul3A_4, %dma_wait3A_157] : memref<327680x128xf32, #tpu.memory_space<hbm>> -> memref<128x128xf32, #tpu.memory_space<hbm>>
        %dma_wait3A_159 = arith.constant 0 : i32
        %dma_wait3A_160 = tpu.memref_slice %arg5[%mul3A_4, %dma_wait3A_159] : memref<327680x128xf32, #tpu.memory_space<hbm>> -> memref<128x128xf32, #tpu.memory_space<hbm>>
        tpu.wait_dma2 semaphore(%arg18 : memref<!tpu.dma_semaphore, #tpu.memory_space<semaphore_mem>>) src(%arg10 : memref<128x128xf32, #tpu.memory_space<vmem>>) dst(%dma_wait3A_160 : memref<128x128xf32, #tpu.memory_space<hbm>>)
      } else {
      }
      %mul3A_44 = arith.constant 2 : i32
      %mul3A_45 = arith.muli %mul3A_44, %scan3A_26 : i32
      %add3A_46 = arith.constant 1 : i32
      %add3A_47 = arith.addi %mul3A_45, %add3A_46 : i32
      %dma_start3A_48 = arith.constant 0 : i32
      %dma_start3A_49 = tpu.memref_slice %arg7[%add3A_47, %dma_start3A_48] : memref<80x128xi32, #tpu.memory_space<vmem>> -> memref<1x128xi32, #tpu.memory_space<vmem>>
      %dma_start3A_50 = tpu.memref_squeeze %dma_start3A_49 : memref<1x128xi32, #tpu.memory_space<vmem>> -> memref<128xi32, #tpu.memory_space<vmem>>
      %dma_start3A_51 = arith.constant 0 : i32
      %dma_start3A_52 = arith.constant 0 : i32
      %dma_start3A_53 = tpu.memref_slice %arg2[%dma_start3A_51, %dma_start3A_52] : memref<80000x128xf32, #tpu.memory_space<hbm>> -> memref<80000x128xf32, #tpu.memory_space<hbm>>
      tpu.enqueue_indirect_dma source(%dma_start3A_53 : memref<80000x128xf32, #tpu.memory_space<hbm>>) target(%arg10 : memref<128x128xf32, #tpu.memory_space<vmem>>) offsets(%dma_start3A_50 : memref<128xi32, #tpu.memory_space<vmem>>) semaphore(%arg14 : memref<!tpu.dma_semaphore, #tpu.memory_space<semaphore_mem>>)
      %gt3A_54 = arith.constant 0 : i32
      %gt3A_55 = arith.cmpi sgt, %scan3A_26, %gt3A_54 : i32
      %convert_element_type3A_56 = arith.extui %gt3A_55 : i1 to i32
      %cond3A_57 = arith.constant 0 : i32
      %cond3A_58 = arith.cmpi ne, %convert_element_type3A_56, %cond3A_57 : i32
      scf.if %cond3A_58 {
        %dma_wait3A_157 = arith.constant 0 : i32
        %dma_wait3A_158 = tpu.memref_slice %arg6[%mul3A_4, %dma_wait3A_157] : memref<327680x128xf32, #tpu.memory_space<hbm>> -> memref<128x128xf32, #tpu.memory_space<hbm>>
        %dma_wait3A_159 = arith.constant 0 : i32
        %dma_wait3A_160 = tpu.memref_slice %arg6[%mul3A_4, %dma_wait3A_159] : memref<327680x128xf32, #tpu.memory_space<hbm>> -> memref<128x128xf32, #tpu.memory_space<hbm>>
        tpu.wait_dma2 semaphore(%arg19 : memref<!tpu.dma_semaphore, #tpu.memory_space<semaphore_mem>>) src(%arg11 : memref<128x128xf32, #tpu.memory_space<vmem>>) dst(%dma_wait3A_160 : memref<128x128xf32, #tpu.memory_space<hbm>>)
      } else {
      }
      %mul3A_59 = arith.constant 2 : i32
      %mul3A_60 = arith.muli %mul3A_59, %scan3A_26 : i32
      %add3A_61 = arith.constant 0 : i32
      %add3A_62 = arith.addi %mul3A_60, %add3A_61 : i32
      %dma_start3A_63 = arith.constant 0 : i32
      %dma_start3A_64 = tpu.memref_slice %arg8[%add3A_62, %dma_start3A_63] : memref<80x128xi32, #tpu.memory_space<vmem>> -> memref<1x128xi32, #tpu.memory_space<vmem>>
      %dma_start3A_65 = tpu.memref_squeeze %dma_start3A_64 : memref<1x128xi32, #tpu.memory_space<vmem>> -> memref<128xi32, #tpu.memory_space<vmem>>
      %dma_start3A_66 = arith.constant 0 : i32
      %dma_start3A_67 = arith.constant 0 : i32
      %dma_start3A_68 = tpu.memref_slice %arg2[%dma_start3A_66, %dma_start3A_67] : memref<80000x128xf32, #tpu.memory_space<hbm>> -> memref<80000x128xf32, #tpu.memory_space<hbm>>
      tpu.enqueue_indirect_dma source(%dma_start3A_68 : memref<80000x128xf32, #tpu.memory_space<hbm>>) target(%arg11 : memref<128x128xf32, #tpu.memory_space<vmem>>) offsets(%dma_start3A_65 : memref<128xi32, #tpu.memory_space<vmem>>) semaphore(%arg15 : memref<!tpu.dma_semaphore, #tpu.memory_space<semaphore_mem>>)
      %gt3A_69 = arith.constant 0 : i32
      %gt3A_70 = arith.cmpi sgt, %scan3A_26, %gt3A_69 : i32
      %convert_element_type3A_71 = arith.extui %gt3A_70 : i1 to i32
      %cond3A_72 = arith.constant 0 : i32
      %cond3A_73 = arith.cmpi ne, %convert_element_type3A_71, %cond3A_72 : i32
      scf.if %cond3A_73 {
        %dma_wait3A_157 = arith.constant 0 : i32
        %dma_wait3A_158 = tpu.memref_slice %arg6[%mul3A_4, %dma_wait3A_157] : memref<327680x128xf32, #tpu.memory_space<hbm>> -> memref<128x128xf32, #tpu.memory_space<hbm>>
        %dma_wait3A_159 = arith.constant 0 : i32
        %dma_wait3A_160 = tpu.memref_slice %arg6[%mul3A_4, %dma_wait3A_159] : memref<327680x128xf32, #tpu.memory_space<hbm>> -> memref<128x128xf32, #tpu.memory_space<hbm>>
        tpu.wait_dma2 semaphore(%arg20 : memref<!tpu.dma_semaphore, #tpu.memory_space<semaphore_mem>>) src(%arg12 : memref<128x128xf32, #tpu.memory_space<vmem>>) dst(%dma_wait3A_160 : memref<128x128xf32, #tpu.memory_space<hbm>>)
      } else {
      }
      %mul3A_74 = arith.constant 2 : i32
      %mul3A_75 = arith.muli %mul3A_74, %scan3A_26 : i32
      %add3A_76 = arith.constant 1 : i32
      %add3A_77 = arith.addi %mul3A_75, %add3A_76 : i32
      %dma_start3A_78 = arith.constant 0 : i32
      %dma_start3A_79 = tpu.memref_slice %arg8[%add3A_77, %dma_start3A_78] : memref<80x128xi32, #tpu.memory_space<vmem>> -> memref<1x128xi32, #tpu.memory_space<vmem>>
      %dma_start3A_80 = tpu.memref_squeeze %dma_start3A_79 : memref<1x128xi32, #tpu.memory_space<vmem>> -> memref<128xi32, #tpu.memory_space<vmem>>
      %dma_start3A_81 = arith.constant 0 : i32
      %dma_start3A_82 = arith.constant 0 : i32
      %dma_start3A_83 = tpu.memref_slice %arg2[%dma_start3A_81, %dma_start3A_82] : memref<80000x128xf32, #tpu.memory_space<hbm>> -> memref<80000x128xf32, #tpu.memory_space<hbm>>
      tpu.enqueue_indirect_dma source(%dma_start3A_83 : memref<80000x128xf32, #tpu.memory_space<hbm>>) target(%arg12 : memref<128x128xf32, #tpu.memory_space<vmem>>) offsets(%dma_start3A_80 : memref<128xi32, #tpu.memory_space<vmem>>) semaphore(%arg16 : memref<!tpu.dma_semaphore, #tpu.memory_space<semaphore_mem>>)
      %dma_wait3A_84 = arith.constant 0 : i32
      %dma_wait3A_85 = arith.constant 0 : i32
      %dma_wait3A_86 = tpu.memref_slice %arg7[%dma_wait3A_84, %dma_wait3A_85] : memref<80x128xi32, #tpu.memory_space<vmem>> -> memref<1x128xi32, #tpu.memory_space<vmem>>
      %dma_wait3A_87 = tpu.memref_squeeze %dma_wait3A_86 : memref<1x128xi32, #tpu.memory_space<vmem>> -> memref<128xi32, #tpu.memory_space<vmem>>
      %dma_wait3A_88 = arith.constant 0 : i32
      %dma_wait3A_89 = arith.constant 0 : i32
      %dma_wait3A_90 = tpu.memref_slice %arg2[%dma_wait3A_88, %dma_wait3A_89] : memref<80000x128xf32, #tpu.memory_space<hbm>> -> memref<80000x128xf32, #tpu.memory_space<hbm>>
      tpu.wait_indirect_dma semaphore(%arg13 : memref<!tpu.dma_semaphore, #tpu.memory_space<semaphore_mem>>) src(%dma_wait3A_90 : memref<80000x128xf32, #tpu.memory_space<hbm>>) dst(%arg9 : memref<128x128xf32, #tpu.memory_space<vmem>>)
      %mul3A_91 = arith.constant 2 : i32
      %mul3A_92 = arith.muli %mul3A_91, %scan3A_26 : i32
      %add3A_93 = arith.constant 0 : i32
      %add3A_94 = arith.addi %mul3A_92, %add3A_93 : i32
      %mul3A_95 = arith.constant 128 : i32
      %mul3A_96 = arith.muli %add3A_94, %mul3A_95 : i32
      %add3A_97 = arith.addi %mul3A_4, %mul3A_96 : i32
      %dma_start3A_98 = arith.constant 0 : i32
      %dma_start3A_99 = tpu.memref_slice %arg5[%add3A_97, %dma_start3A_98] : memref<327680x128xf32, #tpu.memory_space<hbm>> -> memref<128x128xf32, #tpu.memory_space<hbm>>
      %dma_start3A_100 = arith.constant 0 : i32
      %dma_start3A_101 = tpu.memref_slice %arg5[%add3A_97, %dma_start3A_100] : memref<327680x128xf32, #tpu.memory_space<hbm>> -> memref<128x128xf32, #tpu.memory_space<hbm>>
      tpu.enqueue_dma source(%arg9 : memref<128x128xf32, #tpu.memory_space<vmem>>) target(%dma_start3A_101 : memref<128x128xf32, #tpu.memory_space<hbm>>) target_semaphore(%arg17 : memref<!tpu.dma_semaphore, #tpu.memory_space<semaphore_mem>>)
      %dma_wait3A_102 = arith.constant 0 : i32
      %dma_wait3A_103 = arith.constant 0 : i32
      %dma_wait3A_104 = tpu.memref_slice %arg7[%dma_wait3A_102, %dma_wait3A_103] : memref<80x128xi32, #tpu.memory_space<vmem>> -> memref<1x128xi32, #tpu.memory_space<vmem>>
      %dma_wait3A_105 = tpu.memref_squeeze %dma_wait3A_104 : memref<1x128xi32, #tpu.memory_space<vmem>> -> memref<128xi32, #tpu.memory_space<vmem>>
      %dma_wait3A_106 = arith.constant 0 : i32
      %dma_wait3A_107 = arith.constant 0 : i32
      %dma_wait3A_108 = tpu.memref_slice %arg2[%dma_wait3A_106, %dma_wait3A_107] : memref<80000x128xf32, #tpu.memory_space<hbm>> -> memref<80000x128xf32, #tpu.memory_space<hbm>>
      tpu.wait_indirect_dma semaphore(%arg14 : memref<!tpu.dma_semaphore, #tpu.memory_space<semaphore_mem>>) src(%dma_wait3A_108 : memref<80000x128xf32, #tpu.memory_space<hbm>>) dst(%arg10 : memref<128x128xf32, #tpu.memory_space<vmem>>)
      %mul3A_109 = arith.constant 2 : i32
      %mul3A_110 = arith.muli %mul3A_109, %scan3A_26 : i32
      %add3A_111 = arith.constant 1 : i32
      %add3A_112 = arith.addi %mul3A_110, %add3A_111 : i32
      %mul3A_113 = arith.constant 128 : i32
      %mul3A_114 = arith.muli %add3A_112, %mul3A_113 : i32
      %add3A_115 = arith.addi %mul3A_4, %mul3A_114 : i32
      %dma_start3A_116 = arith.constant 0 : i32
      %dma_start3A_117 = tpu.memref_slice %arg5[%add3A_115, %dma_start3A_116] : memref<327680x128xf32, #tpu.memory_space<hbm>> -> memref<128x128xf32, #tpu.memory_space<hbm>>
      %dma_start3A_118 = arith.constant 0 : i32
      %dma_start3A_119 = tpu.memref_slice %arg5[%add3A_115, %dma_start3A_118] : memref<327680x128xf32, #tpu.memory_space<hbm>> -> memref<128x128xf32, #tpu.memory_space<hbm>>
      tpu.enqueue_dma source(%arg10 : memref<128x128xf32, #tpu.memory_space<vmem>>) target(%dma_start3A_119 : memref<128x128xf32, #tpu.memory_space<hbm>>) target_semaphore(%arg18 : memref<!tpu.dma_semaphore, #tpu.memory_space<semaphore_mem>>)
      %dma_wait3A_120 = arith.constant 0 : i32
      %dma_wait3A_121 = arith.constant 0 : i32
      %dma_wait3A_122 = tpu.memref_slice %arg8[%dma_wait3A_120, %dma_wait3A_121] : memref<80x128xi32, #tpu.memory_space<vmem>> -> memref<1x128xi32, #tpu.memory_space<vmem>>
      %dma_wait3A_123 = tpu.memref_squeeze %dma_wait3A_122 : memref<1x128xi32, #tpu.memory_space<vmem>> -> memref<128xi32, #tpu.memory_space<vmem>>
      %dma_wait3A_124 = arith.constant 0 : i32
      %dma_wait3A_125 = arith.constant 0 : i32
      %dma_wait3A_126 = tpu.memref_slice %arg2[%dma_wait3A_124, %dma_wait3A_125] : memref<80000x128xf32, #tpu.memory_space<hbm>> -> memref<80000x128xf32, #tpu.memory_space<hbm>>
      tpu.wait_indirect_dma semaphore(%arg15 : memref<!tpu.dma_semaphore, #tpu.memory_space<semaphore_mem>>) src(%dma_wait3A_126 : memref<80000x128xf32, #tpu.memory_space<hbm>>) dst(%arg11 : memref<128x128xf32, #tpu.memory_space<vmem>>)
      %mul3A_127 = arith.constant 2 : i32
      %mul3A_128 = arith.muli %mul3A_127, %scan3A_26 : i32
      %add3A_129 = arith.constant 0 : i32
      %add3A_130 = arith.addi %mul3A_128, %add3A_129 : i32
      %mul3A_131 = arith.constant 128 : i32
      %mul3A_132 = arith.muli %add3A_130, %mul3A_131 : i32
      %add3A_133 = arith.addi %mul3A_4, %mul3A_132 : i32
      %dma_start3A_134 = arith.constant 0 : i32
      %dma_start3A_135 = tpu.memref_slice %arg6[%add3A_133, %dma_start3A_134] : memref<327680x128xf32, #tpu.memory_space<hbm>> -> memref<128x128xf32, #tpu.memory_space<hbm>>
      %dma_start3A_136 = arith.constant 0 : i32
      %dma_start3A_137 = tpu.memref_slice %arg6[%add3A_133, %dma_start3A_136] : memref<327680x128xf32, #tpu.memory_space<hbm>> -> memref<128x128xf32, #tpu.memory_space<hbm>>
      tpu.enqueue_dma source(%arg11 : memref<128x128xf32, #tpu.memory_space<vmem>>) target(%dma_start3A_137 : memref<128x128xf32, #tpu.memory_space<hbm>>) target_semaphore(%arg19 : memref<!tpu.dma_semaphore, #tpu.memory_space<semaphore_mem>>)
      %dma_wait3A_138 = arith.constant 0 : i32
      %dma_wait3A_139 = arith.constant 0 : i32
      %dma_wait3A_140 = tpu.memref_slice %arg8[%dma_wait3A_138, %dma_wait3A_139] : memref<80x128xi32, #tpu.memory_space<vmem>> -> memref<1x128xi32, #tpu.memory_space<vmem>>
      %dma_wait3A_141 = tpu.memref_squeeze %dma_wait3A_140 : memref<1x128xi32, #tpu.memory_space<vmem>> -> memref<128xi32, #tpu.memory_space<vmem>>
      %dma_wait3A_142 = arith.constant 0 : i32
      %dma_wait3A_143 = arith.constant 0 : i32
      %dma_wait3A_144 = tpu.memref_slice %arg2[%dma_wait3A_142, %dma_wait3A_143] : memref<80000x128xf32, #tpu.memory_space<hbm>> -> memref<80000x128xf32, #tpu.memory_space<hbm>>
      tpu.wait_indirect_dma semaphore(%arg16 : memref<!tpu.dma_semaphore, #tpu.memory_space<semaphore_mem>>) src(%dma_wait3A_144 : memref<80000x128xf32, #tpu.memory_space<hbm>>) dst(%arg12 : memref<128x128xf32, #tpu.memory_space<vmem>>)
      %mul3A_145 = arith.constant 2 : i32
      %mul3A_146 = arith.muli %mul3A_145, %scan3A_26 : i32
      %add3A_147 = arith.constant 1 : i32
      %add3A_148 = arith.addi %mul3A_146, %add3A_147 : i32
      %mul3A_149 = arith.constant 128 : i32
      %mul3A_150 = arith.muli %add3A_148, %mul3A_149 : i32
      %add3A_151 = arith.addi %mul3A_4, %mul3A_150 : i32
      %dma_start3A_152 = arith.constant 0 : i32
      %dma_start3A_153 = tpu.memref_slice %arg6[%add3A_151, %dma_start3A_152] : memref<327680x128xf32, #tpu.memory_space<hbm>> -> memref<128x128xf32, #tpu.memory_space<hbm>>
      %dma_start3A_154 = arith.constant 0 : i32
      %dma_start3A_155 = tpu.memref_slice %arg6[%add3A_151, %dma_start3A_154] : memref<327680x128xf32, #tpu.memory_space<hbm>> -> memref<128x128xf32, #tpu.memory_space<hbm>>
      tpu.enqueue_dma source(%arg12 : memref<128x128xf32, #tpu.memory_space<vmem>>) target(%dma_start3A_155 : memref<128x128xf32, #tpu.memory_space<hbm>>) target_semaphore(%arg20 : memref<!tpu.dma_semaphore, #tpu.memory_space<semaphore_mem>>)
      %scan3A_156 = arith.constant 0 : i32
      scf.yield %scan3A_156 : i32
    }
    %scan3A_10 = arith.constant 40 : i32
    %dma_wait3A = arith.constant 0 : i32
    %dma_wait3A_11 = tpu.memref_slice %arg5[%mul3A_4, %dma_wait3A] : memref<327680x128xf32, #tpu.memory_space<hbm>> -> memref<128x128xf32, #tpu.memory_space<hbm>>
    %dma_wait3A_12 = arith.constant 0 : i32
    %dma_wait3A_13 = tpu.memref_slice %arg5[%mul3A_4, %dma_wait3A_12] : memref<327680x128xf32, #tpu.memory_space<hbm>> -> memref<128x128xf32, #tpu.memory_space<hbm>>
    tpu.wait_dma2 semaphore(%arg17 : memref<!tpu.dma_semaphore, #tpu.memory_space<semaphore_mem>>) src(%arg9 : memref<128x128xf32, #tpu.memory_space<vmem>>) dst(%dma_wait3A_13 : memref<128x128xf32, #tpu.memory_space<hbm>>)
    %dma_wait3A_14 = arith.constant 0 : i32
    %dma_wait3A_15 = tpu.memref_slice %arg5[%mul3A_4, %dma_wait3A_14] : memref<327680x128xf32, #tpu.memory_space<hbm>> -> memref<128x128xf32, #tpu.memory_space<hbm>>
    %dma_wait3A_16 = arith.constant 0 : i32
    %dma_wait3A_17 = tpu.memref_slice %arg5[%mul3A_4, %dma_wait3A_16] : memref<327680x128xf32, #tpu.memory_space<hbm>> -> memref<128x128xf32, #tpu.memory_space<hbm>>
    tpu.wait_dma2 semaphore(%arg18 : memref<!tpu.dma_semaphore, #tpu.memory_space<semaphore_mem>>) src(%arg10 : memref<128x128xf32, #tpu.memory_space<vmem>>) dst(%dma_wait3A_17 : memref<128x128xf32, #tpu.memory_space<hbm>>)
    %dma_wait3A_18 = arith.constant 0 : i32
    %dma_wait3A_19 = tpu.memref_slice %arg6[%mul3A_4, %dma_wait3A_18] : memref<327680x128xf32, #tpu.memory_space<hbm>> -> memref<128x128xf32, #tpu.memory_space<hbm>>
    %dma_wait3A_20 = arith.constant 0 : i32
    %dma_wait3A_21 = tpu.memref_slice %arg6[%mul3A_4, %dma_wait3A_20] : memref<327680x128xf32, #tpu.memory_space<hbm>> -> memref<128x128xf32, #tpu.memory_space<hbm>>
    tpu.wait_dma2 semaphore(%arg19 : memref<!tpu.dma_semaphore, #tpu.memory_space<semaphore_mem>>) src(%arg11 : memref<128x128xf32, #tpu.memory_space<vmem>>) dst(%dma_wait3A_21 : memref<128x128xf32, #tpu.memory_space<hbm>>)
    %dma_wait3A_22 = arith.constant 0 : i32
    %dma_wait3A_23 = tpu.memref_slice %arg6[%mul3A_4, %dma_wait3A_22] : memref<327680x128xf32, #tpu.memory_space<hbm>> -> memref<128x128xf32, #tpu.memory_space<hbm>>
    %dma_wait3A_24 = arith.constant 0 : i32
    %dma_wait3A_25 = tpu.memref_slice %arg6[%mul3A_4, %dma_wait3A_24] : memref<327680x128xf32, #tpu.memory_space<hbm>> -> memref<128x128xf32, #tpu.memory_space<hbm>>
    tpu.wait_dma2 semaphore(%arg20 : memref<!tpu.dma_semaphore, #tpu.memory_space<semaphore_mem>>) src(%arg12 : memref<128x128xf32, #tpu.memory_space<vmem>>) dst(%dma_wait3A_25 : memref<128x128xf32, #tpu.memory_space<hbm>>)
    return
  }
}

#map = affine_map<(d0, d1) -> (0, 0)>
#map1 = affine_map<(d0, d1) -> (0, 0, 0)>
module attributes {stable_mosaic.version = 14 : i64} {
  func.func @body(%arg0: i32, %arg1: i32, %arg2: memref<327680x128xf32, #tpu.memory_space<hbm>>, %arg3: memref<16x20x128xi32, #tpu.memory_space<hbm>>, %arg4: memref<632x128xf32, #tpu.memory_space<hbm>>, %arg5: memref<80000x128xf32, #tpu.memory_space<hbm>>, %arg6: memref<20x128xi32, #tpu.memory_space<vmem>>, %arg7: memref<128x128xf32, #tpu.memory_space<vmem>>, %arg8: memref<10112x128xf32, #tpu.memory_space<vmem_shared>>) attributes {dimension_semantics = [#tpu.dimension_semantics<core_parallel>, #tpu.dimension_semantics<subcore_parallel>], iteration_bounds = array<i64: 2, 16>, scalar_prefetch = 0 : i64, scratch_operands = 3 : i64, tpu.core_type = #tpu.core_type<sc_vector_subcore>, window_params = [{transform_indices = #map}, {transform_indices = #map1}, {transform_indices = #map}, {transform_indices = #map}]} {
    "tpu.region"() ({
      %run_scoped3A = tpu.sem_alloc : memref<!tpu.dma_semaphore, #tpu.memory_space<semaphore_mem>>
      %dma_start3A = arith.constant 0 : i32
      %dma_start3A_31 = arith.constant 0 : i32
      %dma_start3A_32 = tpu.memref_slice %arg3[%arg1, %dma_start3A, %dma_start3A_31] : memref<16x20x128xi32, #tpu.memory_space<hbm>> -> memref<1x20x128xi32, #tpu.memory_space<hbm>>
      %dma_start3A_33 = tpu.memref_squeeze %dma_start3A_32 : memref<1x20x128xi32, #tpu.memory_space<hbm>> -> memref<20x128xi32, #tpu.memory_space<hbm>>
      %dma_start3A_34 = arith.constant 0 : i32
      %dma_start3A_35 = arith.constant 0 : i32
      %dma_start3A_36 = tpu.memref_slice %arg3[%arg1, %dma_start3A_34, %dma_start3A_35] : memref<16x20x128xi32, #tpu.memory_space<hbm>> -> memref<1x20x128xi32, #tpu.memory_space<hbm>>
      %dma_start3A_37 = tpu.memref_squeeze %dma_start3A_36 : memref<1x20x128xi32, #tpu.memory_space<hbm>> -> memref<20x128xi32, #tpu.memory_space<hbm>>
      tpu.enqueue_dma source(%dma_start3A_37 : memref<20x128xi32, #tpu.memory_space<hbm>>) target(%arg6 : memref<20x128xi32, #tpu.memory_space<vmem>>) target_semaphore(%run_scoped3A : memref<!tpu.dma_semaphore, #tpu.memory_space<semaphore_mem>>)
      %dma_wait3A = arith.constant 0 : i32
      %dma_wait3A_38 = arith.constant 0 : i32
      %dma_wait3A_39 = tpu.memref_slice %arg3[%arg1, %dma_wait3A, %dma_wait3A_38] : memref<16x20x128xi32, #tpu.memory_space<hbm>> -> memref<1x20x128xi32, #tpu.memory_space<hbm>>
      %dma_wait3A_40 = tpu.memref_squeeze %dma_wait3A_39 : memref<1x20x128xi32, #tpu.memory_space<hbm>> -> memref<20x128xi32, #tpu.memory_space<hbm>>
      %dma_wait3A_41 = arith.constant 0 : i32
      %dma_wait3A_42 = arith.constant 0 : i32
      %dma_wait3A_43 = tpu.memref_slice %arg3[%arg1, %dma_wait3A_41, %dma_wait3A_42] : memref<16x20x128xi32, #tpu.memory_space<hbm>> -> memref<1x20x128xi32, #tpu.memory_space<hbm>>
      %dma_wait3A_44 = tpu.memref_squeeze %dma_wait3A_43 : memref<1x20x128xi32, #tpu.memory_space<hbm>> -> memref<20x128xi32, #tpu.memory_space<hbm>>
      tpu.wait_dma2 semaphore(%run_scoped3A : memref<!tpu.dma_semaphore, #tpu.memory_space<semaphore_mem>>) src(%dma_wait3A_44 : memref<20x128xi32, #tpu.memory_space<hbm>>) dst(%arg6 : memref<20x128xi32, #tpu.memory_space<vmem>>)
      tpu.yield
    }) : () -> ()
    %mul3A = arith.constant 4 : i32
    %mul3A_0 = arith.muli %arg0, %mul3A : i32
    %add3A = arith.constant 0 : i32
    %add3A_1 = arith.addi %mul3A_0, %add3A : i32
    %lt3A = arith.constant 8 : i32
    %lt3A_2 = arith.cmpi slt, %add3A_1, %lt3A : i32
    %convert_element_type3A = arith.extui %lt3A_2 : i1 to i32
    %cond3A = arith.constant 0 : i32
    %cond3A_3 = arith.cmpi ne, %convert_element_type3A, %cond3A : i32
    scf.if %cond3A_3 {
      %mul3A_31 = arith.constant 632 : i32
      %mul3A_32 = arith.muli %arg1, %mul3A_31 : i32
      "tpu.region"() ({
        %run_scoped3A = tpu.sem_alloc : memref<!tpu.dma_semaphore, #tpu.memory_space<semaphore_mem>>
        %dma_start3A = arith.constant 0 : i32
        %dma_start3A_49 = tpu.memref_slice %arg8[%mul3A_32, %dma_start3A] : memref<10112x128xf32, #tpu.memory_space<vmem_shared>> -> memref<632x128xf32, #tpu.memory_space<vmem_shared>>
        tpu.enqueue_dma source(%arg4 : memref<632x128xf32, #tpu.memory_space<hbm>>) target(%dma_start3A_49 : memref<632x128xf32, #tpu.memory_space<vmem_shared>>) target_semaphore(%run_scoped3A : memref<!tpu.dma_semaphore, #tpu.memory_space<semaphore_mem>>)
        %dma_wait3A = arith.constant 0 : i32
        %dma_wait3A_50 = tpu.memref_slice %arg8[%mul3A_32, %dma_wait3A] : memref<10112x128xf32, #tpu.memory_space<vmem_shared>> -> memref<632x128xf32, #tpu.memory_space<vmem_shared>>
        tpu.wait_dma2 semaphore(%run_scoped3A : memref<!tpu.dma_semaphore, #tpu.memory_space<semaphore_mem>>) src(%arg4 : memref<632x128xf32, #tpu.memory_space<hbm>>) dst(%dma_wait3A_50 : memref<632x128xf32, #tpu.memory_space<vmem_shared>>)
        tpu.yield
      }) : () -> ()
      %barrier3A = arith.constant 0 : index
      tpu.barrier barrier_id(%barrier3A)
      %scan3A = arith.constant 0 : i32
      %scan3A_33 = arith.constant 0 : i32
      %scan3A_34 = arith.constant 20 : i32
      %scan3A_35 = arith.addi %scan3A_33, %scan3A_34 : i32
      %scan3A_36 = arith.constant 1 : i32
      %scan3A_37 = scf.for %scan3A_49 = %scan3A_33 to %scan3A_35 step %scan3A_36 iter_args(%scan3A_50 = %scan3A) -> (i32)  : i32 {
        %mul3A_51 = arith.constant 40960 : i32
        %mul3A_52 = arith.muli %add3A_1, %mul3A_51 : i32
        %mul3A_53 = arith.constant 2560 : i32
        %mul3A_54 = arith.muli %arg1, %mul3A_53 : i32
        %add3A_55 = arith.addi %mul3A_52, %mul3A_54 : i32
        %mul3A_56 = arith.constant 128 : i32
        %mul3A_57 = arith.muli %scan3A_49, %mul3A_56 : i32
        %add3A_58 = arith.addi %add3A_55, %mul3A_57 : i32
        "tpu.region"() ({
          %run_scoped3A = tpu.sem_alloc : memref<!tpu.dma_semaphore, #tpu.memory_space<semaphore_mem>>
          %dma_start3A = arith.constant 0 : i32
          %dma_start3A_64 = tpu.memref_slice %arg2[%add3A_58, %dma_start3A] : memref<327680x128xf32, #tpu.memory_space<hbm>> -> memref<128x128xf32, #tpu.memory_space<hbm>>
          %dma_start3A_65 = arith.constant 0 : i32
          %dma_start3A_66 = tpu.memref_slice %arg2[%add3A_58, %dma_start3A_65] : memref<327680x128xf32, #tpu.memory_space<hbm>> -> memref<128x128xf32, #tpu.memory_space<hbm>>
          tpu.enqueue_dma source(%dma_start3A_66 : memref<128x128xf32, #tpu.memory_space<hbm>>) target(%arg7 : memref<128x128xf32, #tpu.memory_space<vmem>>) target_semaphore(%run_scoped3A : memref<!tpu.dma_semaphore, #tpu.memory_space<semaphore_mem>>)
          %dma_wait3A = arith.constant 0 : i32
          %dma_wait3A_67 = tpu.memref_slice %arg2[%add3A_58, %dma_wait3A] : memref<327680x128xf32, #tpu.memory_space<hbm>> -> memref<128x128xf32, #tpu.memory_space<hbm>>
          %dma_wait3A_68 = arith.constant 0 : i32
          %dma_wait3A_69 = tpu.memref_slice %arg2[%add3A_58, %dma_wait3A_68] : memref<327680x128xf32, #tpu.memory_space<hbm>> -> memref<128x128xf32, #tpu.memory_space<hbm>>
          tpu.wait_dma2 semaphore(%run_scoped3A : memref<!tpu.dma_semaphore, #tpu.memory_space<semaphore_mem>>) src(%dma_wait3A_69 : memref<128x128xf32, #tpu.memory_space<hbm>>) dst(%arg7 : memref<128x128xf32, #tpu.memory_space<vmem>>)
          tpu.yield
        }) : () -> ()
        %mul3A_59 = arith.constant 1 : i32
        %mul3A_60 = arith.muli %scan3A_49, %mul3A_59 : i32
        %add3A_61 = arith.constant 0 : i32
        %add3A_62 = arith.addi %mul3A_60, %add3A_61 : i32
        "tpu.region"() ({
          %run_scoped3A = tpu.sem_alloc : memref<!tpu.dma_semaphore, #tpu.memory_space<semaphore_mem>>
          %dma_start3A = arith.constant 0 : i32
          %dma_start3A_64 = arith.constant 0 : i32
          %dma_start3A_65 = tpu.memref_slice %arg7[%dma_start3A, %dma_start3A_64] : memref<128x128xf32, #tpu.memory_space<vmem>> -> memref<128x128xf32, #tpu.memory_space<vmem>>
          %dma_start3A_66 = arith.constant 0 : i32
          %dma_start3A_67 = tpu.memref_slice %arg6[%add3A_62, %dma_start3A_66] : memref<20x128xi32, #tpu.memory_space<vmem>> -> memref<1x128xi32, #tpu.memory_space<vmem>>
          %dma_start3A_68 = tpu.memref_squeeze %dma_start3A_67 : memref<1x128xi32, #tpu.memory_space<vmem>> -> memref<128xi32, #tpu.memory_space<vmem>>
          %dma_start3A_69 = arith.constant 0 : i32
          %dma_start3A_70 = arith.constant 0 : i32
          %dma_start3A_71 = tpu.memref_slice %arg8[%dma_start3A_69, %dma_start3A_70] : memref<10112x128xf32, #tpu.memory_space<vmem_shared>> -> memref<10112x128xf32, #tpu.memory_space<vmem_shared>>
          tpu.enqueue_indirect_dma source(%dma_start3A_65 : memref<128x128xf32, #tpu.memory_space<vmem>>) target(%dma_start3A_71 : memref<10112x128xf32, #tpu.memory_space<vmem_shared>>) offsets(%dma_start3A_68 : memref<128xi32, #tpu.memory_space<vmem>>) semaphore(%run_scoped3A : memref<!tpu.dma_semaphore, #tpu.memory_space<semaphore_mem>>) {add = true}
          %dma_wait3A = arith.constant 0 : i32
          %dma_wait3A_72 = arith.constant 0 : i32
          %dma_wait3A_73 = tpu.memref_slice %arg7[%dma_wait3A, %dma_wait3A_72] : memref<128x128xf32, #tpu.memory_space<vmem>> -> memref<128x128xf32, #tpu.memory_space<vmem>>
          %dma_wait3A_74 = arith.constant 0 : i32
          %dma_wait3A_75 = tpu.memref_slice %arg6[%add3A_62, %dma_wait3A_74] : memref<20x128xi32, #tpu.memory_space<vmem>> -> memref<1x128xi32, #tpu.memory_space<vmem>>
          %dma_wait3A_76 = tpu.memref_squeeze %dma_wait3A_75 : memref<1x128xi32, #tpu.memory_space<vmem>> -> memref<128xi32, #tpu.memory_space<vmem>>
          %dma_wait3A_77 = arith.constant 0 : i32
          %dma_wait3A_78 = arith.constant 0 : i32
          %dma_wait3A_79 = tpu.memref_slice %arg8[%dma_wait3A_77, %dma_wait3A_78] : memref<10112x128xf32, #tpu.memory_space<vmem_shared>> -> memref<10112x128xf32, #tpu.memory_space<vmem_shared>>
          tpu.wait_indirect_dma semaphore(%run_scoped3A : memref<!tpu.dma_semaphore, #tpu.memory_space<semaphore_mem>>) src(%dma_wait3A_73 : memref<128x128xf32, #tpu.memory_space<vmem>>) dst(%dma_wait3A_79 : memref<10112x128xf32, #tpu.memory_space<vmem_shared>>)
          tpu.yield
        }) : () -> ()
        %scan3A_63 = arith.constant 0 : i32
        scf.yield %scan3A_63 : i32
      }
      %scan3A_38 = arith.constant 20 : i32
      %barrier3A_39 = arith.constant 0 : index
      tpu.barrier barrier_id(%barrier3A_39)
      %lt3A_40 = arith.constant 15 : i32
      %lt3A_41 = arith.cmpi slt, %arg1, %lt3A_40 : i32
      %convert_element_type3A_42 = arith.extui %lt3A_41 : i1 to i32
      %cond3A_43 = arith.constant 0 : i32
      %cond3A_44 = arith.cmpi ne, %convert_element_type3A_42, %cond3A_43 : i32
      scf.if %cond3A_44 {
        %mul3A_49 = arith.constant 632 : i32
        %mul3A_50 = arith.muli %arg1, %mul3A_49 : i32
        %mul3A_51 = arith.constant 10000 : i32
        %mul3A_52 = arith.muli %add3A_1, %mul3A_51 : i32
        %mul3A_53 = arith.constant 632 : i32
        %mul3A_54 = arith.muli %arg1, %mul3A_53 : i32
        %add3A_55 = arith.addi %mul3A_52, %mul3A_54 : i32
        "tpu.region"() ({
          %run_scoped3A = tpu.sem_alloc : memref<!tpu.dma_semaphore, #tpu.memory_space<semaphore_mem>>
          %dma_start3A = arith.constant 0 : i32
          %dma_start3A_56 = tpu.memref_slice %arg5[%add3A_55, %dma_start3A] : memref<80000x128xf32, #tpu.memory_space<hbm>> -> memref<632x128xf32, #tpu.memory_space<hbm>>
          %dma_start3A_57 = arith.constant 0 : i32
          %dma_start3A_58 = tpu.memref_slice %arg8[%mul3A_50, %dma_start3A_57] : memref<10112x128xf32, #tpu.memory_space<vmem_shared>> -> memref<632x128xf32, #tpu.memory_space<vmem_shared>>
          tpu.enqueue_dma source(%dma_start3A_58 : memref<632x128xf32, #tpu.memory_space<vmem_shared>>) target(%dma_start3A_56 : memref<632x128xf32, #tpu.memory_space<hbm>>) target_semaphore(%run_scoped3A : memref<!tpu.dma_semaphore, #tpu.memory_space<semaphore_mem>>)
          %dma_wait3A = arith.constant 0 : i32
          %dma_wait3A_59 = tpu.memref_slice %arg5[%add3A_55, %dma_wait3A] : memref<80000x128xf32, #tpu.memory_space<hbm>> -> memref<632x128xf32, #tpu.memory_space<hbm>>
          %dma_wait3A_60 = arith.constant 0 : i32
          %dma_wait3A_61 = tpu.memref_slice %arg8[%mul3A_50, %dma_wait3A_60] : memref<10112x128xf32, #tpu.memory_space<vmem_shared>> -> memref<632x128xf32, #tpu.memory_space<vmem_shared>>
          tpu.wait_dma2 semaphore(%run_scoped3A : memref<!tpu.dma_semaphore, #tpu.memory_space<semaphore_mem>>) src(%dma_wait3A_61 : memref<632x128xf32, #tpu.memory_space<vmem_shared>>) dst(%dma_wait3A_59 : memref<632x128xf32, #tpu.memory_space<hbm>>)
          tpu.yield
        }) : () -> ()
      } else {
      }
      %eq3A = arith.constant 15 : i32
      %eq3A_45 = arith.cmpi eq, %arg1, %eq3A : i32
      %convert_element_type3A_46 = arith.extui %eq3A_45 : i1 to i32
      %cond3A_47 = arith.constant 0 : i32
      %cond3A_48 = arith.cmpi ne, %convert_element_type3A_46, %cond3A_47 : i32
      scf.if %cond3A_48 {
        %mul3A_49 = arith.constant 10000 : i32
        %mul3A_50 = arith.muli %add3A_1, %mul3A_49 : i32
        %add3A_51 = arith.constant 9480 : i32
        %add3A_52 = arith.addi %mul3A_50, %add3A_51 : i32
        "tpu.region"() ({
          %run_scoped3A = tpu.sem_alloc : memref<!tpu.dma_semaphore, #tpu.memory_space<semaphore_mem>>
          %dma_start3A = arith.constant 0 : i32
          %dma_start3A_53 = tpu.memref_slice %arg5[%add3A_52, %dma_start3A] : memref<80000x128xf32, #tpu.memory_space<hbm>> -> memref<520x128xf32, #tpu.memory_space<hbm>>
          %dma_start3A_54 = arith.constant 9480 : i32
          %dma_start3A_55 = arith.constant 0 : i32
          %dma_start3A_56 = tpu.memref_slice %arg8[%dma_start3A_54, %dma_start3A_55] : memref<10112x128xf32, #tpu.memory_space<vmem_shared>> -> memref<520x128xf32, #tpu.memory_space<vmem_shared>>
          tpu.enqueue_dma source(%dma_start3A_56 : memref<520x128xf32, #tpu.memory_space<vmem_shared>>) target(%dma_start3A_53 : memref<520x128xf32, #tpu.memory_space<hbm>>) target_semaphore(%run_scoped3A : memref<!tpu.dma_semaphore, #tpu.memory_space<semaphore_mem>>)
          %dma_wait3A = arith.constant 0 : i32
          %dma_wait3A_57 = tpu.memref_slice %arg5[%add3A_52, %dma_wait3A] : memref<80000x128xf32, #tpu.memory_space<hbm>> -> memref<520x128xf32, #tpu.memory_space<hbm>>
          %dma_wait3A_58 = arith.constant 9480 : i32
          %dma_wait3A_59 = arith.constant 0 : i32
          %dma_wait3A_60 = tpu.memref_slice %arg8[%dma_wait3A_58, %dma_wait3A_59] : memref<10112x128xf32, #tpu.memory_space<vmem_shared>> -> memref<520x128xf32, #tpu.memory_space<vmem_shared>>
          tpu.wait_dma2 semaphore(%run_scoped3A : memref<!tpu.dma_semaphore, #tpu.memory_space<semaphore_mem>>) src(%dma_wait3A_60 : memref<520x128xf32, #tpu.memory_space<vmem_shared>>) dst(%dma_wait3A_57 : memref<520x128xf32, #tpu.memory_space<hbm>>)
          tpu.yield
        }) : () -> ()
      } else {
      }
    } else {
    }
    %mul3A_4 = arith.constant 4 : i32
    %mul3A_5 = arith.muli %arg0, %mul3A_4 : i32
    %add3A_6 = arith.constant 1 : i32
    %add3A_7 = arith.addi %mul3A_5, %add3A_6 : i32
    %lt3A_8 = arith.constant 8 : i32
    %lt3A_9 = arith.cmpi slt, %add3A_7, %lt3A_8 : i32
    %convert_element_type3A_10 = arith.extui %lt3A_9 : i1 to i32
    %cond3A_11 = arith.constant 0 : i32
    %cond3A_12 = arith.cmpi ne, %convert_element_type3A_10, %cond3A_11 : i32
    scf.if %cond3A_12 {
      %mul3A_31 = arith.constant 632 : i32
      %mul3A_32 = arith.muli %arg1, %mul3A_31 : i32
      "tpu.region"() ({
        %run_scoped3A = tpu.sem_alloc : memref<!tpu.dma_semaphore, #tpu.memory_space<semaphore_mem>>
        %dma_start3A = arith.constant 0 : i32
        %dma_start3A_49 = tpu.memref_slice %arg8[%mul3A_32, %dma_start3A] : memref<10112x128xf32, #tpu.memory_space<vmem_shared>> -> memref<632x128xf32, #tpu.memory_space<vmem_shared>>
        tpu.enqueue_dma source(%arg4 : memref<632x128xf32, #tpu.memory_space<hbm>>) target(%dma_start3A_49 : memref<632x128xf32, #tpu.memory_space<vmem_shared>>) target_semaphore(%run_scoped3A : memref<!tpu.dma_semaphore, #tpu.memory_space<semaphore_mem>>)
        %dma_wait3A = arith.constant 0 : i32
        %dma_wait3A_50 = tpu.memref_slice %arg8[%mul3A_32, %dma_wait3A] : memref<10112x128xf32, #tpu.memory_space<vmem_shared>> -> memref<632x128xf32, #tpu.memory_space<vmem_shared>>
        tpu.wait_dma2 semaphore(%run_scoped3A : memref<!tpu.dma_semaphore, #tpu.memory_space<semaphore_mem>>) src(%arg4 : memref<632x128xf32, #tpu.memory_space<hbm>>) dst(%dma_wait3A_50 : memref<632x128xf32, #tpu.memory_space<vmem_shared>>)
        tpu.yield
      }) : () -> ()
      %barrier3A = arith.constant 0 : index
      tpu.barrier barrier_id(%barrier3A)
      %scan3A = arith.constant 0 : i32
      %scan3A_33 = arith.constant 0 : i32
      %scan3A_34 = arith.constant 20 : i32
      %scan3A_35 = arith.addi %scan3A_33, %scan3A_34 : i32
      %scan3A_36 = arith.constant 1 : i32
      %scan3A_37 = scf.for %scan3A_49 = %scan3A_33 to %scan3A_35 step %scan3A_36 iter_args(%scan3A_50 = %scan3A) -> (i32)  : i32 {
        %mul3A_51 = arith.constant 40960 : i32
        %mul3A_52 = arith.muli %add3A_7, %mul3A_51 : i32
        %mul3A_53 = arith.constant 2560 : i32
        %mul3A_54 = arith.muli %arg1, %mul3A_53 : i32
        %add3A_55 = arith.addi %mul3A_52, %mul3A_54 : i32
        %mul3A_56 = arith.constant 128 : i32
        %mul3A_57 = arith.muli %scan3A_49, %mul3A_56 : i32
        %add3A_58 = arith.addi %add3A_55, %mul3A_57 : i32
        "tpu.region"() ({
          %run_scoped3A = tpu.sem_alloc : memref<!tpu.dma_semaphore, #tpu.memory_space<semaphore_mem>>
          %dma_start3A = arith.constant 0 : i32
          %dma_start3A_64 = tpu.memref_slice %arg2[%add3A_58, %dma_start3A] : memref<327680x128xf32, #tpu.memory_space<hbm>> -> memref<128x128xf32, #tpu.memory_space<hbm>>
          %dma_start3A_65 = arith.constant 0 : i32
          %dma_start3A_66 = tpu.memref_slice %arg2[%add3A_58, %dma_start3A_65] : memref<327680x128xf32, #tpu.memory_space<hbm>> -> memref<128x128xf32, #tpu.memory_space<hbm>>
          tpu.enqueue_dma source(%dma_start3A_66 : memref<128x128xf32, #tpu.memory_space<hbm>>) target(%arg7 : memref<128x128xf32, #tpu.memory_space<vmem>>) target_semaphore(%run_scoped3A : memref<!tpu.dma_semaphore, #tpu.memory_space<semaphore_mem>>)
          %dma_wait3A = arith.constant 0 : i32
          %dma_wait3A_67 = tpu.memref_slice %arg2[%add3A_58, %dma_wait3A] : memref<327680x128xf32, #tpu.memory_space<hbm>> -> memref<128x128xf32, #tpu.memory_space<hbm>>
          %dma_wait3A_68 = arith.constant 0 : i32
          %dma_wait3A_69 = tpu.memref_slice %arg2[%add3A_58, %dma_wait3A_68] : memref<327680x128xf32, #tpu.memory_space<hbm>> -> memref<128x128xf32, #tpu.memory_space<hbm>>
          tpu.wait_dma2 semaphore(%run_scoped3A : memref<!tpu.dma_semaphore, #tpu.memory_space<semaphore_mem>>) src(%dma_wait3A_69 : memref<128x128xf32, #tpu.memory_space<hbm>>) dst(%arg7 : memref<128x128xf32, #tpu.memory_space<vmem>>)
          tpu.yield
        }) : () -> ()
        %mul3A_59 = arith.constant 1 : i32
        %mul3A_60 = arith.muli %scan3A_49, %mul3A_59 : i32
        %add3A_61 = arith.constant 0 : i32
        %add3A_62 = arith.addi %mul3A_60, %add3A_61 : i32
        "tpu.region"() ({
          %run_scoped3A = tpu.sem_alloc : memref<!tpu.dma_semaphore, #tpu.memory_space<semaphore_mem>>
          %dma_start3A = arith.constant 0 : i32
          %dma_start3A_64 = arith.constant 0 : i32
          %dma_start3A_65 = tpu.memref_slice %arg7[%dma_start3A, %dma_start3A_64] : memref<128x128xf32, #tpu.memory_space<vmem>> -> memref<128x128xf32, #tpu.memory_space<vmem>>
          %dma_start3A_66 = arith.constant 0 : i32
          %dma_start3A_67 = tpu.memref_slice %arg6[%add3A_62, %dma_start3A_66] : memref<20x128xi32, #tpu.memory_space<vmem>> -> memref<1x128xi32, #tpu.memory_space<vmem>>
          %dma_start3A_68 = tpu.memref_squeeze %dma_start3A_67 : memref<1x128xi32, #tpu.memory_space<vmem>> -> memref<128xi32, #tpu.memory_space<vmem>>
          %dma_start3A_69 = arith.constant 0 : i32
          %dma_start3A_70 = arith.constant 0 : i32
          %dma_start3A_71 = tpu.memref_slice %arg8[%dma_start3A_69, %dma_start3A_70] : memref<10112x128xf32, #tpu.memory_space<vmem_shared>> -> memref<10112x128xf32, #tpu.memory_space<vmem_shared>>
          tpu.enqueue_indirect_dma source(%dma_start3A_65 : memref<128x128xf32, #tpu.memory_space<vmem>>) target(%dma_start3A_71 : memref<10112x128xf32, #tpu.memory_space<vmem_shared>>) offsets(%dma_start3A_68 : memref<128xi32, #tpu.memory_space<vmem>>) semaphore(%run_scoped3A : memref<!tpu.dma_semaphore, #tpu.memory_space<semaphore_mem>>) {add = true}
          %dma_wait3A = arith.constant 0 : i32
          %dma_wait3A_72 = arith.constant 0 : i32
          %dma_wait3A_73 = tpu.memref_slice %arg7[%dma_wait3A, %dma_wait3A_72] : memref<128x128xf32, #tpu.memory_space<vmem>> -> memref<128x128xf32, #tpu.memory_space<vmem>>
          %dma_wait3A_74 = arith.constant 0 : i32
          %dma_wait3A_75 = tpu.memref_slice %arg6[%add3A_62, %dma_wait3A_74] : memref<20x128xi32, #tpu.memory_space<vmem>> -> memref<1x128xi32, #tpu.memory_space<vmem>>
          %dma_wait3A_76 = tpu.memref_squeeze %dma_wait3A_75 : memref<1x128xi32, #tpu.memory_space<vmem>> -> memref<128xi32, #tpu.memory_space<vmem>>
          %dma_wait3A_77 = arith.constant 0 : i32
          %dma_wait3A_78 = arith.constant 0 : i32
          %dma_wait3A_79 = tpu.memref_slice %arg8[%dma_wait3A_77, %dma_wait3A_78] : memref<10112x128xf32, #tpu.memory_space<vmem_shared>> -> memref<10112x128xf32, #tpu.memory_space<vmem_shared>>
          tpu.wait_indirect_dma semaphore(%run_scoped3A : memref<!tpu.dma_semaphore, #tpu.memory_space<semaphore_mem>>) src(%dma_wait3A_73 : memref<128x128xf32, #tpu.memory_space<vmem>>) dst(%dma_wait3A_79 : memref<10112x128xf32, #tpu.memory_space<vmem_shared>>)
          tpu.yield
        }) : () -> ()
        %scan3A_63 = arith.constant 0 : i32
        scf.yield %scan3A_63 : i32
      }
      %scan3A_38 = arith.constant 20 : i32
      %barrier3A_39 = arith.constant 0 : index
      tpu.barrier barrier_id(%barrier3A_39)
      %lt3A_40 = arith.constant 15 : i32
      %lt3A_41 = arith.cmpi slt, %arg1, %lt3A_40 : i32
      %convert_element_type3A_42 = arith.extui %lt3A_41 : i1 to i32
      %cond3A_43 = arith.constant 0 : i32
      %cond3A_44 = arith.cmpi ne, %convert_element_type3A_42, %cond3A_43 : i32
      scf.if %cond3A_44 {
        %mul3A_49 = arith.constant 632 : i32
        %mul3A_50 = arith.muli %arg1, %mul3A_49 : i32
        %mul3A_51 = arith.constant 10000 : i32
        %mul3A_52 = arith.muli %add3A_7, %mul3A_51 : i32
        %mul3A_53 = arith.constant 632 : i32
        %mul3A_54 = arith.muli %arg1, %mul3A_53 : i32
        %add3A_55 = arith.addi %mul3A_52, %mul3A_54 : i32
        "tpu.region"() ({
          %run_scoped3A = tpu.sem_alloc : memref<!tpu.dma_semaphore, #tpu.memory_space<semaphore_mem>>
          %dma_start3A = arith.constant 0 : i32
          %dma_start3A_56 = tpu.memref_slice %arg5[%add3A_55, %dma_start3A] : memref<80000x128xf32, #tpu.memory_space<hbm>> -> memref<632x128xf32, #tpu.memory_space<hbm>>
          %dma_start3A_57 = arith.constant 0 : i32
          %dma_start3A_58 = tpu.memref_slice %arg8[%mul3A_50, %dma_start3A_57] : memref<10112x128xf32, #tpu.memory_space<vmem_shared>> -> memref<632x128xf32, #tpu.memory_space<vmem_shared>>
          tpu.enqueue_dma source(%dma_start3A_58 : memref<632x128xf32, #tpu.memory_space<vmem_shared>>) target(%dma_start3A_56 : memref<632x128xf32, #tpu.memory_space<hbm>>) target_semaphore(%run_scoped3A : memref<!tpu.dma_semaphore, #tpu.memory_space<semaphore_mem>>)
          %dma_wait3A = arith.constant 0 : i32
          %dma_wait3A_59 = tpu.memref_slice %arg5[%add3A_55, %dma_wait3A] : memref<80000x128xf32, #tpu.memory_space<hbm>> -> memref<632x128xf32, #tpu.memory_space<hbm>>
          %dma_wait3A_60 = arith.constant 0 : i32
          %dma_wait3A_61 = tpu.memref_slice %arg8[%mul3A_50, %dma_wait3A_60] : memref<10112x128xf32, #tpu.memory_space<vmem_shared>> -> memref<632x128xf32, #tpu.memory_space<vmem_shared>>
          tpu.wait_dma2 semaphore(%run_scoped3A : memref<!tpu.dma_semaphore, #tpu.memory_space<semaphore_mem>>) src(%dma_wait3A_61 : memref<632x128xf32, #tpu.memory_space<vmem_shared>>) dst(%dma_wait3A_59 : memref<632x128xf32, #tpu.memory_space<hbm>>)
          tpu.yield
        }) : () -> ()
      } else {
      }
      %eq3A = arith.constant 15 : i32
      %eq3A_45 = arith.cmpi eq, %arg1, %eq3A : i32
      %convert_element_type3A_46 = arith.extui %eq3A_45 : i1 to i32
      %cond3A_47 = arith.constant 0 : i32
      %cond3A_48 = arith.cmpi ne, %convert_element_type3A_46, %cond3A_47 : i32
      scf.if %cond3A_48 {
        %mul3A_49 = arith.constant 10000 : i32
        %mul3A_50 = arith.muli %add3A_7, %mul3A_49 : i32
        %add3A_51 = arith.constant 9480 : i32
        %add3A_52 = arith.addi %mul3A_50, %add3A_51 : i32
        "tpu.region"() ({
          %run_scoped3A = tpu.sem_alloc : memref<!tpu.dma_semaphore, #tpu.memory_space<semaphore_mem>>
          %dma_start3A = arith.constant 0 : i32
          %dma_start3A_53 = tpu.memref_slice %arg5[%add3A_52, %dma_start3A] : memref<80000x128xf32, #tpu.memory_space<hbm>> -> memref<520x128xf32, #tpu.memory_space<hbm>>
          %dma_start3A_54 = arith.constant 9480 : i32
          %dma_start3A_55 = arith.constant 0 : i32
          %dma_start3A_56 = tpu.memref_slice %arg8[%dma_start3A_54, %dma_start3A_55] : memref<10112x128xf32, #tpu.memory_space<vmem_shared>> -> memref<520x128xf32, #tpu.memory_space<vmem_shared>>
          tpu.enqueue_dma source(%dma_start3A_56 : memref<520x128xf32, #tpu.memory_space<vmem_shared>>) target(%dma_start3A_53 : memref<520x128xf32, #tpu.memory_space<hbm>>) target_semaphore(%run_scoped3A : memref<!tpu.dma_semaphore, #tpu.memory_space<semaphore_mem>>)
          %dma_wait3A = arith.constant 0 : i32
          %dma_wait3A_57 = tpu.memref_slice %arg5[%add3A_52, %dma_wait3A] : memref<80000x128xf32, #tpu.memory_space<hbm>> -> memref<520x128xf32, #tpu.memory_space<hbm>>
          %dma_wait3A_58 = arith.constant 9480 : i32
          %dma_wait3A_59 = arith.constant 0 : i32
          %dma_wait3A_60 = tpu.memref_slice %arg8[%dma_wait3A_58, %dma_wait3A_59] : memref<10112x128xf32, #tpu.memory_space<vmem_shared>> -> memref<520x128xf32, #tpu.memory_space<vmem_shared>>
          tpu.wait_dma2 semaphore(%run_scoped3A : memref<!tpu.dma_semaphore, #tpu.memory_space<semaphore_mem>>) src(%dma_wait3A_60 : memref<520x128xf32, #tpu.memory_space<vmem_shared>>) dst(%dma_wait3A_57 : memref<520x128xf32, #tpu.memory_space<hbm>>)
          tpu.yield
        }) : () -> ()
      } else {
      }
    } else {
    }
    %mul3A_13 = arith.constant 4 : i32
    %mul3A_14 = arith.muli %arg0, %mul3A_13 : i32
    %add3A_15 = arith.constant 2 : i32
    %add3A_16 = arith.addi %mul3A_14, %add3A_15 : i32
    %lt3A_17 = arith.constant 8 : i32
    %lt3A_18 = arith.cmpi slt, %add3A_16, %lt3A_17 : i32
    %convert_element_type3A_19 = arith.extui %lt3A_18 : i1 to i32
    %cond3A_20 = arith.constant 0 : i32
    %cond3A_21 = arith.cmpi ne, %convert_element_type3A_19, %cond3A_20 : i32
    scf.if %cond3A_21 {
      %mul3A_31 = arith.constant 632 : i32
      %mul3A_32 = arith.muli %arg1, %mul3A_31 : i32
      "tpu.region"() ({
        %run_scoped3A = tpu.sem_alloc : memref<!tpu.dma_semaphore, #tpu.memory_space<semaphore_mem>>
        %dma_start3A = arith.constant 0 : i32
        %dma_start3A_49 = tpu.memref_slice %arg8[%mul3A_32, %dma_start3A] : memref<10112x128xf32, #tpu.memory_space<vmem_shared>> -> memref<632x128xf32, #tpu.memory_space<vmem_shared>>
        tpu.enqueue_dma source(%arg4 : memref<632x128xf32, #tpu.memory_space<hbm>>) target(%dma_start3A_49 : memref<632x128xf32, #tpu.memory_space<vmem_shared>>) target_semaphore(%run_scoped3A : memref<!tpu.dma_semaphore, #tpu.memory_space<semaphore_mem>>)
        %dma_wait3A = arith.constant 0 : i32
        %dma_wait3A_50 = tpu.memref_slice %arg8[%mul3A_32, %dma_wait3A] : memref<10112x128xf32, #tpu.memory_space<vmem_shared>> -> memref<632x128xf32, #tpu.memory_space<vmem_shared>>
        tpu.wait_dma2 semaphore(%run_scoped3A : memref<!tpu.dma_semaphore, #tpu.memory_space<semaphore_mem>>) src(%arg4 : memref<632x128xf32, #tpu.memory_space<hbm>>) dst(%dma_wait3A_50 : memref<632x128xf32, #tpu.memory_space<vmem_shared>>)
        tpu.yield
      }) : () -> ()
      %barrier3A = arith.constant 0 : index
      tpu.barrier barrier_id(%barrier3A)
      %scan3A = arith.constant 0 : i32
      %scan3A_33 = arith.constant 0 : i32
      %scan3A_34 = arith.constant 20 : i32
      %scan3A_35 = arith.addi %scan3A_33, %scan3A_34 : i32
      %scan3A_36 = arith.constant 1 : i32
      %scan3A_37 = scf.for %scan3A_49 = %scan3A_33 to %scan3A_35 step %scan3A_36 iter_args(%scan3A_50 = %scan3A) -> (i32)  : i32 {
        %mul3A_51 = arith.constant 40960 : i32
        %mul3A_52 = arith.muli %add3A_16, %mul3A_51 : i32
        %mul3A_53 = arith.constant 2560 : i32
        %mul3A_54 = arith.muli %arg1, %mul3A_53 : i32
        %add3A_55 = arith.addi %mul3A_52, %mul3A_54 : i32
        %mul3A_56 = arith.constant 128 : i32
        %mul3A_57 = arith.muli %scan3A_49, %mul3A_56 : i32
        %add3A_58 = arith.addi %add3A_55, %mul3A_57 : i32
        "tpu.region"() ({
          %run_scoped3A = tpu.sem_alloc : memref<!tpu.dma_semaphore, #tpu.memory_space<semaphore_mem>>
          %dma_start3A = arith.constant 0 : i32
          %dma_start3A_64 = tpu.memref_slice %arg2[%add3A_58, %dma_start3A] : memref<327680x128xf32, #tpu.memory_space<hbm>> -> memref<128x128xf32, #tpu.memory_space<hbm>>
          %dma_start3A_65 = arith.constant 0 : i32
          %dma_start3A_66 = tpu.memref_slice %arg2[%add3A_58, %dma_start3A_65] : memref<327680x128xf32, #tpu.memory_space<hbm>> -> memref<128x128xf32, #tpu.memory_space<hbm>>
          tpu.enqueue_dma source(%dma_start3A_66 : memref<128x128xf32, #tpu.memory_space<hbm>>) target(%arg7 : memref<128x128xf32, #tpu.memory_space<vmem>>) target_semaphore(%run_scoped3A : memref<!tpu.dma_semaphore, #tpu.memory_space<semaphore_mem>>)
          %dma_wait3A = arith.constant 0 : i32
          %dma_wait3A_67 = tpu.memref_slice %arg2[%add3A_58, %dma_wait3A] : memref<327680x128xf32, #tpu.memory_space<hbm>> -> memref<128x128xf32, #tpu.memory_space<hbm>>
          %dma_wait3A_68 = arith.constant 0 : i32
          %dma_wait3A_69 = tpu.memref_slice %arg2[%add3A_58, %dma_wait3A_68] : memref<327680x128xf32, #tpu.memory_space<hbm>> -> memref<128x128xf32, #tpu.memory_space<hbm>>
          tpu.wait_dma2 semaphore(%run_scoped3A : memref<!tpu.dma_semaphore, #tpu.memory_space<semaphore_mem>>) src(%dma_wait3A_69 : memref<128x128xf32, #tpu.memory_space<hbm>>) dst(%arg7 : memref<128x128xf32, #tpu.memory_space<vmem>>)
          tpu.yield
        }) : () -> ()
        %mul3A_59 = arith.constant 1 : i32
        %mul3A_60 = arith.muli %scan3A_49, %mul3A_59 : i32
        %add3A_61 = arith.constant 0 : i32
        %add3A_62 = arith.addi %mul3A_60, %add3A_61 : i32
        "tpu.region"() ({
          %run_scoped3A = tpu.sem_alloc : memref<!tpu.dma_semaphore, #tpu.memory_space<semaphore_mem>>
          %dma_start3A = arith.constant 0 : i32
          %dma_start3A_64 = arith.constant 0 : i32
          %dma_start3A_65 = tpu.memref_slice %arg7[%dma_start3A, %dma_start3A_64] : memref<128x128xf32, #tpu.memory_space<vmem>> -> memref<128x128xf32, #tpu.memory_space<vmem>>
          %dma_start3A_66 = arith.constant 0 : i32
          %dma_start3A_67 = tpu.memref_slice %arg6[%add3A_62, %dma_start3A_66] : memref<20x128xi32, #tpu.memory_space<vmem>> -> memref<1x128xi32, #tpu.memory_space<vmem>>
          %dma_start3A_68 = tpu.memref_squeeze %dma_start3A_67 : memref<1x128xi32, #tpu.memory_space<vmem>> -> memref<128xi32, #tpu.memory_space<vmem>>
          %dma_start3A_69 = arith.constant 0 : i32
          %dma_start3A_70 = arith.constant 0 : i32
          %dma_start3A_71 = tpu.memref_slice %arg8[%dma_start3A_69, %dma_start3A_70] : memref<10112x128xf32, #tpu.memory_space<vmem_shared>> -> memref<10112x128xf32, #tpu.memory_space<vmem_shared>>
          tpu.enqueue_indirect_dma source(%dma_start3A_65 : memref<128x128xf32, #tpu.memory_space<vmem>>) target(%dma_start3A_71 : memref<10112x128xf32, #tpu.memory_space<vmem_shared>>) offsets(%dma_start3A_68 : memref<128xi32, #tpu.memory_space<vmem>>) semaphore(%run_scoped3A : memref<!tpu.dma_semaphore, #tpu.memory_space<semaphore_mem>>) {add = true}
          %dma_wait3A = arith.constant 0 : i32
          %dma_wait3A_72 = arith.constant 0 : i32
          %dma_wait3A_73 = tpu.memref_slice %arg7[%dma_wait3A, %dma_wait3A_72] : memref<128x128xf32, #tpu.memory_space<vmem>> -> memref<128x128xf32, #tpu.memory_space<vmem>>
          %dma_wait3A_74 = arith.constant 0 : i32
          %dma_wait3A_75 = tpu.memref_slice %arg6[%add3A_62, %dma_wait3A_74] : memref<20x128xi32, #tpu.memory_space<vmem>> -> memref<1x128xi32, #tpu.memory_space<vmem>>
          %dma_wait3A_76 = tpu.memref_squeeze %dma_wait3A_75 : memref<1x128xi32, #tpu.memory_space<vmem>> -> memref<128xi32, #tpu.memory_space<vmem>>
          %dma_wait3A_77 = arith.constant 0 : i32
          %dma_wait3A_78 = arith.constant 0 : i32
          %dma_wait3A_79 = tpu.memref_slice %arg8[%dma_wait3A_77, %dma_wait3A_78] : memref<10112x128xf32, #tpu.memory_space<vmem_shared>> -> memref<10112x128xf32, #tpu.memory_space<vmem_shared>>
          tpu.wait_indirect_dma semaphore(%run_scoped3A : memref<!tpu.dma_semaphore, #tpu.memory_space<semaphore_mem>>) src(%dma_wait3A_73 : memref<128x128xf32, #tpu.memory_space<vmem>>) dst(%dma_wait3A_79 : memref<10112x128xf32, #tpu.memory_space<vmem_shared>>)
          tpu.yield
        }) : () -> ()
        %scan3A_63 = arith.constant 0 : i32
        scf.yield %scan3A_63 : i32
      }
      %scan3A_38 = arith.constant 20 : i32
      %barrier3A_39 = arith.constant 0 : index
      tpu.barrier barrier_id(%barrier3A_39)
      %lt3A_40 = arith.constant 15 : i32
      %lt3A_41 = arith.cmpi slt, %arg1, %lt3A_40 : i32
      %convert_element_type3A_42 = arith.extui %lt3A_41 : i1 to i32
      %cond3A_43 = arith.constant 0 : i32
      %cond3A_44 = arith.cmpi ne, %convert_element_type3A_42, %cond3A_43 : i32
      scf.if %cond3A_44 {
        %mul3A_49 = arith.constant 632 : i32
        %mul3A_50 = arith.muli %arg1, %mul3A_49 : i32
        %mul3A_51 = arith.constant 10000 : i32
        %mul3A_52 = arith.muli %add3A_16, %mul3A_51 : i32
        %mul3A_53 = arith.constant 632 : i32
        %mul3A_54 = arith.muli %arg1, %mul3A_53 : i32
        %add3A_55 = arith.addi %mul3A_52, %mul3A_54 : i32
        "tpu.region"() ({
          %run_scoped3A = tpu.sem_alloc : memref<!tpu.dma_semaphore, #tpu.memory_space<semaphore_mem>>
          %dma_start3A = arith.constant 0 : i32
          %dma_start3A_56 = tpu.memref_slice %arg5[%add3A_55, %dma_start3A] : memref<80000x128xf32, #tpu.memory_space<hbm>> -> memref<632x128xf32, #tpu.memory_space<hbm>>
          %dma_start3A_57 = arith.constant 0 : i32
          %dma_start3A_58 = tpu.memref_slice %arg8[%mul3A_50, %dma_start3A_57] : memref<10112x128xf32, #tpu.memory_space<vmem_shared>> -> memref<632x128xf32, #tpu.memory_space<vmem_shared>>
          tpu.enqueue_dma source(%dma_start3A_58 : memref<632x128xf32, #tpu.memory_space<vmem_shared>>) target(%dma_start3A_56 : memref<632x128xf32, #tpu.memory_space<hbm>>) target_semaphore(%run_scoped3A : memref<!tpu.dma_semaphore, #tpu.memory_space<semaphore_mem>>)
          %dma_wait3A = arith.constant 0 : i32
          %dma_wait3A_59 = tpu.memref_slice %arg5[%add3A_55, %dma_wait3A] : memref<80000x128xf32, #tpu.memory_space<hbm>> -> memref<632x128xf32, #tpu.memory_space<hbm>>
          %dma_wait3A_60 = arith.constant 0 : i32
          %dma_wait3A_61 = tpu.memref_slice %arg8[%mul3A_50, %dma_wait3A_60] : memref<10112x128xf32, #tpu.memory_space<vmem_shared>> -> memref<632x128xf32, #tpu.memory_space<vmem_shared>>
          tpu.wait_dma2 semaphore(%run_scoped3A : memref<!tpu.dma_semaphore, #tpu.memory_space<semaphore_mem>>) src(%dma_wait3A_61 : memref<632x128xf32, #tpu.memory_space<vmem_shared>>) dst(%dma_wait3A_59 : memref<632x128xf32, #tpu.memory_space<hbm>>)
          tpu.yield
        }) : () -> ()
      } else {
      }
      %eq3A = arith.constant 15 : i32
      %eq3A_45 = arith.cmpi eq, %arg1, %eq3A : i32
      %convert_element_type3A_46 = arith.extui %eq3A_45 : i1 to i32
      %cond3A_47 = arith.constant 0 : i32
      %cond3A_48 = arith.cmpi ne, %convert_element_type3A_46, %cond3A_47 : i32
      scf.if %cond3A_48 {
        %mul3A_49 = arith.constant 10000 : i32
        %mul3A_50 = arith.muli %add3A_16, %mul3A_49 : i32
        %add3A_51 = arith.constant 9480 : i32
        %add3A_52 = arith.addi %mul3A_50, %add3A_51 : i32
        "tpu.region"() ({
          %run_scoped3A = tpu.sem_alloc : memref<!tpu.dma_semaphore, #tpu.memory_space<semaphore_mem>>
          %dma_start3A = arith.constant 0 : i32
          %dma_start3A_53 = tpu.memref_slice %arg5[%add3A_52, %dma_start3A] : memref<80000x128xf32, #tpu.memory_space<hbm>> -> memref<520x128xf32, #tpu.memory_space<hbm>>
          %dma_start3A_54 = arith.constant 9480 : i32
          %dma_start3A_55 = arith.constant 0 : i32
          %dma_start3A_56 = tpu.memref_slice %arg8[%dma_start3A_54, %dma_start3A_55] : memref<10112x128xf32, #tpu.memory_space<vmem_shared>> -> memref<520x128xf32, #tpu.memory_space<vmem_shared>>
          tpu.enqueue_dma source(%dma_start3A_56 : memref<520x128xf32, #tpu.memory_space<vmem_shared>>) target(%dma_start3A_53 : memref<520x128xf32, #tpu.memory_space<hbm>>) target_semaphore(%run_scoped3A : memref<!tpu.dma_semaphore, #tpu.memory_space<semaphore_mem>>)
          %dma_wait3A = arith.constant 0 : i32
          %dma_wait3A_57 = tpu.memref_slice %arg5[%add3A_52, %dma_wait3A] : memref<80000x128xf32, #tpu.memory_space<hbm>> -> memref<520x128xf32, #tpu.memory_space<hbm>>
          %dma_wait3A_58 = arith.constant 9480 : i32
          %dma_wait3A_59 = arith.constant 0 : i32
          %dma_wait3A_60 = tpu.memref_slice %arg8[%dma_wait3A_58, %dma_wait3A_59] : memref<10112x128xf32, #tpu.memory_space<vmem_shared>> -> memref<520x128xf32, #tpu.memory_space<vmem_shared>>
          tpu.wait_dma2 semaphore(%run_scoped3A : memref<!tpu.dma_semaphore, #tpu.memory_space<semaphore_mem>>) src(%dma_wait3A_60 : memref<520x128xf32, #tpu.memory_space<vmem_shared>>) dst(%dma_wait3A_57 : memref<520x128xf32, #tpu.memory_space<hbm>>)
          tpu.yield
        }) : () -> ()
      } else {
      }
    } else {
    }
    %mul3A_22 = arith.constant 4 : i32
    %mul3A_23 = arith.muli %arg0, %mul3A_22 : i32
    %add3A_24 = arith.constant 3 : i32
    %add3A_25 = arith.addi %mul3A_23, %add3A_24 : i32
    %lt3A_26 = arith.constant 8 : i32
    %lt3A_27 = arith.cmpi slt, %add3A_25, %lt3A_26 : i32
    %convert_element_type3A_28 = arith.extui %lt3A_27 : i1 to i32
    %cond3A_29 = arith.constant 0 : i32
    %cond3A_30 = arith.cmpi ne, %convert_element_type3A_28, %cond3A_29 : i32
    scf.if %cond3A_30 {
      %mul3A_31 = arith.constant 632 : i32
      %mul3A_32 = arith.muli %arg1, %mul3A_31 : i32
      "tpu.region"() ({
        %run_scoped3A = tpu.sem_alloc : memref<!tpu.dma_semaphore, #tpu.memory_space<semaphore_mem>>
        %dma_start3A = arith.constant 0 : i32
        %dma_start3A_49 = tpu.memref_slice %arg8[%mul3A_32, %dma_start3A] : memref<10112x128xf32, #tpu.memory_space<vmem_shared>> -> memref<632x128xf32, #tpu.memory_space<vmem_shared>>
        tpu.enqueue_dma source(%arg4 : memref<632x128xf32, #tpu.memory_space<hbm>>) target(%dma_start3A_49 : memref<632x128xf32, #tpu.memory_space<vmem_shared>>) target_semaphore(%run_scoped3A : memref<!tpu.dma_semaphore, #tpu.memory_space<semaphore_mem>>)
        %dma_wait3A = arith.constant 0 : i32
        %dma_wait3A_50 = tpu.memref_slice %arg8[%mul3A_32, %dma_wait3A] : memref<10112x128xf32, #tpu.memory_space<vmem_shared>> -> memref<632x128xf32, #tpu.memory_space<vmem_shared>>
        tpu.wait_dma2 semaphore(%run_scoped3A : memref<!tpu.dma_semaphore, #tpu.memory_space<semaphore_mem>>) src(%arg4 : memref<632x128xf32, #tpu.memory_space<hbm>>) dst(%dma_wait3A_50 : memref<632x128xf32, #tpu.memory_space<vmem_shared>>)
        tpu.yield
      }) : () -> ()
      %barrier3A = arith.constant 0 : index
      tpu.barrier barrier_id(%barrier3A)
      %scan3A = arith.constant 0 : i32
      %scan3A_33 = arith.constant 0 : i32
      %scan3A_34 = arith.constant 20 : i32
      %scan3A_35 = arith.addi %scan3A_33, %scan3A_34 : i32
      %scan3A_36 = arith.constant 1 : i32
      %scan3A_37 = scf.for %scan3A_49 = %scan3A_33 to %scan3A_35 step %scan3A_36 iter_args(%scan3A_50 = %scan3A) -> (i32)  : i32 {
        %mul3A_51 = arith.constant 40960 : i32
        %mul3A_52 = arith.muli %add3A_25, %mul3A_51 : i32
        %mul3A_53 = arith.constant 2560 : i32
        %mul3A_54 = arith.muli %arg1, %mul3A_53 : i32
        %add3A_55 = arith.addi %mul3A_52, %mul3A_54 : i32
        %mul3A_56 = arith.constant 128 : i32
        %mul3A_57 = arith.muli %scan3A_49, %mul3A_56 : i32
        %add3A_58 = arith.addi %add3A_55, %mul3A_57 : i32
        "tpu.region"() ({
          %run_scoped3A = tpu.sem_alloc : memref<!tpu.dma_semaphore, #tpu.memory_space<semaphore_mem>>
          %dma_start3A = arith.constant 0 : i32
          %dma_start3A_64 = tpu.memref_slice %arg2[%add3A_58, %dma_start3A] : memref<327680x128xf32, #tpu.memory_space<hbm>> -> memref<128x128xf32, #tpu.memory_space<hbm>>
          %dma_start3A_65 = arith.constant 0 : i32
          %dma_start3A_66 = tpu.memref_slice %arg2[%add3A_58, %dma_start3A_65] : memref<327680x128xf32, #tpu.memory_space<hbm>> -> memref<128x128xf32, #tpu.memory_space<hbm>>
          tpu.enqueue_dma source(%dma_start3A_66 : memref<128x128xf32, #tpu.memory_space<hbm>>) target(%arg7 : memref<128x128xf32, #tpu.memory_space<vmem>>) target_semaphore(%run_scoped3A : memref<!tpu.dma_semaphore, #tpu.memory_space<semaphore_mem>>)
          %dma_wait3A = arith.constant 0 : i32
          %dma_wait3A_67 = tpu.memref_slice %arg2[%add3A_58, %dma_wait3A] : memref<327680x128xf32, #tpu.memory_space<hbm>> -> memref<128x128xf32, #tpu.memory_space<hbm>>
          %dma_wait3A_68 = arith.constant 0 : i32
          %dma_wait3A_69 = tpu.memref_slice %arg2[%add3A_58, %dma_wait3A_68] : memref<327680x128xf32, #tpu.memory_space<hbm>> -> memref<128x128xf32, #tpu.memory_space<hbm>>
          tpu.wait_dma2 semaphore(%run_scoped3A : memref<!tpu.dma_semaphore, #tpu.memory_space<semaphore_mem>>) src(%dma_wait3A_69 : memref<128x128xf32, #tpu.memory_space<hbm>>) dst(%arg7 : memref<128x128xf32, #tpu.memory_space<vmem>>)
          tpu.yield
        }) : () -> ()
        %mul3A_59 = arith.constant 1 : i32
        %mul3A_60 = arith.muli %scan3A_49, %mul3A_59 : i32
        %add3A_61 = arith.constant 0 : i32
        %add3A_62 = arith.addi %mul3A_60, %add3A_61 : i32
        "tpu.region"() ({
          %run_scoped3A = tpu.sem_alloc : memref<!tpu.dma_semaphore, #tpu.memory_space<semaphore_mem>>
          %dma_start3A = arith.constant 0 : i32
          %dma_start3A_64 = arith.constant 0 : i32
          %dma_start3A_65 = tpu.memref_slice %arg7[%dma_start3A, %dma_start3A_64] : memref<128x128xf32, #tpu.memory_space<vmem>> -> memref<128x128xf32, #tpu.memory_space<vmem>>
          %dma_start3A_66 = arith.constant 0 : i32
          %dma_start3A_67 = tpu.memref_slice %arg6[%add3A_62, %dma_start3A_66] : memref<20x128xi32, #tpu.memory_space<vmem>> -> memref<1x128xi32, #tpu.memory_space<vmem>>
          %dma_start3A_68 = tpu.memref_squeeze %dma_start3A_67 : memref<1x128xi32, #tpu.memory_space<vmem>> -> memref<128xi32, #tpu.memory_space<vmem>>
          %dma_start3A_69 = arith.constant 0 : i32
          %dma_start3A_70 = arith.constant 0 : i32
          %dma_start3A_71 = tpu.memref_slice %arg8[%dma_start3A_69, %dma_start3A_70] : memref<10112x128xf32, #tpu.memory_space<vmem_shared>> -> memref<10112x128xf32, #tpu.memory_space<vmem_shared>>
          tpu.enqueue_indirect_dma source(%dma_start3A_65 : memref<128x128xf32, #tpu.memory_space<vmem>>) target(%dma_start3A_71 : memref<10112x128xf32, #tpu.memory_space<vmem_shared>>) offsets(%dma_start3A_68 : memref<128xi32, #tpu.memory_space<vmem>>) semaphore(%run_scoped3A : memref<!tpu.dma_semaphore, #tpu.memory_space<semaphore_mem>>) {add = true}
          %dma_wait3A = arith.constant 0 : i32
          %dma_wait3A_72 = arith.constant 0 : i32
          %dma_wait3A_73 = tpu.memref_slice %arg7[%dma_wait3A, %dma_wait3A_72] : memref<128x128xf32, #tpu.memory_space<vmem>> -> memref<128x128xf32, #tpu.memory_space<vmem>>
          %dma_wait3A_74 = arith.constant 0 : i32
          %dma_wait3A_75 = tpu.memref_slice %arg6[%add3A_62, %dma_wait3A_74] : memref<20x128xi32, #tpu.memory_space<vmem>> -> memref<1x128xi32, #tpu.memory_space<vmem>>
          %dma_wait3A_76 = tpu.memref_squeeze %dma_wait3A_75 : memref<1x128xi32, #tpu.memory_space<vmem>> -> memref<128xi32, #tpu.memory_space<vmem>>
          %dma_wait3A_77 = arith.constant 0 : i32
          %dma_wait3A_78 = arith.constant 0 : i32
          %dma_wait3A_79 = tpu.memref_slice %arg8[%dma_wait3A_77, %dma_wait3A_78] : memref<10112x128xf32, #tpu.memory_space<vmem_shared>> -> memref<10112x128xf32, #tpu.memory_space<vmem_shared>>
          tpu.wait_indirect_dma semaphore(%run_scoped3A : memref<!tpu.dma_semaphore, #tpu.memory_space<semaphore_mem>>) src(%dma_wait3A_73 : memref<128x128xf32, #tpu.memory_space<vmem>>) dst(%dma_wait3A_79 : memref<10112x128xf32, #tpu.memory_space<vmem_shared>>)
          tpu.yield
        }) : () -> ()
        %scan3A_63 = arith.constant 0 : i32
        scf.yield %scan3A_63 : i32
      }
      %scan3A_38 = arith.constant 20 : i32
      %barrier3A_39 = arith.constant 0 : index
      tpu.barrier barrier_id(%barrier3A_39)
      %lt3A_40 = arith.constant 15 : i32
      %lt3A_41 = arith.cmpi slt, %arg1, %lt3A_40 : i32
      %convert_element_type3A_42 = arith.extui %lt3A_41 : i1 to i32
      %cond3A_43 = arith.constant 0 : i32
      %cond3A_44 = arith.cmpi ne, %convert_element_type3A_42, %cond3A_43 : i32
      scf.if %cond3A_44 {
        %mul3A_49 = arith.constant 632 : i32
        %mul3A_50 = arith.muli %arg1, %mul3A_49 : i32
        %mul3A_51 = arith.constant 10000 : i32
        %mul3A_52 = arith.muli %add3A_25, %mul3A_51 : i32
        %mul3A_53 = arith.constant 632 : i32
        %mul3A_54 = arith.muli %arg1, %mul3A_53 : i32
        %add3A_55 = arith.addi %mul3A_52, %mul3A_54 : i32
        "tpu.region"() ({
          %run_scoped3A = tpu.sem_alloc : memref<!tpu.dma_semaphore, #tpu.memory_space<semaphore_mem>>
          %dma_start3A = arith.constant 0 : i32
          %dma_start3A_56 = tpu.memref_slice %arg5[%add3A_55, %dma_start3A] : memref<80000x128xf32, #tpu.memory_space<hbm>> -> memref<632x128xf32, #tpu.memory_space<hbm>>
          %dma_start3A_57 = arith.constant 0 : i32
          %dma_start3A_58 = tpu.memref_slice %arg8[%mul3A_50, %dma_start3A_57] : memref<10112x128xf32, #tpu.memory_space<vmem_shared>> -> memref<632x128xf32, #tpu.memory_space<vmem_shared>>
          tpu.enqueue_dma source(%dma_start3A_58 : memref<632x128xf32, #tpu.memory_space<vmem_shared>>) target(%dma_start3A_56 : memref<632x128xf32, #tpu.memory_space<hbm>>) target_semaphore(%run_scoped3A : memref<!tpu.dma_semaphore, #tpu.memory_space<semaphore_mem>>)
          %dma_wait3A = arith.constant 0 : i32
          %dma_wait3A_59 = tpu.memref_slice %arg5[%add3A_55, %dma_wait3A] : memref<80000x128xf32, #tpu.memory_space<hbm>> -> memref<632x128xf32, #tpu.memory_space<hbm>>
          %dma_wait3A_60 = arith.constant 0 : i32
          %dma_wait3A_61 = tpu.memref_slice %arg8[%mul3A_50, %dma_wait3A_60] : memref<10112x128xf32, #tpu.memory_space<vmem_shared>> -> memref<632x128xf32, #tpu.memory_space<vmem_shared>>
          tpu.wait_dma2 semaphore(%run_scoped3A : memref<!tpu.dma_semaphore, #tpu.memory_space<semaphore_mem>>) src(%dma_wait3A_61 : memref<632x128xf32, #tpu.memory_space<vmem_shared>>) dst(%dma_wait3A_59 : memref<632x128xf32, #tpu.memory_space<hbm>>)
          tpu.yield
        }) : () -> ()
      } else {
      }
      %eq3A = arith.constant 15 : i32
      %eq3A_45 = arith.cmpi eq, %arg1, %eq3A : i32
      %convert_element_type3A_46 = arith.extui %eq3A_45 : i1 to i32
      %cond3A_47 = arith.constant 0 : i32
      %cond3A_48 = arith.cmpi ne, %convert_element_type3A_46, %cond3A_47 : i32
      scf.if %cond3A_48 {
        %mul3A_49 = arith.constant 10000 : i32
        %mul3A_50 = arith.muli %add3A_25, %mul3A_49 : i32
        %add3A_51 = arith.constant 9480 : i32
        %add3A_52 = arith.addi %mul3A_50, %add3A_51 : i32
        "tpu.region"() ({
          %run_scoped3A = tpu.sem_alloc : memref<!tpu.dma_semaphore, #tpu.memory_space<semaphore_mem>>
          %dma_start3A = arith.constant 0 : i32
          %dma_start3A_53 = tpu.memref_slice %arg5[%add3A_52, %dma_start3A] : memref<80000x128xf32, #tpu.memory_space<hbm>> -> memref<520x128xf32, #tpu.memory_space<hbm>>
          %dma_start3A_54 = arith.constant 9480 : i32
          %dma_start3A_55 = arith.constant 0 : i32
          %dma_start3A_56 = tpu.memref_slice %arg8[%dma_start3A_54, %dma_start3A_55] : memref<10112x128xf32, #tpu.memory_space<vmem_shared>> -> memref<520x128xf32, #tpu.memory_space<vmem_shared>>
          tpu.enqueue_dma source(%dma_start3A_56 : memref<520x128xf32, #tpu.memory_space<vmem_shared>>) target(%dma_start3A_53 : memref<520x128xf32, #tpu.memory_space<hbm>>) target_semaphore(%run_scoped3A : memref<!tpu.dma_semaphore, #tpu.memory_space<semaphore_mem>>)
          %dma_wait3A = arith.constant 0 : i32
          %dma_wait3A_57 = tpu.memref_slice %arg5[%add3A_52, %dma_wait3A] : memref<80000x128xf32, #tpu.memory_space<hbm>> -> memref<520x128xf32, #tpu.memory_space<hbm>>
          %dma_wait3A_58 = arith.constant 9480 : i32
          %dma_wait3A_59 = arith.constant 0 : i32
          %dma_wait3A_60 = tpu.memref_slice %arg8[%dma_wait3A_58, %dma_wait3A_59] : memref<10112x128xf32, #tpu.memory_space<vmem_shared>> -> memref<520x128xf32, #tpu.memory_space<vmem_shared>>
          tpu.wait_dma2 semaphore(%run_scoped3A : memref<!tpu.dma_semaphore, #tpu.memory_space<semaphore_mem>>) src(%dma_wait3A_60 : memref<520x128xf32, #tpu.memory_space<vmem_shared>>) dst(%dma_wait3A_57 : memref<520x128xf32, #tpu.memory_space<hbm>>)
          tpu.yield
        }) : () -> ()
      } else {
      }
    } else {
    }
    return
  }
}

module attributes {stable_mosaic.version = 14 : i64} {
  func.func @_embed_body(%arg0: i32, %arg1: memref<2000x16xf32, #tpu.memory_space<vmem>>, %arg2: memref<2000x16xf32, #tpu.memory_space<vmem>>, %arg3: memref<16x64xf32, #tpu.memory_space<vmem>>, %arg4: memref<1x64xf32, #tpu.memory_space<vmem>>, %arg5: memref<2000x64xf32, #tpu.memory_space<vmem>>, %arg6: memref<2000x128xf32, #tpu.memory_space<vmem>>) attributes {dimension_semantics = [#tpu.dimension_semantics<arbitrary>], iteration_bounds = array<i64: 5>, scalar_prefetch = 0 : i64, scratch_operands = 0 : i64, tpu.core_type = #tpu.core_type<tc>, window_params = [{transform_indices = @transform_0, window_bounds = array<i64: 2000, 16>}, {transform_indices = @transform_1, window_bounds = array<i64: 2000, 16>}, {pipeline_mode = #tpu.pipeline_mode<synchronous>, transform_indices = @transform_2, window_bounds = array<i64: 16, 64>}, {pipeline_mode = #tpu.pipeline_mode<synchronous>, transform_indices = @transform_3, window_bounds = array<i64: 1, 64>}, {transform_indices = @transform_4, window_bounds = array<i64: 2000, 64>}, {transform_indices = @transform_5, window_bounds = array<i64: 2000, 128>}]} {
    %get3A = arith.constant 0 : index
    %get3A_0 = arith.constant 0 : index
    %get3A_1 = vector.load %arg1[%get3A, %get3A_0] : memref<2000x16xf32, #tpu.memory_space<vmem>>, vector<2000x16xf32>
    %get3A_2 = arith.constant 0 : index
    %get3A_3 = arith.constant 0 : index
    %get3A_4 = vector.load %arg3[%get3A_2, %get3A_3] : memref<16x64xf32, #tpu.memory_space<vmem>>, vector<16x64xf32>
    %dot_general3A = arith.constant dense<0.000000e+00> : vector<2000x64xf32>
    %dot_general3A_5 = tpu.matmul %get3A_1, %get3A_4, %dot_general3A {dimension_numbers = #tpu.dot_dimension_numbers<[1], [0], [0], [1], [0, 0, 1, 1], [], []>, transpose_lhs_hint = false} : vector<2000x16xf32>, vector<16x64xf32>, vector<2000x64xf32> -> vector<2000x64xf32>
    %get3A_6 = arith.constant 0 : index
    %get3A_7 = arith.constant 0 : index
    %get3A_8 = vector.load %arg4[%get3A_6, %get3A_7] : memref<1x64xf32, #tpu.memory_space<vmem>>, vector<1x64xf32>
    %add3A = vector.broadcast %get3A_8 : vector<1x64xf32> to vector<2000x64xf32>
    %add3A_9 = arith.addf %dot_general3A_5, %add3A : vector<2000x64xf32>
    %get3A_10 = arith.constant 0 : index
    %get3A_11 = arith.constant 0 : index
    %get3A_12 = vector.load %arg2[%get3A_10, %get3A_11] : memref<2000x16xf32, #tpu.memory_space<vmem>>, vector<2000x16xf32>
    %swap3A = arith.constant 0 : index
    %swap3A_13 = arith.constant 0 : index
    %swap3A_14 = vector.load %arg5[%swap3A, %swap3A_13] : memref<2000x64xf32, #tpu.memory_space<vmem>>, vector<2000x64xf32>
    tpu.vector_store %arg5[%swap3A, %swap3A_13], %add3A_9 {strides = array<i32>} : memref<2000x64xf32, #tpu.memory_space<vmem>>, vector<2000x64xf32>,
    %broadcast_in_dim3A = arith.constant 0.000000e+00 : f32
    %broadcast_in_dim3A_15 = vector.broadcast %broadcast_in_dim3A : f32 to vector<2000x48xf32>
    %concatenate3A = tpu.concatenate %add3A_9, %get3A_12, %broadcast_in_dim3A_15 in 1 : vector<2000x64xf32>, vector<2000x16xf32>, vector<2000x48xf32> -> vector<2000x128xf32>
    %swap3A_16 = arith.constant 0 : index
    %swap3A_17 = arith.constant 0 : index
    %swap3A_18 = vector.load %arg6[%swap3A_16, %swap3A_17] : memref<2000x128xf32, #tpu.memory_space<vmem>>, vector<2000x128xf32>
    tpu.vector_store %arg6[%swap3A_16, %swap3A_17], %concatenate3A {strides = array<i32>} : memref<2000x128xf32, #tpu.memory_space<vmem>>, vector<2000x128xf32>,
    return
  }
  func.func @transform_0(%arg0: i32) -> (i32, i32) {
    %c0_i32 = arith.constant 0 : i32
    %c0_i32_0 = arith.constant 0 : i32
    return %arg0, %c0_i32 : i32, i32
  }
  func.func @transform_1(%arg0: i32) -> (i32, i32) {
    %c0_i32 = arith.constant 0 : i32
    %c0_i32_0 = arith.constant 0 : i32
    return %arg0, %c0_i32 : i32, i32
  }
  func.func @transform_2(%arg0: i32) -> (i32, i32) {
    %c0_i32 = arith.constant 0 : i32
    %c0_i32_0 = arith.constant 0 : i32
    %c0_i32_1 = arith.constant 0 : i32
    return %c0_i32, %c0_i32_0 : i32, i32
  }
  func.func @transform_3(%arg0: i32) -> (i32, i32) {
    %c0_i32 = arith.constant 0 : i32
    %c0_i32_0 = arith.constant 0 : i32
    %c0_i32_1 = arith.constant 0 : i32
    return %c0_i32, %c0_i32_0 : i32, i32
  }
  func.func @transform_4(%arg0: i32) -> (i32, i32) {
    %c0_i32 = arith.constant 0 : i32
    %c0_i32_0 = arith.constant 0 : i32
    return %arg0, %c0_i32 : i32, i32
  }
  func.func @transform_5(%arg0: i32) -> (i32, i32) {
    %c0_i32 = arith.constant 0 : i32
    %c0_i32_0 = arith.constant 0 : i32
    return %arg0, %c0_i32 : i32, i32
  }
}

module attributes {stable_mosaic.version = 14 : i64} {
  func.func @_edge_body(%arg0: i32, %arg1: memref<2048x128xf32, #tpu.memory_space<vmem>>, %arg2: memref<2048x128xf32, #tpu.memory_space<vmem>>, %arg3: memref<2048x4xf32, #tpu.memory_space<vmem>>, %arg4: memref<256x64xf32, #tpu.memory_space<vmem>>, %arg5: memref<1x64xf32, #tpu.memory_space<vmem>>, %arg6: memref<64x64xf32, #tpu.memory_space<vmem>>, %arg7: memref<1x64xf32, #tpu.memory_space<vmem>>, %arg8: memref<64x64xf32, #tpu.memory_space<vmem>>, %arg9: memref<1x64xf32, #tpu.memory_space<vmem>>, %arg10: memref<64x1xf32, #tpu.memory_space<vmem>>, %arg11: memref<1x1xf32, #tpu.memory_space<vmem>>, %arg12: memref<2048x128xf32, #tpu.memory_space<vmem>>) attributes {dimension_semantics = [#tpu.dimension_semantics<arbitrary>], iteration_bounds = array<i64: 20>, scalar_prefetch = 0 : i64, scratch_operands = 0 : i64, tpu.core_type = #tpu.core_type<tc>, window_params = [{transform_indices = @transform_0, window_bounds = array<i64: 2048, 128>}, {transform_indices = @transform_1, window_bounds = array<i64: 2048, 128>}, {transform_indices = @transform_2, window_bounds = array<i64: 2048, 4>}, {pipeline_mode = #tpu.pipeline_mode<synchronous>, transform_indices = @transform_3, window_bounds = array<i64: 256, 64>}, {pipeline_mode = #tpu.pipeline_mode<synchronous>, transform_indices = @transform_4, window_bounds = array<i64: 1, 64>}, {pipeline_mode = #tpu.pipeline_mode<synchronous>, transform_indices = @transform_5, window_bounds = array<i64: 64, 64>}, {pipeline_mode = #tpu.pipeline_mode<synchronous>, transform_indices = @transform_6, window_bounds = array<i64: 1, 64>}, {pipeline_mode = #tpu.pipeline_mode<synchronous>, transform_indices = @transform_7, window_bounds = array<i64: 64, 64>}, {pipeline_mode = #tpu.pipeline_mode<synchronous>, transform_indices = @transform_8, window_bounds = array<i64: 1, 64>}, {pipeline_mode = #tpu.pipeline_mode<synchronous>, transform_indices = @transform_9, window_bounds = array<i64: 64, 1>}, {pipeline_mode = #tpu.pipeline_mode<synchronous>, transform_indices = @transform_10, window_bounds = array<i64: 1, 1>}, {transform_indices = @transform_11, window_bounds = array<i64: 2048, 128>}]} {
    %get3A = arith.constant 0 : index
    %get3A_0 = arith.constant 0 : index
    %get3A_1 = vector.load %arg1[%get3A, %get3A_0] : memref<2048x128xf32, #tpu.memory_space<vmem>>, vector<2048x128xf32>
    %get3A_2 = arith.constant 0 : index
    %get3A_3 = arith.constant 0 : index
    %get3A_4 = vector.load %arg2[%get3A_2, %get3A_3] : memref<2048x128xf32, #tpu.memory_space<vmem>>, vector<2048x128xf32>
    %slice3A = vector.extract_strided_slice %get3A_1 {offsets = [0, 64], sizes = [2048, 16], strides = [1, 1]} : vector<2048x128xf32> to vector<2048x16xf32>
    %slice3A_5 = vector.extract_strided_slice %get3A_4 {offsets = [0, 64], sizes = [2048, 16], strides = [1, 1]} : vector<2048x128xf32> to vector<2048x16xf32>
    %sub3A = arith.subf %slice3A, %slice3A_5 : vector<2048x16xf32>
    %mul3A = arith.mulf %sub3A, %sub3A : vector<2048x16xf32>
    %reduce_sum3A = arith.constant dense<0.000000e+00> : vector<2048xf32>
    %reduce_sum3A_6 = vector.multi_reduction <add>, %mul3A, %reduce_sum3A [1] : vector<2048x16xf32> to vector<2048xf32>
    %broadcast_in_dim3A = vector.shape_cast %reduce_sum3A_6 : vector<2048xf32> to vector<2048x1xf32>
    %broadcast_in_dim3A_7 = arith.constant 0.000000e+00 : f32
    %broadcast_in_dim3A_8 = vector.broadcast %broadcast_in_dim3A_7 : f32 to vector<2048x123xf32>
    %slice3A_9 = vector.extract_strided_slice %get3A_1 {offsets = [0, 0], sizes = [2048, 64], strides = [1, 1]} : vector<2048x128xf32> to vector<2048x64xf32>
    %slice3A_10 = vector.extract_strided_slice %get3A_4 {offsets = [0, 0], sizes = [2048, 64], strides = [1, 1]} : vector<2048x128xf32> to vector<2048x64xf32>
    %get3A_11 = arith.constant 0 : index
    %get3A_12 = arith.constant 0 : index
    %get3A_13 = vector.load %arg3[%get3A_11, %get3A_12] : memref<2048x4xf32, #tpu.memory_space<vmem>>, vector<2048x4xf32>
    %concatenate3A = tpu.concatenate %slice3A_9, %slice3A_10, %broadcast_in_dim3A, %get3A_13, %broadcast_in_dim3A_8 in 1 : vector<2048x64xf32>, vector<2048x64xf32>, vector<2048x1xf32>, vector<2048x4xf32>, vector<2048x123xf32> -> vector<2048x256xf32>
    %get3A_14 = arith.constant 0 : index
    %get3A_15 = arith.constant 0 : index
    %get3A_16 = vector.load %arg4[%get3A_14, %get3A_15] : memref<256x64xf32, #tpu.memory_space<vmem>>, vector<256x64xf32>
    %dot_general3A = arith.constant dense<0.000000e+00> : vector<2048x64xf32>
    %dot_general3A_17 = tpu.matmul %concatenate3A, %get3A_16, %dot_general3A {dimension_numbers = #tpu.dot_dimension_numbers<[1], [0], [0], [1], [0, 0, 1, 1], [], []>, transpose_lhs_hint = false} : vector<2048x256xf32>, vector<256x64xf32>, vector<2048x64xf32> -> vector<2048x64xf32>
    %get3A_18 = arith.constant 0 : index
    %get3A_19 = arith.constant 0 : index
    %get3A_20 = vector.load %arg5[%get3A_18, %get3A_19] : memref<1x64xf32, #tpu.memory_space<vmem>>, vector<1x64xf32>
    %add3A = vector.broadcast %get3A_20 : vector<1x64xf32> to vector<2048x64xf32>
    %add3A_21 = arith.addf %dot_general3A_17, %add3A : vector<2048x64xf32>
    %logistic3A = arith.negf %add3A_21 : vector<2048x64xf32>
    %logistic3A_22 = math.exp %logistic3A : vector<2048x64xf32>
    %logistic3A_23 = arith.constant 1.000000e+00 : f32
    %logistic3A_24 = vector.broadcast %logistic3A_23 : f32 to vector<2048x64xf32>
    %logistic3A_25 = arith.addf %logistic3A_24, %logistic3A_22 : vector<2048x64xf32>
    %logistic3A_26 = arith.divf %logistic3A_24, %logistic3A_25 : vector<2048x64xf32>
    %mul3A_27 = arith.mulf %add3A_21, %logistic3A_26 : vector<2048x64xf32>
    %get3A_28 = arith.constant 0 : index
    %get3A_29 = arith.constant 0 : index
    %get3A_30 = vector.load %arg6[%get3A_28, %get3A_29] : memref<64x64xf32, #tpu.memory_space<vmem>>, vector<64x64xf32>
    %dot_general3A_31 = arith.constant dense<0.000000e+00> : vector<2048x64xf32>
    %dot_general3A_32 = tpu.matmul %mul3A_27, %get3A_30, %dot_general3A_31 {dimension_numbers = #tpu.dot_dimension_numbers<[1], [0], [0], [1], [0, 0, 1, 1], [], []>, transpose_lhs_hint = false} : vector<2048x64xf32>, vector<64x64xf32>, vector<2048x64xf32> -> vector<2048x64xf32>
    %get3A_33 = arith.constant 0 : index
    %get3A_34 = arith.constant 0 : index
    %get3A_35 = vector.load %arg7[%get3A_33, %get3A_34] : memref<1x64xf32, #tpu.memory_space<vmem>>, vector<1x64xf32>
    %add3A_36 = vector.broadcast %get3A_35 : vector<1x64xf32> to vector<2048x64xf32>
    %add3A_37 = arith.addf %dot_general3A_32, %add3A_36 : vector<2048x64xf32>
    %logistic3A_38 = arith.negf %add3A_37 : vector<2048x64xf32>
    %logistic3A_39 = math.exp %logistic3A_38 : vector<2048x64xf32>
    %logistic3A_40 = arith.constant 1.000000e+00 : f32
    %logistic3A_41 = vector.broadcast %logistic3A_40 : f32 to vector<2048x64xf32>
    %logistic3A_42 = arith.addf %logistic3A_41, %logistic3A_39 : vector<2048x64xf32>
    %logistic3A_43 = arith.divf %logistic3A_41, %logistic3A_42 : vector<2048x64xf32>
    %mul3A_44 = arith.mulf %add3A_37, %logistic3A_43 : vector<2048x64xf32>
    %get3A_45 = arith.constant 0 : index
    %get3A_46 = arith.constant 0 : index
    %get3A_47 = vector.load %arg8[%get3A_45, %get3A_46] : memref<64x64xf32, #tpu.memory_space<vmem>>, vector<64x64xf32>
    %dot_general3A_48 = arith.constant dense<0.000000e+00> : vector<2048x64xf32>
    %dot_general3A_49 = tpu.matmul %mul3A_44, %get3A_47, %dot_general3A_48 {dimension_numbers = #tpu.dot_dimension_numbers<[1], [0], [0], [1], [0, 0, 1, 1], [], []>, transpose_lhs_hint = false} : vector<2048x64xf32>, vector<64x64xf32>, vector<2048x64xf32> -> vector<2048x64xf32>
    %get3A_50 = arith.constant 0 : index
    %get3A_51 = arith.constant 0 : index
    %get3A_52 = vector.load %arg9[%get3A_50, %get3A_51] : memref<1x64xf32, #tpu.memory_space<vmem>>, vector<1x64xf32>
    %add3A_53 = vector.broadcast %get3A_52 : vector<1x64xf32> to vector<2048x64xf32>
    %add3A_54 = arith.addf %dot_general3A_49, %add3A_53 : vector<2048x64xf32>
    %logistic3A_55 = arith.negf %add3A_54 : vector<2048x64xf32>
    %logistic3A_56 = math.exp %logistic3A_55 : vector<2048x64xf32>
    %logistic3A_57 = arith.constant 1.000000e+00 : f32
    %logistic3A_58 = vector.broadcast %logistic3A_57 : f32 to vector<2048x64xf32>
    %logistic3A_59 = arith.addf %logistic3A_58, %logistic3A_56 : vector<2048x64xf32>
    %logistic3A_60 = arith.divf %logistic3A_58, %logistic3A_59 : vector<2048x64xf32>
    %mul3A_61 = arith.mulf %add3A_54, %logistic3A_60 : vector<2048x64xf32>
    %get3A_62 = arith.constant 0 : index
    %get3A_63 = arith.constant 0 : index
    %get3A_64 = vector.load %arg10[%get3A_62, %get3A_63] : memref<64x1xf32, #tpu.memory_space<vmem>>, vector<64x1xf32>
    %dot_general3A_65 = arith.constant dense<0.000000e+00> : vector<2048x1xf32>
    %dot_general3A_66 = tpu.matmul %mul3A_61, %get3A_64, %dot_general3A_65 {dimension_numbers = #tpu.dot_dimension_numbers<[1], [0], [0], [1], [0, 0, 1, 1], [], []>, transpose_lhs_hint = false} : vector<2048x64xf32>, vector<64x1xf32>, vector<2048x1xf32> -> vector<2048x1xf32>
    %get3A_67 = arith.constant 0 : index
    %get3A_68 = arith.constant 0 : index
    %get3A_69 = vector.load %arg11[%get3A_67, %get3A_68] : memref<1x1xf32, #tpu.memory_space<vmem>>, vector<1x1xf32>
    %add3A_70 = vector.broadcast %get3A_69 : vector<1x1xf32> to vector<2048x1xf32>
    %add3A_71 = arith.addf %dot_general3A_66, %add3A_70 : vector<2048x1xf32>
    %broadcast_in_dim3A_72 = arith.constant 1.000000e+00 : f32
    %broadcast_in_dim3A_73 = vector.broadcast %broadcast_in_dim3A_72 : f32 to vector<2048x1xf32>
    %slice3A_74 = vector.extract_strided_slice %sub3A {offsets = [0, 0], sizes = [2048, 4], strides = [1, 1]} : vector<2048x16xf32> to vector<2048x4xf32>
    %mul3A_75 = vector.broadcast %add3A_71 : vector<2048x1xf32> to vector<2048x4xf32>
    %mul3A_76 = arith.mulf %slice3A_74, %mul3A_75 : vector<2048x4xf32>
    %broadcast_in_dim3A_77 = arith.constant 0.000000e+00 : f32
    %broadcast_in_dim3A_78 = vector.broadcast %broadcast_in_dim3A_77 : f32 to vector<2048x59xf32>
    %concatenate3A_79 = tpu.concatenate %mul3A_44, %mul3A_76, %broadcast_in_dim3A_73, %broadcast_in_dim3A_78 in 1 : vector<2048x64xf32>, vector<2048x4xf32>, vector<2048x1xf32>, vector<2048x59xf32> -> vector<2048x128xf32>
    %swap3A = arith.constant 0 : index
    %swap3A_80 = arith.constant 0 : index
    %swap3A_81 = vector.load %arg12[%swap3A, %swap3A_80] : memref<2048x128xf32, #tpu.memory_space<vmem>>, vector<2048x128xf32>
    tpu.vector_store %arg12[%swap3A, %swap3A_80], %concatenate3A_79 {strides = array<i32>} : memref<2048x128xf32, #tpu.memory_space<vmem>>, vector<2048x128xf32>,
    return
  }
  func.func @transform_0(%arg0: i32) -> (i32, i32) {
    %c0_i32 = arith.constant 0 : i32
    %c0_i32_0 = arith.constant 0 : i32
    return %arg0, %c0_i32 : i32, i32
  }
  func.func @transform_1(%arg0: i32) -> (i32, i32) {
    %c0_i32 = arith.constant 0 : i32
    %c0_i32_0 = arith.constant 0 : i32
    return %arg0, %c0_i32 : i32, i32
  }
  func.func @transform_2(%arg0: i32) -> (i32, i32) {
    %c0_i32 = arith.constant 0 : i32
    %c0_i32_0 = arith.constant 0 : i32
    return %arg0, %c0_i32 : i32, i32
  }
  func.func @transform_3(%arg0: i32) -> (i32, i32) {
    %c0_i32 = arith.constant 0 : i32
    %c0_i32_0 = arith.constant 0 : i32
    %c0_i32_1 = arith.constant 0 : i32
    return %c0_i32, %c0_i32_0 : i32, i32
  }
  func.func @transform_4(%arg0: i32) -> (i32, i32) {
    %c0_i32 = arith.constant 0 : i32
    %c0_i32_0 = arith.constant 0 : i32
    %c0_i32_1 = arith.constant 0 : i32
    return %c0_i32, %c0_i32_0 : i32, i32
  }
  func.func @transform_5(%arg0: i32) -> (i32, i32) {
    %c0_i32 = arith.constant 0 : i32
    %c0_i32_0 = arith.constant 0 : i32
    %c0_i32_1 = arith.constant 0 : i32
    return %c0_i32, %c0_i32_0 : i32, i32
  }
  func.func @transform_6(%arg0: i32) -> (i32, i32) {
    %c0_i32 = arith.constant 0 : i32
    %c0_i32_0 = arith.constant 0 : i32
    %c0_i32_1 = arith.constant 0 : i32
    return %c0_i32, %c0_i32_0 : i32, i32
  }
  func.func @transform_7(%arg0: i32) -> (i32, i32) {
    %c0_i32 = arith.constant 0 : i32
    %c0_i32_0 = arith.constant 0 : i32
    %c0_i32_1 = arith.constant 0 : i32
    return %c0_i32, %c0_i32_0 : i32, i32
  }
  func.func @transform_8(%arg0: i32) -> (i32, i32) {
    %c0_i32 = arith.constant 0 : i32
    %c0_i32_0 = arith.constant 0 : i32
    %c0_i32_1 = arith.constant 0 : i32
    return %c0_i32, %c0_i32_0 : i32, i32
  }
  func.func @transform_9(%arg0: i32) -> (i32, i32) {
    %c0_i32 = arith.constant 0 : i32
    %c0_i32_0 = arith.constant 0 : i32
    %c0_i32_1 = arith.constant 0 : i32
    return %c0_i32, %c0_i32_0 : i32, i32
  }
  func.func @transform_10(%arg0: i32) -> (i32, i32) {
    %c0_i32 = arith.constant 0 : i32
    %c0_i32_0 = arith.constant 0 : i32
    %c0_i32_1 = arith.constant 0 : i32
    return %c0_i32, %c0_i32_0 : i32, i32
  }
  func.func @transform_11(%arg0: i32) -> (i32, i32) {
    %c0_i32 = arith.constant 0 : i32
    %c0_i32_0 = arith.constant 0 : i32
    return %arg0, %c0_i32 : i32, i32
  }
}

module attributes {stable_mosaic.version = 14 : i64} {
  func.func @_node_body(%arg0: i32, %arg1: memref<2000x16xf32, #tpu.memory_space<vmem>>, %arg2: memref<2000x64xf32, #tpu.memory_space<vmem>>, %arg3: memref<2000x128xf32, #tpu.memory_space<vmem>>, %arg4: memref<128x64xf32, #tpu.memory_space<vmem>>, %arg5: memref<1x64xf32, #tpu.memory_space<vmem>>, %arg6: memref<64x64xf32, #tpu.memory_space<vmem>>, %arg7: memref<1x64xf32, #tpu.memory_space<vmem>>, %arg8: memref<2000x16xf32, #tpu.memory_space<vmem>>, %arg9: memref<2000x64xf32, #tpu.memory_space<vmem>>, %arg10: memref<2000x128xf32, #tpu.memory_space<vmem>>) attributes {dimension_semantics = [#tpu.dimension_semantics<arbitrary>], iteration_bounds = array<i64: 5>, scalar_prefetch = 0 : i64, scratch_operands = 0 : i64, tpu.core_type = #tpu.core_type<tc>, window_params = [{transform_indices = @transform_0, window_bounds = array<i64: 2000, 16>}, {transform_indices = @transform_1, window_bounds = array<i64: 2000, 64>}, {transform_indices = @transform_2, window_bounds = array<i64: 2000, 128>}, {pipeline_mode = #tpu.pipeline_mode<synchronous>, transform_indices = @transform_3, window_bounds = array<i64: 128, 64>}, {pipeline_mode = #tpu.pipeline_mode<synchronous>, transform_indices = @transform_4, window_bounds = array<i64: 1, 64>}, {pipeline_mode = #tpu.pipeline_mode<synchronous>, transform_indices = @transform_5, window_bounds = array<i64: 64, 64>}, {pipeline_mode = #tpu.pipeline_mode<synchronous>, transform_indices = @transform_6, window_bounds = array<i64: 1, 64>}, {transform_indices = @transform_7, window_bounds = array<i64: 2000, 16>}, {transform_indices = @transform_8, window_bounds = array<i64: 2000, 64>}, {transform_indices = @transform_9, window_bounds = array<i64: 2000, 128>}]} {
    %get3A = arith.constant 0 : index
    %get3A_0 = arith.constant 0 : index
    %get3A_1 = vector.load %arg3[%get3A, %get3A_0] : memref<2000x128xf32, #tpu.memory_space<vmem>>, vector<2000x128xf32>
    %slice3A = vector.extract_strided_slice %get3A_1 {offsets = [0, 0], sizes = [2000, 64], strides = [1, 1]} : vector<2000x128xf32> to vector<2000x64xf32>
    %slice3A_2 = vector.extract_strided_slice %get3A_1 {offsets = [0, 68], sizes = [2000, 1], strides = [1, 1]} : vector<2000x128xf32> to vector<2000x1xf32>
    %max3A = arith.constant 1.000000e+00 : f32
    %max3A_3 = vector.broadcast %max3A : f32 to vector<2000x1xf32>
    %max3A_4 = arith.maximumf %slice3A_2, %max3A_3 : vector<2000x1xf32>
    %slice3A_5 = vector.extract_strided_slice %get3A_1 {offsets = [0, 64], sizes = [2000, 4], strides = [1, 1]} : vector<2000x128xf32> to vector<2000x4xf32>
    %broadcast_in_dim3A = arith.constant 0.000000e+00 : f32
    %broadcast_in_dim3A_6 = vector.broadcast %broadcast_in_dim3A : f32 to vector<2000x12xf32>
    %concatenate3A = tpu.concatenate %slice3A_5, %broadcast_in_dim3A_6 in 1 : vector<2000x4xf32>, vector<2000x12xf32> -> vector<2000x16xf32>
    %get3A_7 = arith.constant 0 : index
    %get3A_8 = arith.constant 0 : index
    %get3A_9 = vector.load %arg1[%get3A_7, %get3A_8] : memref<2000x16xf32, #tpu.memory_space<vmem>>, vector<2000x16xf32>
    %div3A = vector.broadcast %max3A_4 : vector<2000x1xf32> to vector<2000x16xf32>
    %div3A_10 = arith.divf %concatenate3A, %div3A : vector<2000x16xf32>
    %add3A = arith.addf %get3A_9, %div3A_10 : vector<2000x16xf32>
    %swap3A = arith.constant 0 : index
    %swap3A_11 = arith.constant 0 : index
    %swap3A_12 = vector.load %arg8[%swap3A, %swap3A_11] : memref<2000x16xf32, #tpu.memory_space<vmem>>, vector<2000x16xf32>
    tpu.vector_store %arg8[%swap3A, %swap3A_11], %add3A {strides = array<i32>} : memref<2000x16xf32, #tpu.memory_space<vmem>>, vector<2000x16xf32>,
    %get3A_13 = arith.constant 0 : index
    %get3A_14 = arith.constant 0 : index
    %get3A_15 = vector.load %arg2[%get3A_13, %get3A_14] : memref<2000x64xf32, #tpu.memory_space<vmem>>, vector<2000x64xf32>
    %concatenate3A_16 = tpu.concatenate %get3A_15, %slice3A in 1 : vector<2000x64xf32>, vector<2000x64xf32> -> vector<2000x128xf32>
    %get3A_17 = arith.constant 0 : index
    %get3A_18 = arith.constant 0 : index
    %get3A_19 = vector.load %arg4[%get3A_17, %get3A_18] : memref<128x64xf32, #tpu.memory_space<vmem>>, vector<128x64xf32>
    %dot_general3A = arith.constant dense<0.000000e+00> : vector<2000x64xf32>
    %dot_general3A_20 = tpu.matmul %concatenate3A_16, %get3A_19, %dot_general3A {dimension_numbers = #tpu.dot_dimension_numbers<[1], [0], [0], [1], [0, 0, 1, 1], [], []>, transpose_lhs_hint = false} : vector<2000x128xf32>, vector<128x64xf32>, vector<2000x64xf32> -> vector<2000x64xf32>
    %get3A_21 = arith.constant 0 : index
    %get3A_22 = arith.constant 0 : index
    %get3A_23 = vector.load %arg5[%get3A_21, %get3A_22] : memref<1x64xf32, #tpu.memory_space<vmem>>, vector<1x64xf32>
    %add3A_24 = vector.broadcast %get3A_23 : vector<1x64xf32> to vector<2000x64xf32>
    %add3A_25 = arith.addf %dot_general3A_20, %add3A_24 : vector<2000x64xf32>
    %logistic3A = arith.negf %add3A_25 : vector<2000x64xf32>
    %logistic3A_26 = math.exp %logistic3A : vector<2000x64xf32>
    %logistic3A_27 = arith.constant 1.000000e+00 : f32
    %logistic3A_28 = vector.broadcast %logistic3A_27 : f32 to vector<2000x64xf32>
    %logistic3A_29 = arith.addf %logistic3A_28, %logistic3A_26 : vector<2000x64xf32>
    %logistic3A_30 = arith.divf %logistic3A_28, %logistic3A_29 : vector<2000x64xf32>
    %mul3A = arith.mulf %add3A_25, %logistic3A_30 : vector<2000x64xf32>
    %get3A_31 = arith.constant 0 : index
    %get3A_32 = arith.constant 0 : index
    %get3A_33 = vector.load %arg6[%get3A_31, %get3A_32] : memref<64x64xf32, #tpu.memory_space<vmem>>, vector<64x64xf32>
    %dot_general3A_34 = arith.constant dense<0.000000e+00> : vector<2000x64xf32>
    %dot_general3A_35 = tpu.matmul %mul3A, %get3A_33, %dot_general3A_34 {dimension_numbers = #tpu.dot_dimension_numbers<[1], [0], [0], [1], [0, 0, 1, 1], [], []>, transpose_lhs_hint = false} : vector<2000x64xf32>, vector<64x64xf32>, vector<2000x64xf32> -> vector<2000x64xf32>
    %add3A_36 = arith.addf %get3A_15, %dot_general3A_35 : vector<2000x64xf32>
    %get3A_37 = arith.constant 0 : index
    %get3A_38 = arith.constant 0 : index
    %get3A_39 = vector.load %arg7[%get3A_37, %get3A_38] : memref<1x64xf32, #tpu.memory_space<vmem>>, vector<1x64xf32>
    %add3A_40 = vector.broadcast %get3A_39 : vector<1x64xf32> to vector<2000x64xf32>
    %add3A_41 = arith.addf %add3A_36, %add3A_40 : vector<2000x64xf32>
    %swap3A_42 = arith.constant 0 : index
    %swap3A_43 = arith.constant 0 : index
    %swap3A_44 = vector.load %arg9[%swap3A_42, %swap3A_43] : memref<2000x64xf32, #tpu.memory_space<vmem>>, vector<2000x64xf32>
    tpu.vector_store %arg9[%swap3A_42, %swap3A_43], %add3A_41 {strides = array<i32>} : memref<2000x64xf32, #tpu.memory_space<vmem>>, vector<2000x64xf32>,
    %broadcast_in_dim3A_45 = arith.constant 0.000000e+00 : f32
    %broadcast_in_dim3A_46 = vector.broadcast %broadcast_in_dim3A_45 : f32 to vector<2000x48xf32>
    %concatenate3A_47 = tpu.concatenate %add3A_41, %add3A, %broadcast_in_dim3A_46 in 1 : vector<2000x64xf32>, vector<2000x16xf32>, vector<2000x48xf32> -> vector<2000x128xf32>
    %swap3A_48 = arith.constant 0 : index
    %swap3A_49 = arith.constant 0 : index
    %swap3A_50 = vector.load %arg10[%swap3A_48, %swap3A_49] : memref<2000x128xf32, #tpu.memory_space<vmem>>, vector<2000x128xf32>
    tpu.vector_store %arg10[%swap3A_48, %swap3A_49], %concatenate3A_47 {strides = array<i32>} : memref<2000x128xf32, #tpu.memory_space<vmem>>, vector<2000x128xf32>,
    return
  }
  func.func @transform_0(%arg0: i32) -> (i32, i32) {
    %c0_i32 = arith.constant 0 : i32
    %c0_i32_0 = arith.constant 0 : i32
    return %arg0, %c0_i32 : i32, i32
  }
  func.func @transform_1(%arg0: i32) -> (i32, i32) {
    %c0_i32 = arith.constant 0 : i32
    %c0_i32_0 = arith.constant 0 : i32
    return %arg0, %c0_i32 : i32, i32
  }
  func.func @transform_2(%arg0: i32) -> (i32, i32) {
    %c0_i32 = arith.constant 0 : i32
    %c0_i32_0 = arith.constant 0 : i32
    return %arg0, %c0_i32 : i32, i32
  }
  func.func @transform_3(%arg0: i32) -> (i32, i32) {
    %c0_i32 = arith.constant 0 : i32
    %c0_i32_0 = arith.constant 0 : i32
    %c0_i32_1 = arith.constant 0 : i32
    return %c0_i32, %c0_i32_0 : i32, i32
  }
  func.func @transform_4(%arg0: i32) -> (i32, i32) {
    %c0_i32 = arith.constant 0 : i32
    %c0_i32_0 = arith.constant 0 : i32
    %c0_i32_1 = arith.constant 0 : i32
    return %c0_i32, %c0_i32_0 : i32, i32
  }
  func.func @transform_5(%arg0: i32) -> (i32, i32) {
    %c0_i32 = arith.constant 0 : i32
    %c0_i32_0 = arith.constant 0 : i32
    %c0_i32_1 = arith.constant 0 : i32
    return %c0_i32, %c0_i32_0 : i32, i32
  }
  func.func @transform_6(%arg0: i32) -> (i32, i32) {
    %c0_i32 = arith.constant 0 : i32
    %c0_i32_0 = arith.constant 0 : i32
    %c0_i32_1 = arith.constant 0 : i32
    return %c0_i32, %c0_i32_0 : i32, i32
  }
  func.func @transform_7(%arg0: i32) -> (i32, i32) {
    %c0_i32 = arith.constant 0 : i32
    %c0_i32_0 = arith.constant 0 : i32
    return %arg0, %c0_i32 : i32, i32
  }
  func.func @transform_8(%arg0: i32) -> (i32, i32) {
    %c0_i32 = arith.constant 0 : i32
    %c0_i32_0 = arith.constant 0 : i32
    return %arg0, %c0_i32 : i32, i32
  }
  func.func @transform_9(%arg0: i32) -> (i32, i32) {
    %c0_i32 = arith.constant 0 : i32
    %c0_i32_0 = arith.constant 0 : i32
    return %arg0, %c0_i32 : i32, i32
  }
}

module attributes {stable_mosaic.version = 14 : i64} {
  func.func @_node_body(%arg0: i32, %arg1: memref<2000x16xf32, #tpu.memory_space<vmem>>, %arg2: memref<2000x64xf32, #tpu.memory_space<vmem>>, %arg3: memref<2000x128xf32, #tpu.memory_space<vmem>>, %arg4: memref<128x64xf32, #tpu.memory_space<vmem>>, %arg5: memref<1x64xf32, #tpu.memory_space<vmem>>, %arg6: memref<64x64xf32, #tpu.memory_space<vmem>>, %arg7: memref<1x64xf32, #tpu.memory_space<vmem>>, %arg8: memref<2000x16xf32, #tpu.memory_space<vmem>>, %arg9: memref<2000x64xf32, #tpu.memory_space<vmem>>, %arg10: memref<2000x128xf32, #tpu.memory_space<vmem>>) attributes {dimension_semantics = [#tpu.dimension_semantics<arbitrary>], iteration_bounds = array<i64: 5>, scalar_prefetch = 0 : i64, scratch_operands = 0 : i64, tpu.core_type = #tpu.core_type<tc>, window_params = [{transform_indices = @transform_0, window_bounds = array<i64: 2000, 16>}, {transform_indices = @transform_1, window_bounds = array<i64: 2000, 64>}, {transform_indices = @transform_2, window_bounds = array<i64: 2000, 128>}, {pipeline_mode = #tpu.pipeline_mode<synchronous>, transform_indices = @transform_3, window_bounds = array<i64: 128, 64>}, {pipeline_mode = #tpu.pipeline_mode<synchronous>, transform_indices = @transform_4, window_bounds = array<i64: 1, 64>}, {pipeline_mode = #tpu.pipeline_mode<synchronous>, transform_indices = @transform_5, window_bounds = array<i64: 64, 64>}, {pipeline_mode = #tpu.pipeline_mode<synchronous>, transform_indices = @transform_6, window_bounds = array<i64: 1, 64>}, {transform_indices = @transform_7, window_bounds = array<i64: 2000, 16>}, {transform_indices = @transform_8, window_bounds = array<i64: 2000, 64>}, {transform_indices = @transform_9, window_bounds = array<i64: 2000, 128>}]} {
    %get3A = arith.constant 0 : index
    %get3A_0 = arith.constant 0 : index
    %get3A_1 = vector.load %arg3[%get3A, %get3A_0] : memref<2000x128xf32, #tpu.memory_space<vmem>>, vector<2000x128xf32>
    %slice3A = vector.extract_strided_slice %get3A_1 {offsets = [0, 0], sizes = [2000, 64], strides = [1, 1]} : vector<2000x128xf32> to vector<2000x64xf32>
    %slice3A_2 = vector.extract_strided_slice %get3A_1 {offsets = [0, 68], sizes = [2000, 1], strides = [1, 1]} : vector<2000x128xf32> to vector<2000x1xf32>
    %max3A = arith.constant 1.000000e+00 : f32
    %max3A_3 = vector.broadcast %max3A : f32 to vector<2000x1xf32>
    %max3A_4 = arith.maximumf %slice3A_2, %max3A_3 : vector<2000x1xf32>
    %slice3A_5 = vector.extract_strided_slice %get3A_1 {offsets = [0, 64], sizes = [2000, 4], strides = [1, 1]} : vector<2000x128xf32> to vector<2000x4xf32>
    %broadcast_in_dim3A = arith.constant 0.000000e+00 : f32
    %broadcast_in_dim3A_6 = vector.broadcast %broadcast_in_dim3A : f32 to vector<2000x12xf32>
    %concatenate3A = tpu.concatenate %slice3A_5, %broadcast_in_dim3A_6 in 1 : vector<2000x4xf32>, vector<2000x12xf32> -> vector<2000x16xf32>
    %get3A_7 = arith.constant 0 : index
    %get3A_8 = arith.constant 0 : index
    %get3A_9 = vector.load %arg1[%get3A_7, %get3A_8] : memref<2000x16xf32, #tpu.memory_space<vmem>>, vector<2000x16xf32>
    %div3A = vector.broadcast %max3A_4 : vector<2000x1xf32> to vector<2000x16xf32>
    %div3A_10 = arith.divf %concatenate3A, %div3A : vector<2000x16xf32>
    %add3A = arith.addf %get3A_9, %div3A_10 : vector<2000x16xf32>
    %swap3A = arith.constant 0 : index
    %swap3A_11 = arith.constant 0 : index
    %swap3A_12 = vector.load %arg8[%swap3A, %swap3A_11] : memref<2000x16xf32, #tpu.memory_space<vmem>>, vector<2000x16xf32>
    tpu.vector_store %arg8[%swap3A, %swap3A_11], %add3A {strides = array<i32>} : memref<2000x16xf32, #tpu.memory_space<vmem>>, vector<2000x16xf32>,
    %get3A_13 = arith.constant 0 : index
    %get3A_14 = arith.constant 0 : index
    %get3A_15 = vector.load %arg2[%get3A_13, %get3A_14] : memref<2000x64xf32, #tpu.memory_space<vmem>>, vector<2000x64xf32>
    %concatenate3A_16 = tpu.concatenate %get3A_15, %slice3A in 1 : vector<2000x64xf32>, vector<2000x64xf32> -> vector<2000x128xf32>
    %get3A_17 = arith.constant 0 : index
    %get3A_18 = arith.constant 0 : index
    %get3A_19 = vector.load %arg4[%get3A_17, %get3A_18] : memref<128x64xf32, #tpu.memory_space<vmem>>, vector<128x64xf32>
    %dot_general3A = arith.constant dense<0.000000e+00> : vector<2000x64xf32>
    %dot_general3A_20 = tpu.matmul %concatenate3A_16, %get3A_19, %dot_general3A {dimension_numbers = #tpu.dot_dimension_numbers<[1], [0], [0], [1], [0, 0, 1, 1], [], []>, transpose_lhs_hint = false} : vector<2000x128xf32>, vector<128x64xf32>, vector<2000x64xf32> -> vector<2000x64xf32>
    %get3A_21 = arith.constant 0 : index
    %get3A_22 = arith.constant 0 : index
    %get3A_23 = vector.load %arg5[%get3A_21, %get3A_22] : memref<1x64xf32, #tpu.memory_space<vmem>>, vector<1x64xf32>
    %add3A_24 = vector.broadcast %get3A_23 : vector<1x64xf32> to vector<2000x64xf32>
    %add3A_25 = arith.addf %dot_general3A_20, %add3A_24 : vector<2000x64xf32>
    %logistic3A = arith.negf %add3A_25 : vector<2000x64xf32>
    %logistic3A_26 = math.exp %logistic3A : vector<2000x64xf32>
    %logistic3A_27 = arith.constant 1.000000e+00 : f32
    %logistic3A_28 = vector.broadcast %logistic3A_27 : f32 to vector<2000x64xf32>
    %logistic3A_29 = arith.addf %logistic3A_28, %logistic3A_26 : vector<2000x64xf32>
    %logistic3A_30 = arith.divf %logistic3A_28, %logistic3A_29 : vector<2000x64xf32>
    %mul3A = arith.mulf %add3A_25, %logistic3A_30 : vector<2000x64xf32>
    %get3A_31 = arith.constant 0 : index
    %get3A_32 = arith.constant 0 : index
    %get3A_33 = vector.load %arg6[%get3A_31, %get3A_32] : memref<64x64xf32, #tpu.memory_space<vmem>>, vector<64x64xf32>
    %dot_general3A_34 = arith.constant dense<0.000000e+00> : vector<2000x64xf32>
    %dot_general3A_35 = tpu.matmul %mul3A, %get3A_33, %dot_general3A_34 {dimension_numbers = #tpu.dot_dimension_numbers<[1], [0], [0], [1], [0, 0, 1, 1], [], []>, transpose_lhs_hint = false} : vector<2000x64xf32>, vector<64x64xf32>, vector<2000x64xf32> -> vector<2000x64xf32>
    %add3A_36 = arith.addf %get3A_15, %dot_general3A_35 : vector<2000x64xf32>
    %get3A_37 = arith.constant 0 : index
    %get3A_38 = arith.constant 0 : index
    %get3A_39 = vector.load %arg7[%get3A_37, %get3A_38] : memref<1x64xf32, #tpu.memory_space<vmem>>, vector<1x64xf32>
    %add3A_40 = vector.broadcast %get3A_39 : vector<1x64xf32> to vector<2000x64xf32>
    %add3A_41 = arith.addf %add3A_36, %add3A_40 : vector<2000x64xf32>
    %swap3A_42 = arith.constant 0 : index
    %swap3A_43 = arith.constant 0 : index
    %swap3A_44 = vector.load %arg9[%swap3A_42, %swap3A_43] : memref<2000x64xf32, #tpu.memory_space<vmem>>, vector<2000x64xf32>
    tpu.vector_store %arg9[%swap3A_42, %swap3A_43], %add3A_41 {strides = array<i32>} : memref<2000x64xf32, #tpu.memory_space<vmem>>, vector<2000x64xf32>,
    return
  }
  func.func @transform_0(%arg0: i32) -> (i32, i32) {
    %c0_i32 = arith.constant 0 : i32
    %c0_i32_0 = arith.constant 0 : i32
    return %arg0, %c0_i32 : i32, i32
  }
  func.func @transform_1(%arg0: i32) -> (i32, i32) {
    %c0_i32 = arith.constant 0 : i32
    %c0_i32_0 = arith.constant 0 : i32
    return %arg0, %c0_i32 : i32, i32
  }
  func.func @transform_2(%arg0: i32) -> (i32, i32) {
    %c0_i32 = arith.constant 0 : i32
    %c0_i32_0 = arith.constant 0 : i32
    return %arg0, %c0_i32 : i32, i32
  }
  func.func @transform_3(%arg0: i32) -> (i32, i32) {
    %c0_i32 = arith.constant 0 : i32
    %c0_i32_0 = arith.constant 0 : i32
    %c0_i32_1 = arith.constant 0 : i32
    return %c0_i32, %c0_i32_0 : i32, i32
  }
  func.func @transform_4(%arg0: i32) -> (i32, i32) {
    %c0_i32 = arith.constant 0 : i32
    %c0_i32_0 = arith.constant 0 : i32
    %c0_i32_1 = arith.constant 0 : i32
    return %c0_i32, %c0_i32_0 : i32, i32
  }
  func.func @transform_5(%arg0: i32) -> (i32, i32) {
    %c0_i32 = arith.constant 0 : i32
    %c0_i32_0 = arith.constant 0 : i32
    %c0_i32_1 = arith.constant 0 : i32
    return %c0_i32, %c0_i32_0 : i32, i32
  }
  func.func @transform_6(%arg0: i32) -> (i32, i32) {
    %c0_i32 = arith.constant 0 : i32
    %c0_i32_0 = arith.constant 0 : i32
    %c0_i32_1 = arith.constant 0 : i32
    return %c0_i32, %c0_i32_0 : i32, i32
  }
  func.func @transform_7(%arg0: i32) -> (i32, i32) {
    %c0_i32 = arith.constant 0 : i32
    %c0_i32_0 = arith.constant 0 : i32
    return %arg0, %c0_i32 : i32, i32
  }
  func.func @transform_8(%arg0: i32) -> (i32, i32) {
    %c0_i32 = arith.constant 0 : i32
    %c0_i32_0 = arith.constant 0 : i32
    return %arg0, %c0_i32 : i32, i32
  }
  func.func @transform_9(%arg0: i32) -> (i32, i32) {
    %c0_i32 = arith.constant 0 : i32
    %c0_i32_0 = arith.constant 0 : i32
    return %arg0, %c0_i32 : i32, i32
  }
}

module attributes {stable_mosaic.version = 14 : i64} {
  func.func @_dh_body(%arg0: i32, %arg1: memref<2000x64xf32, #tpu.memory_space<vmem>>, %arg2: memref<64x64xf32, #tpu.memory_space<vmem>>, %arg3: memref<2000x64xf32, #tpu.memory_space<vmem>>) attributes {dimension_semantics = [#tpu.dimension_semantics<arbitrary>], iteration_bounds = array<i64: 5>, scalar_prefetch = 0 : i64, scratch_operands = 0 : i64, tpu.core_type = #tpu.core_type<tc>, window_params = [{transform_indices = @transform_0, window_bounds = array<i64: 2000, 64>}, {pipeline_mode = #tpu.pipeline_mode<synchronous>, transform_indices = @transform_1, window_bounds = array<i64: 64, 64>}, {transform_indices = @transform_2, window_bounds = array<i64: 2000, 64>}]} {
    %get3A = arith.constant 0 : index
    %get3A_0 = arith.constant 0 : index
    %get3A_1 = vector.load %arg1[%get3A, %get3A_0] : memref<2000x64xf32, #tpu.memory_space<vmem>>, vector<2000x64xf32>
    %get3A_2 = arith.constant 0 : index
    %get3A_3 = arith.constant 0 : index
    %get3A_4 = vector.load %arg2[%get3A_2, %get3A_3] : memref<64x64xf32, #tpu.memory_space<vmem>>, vector<64x64xf32>
    %dot_general3A = arith.constant dense<0.000000e+00> : vector<2000x64xf32>
    %dot_general3A_5 = tpu.matmul %get3A_1, %get3A_4, %dot_general3A {dimension_numbers = #tpu.dot_dimension_numbers<[1], [0], [0], [1], [0, 0, 1, 1], [], []>, transpose_lhs_hint = false} : vector<2000x64xf32>, vector<64x64xf32>, vector<2000x64xf32> -> vector<2000x64xf32>
    %logistic3A = arith.negf %dot_general3A_5 : vector<2000x64xf32>
    %logistic3A_6 = math.exp %logistic3A : vector<2000x64xf32>
    %logistic3A_7 = arith.constant 1.000000e+00 : f32
    %logistic3A_8 = vector.broadcast %logistic3A_7 : f32 to vector<2000x64xf32>
    %logistic3A_9 = arith.addf %logistic3A_8, %logistic3A_6 : vector<2000x64xf32>
    %logistic3A_10 = arith.divf %logistic3A_8, %logistic3A_9 : vector<2000x64xf32>
    %mul3A = arith.mulf %dot_general3A_5, %logistic3A_10 : vector<2000x64xf32>
    %swap3A = arith.constant 0 : index
    %swap3A_11 = arith.constant 0 : index
    %swap3A_12 = vector.load %arg3[%swap3A, %swap3A_11] : memref<2000x64xf32, #tpu.memory_space<vmem>>, vector<2000x64xf32>
    tpu.vector_store %arg3[%swap3A, %swap3A_11], %mul3A {strides = array<i32>} : memref<2000x64xf32, #tpu.memory_space<vmem>>, vector<2000x64xf32>,
    return
  }
  func.func @transform_0(%arg0: i32) -> (i32, i32) {
    %c0_i32 = arith.constant 0 : i32
    %c0_i32_0 = arith.constant 0 : i32
    return %arg0, %c0_i32 : i32, i32
  }
  func.func @transform_1(%arg0: i32) -> (i32, i32) {
    %c0_i32 = arith.constant 0 : i32
    %c0_i32_0 = arith.constant 0 : i32
    %c0_i32_1 = arith.constant 0 : i32
    return %c0_i32, %c0_i32_0 : i32, i32
  }
  func.func @transform_2(%arg0: i32) -> (i32, i32) {
    %c0_i32 = arith.constant 0 : i32
    %c0_i32_0 = arith.constant 0 : i32
    return %arg0, %c0_i32 : i32, i32
  }
}

module attributes {stable_mosaic.version = 14 : i64} {
  func.func @_time_body(%arg0: i32, %arg1: memref<1x4xf32, #tpu.memory_space<vmem>>, %arg2: memref<1x16xf32, #tpu.memory_space<vmem>>, %arg3: memref<2000x64xf32, #tpu.memory_space<vmem>>, %arg4: memref<2000x64xf32, #tpu.memory_space<vmem>>, %arg5: memref<2000x16xf32, #tpu.memory_space<vmem>>, %arg6: memref<2000x16xf32, #tpu.memory_space<vmem>>, %arg7: memref<2000x16xf32, #tpu.memory_space<vmem>>, %arg8: memref<2000x8xf32, #tpu.memory_space<vmem>>, %arg9: memref<2000x96xf32, #tpu.memory_space<vmem>>, %arg10: memref<2000x16xf32, #tpu.memory_space<vmem>>, %arg11: memref<2000x16xf32, #tpu.memory_space<vmem>>, %arg12: memref<2000x128xf32, #tpu.memory_space<vmem>>) attributes {dimension_semantics = [#tpu.dimension_semantics<arbitrary>], iteration_bounds = array<i64: 40>, scalar_prefetch = 0 : i64, scratch_operands = 0 : i64, tpu.core_type = #tpu.core_type<tc>, window_params = [{pipeline_mode = #tpu.pipeline_mode<synchronous>, transform_indices = @transform_0, window_bounds = array<i64: 1, 4>}, {pipeline_mode = #tpu.pipeline_mode<synchronous>, transform_indices = @transform_1, window_bounds = array<i64: 1, 16>}, {transform_indices = @transform_2, window_bounds = array<i64: 2000, 64>}, {transform_indices = @transform_3, window_bounds = array<i64: 2000, 64>}, {transform_indices = @transform_4, window_bounds = array<i64: 2000, 16>}, {transform_indices = @transform_5, window_bounds = array<i64: 2000, 16>}, {transform_indices = @transform_6, window_bounds = array<i64: 2000, 16>}, {transform_indices = @transform_7, window_bounds = array<i64: 2000, 8>}, {transform_indices = @transform_8, window_bounds = array<i64: 2000, 96>}, {transform_indices = @transform_9, window_bounds = array<i64: 2000, 16>}, {transform_indices = @transform_10, window_bounds = array<i64: 2000, 16>}, {transform_indices = @transform_11, window_bounds = array<i64: 2000, 128>}]} {
    %get3A = arith.constant 0 : index
    %get3A_0 = arith.constant 0 : index
    %get3A_1 = vector.load %arg1[%get3A, %get3A_0] : memref<1x4xf32, #tpu.memory_space<vmem>>, vector<1x4xf32>
    %slice3A = vector.extract_strided_slice %get3A_1 {offsets = [0, 0], sizes = [1, 1], strides = [1, 1]} : vector<1x4xf32> to vector<1x1xf32>
    %slice3A_2 = vector.extract_strided_slice %get3A_1 {offsets = [0, 1], sizes = [1, 1], strides = [1, 1]} : vector<1x4xf32> to vector<1x1xf32>
    %slice3A_3 = vector.extract_strided_slice %get3A_1 {offsets = [0, 2], sizes = [1, 1], strides = [1, 1]} : vector<1x4xf32> to vector<1x1xf32>
    %slice3A_4 = vector.extract_strided_slice %get3A_1 {offsets = [0, 3], sizes = [1, 1], strides = [1, 1]} : vector<1x4xf32> to vector<1x1xf32>
    %get3A_5 = arith.constant 0 : index
    %get3A_6 = arith.constant 0 : index
    %get3A_7 = vector.load %arg8[%get3A_5, %get3A_6] : memref<2000x8xf32, #tpu.memory_space<vmem>>, vector<2000x1xf32>
    %get3A_8 = arith.constant 0 : index
    %get3A_9 = arith.constant 0 : index
    %get3A_10 = vector.load %arg5[%get3A_8, %get3A_9] : memref<2000x16xf32, #tpu.memory_space<vmem>>, vector<2000x16xf32>
    %get3A_11 = arith.constant 0 : index
    %get3A_12 = arith.constant 0 : index
    %get3A_13 = vector.load %arg7[%get3A_11, %get3A_12] : memref<2000x16xf32, #tpu.memory_space<vmem>>, vector<2000x16xf32>
    %sub3A = arith.subf %get3A_10, %get3A_13 : vector<2000x16xf32>
    %get3A_14 = arith.constant 0 : index
    %get3A_15 = arith.constant 0 : index
    %get3A_16 = vector.load %arg6[%get3A_14, %get3A_15] : memref<2000x16xf32, #tpu.memory_space<vmem>>, vector<2000x16xf32>
    %mul3A = vector.broadcast %slice3A : vector<1x1xf32> to vector<2000x16xf32>
    %mul3A_17 = arith.mulf %mul3A, %sub3A : vector<2000x16xf32>
    %mul3A_18 = vector.broadcast %slice3A_3 : vector<1x1xf32> to vector<2000x16xf32>
    %mul3A_19 = arith.mulf %mul3A_18, %get3A_16 : vector<2000x16xf32>
    %add3A = arith.addf %mul3A_17, %mul3A_19 : vector<2000x16xf32>
    %mul3A_20 = vector.broadcast %get3A_7 : vector<2000x1xf32> to vector<2000x16xf32>
    %mul3A_21 = arith.mulf %mul3A_20, %add3A : vector<2000x16xf32>
    %add3A_22 = arith.addf %sub3A, %mul3A_21 : vector<2000x16xf32>
    %get3A_23 = arith.constant 0 : index
    %get3A_24 = arith.constant 0 : index
    %get3A_25 = vector.load %arg7[%get3A_23, %get3A_24] : memref<2000x16xf32, #tpu.memory_space<vmem>>, vector<2000x16xf32>
    %add3A_26 = arith.addf %add3A_22, %get3A_25 : vector<2000x16xf32>
    %mul3A_27 = vector.broadcast %slice3A_2 : vector<1x1xf32> to vector<2000x16xf32>
    %mul3A_28 = arith.mulf %mul3A_27, %sub3A : vector<2000x16xf32>
    %mul3A_29 = vector.broadcast %slice3A_4 : vector<1x1xf32> to vector<2000x16xf32>
    %mul3A_30 = arith.mulf %mul3A_29, %get3A_16 : vector<2000x16xf32>
    %add3A_31 = arith.addf %mul3A_28, %mul3A_30 : vector<2000x16xf32>
    %mul3A_32 = vector.broadcast %get3A_7 : vector<2000x1xf32> to vector<2000x16xf32>
    %mul3A_33 = arith.mulf %mul3A_32, %add3A_31 : vector<2000x16xf32>
    %add3A_34 = arith.addf %get3A_16, %mul3A_33 : vector<2000x16xf32>
    %swap3A = arith.constant 0 : index
    %swap3A_35 = arith.constant 0 : index
    %swap3A_36 = vector.load %arg10[%swap3A, %swap3A_35] : memref<2000x16xf32, #tpu.memory_space<vmem>>, vector<2000x16xf32>
    tpu.vector_store %arg10[%swap3A, %swap3A_35], %add3A_26 {strides = array<i32>} : memref<2000x16xf32, #tpu.memory_space<vmem>>, vector<2000x16xf32>,
    %swap3A_37 = arith.constant 0 : index
    %swap3A_38 = arith.constant 0 : index
    %swap3A_39 = vector.load %arg11[%swap3A_37, %swap3A_38] : memref<2000x16xf32, #tpu.memory_space<vmem>>, vector<2000x16xf32>
    tpu.vector_store %arg11[%swap3A_37, %swap3A_38], %add3A_34 {strides = array<i32>} : memref<2000x16xf32, #tpu.memory_space<vmem>>, vector<2000x16xf32>,
    %get3A_40 = arith.constant 0 : index
    %get3A_41 = arith.constant 0 : index
    %get3A_42 = vector.load %arg3[%get3A_40, %get3A_41] : memref<2000x64xf32, #tpu.memory_space<vmem>>, vector<2000x64xf32>
    %get3A_43 = arith.constant 0 : index
    %get3A_44 = arith.constant 0 : index
    %get3A_45 = vector.load %arg4[%get3A_43, %get3A_44] : memref<2000x64xf32, #tpu.memory_space<vmem>>, vector<2000x64xf32>
    %mul3A_46 = vector.broadcast %get3A_7 : vector<2000x1xf32> to vector<2000x64xf32>
    %mul3A_47 = arith.mulf %mul3A_46, %get3A_45 : vector<2000x64xf32>
    %add3A_48 = arith.addf %get3A_42, %mul3A_47 : vector<2000x64xf32>
    %get3A_49 = arith.constant 0 : index
    %get3A_50 = arith.constant 0 : index
    %get3A_51 = vector.load %arg2[%get3A_49, %get3A_50] : memref<1x16xf32, #tpu.memory_space<vmem>>, vector<1x16xf32>
    %mul3A_52 = vector.broadcast %get3A_7 : vector<2000x1xf32> to vector<2000x16xf32>
    %mul3A_53 = vector.broadcast %get3A_51 : vector<1x16xf32> to vector<2000x16xf32>
    %mul3A_54 = arith.mulf %mul3A_52, %mul3A_53 : vector<2000x16xf32>
    %sin3A = math.sin %mul3A_54 : vector<2000x16xf32>
    %cos3A = math.cos %mul3A_54 : vector<2000x16xf32>
    %concatenate3A = tpu.concatenate %sin3A, %cos3A in 1 : vector<2000x16xf32>, vector<2000x16xf32> -> vector<2000x32xf32>
    %concatenate3A_55 = tpu.concatenate %add3A_48, %concatenate3A in 1 : vector<2000x64xf32>, vector<2000x32xf32> -> vector<2000x96xf32>
    %swap3A_56 = arith.constant 0 : index
    %swap3A_57 = arith.constant 0 : index
    %swap3A_58 = vector.load %arg9[%swap3A_56, %swap3A_57] : memref<2000x96xf32, #tpu.memory_space<vmem>>, vector<2000x96xf32>
    tpu.vector_store %arg9[%swap3A_56, %swap3A_57], %concatenate3A_55 {strides = array<i32>} : memref<2000x96xf32, #tpu.memory_space<vmem>>, vector<2000x96xf32>,
    %broadcast_in_dim3A = arith.constant 0.000000e+00 : f32
    %broadcast_in_dim3A_59 = vector.broadcast %broadcast_in_dim3A : f32 to vector<2000x16xf32>
    %concatenate3A_60 = tpu.concatenate %concatenate3A_55, %add3A_26, %broadcast_in_dim3A_59 in 1 : vector<2000x96xf32>, vector<2000x16xf32>, vector<2000x16xf32> -> vector<2000x128xf32>
    %swap3A_61 = arith.constant 0 : index
    %swap3A_62 = arith.constant 0 : index
    %swap3A_63 = vector.load %arg12[%swap3A_61, %swap3A_62] : memref<2000x128xf32, #tpu.memory_space<vmem>>, vector<2000x128xf32>
    tpu.vector_store %arg12[%swap3A_61, %swap3A_62], %concatenate3A_60 {strides = array<i32>} : memref<2000x128xf32, #tpu.memory_space<vmem>>, vector<2000x128xf32>,
    return
  }
  func.func @transform_0(%arg0: i32) -> (i32, i32) {
    %c0_i32 = arith.constant 0 : i32
    %c0_i32_0 = arith.constant 0 : i32
    %c0_i32_1 = arith.constant 0 : i32
    return %c0_i32, %c0_i32_0 : i32, i32
  }
  func.func @transform_1(%arg0: i32) -> (i32, i32) {
    %c0_i32 = arith.constant 0 : i32
    %c0_i32_0 = arith.constant 0 : i32
    %c0_i32_1 = arith.constant 0 : i32
    return %c0_i32, %c0_i32_0 : i32, i32
  }
  func.func @transform_2(%arg0: i32) -> (i32, i32) {
    %c0_i32 = arith.constant 0 : i32
    %c0_i32_0 = arith.constant 0 : i32
    return %arg0, %c0_i32 : i32, i32
  }
  func.func @transform_3(%arg0: i32) -> (i32, i32) {
    %c0_i32 = arith.constant 0 : i32
    %c0_i32_0 = arith.constant 0 : i32
    return %arg0, %c0_i32 : i32, i32
  }
  func.func @transform_4(%arg0: i32) -> (i32, i32) {
    %c0_i32 = arith.constant 0 : i32
    %c0_i32_0 = arith.constant 0 : i32
    return %arg0, %c0_i32 : i32, i32
  }
  func.func @transform_5(%arg0: i32) -> (i32, i32) {
    %c0_i32 = arith.constant 0 : i32
    %c0_i32_0 = arith.constant 0 : i32
    return %arg0, %c0_i32 : i32, i32
  }
  func.func @transform_6(%arg0: i32) -> (i32, i32) {
    %c0_i32 = arith.constant 0 : i32
    %c0_i32_0 = arith.constant 0 : i32
    return %arg0, %c0_i32 : i32, i32
  }
  func.func @transform_7(%arg0: i32) -> (i32, i32) {
    %c0_i32 = arith.constant 0 : i32
    %c0_i32_0 = arith.constant 0 : i32
    return %arg0, %c0_i32 : i32, i32
  }
  func.func @transform_8(%arg0: i32) -> (i32, i32) {
    %c0_i32 = arith.constant 0 : i32
    %c0_i32_0 = arith.constant 0 : i32
    return %arg0, %c0_i32 : i32, i32
  }
  func.func @transform_9(%arg0: i32) -> (i32, i32) {
    %c0_i32 = arith.constant 0 : i32
    %c0_i32_0 = arith.constant 0 : i32
    return %arg0, %c0_i32 : i32, i32
  }
  func.func @transform_10(%arg0: i32) -> (i32, i32) {
    %c0_i32 = arith.constant 0 : i32
    %c0_i32_0 = arith.constant 0 : i32
    return %arg0, %c0_i32 : i32, i32
  }
  func.func @transform_11(%arg0: i32) -> (i32, i32) {
    %c0_i32 = arith.constant 0 : i32
    %c0_i32_0 = arith.constant 0 : i32
    return %arg0, %c0_i32 : i32, i32
  }
}

module attributes {stable_mosaic.version = 14 : i64} {
  func.func @_edge_body(%arg0: i32, %arg1: memref<2048x128xf32, #tpu.memory_space<vmem>>, %arg2: memref<2048x128xf32, #tpu.memory_space<vmem>>, %arg3: memref<2048x4xf32, #tpu.memory_space<vmem>>, %arg4: memref<256x96xf32, #tpu.memory_space<vmem>>, %arg5: memref<1x96xf32, #tpu.memory_space<vmem>>, %arg6: memref<96x96xf32, #tpu.memory_space<vmem>>, %arg7: memref<1x96xf32, #tpu.memory_space<vmem>>, %arg8: memref<96x96xf32, #tpu.memory_space<vmem>>, %arg9: memref<1x96xf32, #tpu.memory_space<vmem>>, %arg10: memref<96x1xf32, #tpu.memory_space<vmem>>, %arg11: memref<1x1xf32, #tpu.memory_space<vmem>>, %arg12: memref<2048x128xf32, #tpu.memory_space<vmem>>) attributes {dimension_semantics = [#tpu.dimension_semantics<arbitrary>], iteration_bounds = array<i64: 160>, scalar_prefetch = 0 : i64, scratch_operands = 0 : i64, tpu.core_type = #tpu.core_type<tc>, window_params = [{transform_indices = @transform_0, window_bounds = array<i64: 2048, 128>}, {transform_indices = @transform_1, window_bounds = array<i64: 2048, 128>}, {transform_indices = @transform_2, window_bounds = array<i64: 2048, 4>}, {pipeline_mode = #tpu.pipeline_mode<synchronous>, transform_indices = @transform_3, window_bounds = array<i64: 256, 96>}, {pipeline_mode = #tpu.pipeline_mode<synchronous>, transform_indices = @transform_4, window_bounds = array<i64: 1, 96>}, {pipeline_mode = #tpu.pipeline_mode<synchronous>, transform_indices = @transform_5, window_bounds = array<i64: 96, 96>}, {pipeline_mode = #tpu.pipeline_mode<synchronous>, transform_indices = @transform_6, window_bounds = array<i64: 1, 96>}, {pipeline_mode = #tpu.pipeline_mode<synchronous>, transform_indices = @transform_7, window_bounds = array<i64: 96, 96>}, {pipeline_mode = #tpu.pipeline_mode<synchronous>, transform_indices = @transform_8, window_bounds = array<i64: 1, 96>}, {pipeline_mode = #tpu.pipeline_mode<synchronous>, transform_indices = @transform_9, window_bounds = array<i64: 96, 1>}, {pipeline_mode = #tpu.pipeline_mode<synchronous>, transform_indices = @transform_10, window_bounds = array<i64: 1, 1>}, {transform_indices = @transform_11, window_bounds = array<i64: 2048, 128>}]} {
    %get3A = arith.constant 0 : index
    %get3A_0 = arith.constant 0 : index
    %get3A_1 = vector.load %arg1[%get3A, %get3A_0] : memref<2048x128xf32, #tpu.memory_space<vmem>>, vector<2048x128xf32>
    %get3A_2 = arith.constant 0 : index
    %get3A_3 = arith.constant 0 : index
    %get3A_4 = vector.load %arg2[%get3A_2, %get3A_3] : memref<2048x128xf32, #tpu.memory_space<vmem>>, vector<2048x128xf32>
    %slice3A = vector.extract_strided_slice %get3A_1 {offsets = [0, 96], sizes = [2048, 16], strides = [1, 1]} : vector<2048x128xf32> to vector<2048x16xf32>
    %slice3A_5 = vector.extract_strided_slice %get3A_4 {offsets = [0, 96], sizes = [2048, 16], strides = [1, 1]} : vector<2048x128xf32> to vector<2048x16xf32>
    %sub3A = arith.subf %slice3A, %slice3A_5 : vector<2048x16xf32>
    %mul3A = arith.mulf %sub3A, %sub3A : vector<2048x16xf32>
    %reduce_sum3A = arith.constant dense<0.000000e+00> : vector<2048xf32>
    %reduce_sum3A_6 = vector.multi_reduction <add>, %mul3A, %reduce_sum3A [1] : vector<2048x16xf32> to vector<2048xf32>
    %broadcast_in_dim3A = vector.shape_cast %reduce_sum3A_6 : vector<2048xf32> to vector<2048x1xf32>
    %broadcast_in_dim3A_7 = arith.constant 0.000000e+00 : f32
    %broadcast_in_dim3A_8 = vector.broadcast %broadcast_in_dim3A_7 : f32 to vector<2048x59xf32>
    %slice3A_9 = vector.extract_strided_slice %get3A_1 {offsets = [0, 0], sizes = [2048, 96], strides = [1, 1]} : vector<2048x128xf32> to vector<2048x96xf32>
    %slice3A_10 = vector.extract_strided_slice %get3A_4 {offsets = [0, 0], sizes = [2048, 96], strides = [1, 1]} : vector<2048x128xf32> to vector<2048x96xf32>
    %get3A_11 = arith.constant 0 : index
    %get3A_12 = arith.constant 0 : index
    %get3A_13 = vector.load %arg3[%get3A_11, %get3A_12] : memref<2048x4xf32, #tpu.memory_space<vmem>>, vector<2048x4xf32>
    %concatenate3A = tpu.concatenate %slice3A_9, %slice3A_10, %broadcast_in_dim3A, %get3A_13, %broadcast_in_dim3A_8 in 1 : vector<2048x96xf32>, vector<2048x96xf32>, vector<2048x1xf32>, vector<2048x4xf32>, vector<2048x59xf32> -> vector<2048x256xf32>
    %get3A_14 = arith.constant 0 : index
    %get3A_15 = arith.constant 0 : index
    %get3A_16 = vector.load %arg4[%get3A_14, %get3A_15] : memref<256x96xf32, #tpu.memory_space<vmem>>, vector<256x96xf32>
    %dot_general3A = arith.constant dense<0.000000e+00> : vector<2048x96xf32>
    %dot_general3A_17 = tpu.matmul %concatenate3A, %get3A_16, %dot_general3A {dimension_numbers = #tpu.dot_dimension_numbers<[1], [0], [0], [1], [0, 0, 1, 1], [], []>, transpose_lhs_hint = false} : vector<2048x256xf32>, vector<256x96xf32>, vector<2048x96xf32> -> vector<2048x96xf32>
    %get3A_18 = arith.constant 0 : index
    %get3A_19 = arith.constant 0 : index
    %get3A_20 = vector.load %arg5[%get3A_18, %get3A_19] : memref<1x96xf32, #tpu.memory_space<vmem>>, vector<1x96xf32>
    %add3A = vector.broadcast %get3A_20 : vector<1x96xf32> to vector<2048x96xf32>
    %add3A_21 = arith.addf %dot_general3A_17, %add3A : vector<2048x96xf32>
    %logistic3A = arith.negf %add3A_21 : vector<2048x96xf32>
    %logistic3A_22 = math.exp %logistic3A : vector<2048x96xf32>
    %logistic3A_23 = arith.constant 1.000000e+00 : f32
    %logistic3A_24 = vector.broadcast %logistic3A_23 : f32 to vector<2048x96xf32>
    %logistic3A_25 = arith.addf %logistic3A_24, %logistic3A_22 : vector<2048x96xf32>
    %logistic3A_26 = arith.divf %logistic3A_24, %logistic3A_25 : vector<2048x96xf32>
    %mul3A_27 = arith.mulf %add3A_21, %logistic3A_26 : vector<2048x96xf32>
    %get3A_28 = arith.constant 0 : index
    %get3A_29 = arith.constant 0 : index
    %get3A_30 = vector.load %arg6[%get3A_28, %get3A_29] : memref<96x96xf32, #tpu.memory_space<vmem>>, vector<96x96xf32>
    %dot_general3A_31 = arith.constant dense<0.000000e+00> : vector<2048x96xf32>
    %dot_general3A_32 = tpu.matmul %mul3A_27, %get3A_30, %dot_general3A_31 {dimension_numbers = #tpu.dot_dimension_numbers<[1], [0], [0], [1], [0, 0, 1, 1], [], []>, transpose_lhs_hint = false} : vector<2048x96xf32>, vector<96x96xf32>, vector<2048x96xf32> -> vector<2048x96xf32>
    %get3A_33 = arith.constant 0 : index
    %get3A_34 = arith.constant 0 : index
    %get3A_35 = vector.load %arg7[%get3A_33, %get3A_34] : memref<1x96xf32, #tpu.memory_space<vmem>>, vector<1x96xf32>
    %add3A_36 = vector.broadcast %get3A_35 : vector<1x96xf32> to vector<2048x96xf32>
    %add3A_37 = arith.addf %dot_general3A_32, %add3A_36 : vector<2048x96xf32>
    %logistic3A_38 = arith.negf %add3A_37 : vector<2048x96xf32>
    %logistic3A_39 = math.exp %logistic3A_38 : vector<2048x96xf32>
    %logistic3A_40 = arith.constant 1.000000e+00 : f32
    %logistic3A_41 = vector.broadcast %logistic3A_40 : f32 to vector<2048x96xf32>
    %logistic3A_42 = arith.addf %logistic3A_41, %logistic3A_39 : vector<2048x96xf32>
    %logistic3A_43 = arith.divf %logistic3A_41, %logistic3A_42 : vector<2048x96xf32>
    %mul3A_44 = arith.mulf %add3A_37, %logistic3A_43 : vector<2048x96xf32>
    %get3A_45 = arith.constant 0 : index
    %get3A_46 = arith.constant 0 : index
    %get3A_47 = vector.load %arg8[%get3A_45, %get3A_46] : memref<96x96xf32, #tpu.memory_space<vmem>>, vector<96x96xf32>
    %dot_general3A_48 = arith.constant dense<0.000000e+00> : vector<2048x96xf32>
    %dot_general3A_49 = tpu.matmul %mul3A_44, %get3A_47, %dot_general3A_48 {dimension_numbers = #tpu.dot_dimension_numbers<[1], [0], [0], [1], [0, 0, 1, 1], [], []>, transpose_lhs_hint = false} : vector<2048x96xf32>, vector<96x96xf32>, vector<2048x96xf32> -> vector<2048x96xf32>
    %get3A_50 = arith.constant 0 : index
    %get3A_51 = arith.constant 0 : index
    %get3A_52 = vector.load %arg9[%get3A_50, %get3A_51] : memref<1x96xf32, #tpu.memory_space<vmem>>, vector<1x96xf32>
    %add3A_53 = vector.broadcast %get3A_52 : vector<1x96xf32> to vector<2048x96xf32>
    %add3A_54 = arith.addf %dot_general3A_49, %add3A_53 : vector<2048x96xf32>
    %logistic3A_55 = arith.negf %add3A_54 : vector<2048x96xf32>
    %logistic3A_56 = math.exp %logistic3A_55 : vector<2048x96xf32>
    %logistic3A_57 = arith.constant 1.000000e+00 : f32
    %logistic3A_58 = vector.broadcast %logistic3A_57 : f32 to vector<2048x96xf32>
    %logistic3A_59 = arith.addf %logistic3A_58, %logistic3A_56 : vector<2048x96xf32>
    %logistic3A_60 = arith.divf %logistic3A_58, %logistic3A_59 : vector<2048x96xf32>
    %mul3A_61 = arith.mulf %add3A_54, %logistic3A_60 : vector<2048x96xf32>
    %get3A_62 = arith.constant 0 : index
    %get3A_63 = arith.constant 0 : index
    %get3A_64 = vector.load %arg10[%get3A_62, %get3A_63] : memref<96x1xf32, #tpu.memory_space<vmem>>, vector<96x1xf32>
    %dot_general3A_65 = arith.constant dense<0.000000e+00> : vector<2048x1xf32>
    %dot_general3A_66 = tpu.matmul %mul3A_61, %get3A_64, %dot_general3A_65 {dimension_numbers = #tpu.dot_dimension_numbers<[1], [0], [0], [1], [0, 0, 1, 1], [], []>, transpose_lhs_hint = false} : vector<2048x96xf32>, vector<96x1xf32>, vector<2048x1xf32> -> vector<2048x1xf32>
    %get3A_67 = arith.constant 0 : index
    %get3A_68 = arith.constant 0 : index
    %get3A_69 = vector.load %arg11[%get3A_67, %get3A_68] : memref<1x1xf32, #tpu.memory_space<vmem>>, vector<1x1xf32>
    %add3A_70 = vector.broadcast %get3A_69 : vector<1x1xf32> to vector<2048x1xf32>
    %add3A_71 = arith.addf %dot_general3A_66, %add3A_70 : vector<2048x1xf32>
    %broadcast_in_dim3A_72 = arith.constant 1.000000e+00 : f32
    %broadcast_in_dim3A_73 = vector.broadcast %broadcast_in_dim3A_72 : f32 to vector<2048x1xf32>
    %slice3A_74 = vector.extract_strided_slice %sub3A {offsets = [0, 0], sizes = [2048, 4], strides = [1, 1]} : vector<2048x16xf32> to vector<2048x4xf32>
    %mul3A_75 = vector.broadcast %add3A_71 : vector<2048x1xf32> to vector<2048x4xf32>
    %mul3A_76 = arith.mulf %slice3A_74, %mul3A_75 : vector<2048x4xf32>
    %broadcast_in_dim3A_77 = arith.constant 0.000000e+00 : f32
    %broadcast_in_dim3A_78 = vector.broadcast %broadcast_in_dim3A_77 : f32 to vector<2048x27xf32>
    %concatenate3A_79 = tpu.concatenate %mul3A_44, %mul3A_76, %broadcast_in_dim3A_73, %broadcast_in_dim3A_78 in 1 : vector<2048x96xf32>, vector<2048x4xf32>, vector<2048x1xf32>, vector<2048x27xf32> -> vector<2048x128xf32>
    %swap3A = arith.constant 0 : index
    %swap3A_80 = arith.constant 0 : index
    %swap3A_81 = vector.load %arg12[%swap3A, %swap3A_80] : memref<2048x128xf32, #tpu.memory_space<vmem>>, vector<2048x128xf32>
    tpu.vector_store %arg12[%swap3A, %swap3A_80], %concatenate3A_79 {strides = array<i32>} : memref<2048x128xf32, #tpu.memory_space<vmem>>, vector<2048x128xf32>,
    return
  }
  func.func @transform_0(%arg0: i32) -> (i32, i32) {
    %c0_i32 = arith.constant 0 : i32
    %c0_i32_0 = arith.constant 0 : i32
    return %arg0, %c0_i32 : i32, i32
  }
  func.func @transform_1(%arg0: i32) -> (i32, i32) {
    %c0_i32 = arith.constant 0 : i32
    %c0_i32_0 = arith.constant 0 : i32
    return %arg0, %c0_i32 : i32, i32
  }
  func.func @transform_2(%arg0: i32) -> (i32, i32) {
    %c0_i32 = arith.constant 0 : i32
    %c0_i32_0 = arith.constant 0 : i32
    return %arg0, %c0_i32 : i32, i32
  }
  func.func @transform_3(%arg0: i32) -> (i32, i32) {
    %c0_i32 = arith.constant 0 : i32
    %c0_i32_0 = arith.constant 0 : i32
    %c0_i32_1 = arith.constant 0 : i32
    return %c0_i32, %c0_i32_0 : i32, i32
  }
  func.func @transform_4(%arg0: i32) -> (i32, i32) {
    %c0_i32 = arith.constant 0 : i32
    %c0_i32_0 = arith.constant 0 : i32
    %c0_i32_1 = arith.constant 0 : i32
    return %c0_i32, %c0_i32_0 : i32, i32
  }
  func.func @transform_5(%arg0: i32) -> (i32, i32) {
    %c0_i32 = arith.constant 0 : i32
    %c0_i32_0 = arith.constant 0 : i32
    %c0_i32_1 = arith.constant 0 : i32
    return %c0_i32, %c0_i32_0 : i32, i32
  }
  func.func @transform_6(%arg0: i32) -> (i32, i32) {
    %c0_i32 = arith.constant 0 : i32
    %c0_i32_0 = arith.constant 0 : i32
    %c0_i32_1 = arith.constant 0 : i32
    return %c0_i32, %c0_i32_0 : i32, i32
  }
  func.func @transform_7(%arg0: i32) -> (i32, i32) {
    %c0_i32 = arith.constant 0 : i32
    %c0_i32_0 = arith.constant 0 : i32
    %c0_i32_1 = arith.constant 0 : i32
    return %c0_i32, %c0_i32_0 : i32, i32
  }
  func.func @transform_8(%arg0: i32) -> (i32, i32) {
    %c0_i32 = arith.constant 0 : i32
    %c0_i32_0 = arith.constant 0 : i32
    %c0_i32_1 = arith.constant 0 : i32
    return %c0_i32, %c0_i32_0 : i32, i32
  }
  func.func @transform_9(%arg0: i32) -> (i32, i32) {
    %c0_i32 = arith.constant 0 : i32
    %c0_i32_0 = arith.constant 0 : i32
    %c0_i32_1 = arith.constant 0 : i32
    return %c0_i32, %c0_i32_0 : i32, i32
  }
  func.func @transform_10(%arg0: i32) -> (i32, i32) {
    %c0_i32 = arith.constant 0 : i32
    %c0_i32_0 = arith.constant 0 : i32
    %c0_i32_1 = arith.constant 0 : i32
    return %c0_i32, %c0_i32_0 : i32, i32
  }
  func.func @transform_11(%arg0: i32) -> (i32, i32) {
    %c0_i32 = arith.constant 0 : i32
    %c0_i32_0 = arith.constant 0 : i32
    return %arg0, %c0_i32 : i32, i32
  }
}

module attributes {stable_mosaic.version = 14 : i64} {
  func.func @_node_body(%arg0: i32, %arg1: memref<2000x16xf32, #tpu.memory_space<vmem>>, %arg2: memref<2000x96xf32, #tpu.memory_space<vmem>>, %arg3: memref<2000x128xf32, #tpu.memory_space<vmem>>, %arg4: memref<192x96xf32, #tpu.memory_space<vmem>>, %arg5: memref<1x96xf32, #tpu.memory_space<vmem>>, %arg6: memref<96x96xf32, #tpu.memory_space<vmem>>, %arg7: memref<1x96xf32, #tpu.memory_space<vmem>>, %arg8: memref<2000x16xf32, #tpu.memory_space<vmem>>, %arg9: memref<2000x96xf32, #tpu.memory_space<vmem>>, %arg10: memref<2000x128xf32, #tpu.memory_space<vmem>>) attributes {dimension_semantics = [#tpu.dimension_semantics<arbitrary>], iteration_bounds = array<i64: 40>, scalar_prefetch = 0 : i64, scratch_operands = 0 : i64, tpu.core_type = #tpu.core_type<tc>, window_params = [{transform_indices = @transform_0, window_bounds = array<i64: 2000, 16>}, {transform_indices = @transform_1, window_bounds = array<i64: 2000, 96>}, {transform_indices = @transform_2, window_bounds = array<i64: 2000, 128>}, {pipeline_mode = #tpu.pipeline_mode<synchronous>, transform_indices = @transform_3, window_bounds = array<i64: 192, 96>}, {pipeline_mode = #tpu.pipeline_mode<synchronous>, transform_indices = @transform_4, window_bounds = array<i64: 1, 96>}, {pipeline_mode = #tpu.pipeline_mode<synchronous>, transform_indices = @transform_5, window_bounds = array<i64: 96, 96>}, {pipeline_mode = #tpu.pipeline_mode<synchronous>, transform_indices = @transform_6, window_bounds = array<i64: 1, 96>}, {transform_indices = @transform_7, window_bounds = array<i64: 2000, 16>}, {transform_indices = @transform_8, window_bounds = array<i64: 2000, 96>}, {transform_indices = @transform_9, window_bounds = array<i64: 2000, 128>}]} {
    %get3A = arith.constant 0 : index
    %get3A_0 = arith.constant 0 : index
    %get3A_1 = vector.load %arg3[%get3A, %get3A_0] : memref<2000x128xf32, #tpu.memory_space<vmem>>, vector<2000x128xf32>
    %slice3A = vector.extract_strided_slice %get3A_1 {offsets = [0, 0], sizes = [2000, 96], strides = [1, 1]} : vector<2000x128xf32> to vector<2000x96xf32>
    %slice3A_2 = vector.extract_strided_slice %get3A_1 {offsets = [0, 100], sizes = [2000, 1], strides = [1, 1]} : vector<2000x128xf32> to vector<2000x1xf32>
    %max3A = arith.constant 1.000000e+00 : f32
    %max3A_3 = vector.broadcast %max3A : f32 to vector<2000x1xf32>
    %max3A_4 = arith.maximumf %slice3A_2, %max3A_3 : vector<2000x1xf32>
    %slice3A_5 = vector.extract_strided_slice %get3A_1 {offsets = [0, 96], sizes = [2000, 4], strides = [1, 1]} : vector<2000x128xf32> to vector<2000x4xf32>
    %broadcast_in_dim3A = arith.constant 0.000000e+00 : f32
    %broadcast_in_dim3A_6 = vector.broadcast %broadcast_in_dim3A : f32 to vector<2000x12xf32>
    %concatenate3A = tpu.concatenate %slice3A_5, %broadcast_in_dim3A_6 in 1 : vector<2000x4xf32>, vector<2000x12xf32> -> vector<2000x16xf32>
    %get3A_7 = arith.constant 0 : index
    %get3A_8 = arith.constant 0 : index
    %get3A_9 = vector.load %arg1[%get3A_7, %get3A_8] : memref<2000x16xf32, #tpu.memory_space<vmem>>, vector<2000x16xf32>
    %div3A = vector.broadcast %max3A_4 : vector<2000x1xf32> to vector<2000x16xf32>
    %div3A_10 = arith.divf %concatenate3A, %div3A : vector<2000x16xf32>
    %add3A = arith.addf %get3A_9, %div3A_10 : vector<2000x16xf32>
    %swap3A = arith.constant 0 : index
    %swap3A_11 = arith.constant 0 : index
    %swap3A_12 = vector.load %arg8[%swap3A, %swap3A_11] : memref<2000x16xf32, #tpu.memory_space<vmem>>, vector<2000x16xf32>
    tpu.vector_store %arg8[%swap3A, %swap3A_11], %add3A {strides = array<i32>} : memref<2000x16xf32, #tpu.memory_space<vmem>>, vector<2000x16xf32>,
    %get3A_13 = arith.constant 0 : index
    %get3A_14 = arith.constant 0 : index
    %get3A_15 = vector.load %arg2[%get3A_13, %get3A_14] : memref<2000x96xf32, #tpu.memory_space<vmem>>, vector<2000x96xf32>
    %concatenate3A_16 = tpu.concatenate %get3A_15, %slice3A in 1 : vector<2000x96xf32>, vector<2000x96xf32> -> vector<2000x192xf32>
    %get3A_17 = arith.constant 0 : index
    %get3A_18 = arith.constant 0 : index
    %get3A_19 = vector.load %arg4[%get3A_17, %get3A_18] : memref<192x96xf32, #tpu.memory_space<vmem>>, vector<192x96xf32>
    %dot_general3A = arith.constant dense<0.000000e+00> : vector<2000x96xf32>
    %dot_general3A_20 = tpu.matmul %concatenate3A_16, %get3A_19, %dot_general3A {dimension_numbers = #tpu.dot_dimension_numbers<[1], [0], [0], [1], [0, 0, 1, 1], [], []>, transpose_lhs_hint = false} : vector<2000x192xf32>, vector<192x96xf32>, vector<2000x96xf32> -> vector<2000x96xf32>
    %get3A_21 = arith.constant 0 : index
    %get3A_22 = arith.constant 0 : index
    %get3A_23 = vector.load %arg5[%get3A_21, %get3A_22] : memref<1x96xf32, #tpu.memory_space<vmem>>, vector<1x96xf32>
    %add3A_24 = vector.broadcast %get3A_23 : vector<1x96xf32> to vector<2000x96xf32>
    %add3A_25 = arith.addf %dot_general3A_20, %add3A_24 : vector<2000x96xf32>
    %logistic3A = arith.negf %add3A_25 : vector<2000x96xf32>
    %logistic3A_26 = math.exp %logistic3A : vector<2000x96xf32>
    %logistic3A_27 = arith.constant 1.000000e+00 : f32
    %logistic3A_28 = vector.broadcast %logistic3A_27 : f32 to vector<2000x96xf32>
    %logistic3A_29 = arith.addf %logistic3A_28, %logistic3A_26 : vector<2000x96xf32>
    %logistic3A_30 = arith.divf %logistic3A_28, %logistic3A_29 : vector<2000x96xf32>
    %mul3A = arith.mulf %add3A_25, %logistic3A_30 : vector<2000x96xf32>
    %get3A_31 = arith.constant 0 : index
    %get3A_32 = arith.constant 0 : index
    %get3A_33 = vector.load %arg6[%get3A_31, %get3A_32] : memref<96x96xf32, #tpu.memory_space<vmem>>, vector<96x96xf32>
    %dot_general3A_34 = arith.constant dense<0.000000e+00> : vector<2000x96xf32>
    %dot_general3A_35 = tpu.matmul %mul3A, %get3A_33, %dot_general3A_34 {dimension_numbers = #tpu.dot_dimension_numbers<[1], [0], [0], [1], [0, 0, 1, 1], [], []>, transpose_lhs_hint = false} : vector<2000x96xf32>, vector<96x96xf32>, vector<2000x96xf32> -> vector<2000x96xf32>
    %add3A_36 = arith.addf %get3A_15, %dot_general3A_35 : vector<2000x96xf32>
    %get3A_37 = arith.constant 0 : index
    %get3A_38 = arith.constant 0 : index
    %get3A_39 = vector.load %arg7[%get3A_37, %get3A_38] : memref<1x96xf32, #tpu.memory_space<vmem>>, vector<1x96xf32>
    %add3A_40 = vector.broadcast %get3A_39 : vector<1x96xf32> to vector<2000x96xf32>
    %add3A_41 = arith.addf %add3A_36, %add3A_40 : vector<2000x96xf32>
    %swap3A_42 = arith.constant 0 : index
    %swap3A_43 = arith.constant 0 : index
    %swap3A_44 = vector.load %arg9[%swap3A_42, %swap3A_43] : memref<2000x96xf32, #tpu.memory_space<vmem>>, vector<2000x96xf32>
    tpu.vector_store %arg9[%swap3A_42, %swap3A_43], %add3A_41 {strides = array<i32>} : memref<2000x96xf32, #tpu.memory_space<vmem>>, vector<2000x96xf32>,
    %broadcast_in_dim3A_45 = arith.constant 0.000000e+00 : f32
    %broadcast_in_dim3A_46 = vector.broadcast %broadcast_in_dim3A_45 : f32 to vector<2000x16xf32>
    %concatenate3A_47 = tpu.concatenate %add3A_41, %add3A, %broadcast_in_dim3A_46 in 1 : vector<2000x96xf32>, vector<2000x16xf32>, vector<2000x16xf32> -> vector<2000x128xf32>
    %swap3A_48 = arith.constant 0 : index
    %swap3A_49 = arith.constant 0 : index
    %swap3A_50 = vector.load %arg10[%swap3A_48, %swap3A_49] : memref<2000x128xf32, #tpu.memory_space<vmem>>, vector<2000x128xf32>
    tpu.vector_store %arg10[%swap3A_48, %swap3A_49], %concatenate3A_47 {strides = array<i32>} : memref<2000x128xf32, #tpu.memory_space<vmem>>, vector<2000x128xf32>,
    return
  }
  func.func @transform_0(%arg0: i32) -> (i32, i32) {
    %c0_i32 = arith.constant 0 : i32
    %c0_i32_0 = arith.constant 0 : i32
    return %arg0, %c0_i32 : i32, i32
  }
  func.func @transform_1(%arg0: i32) -> (i32, i32) {
    %c0_i32 = arith.constant 0 : i32
    %c0_i32_0 = arith.constant 0 : i32
    return %arg0, %c0_i32 : i32, i32
  }
  func.func @transform_2(%arg0: i32) -> (i32, i32) {
    %c0_i32 = arith.constant 0 : i32
    %c0_i32_0 = arith.constant 0 : i32
    return %arg0, %c0_i32 : i32, i32
  }
  func.func @transform_3(%arg0: i32) -> (i32, i32) {
    %c0_i32 = arith.constant 0 : i32
    %c0_i32_0 = arith.constant 0 : i32
    %c0_i32_1 = arith.constant 0 : i32
    return %c0_i32, %c0_i32_0 : i32, i32
  }
  func.func @transform_4(%arg0: i32) -> (i32, i32) {
    %c0_i32 = arith.constant 0 : i32
    %c0_i32_0 = arith.constant 0 : i32
    %c0_i32_1 = arith.constant 0 : i32
    return %c0_i32, %c0_i32_0 : i32, i32
  }
  func.func @transform_5(%arg0: i32) -> (i32, i32) {
    %c0_i32 = arith.constant 0 : i32
    %c0_i32_0 = arith.constant 0 : i32
    %c0_i32_1 = arith.constant 0 : i32
    return %c0_i32, %c0_i32_0 : i32, i32
  }
  func.func @transform_6(%arg0: i32) -> (i32, i32) {
    %c0_i32 = arith.constant 0 : i32
    %c0_i32_0 = arith.constant 0 : i32
    %c0_i32_1 = arith.constant 0 : i32
    return %c0_i32, %c0_i32_0 : i32, i32
  }
  func.func @transform_7(%arg0: i32) -> (i32, i32) {
    %c0_i32 = arith.constant 0 : i32
    %c0_i32_0 = arith.constant 0 : i32
    return %arg0, %c0_i32 : i32, i32
  }
  func.func @transform_8(%arg0: i32) -> (i32, i32) {
    %c0_i32 = arith.constant 0 : i32
    %c0_i32_0 = arith.constant 0 : i32
    return %arg0, %c0_i32 : i32, i32
  }
  func.func @transform_9(%arg0: i32) -> (i32, i32) {
    %c0_i32 = arith.constant 0 : i32
    %c0_i32_0 = arith.constant 0 : i32
    return %arg0, %c0_i32 : i32, i32
  }
}

module attributes {stable_mosaic.version = 14 : i64} {
  func.func @_node_body(%arg0: i32, %arg1: memref<2000x16xf32, #tpu.memory_space<vmem>>, %arg2: memref<2000x96xf32, #tpu.memory_space<vmem>>, %arg3: memref<2000x128xf32, #tpu.memory_space<vmem>>, %arg4: memref<192x96xf32, #tpu.memory_space<vmem>>, %arg5: memref<1x96xf32, #tpu.memory_space<vmem>>, %arg6: memref<96x96xf32, #tpu.memory_space<vmem>>, %arg7: memref<1x96xf32, #tpu.memory_space<vmem>>, %arg8: memref<2000x16xf32, #tpu.memory_space<vmem>>, %arg9: memref<2000x96xf32, #tpu.memory_space<vmem>>, %arg10: memref<2000x128xf32, #tpu.memory_space<vmem>>) attributes {dimension_semantics = [#tpu.dimension_semantics<arbitrary>], iteration_bounds = array<i64: 40>, scalar_prefetch = 0 : i64, scratch_operands = 0 : i64, tpu.core_type = #tpu.core_type<tc>, window_params = [{transform_indices = @transform_0, window_bounds = array<i64: 2000, 16>}, {transform_indices = @transform_1, window_bounds = array<i64: 2000, 96>}, {transform_indices = @transform_2, window_bounds = array<i64: 2000, 128>}, {pipeline_mode = #tpu.pipeline_mode<synchronous>, transform_indices = @transform_3, window_bounds = array<i64: 192, 96>}, {pipeline_mode = #tpu.pipeline_mode<synchronous>, transform_indices = @transform_4, window_bounds = array<i64: 1, 96>}, {pipeline_mode = #tpu.pipeline_mode<synchronous>, transform_indices = @transform_5, window_bounds = array<i64: 96, 96>}, {pipeline_mode = #tpu.pipeline_mode<synchronous>, transform_indices = @transform_6, window_bounds = array<i64: 1, 96>}, {transform_indices = @transform_7, window_bounds = array<i64: 2000, 16>}, {transform_indices = @transform_8, window_bounds = array<i64: 2000, 96>}, {transform_indices = @transform_9, window_bounds = array<i64: 2000, 128>}]} {
    %get3A = arith.constant 0 : index
    %get3A_0 = arith.constant 0 : index
    %get3A_1 = vector.load %arg3[%get3A, %get3A_0] : memref<2000x128xf32, #tpu.memory_space<vmem>>, vector<2000x128xf32>
    %slice3A = vector.extract_strided_slice %get3A_1 {offsets = [0, 0], sizes = [2000, 96], strides = [1, 1]} : vector<2000x128xf32> to vector<2000x96xf32>
    %slice3A_2 = vector.extract_strided_slice %get3A_1 {offsets = [0, 100], sizes = [2000, 1], strides = [1, 1]} : vector<2000x128xf32> to vector<2000x1xf32>
    %max3A = arith.constant 1.000000e+00 : f32
    %max3A_3 = vector.broadcast %max3A : f32 to vector<2000x1xf32>
    %max3A_4 = arith.maximumf %slice3A_2, %max3A_3 : vector<2000x1xf32>
    %slice3A_5 = vector.extract_strided_slice %get3A_1 {offsets = [0, 96], sizes = [2000, 4], strides = [1, 1]} : vector<2000x128xf32> to vector<2000x4xf32>
    %broadcast_in_dim3A = arith.constant 0.000000e+00 : f32
    %broadcast_in_dim3A_6 = vector.broadcast %broadcast_in_dim3A : f32 to vector<2000x12xf32>
    %concatenate3A = tpu.concatenate %slice3A_5, %broadcast_in_dim3A_6 in 1 : vector<2000x4xf32>, vector<2000x12xf32> -> vector<2000x16xf32>
    %get3A_7 = arith.constant 0 : index
    %get3A_8 = arith.constant 0 : index
    %get3A_9 = vector.load %arg1[%get3A_7, %get3A_8] : memref<2000x16xf32, #tpu.memory_space<vmem>>, vector<2000x16xf32>
    %div3A = vector.broadcast %max3A_4 : vector<2000x1xf32> to vector<2000x16xf32>
    %div3A_10 = arith.divf %concatenate3A, %div3A : vector<2000x16xf32>
    %add3A = arith.addf %get3A_9, %div3A_10 : vector<2000x16xf32>
    %swap3A = arith.constant 0 : index
    %swap3A_11 = arith.constant 0 : index
    %swap3A_12 = vector.load %arg8[%swap3A, %swap3A_11] : memref<2000x16xf32, #tpu.memory_space<vmem>>, vector<2000x16xf32>
    tpu.vector_store %arg8[%swap3A, %swap3A_11], %add3A {strides = array<i32>} : memref<2000x16xf32, #tpu.memory_space<vmem>>, vector<2000x16xf32>,
    %get3A_13 = arith.constant 0 : index
    %get3A_14 = arith.constant 0 : index
    %get3A_15 = vector.load %arg2[%get3A_13, %get3A_14] : memref<2000x96xf32, #tpu.memory_space<vmem>>, vector<2000x96xf32>
    %concatenate3A_16 = tpu.concatenate %get3A_15, %slice3A in 1 : vector<2000x96xf32>, vector<2000x96xf32> -> vector<2000x192xf32>
    %get3A_17 = arith.constant 0 : index
    %get3A_18 = arith.constant 0 : index
    %get3A_19 = vector.load %arg4[%get3A_17, %get3A_18] : memref<192x96xf32, #tpu.memory_space<vmem>>, vector<192x96xf32>
    %dot_general3A = arith.constant dense<0.000000e+00> : vector<2000x96xf32>
    %dot_general3A_20 = tpu.matmul %concatenate3A_16, %get3A_19, %dot_general3A {dimension_numbers = #tpu.dot_dimension_numbers<[1], [0], [0], [1], [0, 0, 1, 1], [], []>, transpose_lhs_hint = false} : vector<2000x192xf32>, vector<192x96xf32>, vector<2000x96xf32> -> vector<2000x96xf32>
    %get3A_21 = arith.constant 0 : index
    %get3A_22 = arith.constant 0 : index
    %get3A_23 = vector.load %arg5[%get3A_21, %get3A_22] : memref<1x96xf32, #tpu.memory_space<vmem>>, vector<1x96xf32>
    %add3A_24 = vector.broadcast %get3A_23 : vector<1x96xf32> to vector<2000x96xf32>
    %add3A_25 = arith.addf %dot_general3A_20, %add3A_24 : vector<2000x96xf32>
    %logistic3A = arith.negf %add3A_25 : vector<2000x96xf32>
    %logistic3A_26 = math.exp %logistic3A : vector<2000x96xf32>
    %logistic3A_27 = arith.constant 1.000000e+00 : f32
    %logistic3A_28 = vector.broadcast %logistic3A_27 : f32 to vector<2000x96xf32>
    %logistic3A_29 = arith.addf %logistic3A_28, %logistic3A_26 : vector<2000x96xf32>
    %logistic3A_30 = arith.divf %logistic3A_28, %logistic3A_29 : vector<2000x96xf32>
    %mul3A = arith.mulf %add3A_25, %logistic3A_30 : vector<2000x96xf32>
    %get3A_31 = arith.constant 0 : index
    %get3A_32 = arith.constant 0 : index
    %get3A_33 = vector.load %arg6[%get3A_31, %get3A_32] : memref<96x96xf32, #tpu.memory_space<vmem>>, vector<96x96xf32>
    %dot_general3A_34 = arith.constant dense<0.000000e+00> : vector<2000x96xf32>
    %dot_general3A_35 = tpu.matmul %mul3A, %get3A_33, %dot_general3A_34 {dimension_numbers = #tpu.dot_dimension_numbers<[1], [0], [0], [1], [0, 0, 1, 1], [], []>, transpose_lhs_hint = false} : vector<2000x96xf32>, vector<96x96xf32>, vector<2000x96xf32> -> vector<2000x96xf32>
    %add3A_36 = arith.addf %get3A_15, %dot_general3A_35 : vector<2000x96xf32>
    %get3A_37 = arith.constant 0 : index
    %get3A_38 = arith.constant 0 : index
    %get3A_39 = vector.load %arg7[%get3A_37, %get3A_38] : memref<1x96xf32, #tpu.memory_space<vmem>>, vector<1x96xf32>
    %add3A_40 = vector.broadcast %get3A_39 : vector<1x96xf32> to vector<2000x96xf32>
    %add3A_41 = arith.addf %add3A_36, %add3A_40 : vector<2000x96xf32>
    %swap3A_42 = arith.constant 0 : index
    %swap3A_43 = arith.constant 0 : index
    %swap3A_44 = vector.load %arg9[%swap3A_42, %swap3A_43] : memref<2000x96xf32, #tpu.memory_space<vmem>>, vector<2000x96xf32>
    tpu.vector_store %arg9[%swap3A_42, %swap3A_43], %add3A_41 {strides = array<i32>} : memref<2000x96xf32, #tpu.memory_space<vmem>>, vector<2000x96xf32>,
    return
  }
  func.func @transform_0(%arg0: i32) -> (i32, i32) {
    %c0_i32 = arith.constant 0 : i32
    %c0_i32_0 = arith.constant 0 : i32
    return %arg0, %c0_i32 : i32, i32
  }
  func.func @transform_1(%arg0: i32) -> (i32, i32) {
    %c0_i32 = arith.constant 0 : i32
    %c0_i32_0 = arith.constant 0 : i32
    return %arg0, %c0_i32 : i32, i32
  }
  func.func @transform_2(%arg0: i32) -> (i32, i32) {
    %c0_i32 = arith.constant 0 : i32
    %c0_i32_0 = arith.constant 0 : i32
    return %arg0, %c0_i32 : i32, i32
  }
  func.func @transform_3(%arg0: i32) -> (i32, i32) {
    %c0_i32 = arith.constant 0 : i32
    %c0_i32_0 = arith.constant 0 : i32
    %c0_i32_1 = arith.constant 0 : i32
    return %c0_i32, %c0_i32_0 : i32, i32
  }
  func.func @transform_4(%arg0: i32) -> (i32, i32) {
    %c0_i32 = arith.constant 0 : i32
    %c0_i32_0 = arith.constant 0 : i32
    %c0_i32_1 = arith.constant 0 : i32
    return %c0_i32, %c0_i32_0 : i32, i32
  }
  func.func @transform_5(%arg0: i32) -> (i32, i32) {
    %c0_i32 = arith.constant 0 : i32
    %c0_i32_0 = arith.constant 0 : i32
    %c0_i32_1 = arith.constant 0 : i32
    return %c0_i32, %c0_i32_0 : i32, i32
  }
  func.func @transform_6(%arg0: i32) -> (i32, i32) {
    %c0_i32 = arith.constant 0 : i32
    %c0_i32_0 = arith.constant 0 : i32
    %c0_i32_1 = arith.constant 0 : i32
    return %c0_i32, %c0_i32_0 : i32, i32
  }
  func.func @transform_7(%arg0: i32) -> (i32, i32) {
    %c0_i32 = arith.constant 0 : i32
    %c0_i32_0 = arith.constant 0 : i32
    return %arg0, %c0_i32 : i32, i32
  }
  func.func @transform_8(%arg0: i32) -> (i32, i32) {
    %c0_i32 = arith.constant 0 : i32
    %c0_i32_0 = arith.constant 0 : i32
    return %arg0, %c0_i32 : i32, i32
  }
  func.func @transform_9(%arg0: i32) -> (i32, i32) {
    %c0_i32 = arith.constant 0 : i32
    %c0_i32_0 = arith.constant 0 : i32
    return %arg0, %c0_i32 : i32, i32
  }
}

</mosaic_0001>

<sc_bundles>
// kernel: kernel.21.cloned.1.call-start
scs
__scs_entry_jumppad:
0x0: {  	(pc) =	sbr.rel $0x88, $3  }
0x1: {  	(tag) =	ssettag $0x0;
	lr =	simm.s32 $0x1  }
0x2: {  	[smem:$0x3F66] =	sst lr;
	_ =	strace $0xD0000000  }
0x3: {  	_ = 	snop  }
0x4: {  	_ = 	snop  }
0x5: {  	_ = 	snop  }
0x6: {  	_ = 	snop  }
0x7: {  	_ = 	snop  }
__scs_overlays_trampoline_lowered:
0x8: {  	[smem:$0x3F75] =	sst s0  }
0x9: {  	[smem:$0x3F76] =	sst s1  }
0xa: {  	[smem:$0x3F77] =	sst s2  }
0xb: {  	[smem:$0x3F78] =	sst s3  }
0xc: {  	[smem:$0x3F79] =	sst s4  }
0xd: {  	[smem:$0x3F7A] =	sst s5  }
0xe: {  	[smem:$0x3F7B] =	sst s6  }
0xf: {  	[smem:$0x3F7C] =	sst s7  }
0x10: {  	[smem:$0x3F7D] =	sst s8  }
0x11: {  	[smem:$0x3F7E] =	sst s9;
	s0 =	simm.s32 @!p0 $0x0  }
0x12: {  	s1 =	sld [smem:$0x3F64];
	s0 =	simm.s32 @p0 $0x1  }
0x13: {  	[smem:$0x3F7F] =	sst s0;
	s0 =	simm.s32 @!p1 $0x0  }
0x14: {  	s2 =	sld [smem:$0x3F63];
	s0 =	simm.s32 @p1 $0x1  }
0x15: {  	[smem:$0x3F80] =	sst s0;
	s0 =	simm.s32 @!p2 $0x0  }
0x16: {  	s3 =	sld [smem:$0x3FDB];
	s0 =	simm.s32 @p2 $0x1  }
0x17: {  	s4 =	simm.s32 $0x1BF5;
	[smem:$0x3F82] =	sst s0  }
0x18: {  	s0 =	sld [smem:$0x3F65];
	_ =	swait.ge [sflag:s4], $0x0  }
0x19: {  	s7 =	sld [smem:$0x3F66]  }
0x1a: {  	s8 =	sadd.s32 $0xFFFFE003, lr  }
0x1b: {  	s9 =	sadd.s32 $0xFFFFFEF7, lr;
	s5 =	simm.s32 $0xFFFFFFFF;
	p2 =	slt.u32 s8, $0xFFFFF086  }
0x1c: {  	p1 =	slt.u32 s9, $0xF7A;
	s5 =	simm.s32 @!p2 $0x0  }
0x1d: {  	s5 =	simm.s32 @p1 $0x1;
	p0 =	seq.s32 s7, s2  }
0x1e: {  	s7 =	smul.u32 @!p0 $0xF7A, s2;
	p2 =	seq.s32 @!p0 s5, $0x0  }
0x1f: {  	s9 =	smul.u32 $0xF7A, s1;
	s8 =	simm.s32 @!p0 $0x1BF5;
	p2 =	por !p2, p0  }
0x20: {  	[sflag:s8] =	ssyncset.s32 @!p0 $0xFFFFF086;
	s6 =	sadd.s32 @!p0 s3, s7;
	s7 =	simm.s32 @!p0 $0x108  }
0x21: {  	s3 =	sadd.s32 s3, s9;
	s6 =	sadd.s32 @!p0 $0x88, s6;
	s7 =	simm.s32 @p2 $0x1082  }
0x22: {  	[simem:s7], [sflag:s8] =	dma.local @!p0 [hbm:s6], $0xF7A  }
0x23: {  	s9 =	sor.u32 $0xD0000000, s2;
	s6 =	simm.s32 $0x108;
	_ =	swait.ge @!p0 [sflag:s8], $0x0  }
0x24: {  	s3 =	sadd.s32 $0x88, s3;
	s6 =	simm.s32 @!p1 $0x1082;
	[sflag:s4] =	ssyncset.s32 $0xFFFFF086  }
0x25: {  	[simem:s6], [sflag:s4] =	dma.local [hbm:s3], $0xF7A  }
0x26: {  	[smem:$0x3F66] =	sst s1;
	(tag) =	ssettag s2;
	_ =	strace s9  }
0x27: {  	s1 =	sld [smem:$0x3F76]  }
0x28: {  	s2 =	sld [smem:$0x3F77]  }
0x29: {  	s4 =	sld [smem:$0x3F79]  }
0x2a: {  	p0 =	seq.s32 s5, $0x0;
	s5 =	sld [smem:$0x3F7A]  }
0x2b: {  	s6 =	sld [smem:$0x3F7B]  }
0x2c: {  	s7 =	sld [smem:$0x3F7C]  }
0x2d: {  	s3 =	simm.s32 $0x108;
	s8 =	sld [smem:$0x3F7D]  }
0x2e: {  	s3 =	simm.s32 @!p0 $0x1082;
	s9 =	sld [smem:$0x3F7E]  }
0x2f: {  	lr =	sadd.s32 s0, s3;
	s0 =	sld [smem:$0x3F75]  }
0x30: {  	s3 =	sld [smem:$0x3F78]  }
0x31: {  	[smem:$0x3F81] =	sst s10  }
0x32: {  	s10 =	sld [smem:$0x3F7F];
	_ =	sdelay $0x3  }
0x33: {  	p0 =	seq.s32 s10, $0x1;
	s10 =	sld [smem:$0x3F81];
	_ =	sdelay $0x3  }
0x34: {  	[smem:$0x3F81] =	sst s10  }
0x35: {  	s10 =	sld [smem:$0x3F80];
	_ =	sdelay $0x3  }
0x36: {  	p1 =	seq.s32 s10, $0x1;
	s10 =	sld [smem:$0x3F81];
	_ =	sdelay $0x3  }
0x37: {  	[smem:$0x3F81] =	sst s10  }
0x38: {  	s10 =	sld [smem:$0x3F82]  }
0x39: {  	_ = 	snop;
	(pc) =	sbr.ind lr, $3  }
0x3a: {  	_ = 	snop  }
0x3b: {  	_ = 	snop  }
0x3c: {  	p2 =	seq.s32 s10, $0x1;
	s10 =	sld [smem:$0x3F81]  }
0x3d: {  	_ =	shalt  }
0x3e: {  	_ =	shalt  }
0x3f: {  	_ =	shalt  }
0x40: {  	_ =	shalt  }
0x41: {  	_ =	shalt  }
0x42: {  	_ =	shalt  }
0x43: {  	_ =	shalt  }
0x44: {  	_ =	shalt  }
0x45: {  	_ =	shalt  }
0x46: {  	_ =	shalt  }
0x47: {  	_ =	shalt  }
0x48: {  	_ =	shalt  }
0x49: {  	_ =	shalt  }
0x4a: {  	_ =	shalt  }
0x4b: {  	_ =	shalt  }
0x4c: {  	_ =	shalt  }
0x4d: {  	_ =	shalt  }
0x4e: {  	_ =	shalt  }
0x4f: {  	_ =	shalt  }
0x50: {  	_ =	shalt  }
0x51: {  	_ =	shalt  }
0x52: {  	_ =	shalt  }
0x53: {  	_ =	shalt  }
0x54: {  	_ =	shalt  }
0x55: {  	_ =	shalt  }
0x56: {  	_ =	shalt  }
0x57: {  	_ =	shalt  }
0x58: {  	_ =	shalt  }
0x59: {  	_ =	shalt  }
0x5a: {  	_ =	shalt  }
0x5b: {  	_ =	shalt  }
0x5c: {  	_ =	shalt  }
0x5d: {  	_ =	shalt  }
0x5e: {  	_ =	shalt  }
0x5f: {  	_ =	shalt  }
0x60: {  	_ =	shalt  }
0x61: {  	_ =	shalt  }
0x62: {  	_ =	shalt  }
0x63: {  	_ =	shalt  }
0x64: {  	_ =	shalt  }
0x65: {  	_ =	shalt  }
0x66: {  	_ =	shalt  }
0x67: {  	_ =	shalt  }
0x68: {  	_ =	shalt  }
0x69: {  	_ =	shalt  }
0x6a: {  	_ =	shalt  }
0x6b: {  	_ =	shalt  }
0x6c: {  	_ =	shalt  }
0x6d: {  	_ =	shalt  }
0x6e: {  	_ =	shalt  }
0x6f: {  	_ =	shalt  }
0x70: {  	_ =	shalt  }
0x71: {  	_ =	shalt  }
0x72: {  	_ =	shalt  }
0x73: {  	_ =	shalt  }
0x74: {  	_ =	shalt  }
0x75: {  	_ =	shalt  }
0x76: {  	_ =	shalt  }
0x77: {  	_ =	shalt  }
0x78: {  	_ =	shalt  }
0x79: {  	_ =	shalt  }
0x7a: {  	_ =	shalt  }
0x7b: {  	_ =	shalt  }
0x7c: {  	_ =	shalt  }
0x7d: {  	_ =	shalt  }
0x7e: {  	_ =	shalt  }
0x7f: {  	_ =	shalt  }
0x80: {  	_ =	shalt  }
0x81: {  	_ =	shalt  }
0x82: {  	_ =	shalt  }
0x83: {  	_ =	shalt  }
0x84: {  	_ =	shalt  }
0x85: {  	_ =	shalt  }
0x86: {  	_ =	shalt  }
0x87: {  	_ =	shalt  }
.Lfunc_end0:
.L_simem_size_0:
called_computation_lowered:
.L_overlay_start_0:
0x88: {  	s2 =	sld [smem:$0x3FD9]  }
0x89: {  	s3 =	sld [smem:$0x3FFE];
	_ =	sdelay $0x1  }
0x8a: {  	s1 =	srdreg.scid  }
0x8b: {  	s0 =	sand.u32 $0x1, s1  }
0x8c: {  	s14 =	sshll.u32 s0, $0xA;
	s2 =	sadd.s32 s3, s2  }
0x8d: {  	s2 =	sadd.s32 s2, s14  }
0x8e: {  	[smem:$0x3F8D] =	sst s2  }
0x8f: {  	_ = 	snop  }
0x90: {  	s2 =	sld [smem:$0x3FD0];
	_ =	sdelay $0x2  }
0x91: {  	s15 =	simm.s32 $0xA;
	s4 =	simm.s32 $0x10  }
0x92: {  	[smem:s4], [sflag:s15] =	dma.local [hbm:s2], $0x1  }
0x93: {  	_ =	swait.eq [sflag:s15], $0x1  }
0x94: {  	[sflag:s15] =	ssyncset.done $0x0  }
0x95: {  	[sflag:s15] =	ssyncadd.s32 $0xFFFFFFFF  }
0x96: {  	s16 =	sld [smem:$0x11];
	(tm) =	ssettm $0x1  }
0x97: {  	s17 =	sld [smem:$0x3FFB];
	_ =	sdelay $0x3  }
0x98: {  	_ =	strace s17  }
0x99: {  	s3 =	sld [smem:$0x3FFC];
	_ =	sdelay $0x3  }
0x9a: {  	_ =	strace s3  }
0x9b: {  	s3 =	sld [smem:$0x3FFD];
	_ =	sdelay $0x3  }
0x9c: {  	_ =	strace s3  }
0x9d: {  	_ =	strace $0x8FFFFFFF  }
0x9e: {  	s18 =	sld [smem:$0x3FDB];
	_ =	sdelay $0x1  }
0x9f: {  	s19 =	simm.s32 $_scs_section_size  }
0xa0: {  	s5 =	simm.s32 $_size__tile_overlayer_lowered;
	s6 =	simm.s32 $_tile_overlayer_lowered  }
0xa1: {  	s22 =	simm.s32 $0x1BFF;
	s21 =	sshll.u32 s6, $0x1;
	s3 =	sadd.s32 s19, s18  }
0xa2: {  	s7 =	simm.s32 $0x0;
	s20 =	sshll.u32 s5, $0x1;
	s5 =	sadd.s32 s21, s3  }
0xa3: {  	[timem:s7], [sflag:s22] =	dma.local [hbm:s5], s20  }
0xa4: {  	_ =	swait.ge [sflag:s22], s20  }
0xa5: {  	s4 =	ssub.s32 $0x0, s20;
	[sflag:s22] =	ssyncset.done $0x0  }
0xa6: {  	[sflag:s22] =	ssyncadd.s32 s4;
	_ =	sdelay $0x1  }
0xa7: {  	s23 =	simm.s32 $0x1B8B  }
0xa8: {  	_ =	swait.ge [sflag:s23], $0x1  }
0xa9: {  	[sflag:s23] =	ssyncset.done $0x0  }
0xaa: {  	s25 =	simm.s32 $0x1B8E;
	s24 =	sld [smem:$0x3FFE];
	[sflag:s23] =	ssyncadd.s32 $0xFFFFFFFF  }
0xab: {  	s26 =	simm.s32 $execute0_lowered;
	[smem:$0x3FD2] =	sst s25  }
0xac: {  	s5 =	sshll.u32 s26, $0x1;
	_ =	strace $0x80000046;
	[dreg:$0x1] =	wrdreg $0xFFFFFFFF  }
0xad: {  	s28 =	simm.s32 $_size_execute0_lowered;
	s3 =	sadd.s32 s3, s5;
	[dreg:$0x0] =	wrdreg $0x0  }
0xae: {  	s5 =	sshll.u32 s28, $0x1;
	[dreg:$0x2] =	wrdreg s3  }
0xaf: {  	[dreg:$0x3] =	wrdreg s5  }
0xb0: {  	[dreg:$0x4] =	wrdreg $0xC0  }
0xb1: {  	_ =	task [dreg:s7], $0x5FFFF  }
0xb2: {  	[dreg:$0x1] =	wrdreg $0xFFFFFFFF  }
0xb3: {  	[dreg:$0x0] =	wrdreg $0x60  }
0xb4: {  	[dreg:$0x2] =	wrdreg s24  }
0xb5: {  	[dreg:$0x3] =	wrdreg s16  }
0xb6: {  	[dreg:$0x4] =	wrdreg $0x9  }
0xb7: {  	_ =	task.clear_ibuf [dreg:s7], $0x5FFFF;
	_ =	strace $0x90000046  }
0xb8: {  	s29 =	simm.s32 $0x9;
	_ =	strace $0x80000048  }
0xb9: {  	_ =	swait.ge [sflag:s29], $0x1  }
0xba: {  	[sflag:s29] =	ssyncadd.s32 $0xFFFFFFFF  }
0xbb: {  	_ =	strace $0x90000048  }
0xbc: {  	_ =	sfence  }
0xbd: {  	s30 =	sld [smem:$0x0];
	_ =	sdelay $0x2  }
0xbe: {  	s31 =	sshll.u32 s1, $0xD;
	s1 =	sshrl.u32 s1, $0x2  }
0xbf: {  	s3 =	sand.u32 $0x4000, s31;
	s1 =	sadd.s32 s1, s30  }
0xc0: {  	s0 =	sor.u32 s3, s0;
	s1 =	sshll.u32 s1, $0x11  }
0xc1: {  	s0 =	sor.u32 s1, s0  }
0xc2: {  	s0 =	sadd.s32 $0x8F2B, s0  }
0xc3: {  	[sflag:s0] =	ssyncadd.remote.s32 $0x1  }
0xc4: {  	_ =	sfence.sel $0xFFFF  }
0xc5: {  	[dreg:$0x0] =	wrdreg $0xFFFFFFFF;
	(pc) =	sbr.abs _section_cstart, $3  }
0xc6: {  	[dreg:$0x1] =	wrdreg $0xFFFFFFFF  }
0xc7: {  	_ =	task.clear_ibuf [dreg:s7], $0x2FFFF;
	_ =	strace $0x9FFFFFFF  }
0xc8: {  	(tm) =	ssettm $0x7FFFFFFF  }
0xc9: {  	_ =	shalt  }
tec
execute0_lowered:
.L_overlay_start_1:
0x0: {  	(tag) =	ssettag $0x1  }
0x1: {  	s0 =	rddreg [dreg:$0x0]  }
0x2: {  	s1 =	srdreg.scid;
	s12 =	stileid.u32  }
0x3: {  	s6 =	rddreg [dreg:$0x1];
	s2 =	simm.s32 $0x0;
	s28 =	simm.s32 $0x4  }
0x4: {  	s29 =	simm.s32 $0x5;
	s30 =	simm.s32 $0x6;
	s31 =	simm.s32 $0x7  }
0x5: {  	s1 =	sand.u32 $0x1, s1;
	s3 =	sshll.u32 s12, $0x1;
	s16 =	smul.u32 $0x50000, s12  }
0x6: {  	[smem:$0x7FF] =	sst s2;
	s4 =	sadd.s32 $0x5C400, s0;
	s20 =	smul.u32 $0xA000, s12  }
0x7: {  	s5 =	sadd.s32 $0xFC400, s0;
	s7 =	sor.u32 s1, s3;
	s18 =	smul.u32 $0x28000, s1  }
0x8: {  	_ =	strace $0x80000047;
	s10 =	ssub.s32 $0x2, s1;
	s1 =	smul.u32 $0x5000, s1  }
0x9: {  	s3 =	sadd.s32 $0xE000, s0;
	s8 =	sshll.u32 s7, $0x8;
	s11 =	smul.u32 $0x28000, s7  }
0xa: {  	s15 =	sshrl.u32 s10, $0x1;
	s7 =	smul.u32 $0x5000, s7;
	s23 =	sadd.s32 s20, s4  }
0xb: {  	s25 =	sadd.s32 s20, s5;
	s20 =	simm.s32 $0x5000;
	s9 =	sadd.s32 s8, s0  }
0xc: {  	s0 =	ssub.s32 s10, s15;
	s6 =	sadd.s32 s6, s8;
	s24 =	sadd.s32 s1, s23  }
0xd: {  	s26 =	sadd.s32 s1, s25;
	s23 =	simm.s32 $0xD000;
	s25 =	simm.s32 $0x2  }
0xe: {  	s1 =	simm.s32 $0x8;
	[dreg:$0x3] =	wrdreg s6;
	s17 =	sadd.s32 $0xC000, s9  }
0xf: {  	s0 =	smax.u32 s0, $0x1;
	s19 =	sshrl.u32 s11, $0x3;
	s7 =	sor.u32 $0x800, s7  }
0x10: {  	s14 =	sadd.s32 $0x1800, s24;
	s9 =	sadd.s32 $0x1800, s26;
	[dreg:$0x4] =	wrdreg s17  }
0x11: {  	s24 =	simm.s32 $0x1;
	s26 =	simm.s32 $0x3;
	[dreg:$0x5] =	wrdreg s0  }
0x12: {  	s21 =	sadd.s32 s4, s19;
	s22 =	sadd.s32 s4, s7;
	s8 =	sadd.s32 s5, s19  }
0x13: {  	s12 =	sadd.s32 s5, s7;
	s0 =	sadd.s32 s18, s16;
	[dreg:$0x6] =	wrdreg s21  }
0x14: {  	s16 =	simm.s32 $0x9;
	s17 =	simm.s32 $0x800;
	[dreg:$0x7] =	wrdreg s22  }
0x15: {  	s18 =	simm.s32 $0x80;
	s19 =	simm.s32 $0x1000;
	[dreg:$0x8] =	wrdreg s8  }
0x16: {  	s13 =	sadd.s32 $0x8000, s0;
	s21 =	simm.s32 $0x9000;
	s0 =	simm.s32 $0x0  }
.LBB2_1:
0x17: {  	s6 =	rddreg [dreg:$0x3]  }
0x18: {  	[tilespmem:s2], [sflag:$0x9] =	stream.linear.gather [hbm4b:s6+s2], $0x500, $0x38;
	[tilespmem:$0x11000] =	vst v63  }
0x19: {  	_ =	swait.ge [sflag:s16], $0x500  }
0x1a: {  	[sflag:s16] =	ssyncset.done $0x0  }
0x1b: {  	s10 =	rddreg [dreg:$0x4];
	[sflag:s16] =	ssyncadd.s32 $0xFFFFFB00  }
0x1c: {  	[tilespmem:s17], [sflag:$0x9] =	stream.linear.gather [hbm4b:s10+s2], $0x500, $0x38;
	[tilespmem:$0x11000] =	vst v63  }
0x1d: {  	_ =	swait.ge [sflag:s16], $0x500  }
0x1e: {  	[sflag:s16] =	ssyncset.done $0x0  }
0x1f: {  	[sflag:s16] =	ssyncadd.s32 $0xFFFFFB00  }
0x20: {  	[tilespmem:s19], [sflag:$0x1] =	stream.indirect.gather [hbm4b:s3+s18], $0x80, s2, s18, $0xb8;
	[tilespmem:$0x11000] =	vst v63  }
0x21: {  	_ = 	snop  }
0x22: {  	[tilespmem:s20], [sflag:$0x2] =	stream.indirect.gather [hbm4b:s3+s18], $0x80, s18, s18, $0xb8;
	[tilespmem:$0x11000] =	vst v63  }
0x23: {  	_ = 	snop  }
0x24: {  	[tilespmem:s21], [sflag:$0x3] =	stream.indirect.gather [hbm4b:s3+s18], $0x80, s17, s18, $0xb8;
	[tilespmem:$0x11000] =	vst v63  }
0x25: {  	s11 =	simm.s32 $0x880  }
0x26: {  	[tilespmem:s23], [sflag:$0x4] =	stream.indirect.gather [hbm4b:s3+s18], $0x80, s11, s18, $0xb8;
	[tilespmem:$0x11000] =	vst v63  }
0x27: {  	_ =	swait.ge [sflag:s24], $0x4000  }
0x28: {  	[sflag:s24] =	ssyncset.done $0x0  }
0x29: {  	s15 =	rddreg [dreg:$0x6];
	[sflag:s24] =	ssyncadd.s32 $0xFFFFC000  }
0x2a: {  	[hbm4b:s15+s2] =	stream.linear.scatter [tilespmem:s19], [sflag:$0x5], $0x4000, $0x38;
	[tilespmem:$0x11000] =	vst v63  }
0x2b: {  	_ =	swait.ge [sflag:s25], $0x4000  }
0x2c: {  	[sflag:s25] =	ssyncset.done $0x0  }
0x2d: {  	s22 =	rddreg [dreg:$0x7];
	[sflag:s25] =	ssyncadd.s32 $0xFFFFC000  }
0x2e: {  	[hbm4b:s22+s2] =	stream.linear.scatter [tilespmem:s20], [sflag:$0x6], $0x4000, $0x38;
	[tilespmem:$0x11000] =	vst v63  }
0x2f: {  	_ =	swait.ge [sflag:s26], $0x4000  }
0x30: {  	[sflag:s26] =	ssyncset.done $0x0  }
0x31: {  	s7 =	rddreg [dreg:$0x8];
	[sflag:s26] =	ssyncadd.s32 $0xFFFFC000  }
0x32: {  	[hbm4b:s7+s2] =	stream.linear.scatter [tilespmem:s21], [sflag:$0x7], $0x4000, $0x38;
	[tilespmem:$0x11000] =	vst v63  }
0x33: {  	_ =	swait.ge [sflag:s28], $0x4000  }
0x34: {  	[sflag:s28] =	ssyncset.done $0x0  }
0x35: {  	[sflag:s28] =	ssyncadd.s32 $0xFFFFC000  }
0x36: {  	[hbm4b:s12+s2] =	stream.linear.scatter [tilespmem:s23], [sflag:$0x8], $0x4000, $0x38;
	[tilespmem:$0x11000] =	vst v63  }
0x37: {  	_ =	swait.ge [sflag:s29], $0x4000  }
0x38: {  	[sflag:s29] =	ssyncset.done $0x0  }
0x39: {  	s8 =	simm.s32 $0x100;
	[sflag:s29] =	ssyncadd.s32 $0xFFFFC000  }
0x3a: {  	[tilespmem:s19], [sflag:$0x1] =	stream.indirect.gather [hbm4b:s3+s18], $0x80, s8, s18, $0xb8;
	[tilespmem:$0x11000] =	vst v63  }
0x3b: {  	_ =	swait.ge [sflag:s30], $0x4000  }
0x3c: {  	[sflag:s30] =	ssyncset.done $0x0  }
0x3d: {  	s10 =	simm.s32 $0x180;
	[sflag:s30] =	ssyncadd.s32 $0xFFFFC000  }
0x3e: {  	[tilespmem:s20], [sflag:$0x2] =	stream.indirect.gather [hbm4b:s3+s18], $0x80, s10, s18, $0xb8;
	[tilespmem:$0x11000] =	vst v63  }
0x3f: {  	_ =	swait.ge [sflag:s31], $0x4000  }
0x40: {  	[sflag:s31] =	ssyncset.done $0x0  }
0x41: {  	s11 =	simm.s32 $0x900;
	[sflag:s31] =	ssyncadd.s32 $0xFFFFC000  }
0x42: {  	[tilespmem:s21], [sflag:$0x3] =	stream.indirect.gather [hbm4b:s3+s18], $0x80, s11, s18, $0xb8;
	[tilespmem:$0x11000] =	vst v63  }
0x43: {  	_ =	swait.ge [sflag:s1], $0x4000  }
0x44: {  	[sflag:s1] =	ssyncset.done $0x0  }
0x45: {  	s15 =	simm.s32 $0x980;
	[sflag:s1] =	ssyncadd.s32 $0xFFFFC000  }
0x46: {  	[tilespmem:s23], [sflag:$0x4] =	stream.indirect.gather [hbm4b:s3+s18], $0x80, s15, s18, $0xb8;
	[tilespmem:$0x11000] =	vst v63  }
0x47: {  	_ =	swait.ge [sflag:s24], $0x4000  }
0x48: {  	s22 =	sshrl.u32 s13, $0x3;
	[sflag:s24] =	ssyncset.done $0x0  }
0x49: {  	s7 =	sadd.s32 s4, s22;
	[sflag:s24] =	ssyncadd.s32 $0xFFFFC000  }
0x4a: {  	[hbm4b:s7+s2] =	stream.linear.scatter [tilespmem:s19], [sflag:$0x5], $0x4000, $0x38;
	[tilespmem:$0x11000] =	vst v63  }
0x4b: {  	_ =	swait.ge [sflag:s25], $0x4000  }
0x4c: {  	[sflag:s25] =	ssyncset.done $0x0  }
0x4d: {  	[sflag:s25] =	ssyncadd.s32 $0xFFFFC000  }
0x4e: {  	[hbm4b:s14+s2] =	stream.linear.scatter [tilespmem:s20], [sflag:$0x6], $0x4000, $0x38;
	[tilespmem:$0x11000] =	vst v63  }
0x4f: {  	_ =	swait.ge [sflag:s26], $0x4000  }
0x50: {  	[sflag:s26] =	ssyncset.done $0x0  }
0x51: {  	s6 =	sadd.s32 s5, s22;
	[sflag:s26] =	ssyncadd.s32 $0xFFFFC000  }
0x52: {  	[hbm4b:s6+s2] =	stream.linear.scatter [tilespmem:s21], [sflag:$0x7], $0x4000, $0x38;
	[tilespmem:$0x11000] =	vst v63  }
0x53: {  	s22 =	simm.s32 $0x400;
	_ =	swait.ge [sflag:s28], $0x4000  }
0x54: {  	s8 =	sadd.s32 $0x1000, s14;
	s15 =	smov.u32 s9;
	[sflag:s28] =	ssyncset.done $0x0  }
0x55: {  	s7 =	sadd.s32 $0x8000, s13;
	s6 =	sadd.s32 $0x1000, s9;
	[sflag:s28] =	ssyncadd.s32 $0xFFFFC000  }
.LBB2_2:
0x56: {  	[hbm4b:s15+s2] =	stream.linear.scatter [tilespmem:s23], [sflag:$0x8], $0x4000, $0x38;
	[tilespmem:$0x11000] =	vst v63  }
0x57: {  	s10 =	smov.u32 s22;
	s15 =	smov.u32 s6  }
0x58: {  	p0 =	sne.s32 s22, $0xC00;
	s22 =	sadd.s32 $0x400, s22;
	_ =	swait.ge [sflag:s29], $0x4000  }
0x59: {  	s10 =	sshra.s32 s10, $0x2;
	[sflag:s29] =	ssyncset.done $0x0  }
0x5a: {  	s11 =	sadd.s32 $0x100, s10;
	[sflag:s29] =	ssyncadd.s32 $0xFFFFC000  }
0x5b: {  	[tilespmem:s19], [sflag:$0x1] =	stream.indirect.gather [hbm4b:s3+s18], $0x80, s11, s18, $0xb8;
	[tilespmem:$0x11000] =	vst v63  }
0x5c: {  	_ =	swait.ge [sflag:s30], $0x4000  }
0x5d: {  	[sflag:s30] =	ssyncset.done $0x0  }
0x5e: {  	s11 =	sadd.s32 $0x180, s10;
	[sflag:s30] =	ssyncadd.s32 $0xFFFFC000  }
0x5f: {  	[tilespmem:s20], [sflag:$0x2] =	stream.indirect.gather [hbm4b:s3+s18], $0x80, s11, s18, $0xb8;
	[tilespmem:$0x11000] =	vst v63  }
0x60: {  	_ =	swait.ge [sflag:s31], $0x4000  }
0x61: {  	[sflag:s31] =	ssyncset.done $0x0  }
0x62: {  	s11 =	sadd.s32 $0x900, s10;
	[sflag:s31] =	ssyncadd.s32 $0xFFFFC000  }
0x63: {  	[tilespmem:s21], [sflag:$0x3] =	stream.indirect.gather [hbm4b:s3+s18], $0x80, s11, s18, $0xb8;
	[tilespmem:$0x11000] =	vst v63  }
0x64: {  	_ =	swait.ge [sflag:s1], $0x4000  }
0x65: {  	[sflag:s1] =	ssyncset.done $0x0  }
0x66: {  	s10 =	sadd.s32 $0x980, s10;
	[sflag:s1] =	ssyncadd.s32 $0xFFFFC000  }
0x67: {  	[tilespmem:s23], [sflag:$0x4] =	stream.indirect.gather [hbm4b:s3+s18], $0x80, s10, s18, $0xb8;
	[tilespmem:$0x11000] =	vst v63  }
0x68: {  	_ =	swait.ge [sflag:s24], $0x4000  }
0x69: {  	s10 =	sshrl.u32 s7, $0x3;
	[sflag:s24] =	ssyncset.done $0x0  }
0x6a: {  	s11 =	sadd.s32 s4, s10;
	[sflag:s24] =	ssyncadd.s32 $0xFFFFC000  }
0x6b: {  	[hbm4b:s11+s2] =	stream.linear.scatter [tilespmem:s19], [sflag:$0x5], $0x4000, $0x38;
	[tilespmem:$0x11000] =	vst v63  }
0x6c: {  	_ =	swait.ge [sflag:s25], $0x4000  }
0x6d: {  	[sflag:s25] =	ssyncset.done $0x0  }
0x6e: {  	[sflag:s25] =	ssyncadd.s32 $0xFFFFC000  }
0x6f: {  	[hbm4b:s8+s2] =	stream.linear.scatter [tilespmem:s20], [sflag:$0x6], $0x4000, $0x38;
	[tilespmem:$0x11000] =	vst v63  }
0x70: {  	_ =	swait.ge [sflag:s26], $0x4000  }
0x71: {  	[sflag:s26] =	ssyncset.done $0x0  }
.Ltmp0:
0x72: {  	s10 =	sadd.s32 s5, s10;
	[sflag:s26] =	ssyncadd.s32 $0xFFFFC000;
	(pc) =	sbr.rel @p0 .LBB2_2-.Ltmp0, $4  }
0x73: {  	[hbm4b:s10+s2] =	stream.linear.scatter [tilespmem:s21], [sflag:$0x7], $0x4000, $0x38;
	[tilespmem:$0x11000] =	vst v63  }
0x74: {  	_ =	swait.ge [sflag:s28], $0x4000  }
0x75: {  	s6 =	sadd.s32 $0x1000, s6;
	[sflag:s28] =	ssyncset.done $0x0  }
0x76: {  	s7 =	sadd.s32 $0x8000, s7;
	s8 =	sadd.s32 $0x1000, s8;
	[sflag:s28] =	ssyncadd.s32 $0xFFFFC000  }
0x77: {  	[hbm4b:s15+s2] =	stream.linear.scatter [tilespmem:s23], [sflag:$0x8], $0x4000, $0x38;
	[tilespmem:$0x11000] =	vst v63  }
0x78: {  	_ =	swait.ge [sflag:s29], $0x4000  }
0x79: {  	[sflag:s29] =	ssyncset.done $0x0  }
0x7a: {  	[sflag:s29] =	ssyncadd.s32 $0xFFFFC000  }
0x7b: {  	_ =	swait.ge [sflag:s30], $0x4000  }
0x7c: {  	[sflag:s30] =	ssyncset.done $0x0  }
0x7d: {  	[sflag:s30] =	ssyncadd.s32 $0xFFFFC000  }
0x7e: {  	_ =	swait.ge [sflag:s31], $0x4000  }
0x7f: {  	[sflag:s31] =	ssyncset.done $0x0  }
0x80: {  	[sflag:s31] =	ssyncadd.s32 $0xFFFFC000  }
0x81: {  	_ =	swait.ge [sflag:s1], $0x4000  }
0x82: {  	s0 =	sadd.s32 $0x1, s0;
	s6 =	rddreg [dreg:$0x5]  }
0x83: {  	p0 =	sne.s32 s0, s6  }
.Ltmp1:
0x84: {  	_ = 	snop;
	(pc) =	sbr.rel @p0 .LBB2_1-.Ltmp1, $3  }
0x85: {  	_ =	sdelay $0x1  }
0x86: {  	[sflag:s1] =	ssyncset.done $0x0  }
0x87: {  	[sflag:s1] =	ssyncadd.s32 $0xFFFFC000  }
0x88: {  	_ =	sfence.sel $0x180000  }
0x89: {  	[bflag:$0x0] =	sbarrier.arrive $0xFFFF  }
0x8a: {  	_ =	strace $0x90000047  }
0x8b: {  	s0 =	stileid.u32;
	[bflag:$0x2] =	sbarrier.arrive $0xFFFF  }
0x8c: {  	p0 =	sne.s32 s0, $0x0;
	s0 =	rddreg [dreg:$0x2]  }
0x8d: {  	s0 =	sadd.s32 @!p0 $0x100000, s0  }
0x8e: {  	[sflag:s0] =	ssyncadd.tile.s32 @!p0 $0x1;
	_ =	shalt  }
.Lfunc_end2:
_tile_overlayer_lowered:
.L_overlay_start_2:
0x8f: {  	(tag) =	ssettag $0x2  }
0x90: {  	s0 =	rddreg [dreg:$0x0];
	s2 =	stileid.u32  }
0x91: {  	s1 =	rddreg [dreg:$0x1];
	p0 =	sne.s32 s2, $0x0  }
0x92: {  	s3 =	rddreg [dreg:$0x2];
	[bflag:$0x3] =	sbarrier.arrive $0xFFFF;
	s2 =	simm.s32 @!p0 $0x1C09  }
0x93: {  	[timem:s3], [sflag:s2] =	dma.local @!p0 [hbm:s0], s1  }
0x94: {  	s0 =	simm.s32 @!p0 $0x9  }
0x95: {  	_ =	swait.ge @!p0 [sflag:s0], s1  }
0x96: {  	s1 =	ssub.s32 @!p0 $0x0, s1;
	[sflag:s0] =	ssyncset.done @!p0 $0x0  }
0x97: {  	[sflag:s0] =	ssyncadd.s32 @!p0 s1  }
0x98: {  	[bflag:$0x3] =	sbarrier.arrive $0xFFFF  }
0x99: {  	_ =	shalt  }

// kernel: kernel.24.cloned.1.call-start
scs
__scs_entry_jumppad:
0x0: {  	(pc) =	sbr.rel $0x88, $3  }
0x1: {  	(tag) =	ssettag $0x0;
	lr =	simm.s32 $0x1  }
0x2: {  	[smem:$0x3F66] =	sst lr;
	_ =	strace $0xD0000000  }
0x3: {  	_ = 	snop  }
0x4: {  	_ = 	snop  }
0x5: {  	_ = 	snop  }
0x6: {  	_ = 	snop  }
0x7: {  	_ = 	snop  }
__scs_overlays_trampoline_lowered:
0x8: {  	[smem:$0x3F75] =	sst s0  }
0x9: {  	[smem:$0x3F76] =	sst s1  }
0xa: {  	[smem:$0x3F77] =	sst s2  }
0xb: {  	[smem:$0x3F78] =	sst s3  }
0xc: {  	[smem:$0x3F79] =	sst s4  }
0xd: {  	[smem:$0x3F7A] =	sst s5  }
0xe: {  	[smem:$0x3F7B] =	sst s6  }
0xf: {  	[smem:$0x3F7C] =	sst s7  }
0x10: {  	[smem:$0x3F7D] =	sst s8  }
0x11: {  	[smem:$0x3F7E] =	sst s9;
	s0 =	simm.s32 @!p0 $0x0  }
0x12: {  	s1 =	sld [smem:$0x3F64];
	s0 =	simm.s32 @p0 $0x1  }
0x13: {  	[smem:$0x3F7F] =	sst s0;
	s0 =	simm.s32 @!p1 $0x0  }
0x14: {  	s2 =	sld [smem:$0x3F63];
	s0 =	simm.s32 @p1 $0x1  }
0x15: {  	[smem:$0x3F80] =	sst s0;
	s0 =	simm.s32 @!p2 $0x0  }
0x16: {  	s3 =	sld [smem:$0x3FDB];
	s0 =	simm.s32 @p2 $0x1  }
0x17: {  	s4 =	simm.s32 $0x1BF5;
	[smem:$0x3F82] =	sst s0  }
0x18: {  	s0 =	sld [smem:$0x3F65];
	_ =	swait.ge [sflag:s4], $0x0  }
0x19: {  	s7 =	sld [smem:$0x3F66]  }
0x1a: {  	s8 =	sadd.s32 $0xFFFFE003, lr  }
0x1b: {  	s9 =	sadd.s32 $0xFFFFFEF7, lr;
	s5 =	simm.s32 $0xFFFFFFFF;
	p2 =	slt.u32 s8, $0xFFFFF086  }
0x1c: {  	p1 =	slt.u32 s9, $0xF7A;
	s5 =	simm.s32 @!p2 $0x0  }
0x1d: {  	s5 =	simm.s32 @p1 $0x1;
	p0 =	seq.s32 s7, s2  }
0x1e: {  	s7 =	smul.u32 @!p0 $0xF7A, s2;
	p2 =	seq.s32 @!p0 s5, $0x0  }
0x1f: {  	s9 =	smul.u32 $0xF7A, s1;
	s8 =	simm.s32 @!p0 $0x1BF5;
	p2 =	por !p2, p0  }
0x20: {  	[sflag:s8] =	ssyncset.s32 @!p0 $0xFFFFF086;
	s6 =	sadd.s32 @!p0 s3, s7;
	s7 =	simm.s32 @!p0 $0x108  }
0x21: {  	s3 =	sadd.s32 s3, s9;
	s6 =	sadd.s32 @!p0 $0x88, s6;
	s7 =	simm.s32 @p2 $0x1082  }
0x22: {  	[simem:s7], [sflag:s8] =	dma.local @!p0 [hbm:s6], $0xF7A  }
0x23: {  	s9 =	sor.u32 $0xD0000000, s2;
	s6 =	simm.s32 $0x108;
	_ =	swait.ge @!p0 [sflag:s8], $0x0  }
0x24: {  	s3 =	sadd.s32 $0x88, s3;
	s6 =	simm.s32 @!p1 $0x1082;
	[sflag:s4] =	ssyncset.s32 $0xFFFFF086  }
0x25: {  	[simem:s6], [sflag:s4] =	dma.local [hbm:s3], $0xF7A  }
0x26: {  	[smem:$0x3F66] =	sst s1;
	(tag) =	ssettag s2;
	_ =	strace s9  }
0x27: {  	s1 =	sld [smem:$0x3F76]  }
0x28: {  	s2 =	sld [smem:$0x3F77]  }
0x29: {  	s4 =	sld [smem:$0x3F79]  }
0x2a: {  	p0 =	seq.s32 s5, $0x0;
	s5 =	sld [smem:$0x3F7A]  }
0x2b: {  	s6 =	sld [smem:$0x3F7B]  }
0x2c: {  	s7 =	sld [smem:$0x3F7C]  }
0x2d: {  	s3 =	simm.s32 $0x108;
	s8 =	sld [smem:$0x3F7D]  }
0x2e: {  	s3 =	simm.s32 @!p0 $0x1082;
	s9 =	sld [smem:$0x3F7E]  }
0x2f: {  	lr =	sadd.s32 s0, s3;
	s0 =	sld [smem:$0x3F75]  }
0x30: {  	s3 =	sld [smem:$0x3F78]  }
0x31: {  	[smem:$0x3F81] =	sst s10  }
0x32: {  	s10 =	sld [smem:$0x3F7F];
	_ =	sdelay $0x3  }
0x33: {  	p0 =	seq.s32 s10, $0x1;
	s10 =	sld [smem:$0x3F81];
	_ =	sdelay $0x3  }
0x34: {  	[smem:$0x3F81] =	sst s10  }
0x35: {  	s10 =	sld [smem:$0x3F80];
	_ =	sdelay $0x3  }
0x36: {  	p1 =	seq.s32 s10, $0x1;
	s10 =	sld [smem:$0x3F81];
	_ =	sdelay $0x3  }
0x37: {  	[smem:$0x3F81] =	sst s10  }
0x38: {  	s10 =	sld [smem:$0x3F82]  }
0x39: {  	_ = 	snop;
	(pc) =	sbr.ind lr, $3  }
0x3a: {  	_ = 	snop  }
0x3b: {  	_ = 	snop  }
0x3c: {  	p2 =	seq.s32 s10, $0x1;
	s10 =	sld [smem:$0x3F81]  }
0x3d: {  	_ =	shalt  }
0x3e: {  	_ =	shalt  }
0x3f: {  	_ =	shalt  }
0x40: {  	_ =	shalt  }
0x41: {  	_ =	shalt  }
0x42: {  	_ =	shalt  }
0x43: {  	_ =	shalt  }
0x44: {  	_ =	shalt  }
0x45: {  	_ =	shalt  }
0x46: {  	_ =	shalt  }
0x47: {  	_ =	shalt  }
0x48: {  	_ =	shalt  }
0x49: {  	_ =	shalt  }
0x4a: {  	_ =	shalt  }
0x4b: {  	_ =	shalt  }
0x4c: {  	_ =	shalt  }
0x4d: {  	_ =	shalt  }
0x4e: {  	_ =	shalt  }
0x4f: {  	_ =	shalt  }
0x50: {  	_ =	shalt  }
0x51: {  	_ =	shalt  }
0x52: {  	_ =	shalt  }
0x53: {  	_ =	shalt  }
0x54: {  	_ =	shalt  }
0x55: {  	_ =	shalt  }
0x56: {  	_ =	shalt  }
0x57: {  	_ =	shalt  }
0x58: {  	_ =	shalt  }
0x59: {  	_ =	shalt  }
0x5a: {  	_ =	shalt  }
0x5b: {  	_ =	shalt  }
0x5c: {  	_ =	shalt  }
0x5d: {  	_ =	shalt  }
0x5e: {  	_ =	shalt  }
0x5f: {  	_ =	shalt  }
0x60: {  	_ =	shalt  }
0x61: {  	_ =	shalt  }
0x62: {  	_ =	shalt  }
0x63: {  	_ =	shalt  }
0x64: {  	_ =	shalt  }
0x65: {  	_ =	shalt  }
0x66: {  	_ =	shalt  }
0x67: {  	_ =	shalt  }
0x68: {  	_ =	shalt  }
0x69: {  	_ =	shalt  }
0x6a: {  	_ =	shalt  }
0x6b: {  	_ =	shalt  }
0x6c: {  	_ =	shalt  }
0x6d: {  	_ =	shalt  }
0x6e: {  	_ =	shalt  }
0x6f: {  	_ =	shalt  }
0x70: {  	_ =	shalt  }
0x71: {  	_ =	shalt  }
0x72: {  	_ =	shalt  }
0x73: {  	_ =	shalt  }
0x74: {  	_ =	shalt  }
0x75: {  	_ =	shalt  }
0x76: {  	_ =	shalt  }
0x77: {  	_ =	shalt  }
0x78: {  	_ =	shalt  }
0x79: {  	_ =	shalt  }
0x7a: {  	_ =	shalt  }
0x7b: {  	_ =	shalt  }
0x7c: {  	_ =	shalt  }
0x7d: {  	_ =	shalt  }
0x7e: {  	_ =	shalt  }
0x7f: {  	_ =	shalt  }
0x80: {  	_ =	shalt  }
0x81: {  	_ =	shalt  }
0x82: {  	_ =	shalt  }
0x83: {  	_ =	shalt  }
0x84: {  	_ =	shalt  }
0x85: {  	_ =	shalt  }
0x86: {  	_ =	shalt  }
0x87: {  	_ =	shalt  }
.Lfunc_end0:
.L_simem_size_0:
called_computation.1_lowered:
.L_overlay_start_0:
0x88: {  	s2 =	sld [smem:$0x3FD9]  }
0x89: {  	s3 =	sld [smem:$0x3FFE];
	_ =	sdelay $0x1  }
0x8a: {  	s1 =	srdreg.scid  }
0x8b: {  	s0 =	sand.u32 $0x1, s1  }
0x8c: {  	s14 =	sshll.u32 s0, $0xA;
	s2 =	sadd.s32 s3, s2  }
0x8d: {  	s2 =	sadd.s32 s2, s14  }
0x8e: {  	[smem:$0x3F8D] =	sst s2  }
0x8f: {  	_ = 	snop  }
0x90: {  	s2 =	sld [smem:$0x3FD0];
	_ =	sdelay $0x2  }
0x91: {  	s15 =	simm.s32 $0xA;
	s4 =	simm.s32 $0x10  }
0x92: {  	[smem:s4], [sflag:s15] =	dma.local [hbm:s2], $0x1  }
0x93: {  	_ =	swait.eq [sflag:s15], $0x1  }
0x94: {  	[sflag:s15] =	ssyncset.done $0x0  }
0x95: {  	[sflag:s15] =	ssyncadd.s32 $0xFFFFFFFF  }
0x96: {  	s16 =	sld [smem:$0x10];
	(tm) =	ssettm $0x1  }
0x97: {  	s17 =	sld [smem:$0x3FFB];
	_ =	sdelay $0x3  }
0x98: {  	_ =	strace s17  }
0x99: {  	s3 =	sld [smem:$0x3FFC];
	_ =	sdelay $0x3  }
0x9a: {  	_ =	strace s3  }
0x9b: {  	s3 =	sld [smem:$0x3FFD];
	_ =	sdelay $0x3  }
0x9c: {  	_ =	strace s3  }
0x9d: {  	_ =	strace $0x8FFFFFFF  }
0x9e: {  	s18 =	sld [smem:$0x3FDB];
	_ =	sdelay $0x1  }
0x9f: {  	s19 =	simm.s32 $_scs_section_size  }
0xa0: {  	s5 =	simm.s32 $_size__tile_overlayer_lowered;
	s6 =	simm.s32 $_tile_overlayer_lowered  }
0xa1: {  	s22 =	simm.s32 $0x1BFF;
	s21 =	sshll.u32 s6, $0x1;
	s3 =	sadd.s32 s19, s18  }
0xa2: {  	s7 =	simm.s32 $0x0;
	s20 =	sshll.u32 s5, $0x1;
	s5 =	sadd.s32 s21, s3  }
0xa3: {  	[timem:s7], [sflag:s22] =	dma.local [hbm:s5], s20  }
0xa4: {  	_ =	swait.ge [sflag:s22], s20  }
0xa5: {  	s4 =	ssub.s32 $0x0, s20;
	[sflag:s22] =	ssyncset.done $0x0  }
0xa6: {  	[sflag:s22] =	ssyncadd.s32 s4;
	_ =	sdelay $0x1  }
0xa7: {  	s23 =	simm.s32 $0x1B8B  }
0xa8: {  	_ =	swait.ge [sflag:s23], $0x1  }
0xa9: {  	[sflag:s23] =	ssyncset.done $0x0  }
0xaa: {  	s25 =	simm.s32 $0x1B8E;
	s24 =	sld [smem:$0x3FFE];
	[sflag:s23] =	ssyncadd.s32 $0xFFFFFFFF  }
0xab: {  	s26 =	simm.s32 $execute0_lowered;
	[smem:$0x3FD2] =	sst s25  }
0xac: {  	s5 =	sshll.u32 s26, $0x1;
	_ =	strace $0x80000049;
	[dreg:$0x1] =	wrdreg $0xFFFFFFFF  }
0xad: {  	s28 =	simm.s32 $_size_execute0_lowered;
	s3 =	sadd.s32 s3, s5;
	[dreg:$0x0] =	wrdreg $0x0  }
0xae: {  	s5 =	sshll.u32 s28, $0x1;
	[dreg:$0x2] =	wrdreg s3  }
0xaf: {  	[dreg:$0x3] =	wrdreg s5  }
0xb0: {  	[dreg:$0x4] =	wrdreg $0xC0  }
0xb1: {  	_ =	task [dreg:s7], $0x5FFFF  }
0xb2: {  	[dreg:$0x1] =	wrdreg $0xFFFFFFFF  }
0xb3: {  	[dreg:$0x0] =	wrdreg $0x60  }
0xb4: {  	[dreg:$0x2] =	wrdreg s24  }
0xb5: {  	[dreg:$0x3] =	wrdreg s16  }
0xb6: {  	[dreg:$0x4] =	wrdreg $0x4C000  }
0xb7: {  	[dreg:$0x5] =	wrdreg $0x9  }
0xb8: {  	_ =	task.clear_ibuf [dreg:s7], $0x6FFFF;
	_ =	strace $0x90000049  }
0xb9: {  	s29 =	simm.s32 $0x9;
	_ =	strace $0x8000004B  }
0xba: {  	_ =	swait.ge [sflag:s29], $0x1  }
0xbb: {  	[sflag:s29] =	ssyncadd.s32 $0xFFFFFFFF  }
0xbc: {  	_ =	strace $0x9000004B  }
0xbd: {  	_ =	sfence  }
0xbe: {  	s30 =	sld [smem:$0x0];
	_ =	sdelay $0x2  }
0xbf: {  	s31 =	sshll.u32 s1, $0xD;
	s1 =	sshrl.u32 s1, $0x2  }
0xc0: {  	s3 =	sand.u32 $0x4000, s31;
	s1 =	sadd.s32 s1, s30  }
0xc1: {  	s0 =	sor.u32 s3, s0;
	s1 =	sshll.u32 s1, $0x11  }
0xc2: {  	s0 =	sor.u32 s1, s0  }
0xc3: {  	s0 =	sadd.s32 $0x8F2B, s0  }
0xc4: {  	[sflag:s0] =	ssyncadd.remote.s32 $0x1  }
0xc5: {  	_ =	sfence.sel $0xFFFF  }
0xc6: {  	[dreg:$0x0] =	wrdreg $0xFFFFFFFF;
	(pc) =	sbr.abs _section_cstart, $3  }
0xc7: {  	[dreg:$0x1] =	wrdreg $0xFFFFFFFF  }
0xc8: {  	_ =	task.clear_ibuf [dreg:s7], $0x2FFFF;
	_ =	strace $0x9FFFFFFF  }
0xc9: {  	(tm) =	ssettm $0x7FFFFFFF  }
tec
execute0_lowered:
.L_overlay_start_1:
0x0: {  	(tag) =	ssettag $0x1  }
0x1: {  	s7 =	rddreg [dreg:$0x0]  }
0x2: {  	s2 =	rddreg [dreg:$0x1]  }
0x3: {  	s3 =	rddreg [dreg:$0x2];
	s1 =	stileid.u32  }
0x4: {  	s0 =	rddreg [dreg:$0x3];
	s4 =	simm.s32 $0x0;
	s5 =	smul.u32 $0xA000, s1  }
0x5: {  	s8 =	srdreg.scid;
	s13 =	simm.s32 $0xC00;
	s6 =	smul.u32 $0x180, s1  }
0x6: {  	s14 =	simm.s32 $0x80;
	s17 =	simm.s32 $0x0;
	s9 =	smul.u32 $0x2780, s1  }
0x7: {  	[smem:$0x7FF] =	sst s4;
	s10 =	sand.u32 $0x1, s8;
	s11 =	smul.u32 $0x4F000, s1  }
0x8: {  	s15 =	sadd.s32 $0x128400, s3;
	s31 =	sshll.u32 s1, $0x6;
	p1 =	seq.s32 s1, $0xF  }
0x9: {  	_ =	strace $0x8000004A;
	s8 =	ssub.s32 $0x2, s10;
	p0 =	sne.s32 s10, $0x0  }
0xa: {  	s10 =	simm.s32 $0x1;
	s15 =	sshrl.u32 @p1 s15, $0x3;
	s12 =	sadd.s32 s5, s7  }
.Ltmp0:
0xb: {  	s28 =	sadd.s32 s6, s7;
	s29 =	sshrl.u32 s8, $0x1;
	(pc) =	sbr.rel .LBB2_1-.Ltmp0, $4  }
0xc: {  	s9 =	sadd.s32 s9, s7;
	s30 =	sshrl.u32 s11, $0x2;
	s7 =	sadd.s32 $0x33080, s7  }
0xd: {  	s11 =	sor.u32 $0x1C01, s31;
	s8 =	ssub.s32 s8, s29;
	s5 =	sadd.s32 $0x19C400, s28  }
0xe: {  	s16 =	sadd.s32 s30, s3;
	s6 =	sadd.s32 $0xE000, s9;
	s9 =	sadd.s32 $0x5C400, s12  }
0xf: {  	s8 =	smax.u32 s8, $0x1;
	s12 =	sshrl.u32 s16, $0x3;
	s16 =	sshrl.u32 @!p1 s16, $0x3  }
.LBB2_4:
0x10: {  	[sflag:s10] =	ssyncadd.s32 $0xFFFFC000  }
0x11: {  	s18 =	simm.s32 @p1 $0x1;
	[bflag:$0x0] =	sbarrier.arrive $0xFFFF  }
0x12: {  	[hbm:s7], [sflag:s11] =	dma.local @p1 [spmem:s15], $0x2080  }
0x13: {  	_ =	swait.ge @p1 [sflag:s18], $0x2080  }
0x14: {  	[sflag:s18] =	ssyncset.done @p1 $0x0  }
0x15: {  	[sflag:s18] =	ssyncadd.s32 @p1 $0xFFFFDF80;
	s18 =	simm.s32 @!p1 $0x1  }
0x16: {  	[hbm:s6], [sflag:s11] =	dma.local @!p1 [spmem:s16], $0x2780  }
0x17: {  	_ =	swait.ge @!p1 [sflag:s18], $0x2780  }
0x18: {  	[sflag:s18] =	ssyncset.done @!p1 $0x0  }
0x19: {  	[sflag:s18] =	ssyncadd.s32 @!p1 $0xFFFFD880  }
.LBB2_5:
0x1a: {  	s17 =	sadd.s32 $0x1, s17  }
0x1b: {  	p2 =	sne.s32 s17, s8  }
.Ltmp1:
0x1c: {  	_ = 	snop;
	(pc) =	sbr.rel @!p2 .LBB2_6-.Ltmp1, $1  }
0x1d: {  	_ =	sdelay $0x3  }
.LBB2_1:
.Ltmp2:
0x1e: {  	(pc) =	sbr.rel @p0 .LBB2_5-.Ltmp2, $4  }
0x1f: {  	[tilespmem:s4], [sflag:$0x1] =	stream.linear.gather [hbm4b:s5+s4], $0xA00, $0x38;
	[tilespmem:$0x18800] =	vst v63  }
0x20: {  	_ =	swait.ge [sflag:s10], $0xA00  }
0x21: {  	[sflag:s10] =	ssyncset.done $0x0  }
0x22: {  	[sflag:s10] =	ssyncadd.s32 $0xFFFFF600  }
0x23: {  	[spmem:s12], [sflag:s11] =	dma.local [hbm:s2], $0x2780  }
0x24: {  	_ =	swait.ge [sflag:s10], $0x2780  }
0x25: {  	[sflag:s10] =	ssyncset.done $0x0  }
0x26: {  	[sflag:s10] =	ssyncadd.s32 $0xFFFFD880  }
0x27: {  	[bflag:$0x0] =	sbarrier.arrive $0xFFFF  }
0x28: {  	[tilespmem:s13], [sflag:$0x1] =	stream.linear.gather [hbm4b:s9+s4], $0x4000, $0x38;
	[tilespmem:$0x18800] =	vst v63  }
0x29: {  	_ =	swait.ge [sflag:s10], $0x4000  }
0x2a: {  	[sflag:s10] =	ssyncset.done $0x0  }
0x2b: {  	s18 =	simm.s32 $0x0;
	[sflag:s10] =	ssyncadd.s32 $0xFFFFC000  }
0x2c: {  	[spmem:s3] =	stream.indirect.scatter.add.f32 [tilespmem:s13], [sflag:$0x1], $0x80, s18, s14, $0xb8;
	[tilespmem:$0x18800] =	vst v63  }
0x2d: {  	_ =	swait.ge [sflag:s10], $0x4000  }
0x2e: {  	s19 =	smov.u32 s9;
	s18 =	simm.s32 $0x200;
	[sflag:s10] =	ssyncset.done $0x0  }
.LBB2_3:
0x2f: {  	p2 =	sne.s32 s18, $0x2600;
	[sflag:s10] =	ssyncadd.s32 $0xFFFFC000;
	s19 =	sadd.s32 $0x800, s19  }
0x30: {  	[tilespmem:s13], [sflag:$0x1] =	stream.linear.gather [hbm4b:s19+s4], $0x4000, $0x38;
	[tilespmem:$0x18800] =	vst v63  }
0x31: {  	s20 =	smov.u32 s18;
	s18 =	sadd.s32 $0x200, s18;
	_ =	swait.ge [sflag:s10], $0x4000  }
.Ltmp3:
0x32: {  	[sflag:s10] =	ssyncset.done $0x0;
	(pc) =	sbr.rel @p2 .LBB2_3-.Ltmp3, $4  }
0x33: {  	s20 =	sshra.s32 s20, $0x2;
	[sflag:s10] =	ssyncadd.s32 $0xFFFFC000  }
0x34: {  	[spmem:s3] =	stream.indirect.scatter.add.f32 [tilespmem:s13], [sflag:$0x1], $0x80, s20, s14, $0xb8;
	[tilespmem:$0x18800] =	vst v63  }
0x35: {  	_ =	swait.ge [sflag:s10], $0x4000  }
0x36: {  	[sflag:s10] =	ssyncset.done $0x0  }
.Ltmp4:
0x37: {  	_ = 	snop;
	(pc) =	sbr.rel .LBB2_4-.Ltmp4, $1  }
0x38: {  	_ =	sdelay $0x3  }
.LBB2_6:
0x39: {  	_ =	sfence.sel $0x180000  }
0x3a: {  	[bflag:$0x0] =	sbarrier.arrive $0xFFFF  }
0x3b: {  	p0 =	sne.s32 s1, $0x0;
	_ =	strace $0x9000004A  }
0x3c: {  	s0 =	sadd.s32 @!p0 $0x100000, s0;
	[bflag:$0x2] =	sbarrier.arrive $0xFFFF  }
0x3d: {  	[sflag:s0] =	ssyncadd.tile.s32 @!p0 $0x1;
	_ =	shalt  }
.Lfunc_end2:
_tile_overlayer_lowered:
.L_overlay_start_2:
0x3e: {  	(tag) =	ssettag $0x2  }
0x3f: {  	s0 =	rddreg [dreg:$0x0];
	s2 =	stileid.u32  }
0x40: {  	s1 =	rddreg [dreg:$0x1];
	p0 =	sne.s32 s2, $0x0  }
0x41: {  	s3 =	rddreg [dreg:$0x2];
	[bflag:$0x3] =	sbarrier.arrive $0xFFFF;
	s2 =	simm.s32 @!p0 $0x1C01  }
0x42: {  	[timem:s3], [sflag:s2] =	dma.local @!p0 [hbm:s0], s1  }
0x43: {  	s0 =	simm.s32 @!p0 $0x1  }
0x44: {  	_ =	swait.ge @!p0 [sflag:s0], s1  }
0x45: {  	s1 =	ssub.s32 @!p0 $0x0, s1;
	[sflag:s0] =	ssyncset.done @!p0 $0x0  }
0x46: {  	[sflag:s0] =	ssyncadd.s32 @!p0 s1  }
0x47: {  	[bflag:$0x3] =	sbarrier.arrive $0xFFFF  }
0x48: {  	_ =	shalt  }

// kernel: kernel.27.cloned.1.call-start
scs
__scs_entry_jumppad:
0x0: {  	(pc) =	sbr.rel $0x88, $3  }
0x1: {  	(tag) =	ssettag $0x0;
	lr =	simm.s32 $0x1  }
0x2: {  	[smem:$0x3F66] =	sst lr;
	_ =	strace $0xD0000000  }
0x3: {  	_ = 	snop  }
0x4: {  	_ = 	snop  }
0x5: {  	_ = 	snop  }
0x6: {  	_ = 	snop  }
0x7: {  	_ = 	snop  }
__scs_overlays_trampoline_lowered:
0x8: {  	[smem:$0x3F75] =	sst s0  }
0x9: {  	[smem:$0x3F76] =	sst s1  }
0xa: {  	[smem:$0x3F77] =	sst s2  }
0xb: {  	[smem:$0x3F78] =	sst s3  }
0xc: {  	[smem:$0x3F79] =	sst s4  }
0xd: {  	[smem:$0x3F7A] =	sst s5  }
0xe: {  	[smem:$0x3F7B] =	sst s6  }
0xf: {  	[smem:$0x3F7C] =	sst s7  }
0x10: {  	[smem:$0x3F7D] =	sst s8  }
0x11: {  	[smem:$0x3F7E] =	sst s9;
	s0 =	simm.s32 @!p0 $0x0  }
0x12: {  	s1 =	sld [smem:$0x3F64];
	s0 =	simm.s32 @p0 $0x1  }
0x13: {  	[smem:$0x3F7F] =	sst s0;
	s0 =	simm.s32 @!p1 $0x0  }
0x14: {  	s2 =	sld [smem:$0x3F63];
	s0 =	simm.s32 @p1 $0x1  }
0x15: {  	[smem:$0x3F80] =	sst s0;
	s0 =	simm.s32 @!p2 $0x0  }
0x16: {  	s3 =	sld [smem:$0x3FDB];
	s0 =	simm.s32 @p2 $0x1  }
0x17: {  	s4 =	simm.s32 $0x1BF5;
	[smem:$0x3F82] =	sst s0  }
0x18: {  	s0 =	sld [smem:$0x3F65];
	_ =	swait.ge [sflag:s4], $0x0  }
0x19: {  	s7 =	sld [smem:$0x3F66]  }
0x1a: {  	s8 =	sadd.s32 $0xFFFFE003, lr  }
0x1b: {  	s9 =	sadd.s32 $0xFFFFFEF7, lr;
	s5 =	simm.s32 $0xFFFFFFFF;
	p2 =	slt.u32 s8, $0xFFFFF086  }
0x1c: {  	p1 =	slt.u32 s9, $0xF7A;
	s5 =	simm.s32 @!p2 $0x0  }
0x1d: {  	s5 =	simm.s32 @p1 $0x1;
	p0 =	seq.s32 s7, s2  }
0x1e: {  	s7 =	smul.u32 @!p0 $0xF7A, s2;
	p2 =	seq.s32 @!p0 s5, $0x0  }
0x1f: {  	s9 =	smul.u32 $0xF7A, s1;
	s8 =	simm.s32 @!p0 $0x1BF5;
	p2 =	por !p2, p0  }
0x20: {  	[sflag:s8] =	ssyncset.s32 @!p0 $0xFFFFF086;
	s6 =	sadd.s32 @!p0 s3, s7;
	s7 =	simm.s32 @!p0 $0x108  }
0x21: {  	s3 =	sadd.s32 s3, s9;
	s6 =	sadd.s32 @!p0 $0x88, s6;
	s7 =	simm.s32 @p2 $0x1082  }
0x22: {  	[simem:s7], [sflag:s8] =	dma.local @!p0 [hbm:s6], $0xF7A  }
0x23: {  	s9 =	sor.u32 $0xD0000000, s2;
	s6 =	simm.s32 $0x108;
	_ =	swait.ge @!p0 [sflag:s8], $0x0  }
0x24: {  	s3 =	sadd.s32 $0x88, s3;
	s6 =	simm.s32 @!p1 $0x1082;
	[sflag:s4] =	ssyncset.s32 $0xFFFFF086  }
0x25: {  	[simem:s6], [sflag:s4] =	dma.local [hbm:s3], $0xF7A  }
0x26: {  	[smem:$0x3F66] =	sst s1;
	(tag) =	ssettag s2;
	_ =	strace s9  }
0x27: {  	s1 =	sld [smem:$0x3F76]  }
0x28: {  	s2 =	sld [smem:$0x3F77]  }
0x29: {  	s4 =	sld [smem:$0x3F79]  }
0x2a: {  	p0 =	seq.s32 s5, $0x0;
	s5 =	sld [smem:$0x3F7A]  }
0x2b: {  	s6 =	sld [smem:$0x3F7B]  }
0x2c: {  	s7 =	sld [smem:$0x3F7C]  }
0x2d: {  	s3 =	simm.s32 $0x108;
	s8 =	sld [smem:$0x3F7D]  }
0x2e: {  	s3 =	simm.s32 @!p0 $0x1082;
	s9 =	sld [smem:$0x3F7E]  }
0x2f: {  	lr =	sadd.s32 s0, s3;
	s0 =	sld [smem:$0x3F75]  }
0x30: {  	s3 =	sld [smem:$0x3F78]  }
0x31: {  	[smem:$0x3F81] =	sst s10  }
0x32: {  	s10 =	sld [smem:$0x3F7F];
	_ =	sdelay $0x3  }
0x33: {  	p0 =	seq.s32 s10, $0x1;
	s10 =	sld [smem:$0x3F81];
	_ =	sdelay $0x3  }
0x34: {  	[smem:$0x3F81] =	sst s10  }
0x35: {  	s10 =	sld [smem:$0x3F80];
	_ =	sdelay $0x3  }
0x36: {  	p1 =	seq.s32 s10, $0x1;
	s10 =	sld [smem:$0x3F81];
	_ =	sdelay $0x3  }
0x37: {  	[smem:$0x3F81] =	sst s10  }
0x38: {  	s10 =	sld [smem:$0x3F82]  }
0x39: {  	_ = 	snop;
	(pc) =	sbr.ind lr, $3  }
0x3a: {  	_ = 	snop  }
0x3b: {  	_ = 	snop  }
0x3c: {  	p2 =	seq.s32 s10, $0x1;
	s10 =	sld [smem:$0x3F81]  }
0x3d: {  	_ =	shalt  }
0x3e: {  	_ =	shalt  }
0x3f: {  	_ =	shalt  }
0x40: {  	_ =	shalt  }
0x41: {  	_ =	shalt  }
0x42: {  	_ =	shalt  }
0x43: {  	_ =	shalt  }
0x44: {  	_ =	shalt  }
0x45: {  	_ =	shalt  }
0x46: {  	_ =	shalt  }
0x47: {  	_ =	shalt  }
0x48: {  	_ =	shalt  }
0x49: {  	_ =	shalt  }
0x4a: {  	_ =	shalt  }
0x4b: {  	_ =	shalt  }
0x4c: {  	_ =	shalt  }
0x4d: {  	_ =	shalt  }
0x4e: {  	_ =	shalt  }
0x4f: {  	_ =	shalt  }
0x50: {  	_ =	shalt  }
0x51: {  	_ =	shalt  }
0x52: {  	_ =	shalt  }
0x53: {  	_ =	shalt  }
0x54: {  	_ =	shalt  }
0x55: {  	_ =	shalt  }
0x56: {  	_ =	shalt  }
0x57: {  	_ =	shalt  }
0x58: {  	_ =	shalt  }
0x59: {  	_ =	shalt  }
0x5a: {  	_ =	shalt  }
0x5b: {  	_ =	shalt  }
0x5c: {  	_ =	shalt  }
0x5d: {  	_ =	shalt  }
0x5e: {  	_ =	shalt  }
0x5f: {  	_ =	shalt  }
0x60: {  	_ =	shalt  }
0x61: {  	_ =	shalt  }
0x62: {  	_ =	shalt  }
0x63: {  	_ =	shalt  }
0x64: {  	_ =	shalt  }
0x65: {  	_ =	shalt  }
0x66: {  	_ =	shalt  }
0x67: {  	_ =	shalt  }
0x68: {  	_ =	shalt  }
0x69: {  	_ =	shalt  }
0x6a: {  	_ =	shalt  }
0x6b: {  	_ =	shalt  }
0x6c: {  	_ =	shalt  }
0x6d: {  	_ =	shalt  }
0x6e: {  	_ =	shalt  }
0x6f: {  	_ =	shalt  }
0x70: {  	_ =	shalt  }
0x71: {  	_ =	shalt  }
0x72: {  	_ =	shalt  }
0x73: {  	_ =	shalt  }
0x74: {  	_ =	shalt  }
0x75: {  	_ =	shalt  }
0x76: {  	_ =	shalt  }
0x77: {  	_ =	shalt  }
0x78: {  	_ =	shalt  }
0x79: {  	_ =	shalt  }
0x7a: {  	_ =	shalt  }
0x7b: {  	_ =	shalt  }
0x7c: {  	_ =	shalt  }
0x7d: {  	_ =	shalt  }
0x7e: {  	_ =	shalt  }
0x7f: {  	_ =	shalt  }
0x80: {  	_ =	shalt  }
0x81: {  	_ =	shalt  }
0x82: {  	_ =	shalt  }
0x83: {  	_ =	shalt  }
0x84: {  	_ =	shalt  }
0x85: {  	_ =	shalt  }
0x86: {  	_ =	shalt  }
0x87: {  	_ =	shalt  }
.Lfunc_end0:
.L_simem_size_0:
called_computation.2_lowered:
.L_overlay_start_0:
0x88: {  	s2 =	sld [smem:$0x3FD9]  }
0x89: {  	s3 =	sld [smem:$0x3FFE];
	_ =	sdelay $0x1  }
0x8a: {  	s1 =	srdreg.scid  }
0x8b: {  	s0 =	sand.u32 $0x1, s1  }
0x8c: {  	s14 =	sshll.u32 s0, $0xA;
	s2 =	sadd.s32 s3, s2  }
0x8d: {  	s2 =	sadd.s32 s2, s14  }
0x8e: {  	[smem:$0x3F8D] =	sst s2  }
0x8f: {  	_ = 	snop  }
0x90: {  	s2 =	sld [smem:$0x3FD0];
	_ =	sdelay $0x2  }
0x91: {  	s15 =	simm.s32 $0xA;
	s4 =	simm.s32 $0x10  }
0x92: {  	[smem:s4], [sflag:s15] =	dma.local [hbm:s2], $0x1  }
0x93: {  	_ =	swait.eq [sflag:s15], $0x1  }
0x94: {  	[sflag:s15] =	ssyncset.done $0x0  }
0x95: {  	[sflag:s15] =	ssyncadd.s32 $0xFFFFFFFF  }
0x96: {  	s16 =	sld [smem:$0x11];
	(tm) =	ssettm $0x1  }
0x97: {  	s17 =	sld [smem:$0x3FFB];
	_ =	sdelay $0x3  }
0x98: {  	_ =	strace s17  }
0x99: {  	s3 =	sld [smem:$0x3FFC];
	_ =	sdelay $0x3  }
0x9a: {  	_ =	strace s3  }
0x9b: {  	s3 =	sld [smem:$0x3FFD];
	_ =	sdelay $0x3  }
0x9c: {  	_ =	strace s3  }
0x9d: {  	_ =	strace $0x8FFFFFFF  }
0x9e: {  	s18 =	sld [smem:$0x3FDB];
	_ =	sdelay $0x1  }
0x9f: {  	s19 =	simm.s32 $_scs_section_size  }
0xa0: {  	s5 =	simm.s32 $_size__tile_overlayer_lowered;
	s6 =	simm.s32 $_tile_overlayer_lowered  }
0xa1: {  	s22 =	simm.s32 $0x1BFF;
	s21 =	sshll.u32 s6, $0x1;
	s3 =	sadd.s32 s19, s18  }
0xa2: {  	s7 =	simm.s32 $0x0;
	s20 =	sshll.u32 s5, $0x1;
	s5 =	sadd.s32 s21, s3  }
0xa3: {  	[timem:s7], [sflag:s22] =	dma.local [hbm:s5], s20  }
0xa4: {  	_ =	swait.ge [sflag:s22], s20  }
0xa5: {  	s4 =	ssub.s32 $0x0, s20;
	[sflag:s22] =	ssyncset.done $0x0  }
0xa6: {  	[sflag:s22] =	ssyncadd.s32 s4;
	_ =	sdelay $0x1  }
0xa7: {  	s23 =	simm.s32 $0x1B8B  }
0xa8: {  	_ =	swait.ge [sflag:s23], $0x1  }
0xa9: {  	[sflag:s23] =	ssyncset.done $0x0  }
0xaa: {  	s25 =	simm.s32 $0x1B8E;
	s24 =	sld [smem:$0x3FFE];
	[sflag:s23] =	ssyncadd.s32 $0xFFFFFFFF  }
0xab: {  	s26 =	simm.s32 $execute0_lowered;
	[smem:$0x3FD2] =	sst s25  }
0xac: {  	s5 =	sshll.u32 s26, $0x1;
	_ =	strace $0x8000004C;
	[dreg:$0x1] =	wrdreg $0xFFFFFFFF  }
0xad: {  	s28 =	simm.s32 $_size_execute0_lowered;
	s3 =	sadd.s32 s3, s5;
	[dreg:$0x0] =	wrdreg $0x0  }
0xae: {  	s5 =	sshll.u32 s28, $0x1;
	[dreg:$0x2] =	wrdreg s3  }
0xaf: {  	[dreg:$0x3] =	wrdreg s5  }
0xb0: {  	[dreg:$0x4] =	wrdreg $0xC0  }
0xb1: {  	_ =	task [dreg:s7], $0x5FFFF  }
0xb2: {  	[dreg:$0x1] =	wrdreg $0xFFFFFFFF  }
0xb3: {  	[dreg:$0x0] =	wrdreg $0x60  }
0xb4: {  	[dreg:$0x2] =	wrdreg s24  }
0xb5: {  	[dreg:$0x3] =	wrdreg s16  }
0xb6: {  	[dreg:$0x4] =	wrdreg $0x9  }
0xb7: {  	_ =	task.clear_ibuf [dreg:s7], $0x5FFFF;
	_ =	strace $0x9000004C  }
0xb8: {  	s29 =	simm.s32 $0x9;
	_ =	strace $0x8000004E  }
0xb9: {  	_ =	swait.ge [sflag:s29], $0x1  }
0xba: {  	[sflag:s29] =	ssyncadd.s32 $0xFFFFFFFF  }
0xbb: {  	_ =	strace $0x9000004E  }
0xbc: {  	_ =	sfence  }
0xbd: {  	s30 =	sld [smem:$0x0];
	_ =	sdelay $0x2  }
0xbe: {  	s31 =	sshll.u32 s1, $0xD;
	s1 =	sshrl.u32 s1, $0x2  }
0xbf: {  	s3 =	sand.u32 $0x4000, s31;
	s1 =	sadd.s32 s1, s30  }
0xc0: {  	s0 =	sor.u32 s3, s0;
	s1 =	sshll.u32 s1, $0x11  }
0xc1: {  	s0 =	sor.u32 s1, s0  }
0xc2: {  	s0 =	sadd.s32 $0x8F2B, s0  }
0xc3: {  	[sflag:s0] =	ssyncadd.remote.s32 $0x1  }
0xc4: {  	_ =	sfence.sel $0xFFFF  }
0xc5: {  	[dreg:$0x0] =	wrdreg $0xFFFFFFFF;
	(pc) =	sbr.abs _section_cstart, $3  }
0xc6: {  	[dreg:$0x1] =	wrdreg $0xFFFFFFFF  }
0xc7: {  	_ =	task.clear_ibuf [dreg:s7], $0x2FFFF;
	_ =	strace $0x9FFFFFFF  }
0xc8: {  	(tm) =	ssettm $0x7FFFFFFF  }
0xc9: {  	_ =	shalt  }
tec
execute0_lowered:
.L_overlay_start_1:
0x0: {  	(tag) =	ssettag $0x1  }
0x1: {  	s0 =	rddreg [dreg:$0x0]  }
0x2: {  	s1 =	srdreg.scid;
	s12 =	stileid.u32  }
0x3: {  	s6 =	rddreg [dreg:$0x1];
	s2 =	simm.s32 $0x0;
	s28 =	simm.s32 $0x4  }
0x4: {  	s29 =	simm.s32 $0x5;
	s30 =	simm.s32 $0x6;
	s31 =	simm.s32 $0x7  }
0x5: {  	s1 =	sand.u32 $0x1, s1;
	s3 =	sshll.u32 s12, $0x1;
	s16 =	smul.u32 $0x50000, s12  }
0x6: {  	[smem:$0x7FF] =	sst s2;
	s4 =	sadd.s32 $0x5C400, s0;
	s20 =	smul.u32 $0xA000, s12  }
0x7: {  	s5 =	sadd.s32 $0xFC400, s0;
	s7 =	sor.u32 s1, s3;
	s18 =	smul.u32 $0x28000, s1  }
0x8: {  	_ =	strace $0x8000004D;
	s10 =	ssub.s32 $0x2, s1;
	s1 =	smul.u32 $0x5000, s1  }
0x9: {  	s3 =	sadd.s32 $0xE000, s0;
	s8 =	sshll.u32 s7, $0x8;
	s11 =	smul.u32 $0x28000, s7  }
0xa: {  	s15 =	sshrl.u32 s10, $0x1;
	s7 =	smul.u32 $0x5000, s7;
	s23 =	sadd.s32 s20, s4  }
0xb: {  	s25 =	sadd.s32 s20, s5;
	s20 =	simm.s32 $0x5000;
	s9 =	sadd.s32 s8, s0  }
0xc: {  	s0 =	ssub.s32 s10, s15;
	s6 =	sadd.s32 s6, s8;
	s24 =	sadd.s32 s1, s23  }
0xd: {  	s26 =	sadd.s32 s1, s25;
	s23 =	simm.s32 $0xD000;
	s25 =	simm.s32 $0x2  }
0xe: {  	s1 =	simm.s32 $0x8;
	[dreg:$0x3] =	wrdreg s6;
	s17 =	sadd.s32 $0xC000, s9  }
0xf: {  	s0 =	smax.u32 s0, $0x1;
	s19 =	sshrl.u32 s11, $0x3;
	s7 =	sor.u32 $0x800, s7  }
0x10: {  	s14 =	sadd.s32 $0x1800, s24;
	s9 =	sadd.s32 $0x1800, s26;
	[dreg:$0x4] =	wrdreg s17  }
0x11: {  	s24 =	simm.s32 $0x1;
	s26 =	simm.s32 $0x3;
	[dreg:$0x5] =	wrdreg s0  }
0x12: {  	s21 =	sadd.s32 s4, s19;
	s22 =	sadd.s32 s4, s7;
	s8 =	sadd.s32 s5, s19  }
0x13: {  	s12 =	sadd.s32 s5, s7;
	s0 =	sadd.s32 s18, s16;
	[dreg:$0x6] =	wrdreg s21  }
0x14: {  	s16 =	simm.s32 $0x9;
	s17 =	simm.s32 $0x800;
	[dreg:$0x7] =	wrdreg s22  }
0x15: {  	s18 =	simm.s32 $0x80;
	s19 =	simm.s32 $0x1000;
	[dreg:$0x8] =	wrdreg s8  }
0x16: {  	s13 =	sadd.s32 $0x8000, s0;
	s21 =	simm.s32 $0x9000;
	s0 =	simm.s32 $0x0  }
.LBB2_1:
0x17: {  	s6 =	rddreg [dreg:$0x3]  }
0x18: {  	[tilespmem:s2], [sflag:$0x9] =	stream.linear.gather [hbm4b:s6+s2], $0x500, $0x38;
	[tilespmem:$0x11000] =	vst v63  }
0x19: {  	_ =	swait.ge [sflag:s16], $0x500  }
0x1a: {  	[sflag:s16] =	ssyncset.done $0x0  }
0x1b: {  	s10 =	rddreg [dreg:$0x4];
	[sflag:s16] =	ssyncadd.s32 $0xFFFFFB00  }
0x1c: {  	[tilespmem:s17], [sflag:$0x9] =	stream.linear.gather [hbm4b:s10+s2], $0x500, $0x38;
	[tilespmem:$0x11000] =	vst v63  }
0x1d: {  	_ =	swait.ge [sflag:s16], $0x500  }
0x1e: {  	[sflag:s16] =	ssyncset.done $0x0  }
0x1f: {  	[sflag:s16] =	ssyncadd.s32 $0xFFFFFB00  }
0x20: {  	[tilespmem:s19], [sflag:$0x1] =	stream.indirect.gather [hbm4b:s3+s18], $0x80, s2, s18, $0xb8;
	[tilespmem:$0x11000] =	vst v63  }
0x21: {  	_ = 	snop  }
0x22: {  	[tilespmem:s20], [sflag:$0x2] =	stream.indirect.gather [hbm4b:s3+s18], $0x80, s18, s18, $0xb8;
	[tilespmem:$0x11000] =	vst v63  }
0x23: {  	_ = 	snop  }
0x24: {  	[tilespmem:s21], [sflag:$0x3] =	stream.indirect.gather [hbm4b:s3+s18], $0x80, s17, s18, $0xb8;
	[tilespmem:$0x11000] =	vst v63  }
0x25: {  	s11 =	simm.s32 $0x880  }
0x26: {  	[tilespmem:s23], [sflag:$0x4] =	stream.indirect.gather [hbm4b:s3+s18], $0x80, s11, s18, $0xb8;
	[tilespmem:$0x11000] =	vst v63  }
0x27: {  	_ =	swait.ge [sflag:s24], $0x4000  }
0x28: {  	[sflag:s24] =	ssyncset.done $0x0  }
0x29: {  	s15 =	rddreg [dreg:$0x6];
	[sflag:s24] =	ssyncadd.s32 $0xFFFFC000  }
0x2a: {  	[hbm4b:s15+s2] =	stream.linear.scatter [tilespmem:s19], [sflag:$0x5], $0x4000, $0x38;
	[tilespmem:$0x11000] =	vst v63  }
0x2b: {  	_ =	swait.ge [sflag:s25], $0x4000  }
0x2c: {  	[sflag:s25] =	ssyncset.done $0x0  }
0x2d: {  	s22 =	rddreg [dreg:$0x7];
	[sflag:s25] =	ssyncadd.s32 $0xFFFFC000  }
0x2e: {  	[hbm4b:s22+s2] =	stream.linear.scatter [tilespmem:s20], [sflag:$0x6], $0x4000, $0x38;
	[tilespmem:$0x11000] =	vst v63  }
0x2f: {  	_ =	swait.ge [sflag:s26], $0x4000  }
0x30: {  	[sflag:s26] =	ssyncset.done $0x0  }
0x31: {  	s7 =	rddreg [dreg:$0x8];
	[sflag:s26] =	ssyncadd.s32 $0xFFFFC000  }
0x32: {  	[hbm4b:s7+s2] =	stream.linear.scatter [tilespmem:s21], [sflag:$0x7], $0x4000, $0x38;
	[tilespmem:$0x11000] =	vst v63  }
0x33: {  	_ =	swait.ge [sflag:s28], $0x4000  }
0x34: {  	[sflag:s28] =	ssyncset.done $0x0  }
0x35: {  	[sflag:s28] =	ssyncadd.s32 $0xFFFFC000  }
0x36: {  	[hbm4b:s12+s2] =	stream.linear.scatter [tilespmem:s23], [sflag:$0x8], $0x4000, $0x38;
	[tilespmem:$0x11000] =	vst v63  }
0x37: {  	_ =	swait.ge [sflag:s29], $0x4000  }
0x38: {  	[sflag:s29] =	ssyncset.done $0x0  }
0x39: {  	s8 =	simm.s32 $0x100;
	[sflag:s29] =	ssyncadd.s32 $0xFFFFC000  }
0x3a: {  	[tilespmem:s19], [sflag:$0x1] =	stream.indirect.gather [hbm4b:s3+s18], $0x80, s8, s18, $0xb8;
	[tilespmem:$0x11000] =	vst v63  }
0x3b: {  	_ =	swait.ge [sflag:s30], $0x4000  }
0x3c: {  	[sflag:s30] =	ssyncset.done $0x0  }
0x3d: {  	s10 =	simm.s32 $0x180;
	[sflag:s30] =	ssyncadd.s32 $0xFFFFC000  }
0x3e: {  	[tilespmem:s20], [sflag:$0x2] =	stream.indirect.gather [hbm4b:s3+s18], $0x80, s10, s18, $0xb8;
	[tilespmem:$0x11000] =	vst v63  }
0x3f: {  	_ =	swait.ge [sflag:s31], $0x4000  }
0x40: {  	[sflag:s31] =	ssyncset.done $0x0  }
0x41: {  	s11 =	simm.s32 $0x900;
	[sflag:s31] =	ssyncadd.s32 $0xFFFFC000  }
0x42: {  	[tilespmem:s21], [sflag:$0x3] =	stream.indirect.gather [hbm4b:s3+s18], $0x80, s11, s18, $0xb8;
	[tilespmem:$0x11000] =	vst v63  }
0x43: {  	_ =	swait.ge [sflag:s1], $0x4000  }
0x44: {  	[sflag:s1] =	ssyncset.done $0x0  }
0x45: {  	s15 =	simm.s32 $0x980;
	[sflag:s1] =	ssyncadd.s32 $0xFFFFC000  }
0x46: {  	[tilespmem:s23], [sflag:$0x4] =	stream.indirect.gather [hbm4b:s3+s18], $0x80, s15, s18, $0xb8;
	[tilespmem:$0x11000] =	vst v63  }
0x47: {  	_ =	swait.ge [sflag:s24], $0x4000  }
0x48: {  	s22 =	sshrl.u32 s13, $0x3;
	[sflag:s24] =	ssyncset.done $0x0  }
0x49: {  	s7 =	sadd.s32 s4, s22;
	[sflag:s24] =	ssyncadd.s32 $0xFFFFC000  }
0x4a: {  	[hbm4b:s7+s2] =	stream.linear.scatter [tilespmem:s19], [sflag:$0x5], $0x4000, $0x38;
	[tilespmem:$0x11000] =	vst v63  }
0x4b: {  	_ =	swait.ge [sflag:s25], $0x4000  }
0x4c: {  	[sflag:s25] =	ssyncset.done $0x0  }
0x4d: {  	[sflag:s25] =	ssyncadd.s32 $0xFFFFC000  }
0x4e: {  	[hbm4b:s14+s2] =	stream.linear.scatter [tilespmem:s20], [sflag:$0x6], $0x4000, $0x38;
	[tilespmem:$0x11000] =	vst v63  }
0x4f: {  	_ =	swait.ge [sflag:s26], $0x4000  }
0x50: {  	[sflag:s26] =	ssyncset.done $0x0  }
0x51: {  	s6 =	sadd.s32 s5, s22;
	[sflag:s26] =	ssyncadd.s32 $0xFFFFC000  }
0x52: {  	[hbm4b:s6+s2] =	stream.linear.scatter [tilespmem:s21], [sflag:$0x7], $0x4000, $0x38;
	[tilespmem:$0x11000] =	vst v63  }
0x53: {  	s22 =	simm.s32 $0x400;
	_ =	swait.ge [sflag:s28], $0x4000  }
0x54: {  	s8 =	sadd.s32 $0x1000, s14;
	s15 =	smov.u32 s9;
	[sflag:s28] =	ssyncset.done $0x0  }
0x55: {  	s7 =	sadd.s32 $0x8000, s13;
	s6 =	sadd.s32 $0x1000, s9;
	[sflag:s28] =	ssyncadd.s32 $0xFFFFC000  }
.LBB2_2:
0x56: {  	[hbm4b:s15+s2] =	stream.linear.scatter [tilespmem:s23], [sflag:$0x8], $0x4000, $0x38;
	[tilespmem:$0x11000] =	vst v63  }
0x57: {  	s10 =	smov.u32 s22;
	s15 =	smov.u32 s6  }
0x58: {  	p0 =	sne.s32 s22, $0xC00;
	s22 =	sadd.s32 $0x400, s22;
	_ =	swait.ge [sflag:s29], $0x4000  }
0x59: {  	s10 =	sshra.s32 s10, $0x2;
	[sflag:s29] =	ssyncset.done $0x0  }
0x5a: {  	s11 =	sadd.s32 $0x100, s10;
	[sflag:s29] =	ssyncadd.s32 $0xFFFFC000  }
0x5b: {  	[tilespmem:s19], [sflag:$0x1] =	stream.indirect.gather [hbm4b:s3+s18], $0x80, s11, s18, $0xb8;
	[tilespmem:$0x11000] =	vst v63  }
0x5c: {  	_ =	swait.ge [sflag:s30], $0x4000  }
0x5d: {  	[sflag:s30] =	ssyncset.done $0x0  }
0x5e: {  	s11 =	sadd.s32 $0x180, s10;
	[sflag:s30] =	ssyncadd.s32 $0xFFFFC000  }
0x5f: {  	[tilespmem:s20], [sflag:$0x2] =	stream.indirect.gather [hbm4b:s3+s18], $0x80, s11, s18, $0xb8;
	[tilespmem:$0x11000] =	vst v63  }
0x60: {  	_ =	swait.ge [sflag:s31], $0x4000  }
0x61: {  	[sflag:s31] =	ssyncset.done $0x0  }
0x62: {  	s11 =	sadd.s32 $0x900, s10;
	[sflag:s31] =	ssyncadd.s32 $0xFFFFC000  }
0x63: {  	[tilespmem:s21], [sflag:$0x3] =	stream.indirect.gather [hbm4b:s3+s18], $0x80, s11, s18, $0xb8;
	[tilespmem:$0x11000] =	vst v63  }
0x64: {  	_ =	swait.ge [sflag:s1], $0x4000  }
0x65: {  	[sflag:s1] =	ssyncset.done $0x0  }
0x66: {  	s10 =	sadd.s32 $0x980, s10;
	[sflag:s1] =	ssyncadd.s32 $0xFFFFC000  }
0x67: {  	[tilespmem:s23], [sflag:$0x4] =	stream.indirect.gather [hbm4b:s3+s18], $0x80, s10, s18, $0xb8;
	[tilespmem:$0x11000] =	vst v63  }
0x68: {  	_ =	swait.ge [sflag:s24], $0x4000  }
0x69: {  	s10 =	sshrl.u32 s7, $0x3;
	[sflag:s24] =	ssyncset.done $0x0  }
0x6a: {  	s11 =	sadd.s32 s4, s10;
	[sflag:s24] =	ssyncadd.s32 $0xFFFFC000  }
0x6b: {  	[hbm4b:s11+s2] =	stream.linear.scatter [tilespmem:s19], [sflag:$0x5], $0x4000, $0x38;
	[tilespmem:$0x11000] =	vst v63  }
0x6c: {  	_ =	swait.ge [sflag:s25], $0x4000  }
0x6d: {  	[sflag:s25] =	ssyncset.done $0x0  }
0x6e: {  	[sflag:s25] =	ssyncadd.s32 $0xFFFFC000  }
0x6f: {  	[hbm4b:s8+s2] =	stream.linear.scatter [tilespmem:s20], [sflag:$0x6], $0x4000, $0x38;
	[tilespmem:$0x11000] =	vst v63  }
0x70: {  	_ =	swait.ge [sflag:s26], $0x4000  }
0x71: {  	[sflag:s26] =	ssyncset.done $0x0  }
.Ltmp0:
0x72: {  	s10 =	sadd.s32 s5, s10;
	[sflag:s26] =	ssyncadd.s32 $0xFFFFC000;
	(pc) =	sbr.rel @p0 .LBB2_2-.Ltmp0, $4  }
0x73: {  	[hbm4b:s10+s2] =	stream.linear.scatter [tilespmem:s21], [sflag:$0x7], $0x4000, $0x38;
	[tilespmem:$0x11000] =	vst v63  }
0x74: {  	_ =	swait.ge [sflag:s28], $0x4000  }
0x75: {  	s6 =	sadd.s32 $0x1000, s6;
	[sflag:s28] =	ssyncset.done $0x0  }
0x76: {  	s7 =	sadd.s32 $0x8000, s7;
	s8 =	sadd.s32 $0x1000, s8;
	[sflag:s28] =	ssyncadd.s32 $0xFFFFC000  }
0x77: {  	[hbm4b:s15+s2] =	stream.linear.scatter [tilespmem:s23], [sflag:$0x8], $0x4000, $0x38;
	[tilespmem:$0x11000] =	vst v63  }
0x78: {  	_ =	swait.ge [sflag:s29], $0x4000  }
0x79: {  	[sflag:s29] =	ssyncset.done $0x0  }
0x7a: {  	[sflag:s29] =	ssyncadd.s32 $0xFFFFC000  }
0x7b: {  	_ =	swait.ge [sflag:s30], $0x4000  }
0x7c: {  	[sflag:s30] =	ssyncset.done $0x0  }
0x7d: {  	[sflag:s30] =	ssyncadd.s32 $0xFFFFC000  }
0x7e: {  	_ =	swait.ge [sflag:s31], $0x4000  }
0x7f: {  	[sflag:s31] =	ssyncset.done $0x0  }
0x80: {  	[sflag:s31] =	ssyncadd.s32 $0xFFFFC000  }
0x81: {  	_ =	swait.ge [sflag:s1], $0x4000  }
0x82: {  	s0 =	sadd.s32 $0x1, s0;
	s6 =	rddreg [dreg:$0x5]  }
0x83: {  	p0 =	sne.s32 s0, s6  }
.Ltmp1:
0x84: {  	_ = 	snop;
	(pc) =	sbr.rel @p0 .LBB2_1-.Ltmp1, $3  }
0x85: {  	_ =	sdelay $0x1  }
0x86: {  	[sflag:s1] =	ssyncset.done $0x0  }
0x87: {  	[sflag:s1] =	ssyncadd.s32 $0xFFFFC000  }
0x88: {  	_ =	sfence.sel $0x180000  }
0x89: {  	[bflag:$0x0] =	sbarrier.arrive $0xFFFF  }
0x8a: {  	_ =	strace $0x9000004D  }
0x8b: {  	s0 =	stileid.u32;
	[bflag:$0x2] =	sbarrier.arrive $0xFFFF  }
0x8c: {  	p0 =	sne.s32 s0, $0x0;
	s0 =	rddreg [dreg:$0x2]  }
0x8d: {  	s0 =	sadd.s32 @!p0 $0x100000, s0  }
0x8e: {  	[sflag:s0] =	ssyncadd.tile.s32 @!p0 $0x1;
	_ =	shalt  }
.Lfunc_end2:
_tile_overlayer_lowered:
.L_overlay_start_2:
0x8f: {  	(tag) =	ssettag $0x2  }
0x90: {  	s0 =	rddreg [dreg:$0x0];
	s2 =	stileid.u32  }
0x91: {  	s1 =	rddreg [dreg:$0x1];
	p0 =	sne.s32 s2, $0x0  }
0x92: {  	s3 =	rddreg [dreg:$0x2];
	[bflag:$0x3] =	sbarrier.arrive $0xFFFF;
	s2 =	simm.s32 @!p0 $0x1C09  }
0x93: {  	[timem:s3], [sflag:s2] =	dma.local @!p0 [hbm:s0], s1  }
0x94: {  	s0 =	simm.s32 @!p0 $0x9  }
0x95: {  	_ =	swait.ge @!p0 [sflag:s0], s1  }
0x96: {  	s1 =	ssub.s32 @!p0 $0x0, s1;
	[sflag:s0] =	ssyncset.done @!p0 $0x0  }
0x97: {  	[sflag:s0] =	ssyncadd.s32 @!p0 s1  }
0x98: {  	[bflag:$0x3] =	sbarrier.arrive $0xFFFF  }
0x99: {  	_ =	shalt  }

// kernel: kernel.30.cloned.1.call-start
scs
__scs_entry_jumppad:
0x0: {  	(pc) =	sbr.rel $0x88, $3  }
0x1: {  	(tag) =	ssettag $0x0;
	lr =	simm.s32 $0x1  }
0x2: {  	[smem:$0x3F66] =	sst lr;
	_ =	strace $0xD0000000  }
0x3: {  	_ = 	snop  }
0x4: {  	_ = 	snop  }
0x5: {  	_ = 	snop  }
0x6: {  	_ = 	snop  }
0x7: {  	_ = 	snop  }
__scs_overlays_trampoline_lowered:
0x8: {  	[smem:$0x3F75] =	sst s0  }
0x9: {  	[smem:$0x3F76] =	sst s1  }
0xa: {  	[smem:$0x3F77] =	sst s2  }
0xb: {  	[smem:$0x3F78] =	sst s3  }
0xc: {  	[smem:$0x3F79] =	sst s4  }
0xd: {  	[smem:$0x3F7A] =	sst s5  }
0xe: {  	[smem:$0x3F7B] =	sst s6  }
0xf: {  	[smem:$0x3F7C] =	sst s7  }
0x10: {  	[smem:$0x3F7D] =	sst s8  }
0x11: {  	[smem:$0x3F7E] =	sst s9;
	s0 =	simm.s32 @!p0 $0x0  }
0x12: {  	s1 =	sld [smem:$0x3F64];
	s0 =	simm.s32 @p0 $0x1  }
0x13: {  	[smem:$0x3F7F] =	sst s0;
	s0 =	simm.s32 @!p1 $0x0  }
0x14: {  	s2 =	sld [smem:$0x3F63];
	s0 =	simm.s32 @p1 $0x1  }
0x15: {  	[smem:$0x3F80] =	sst s0;
	s0 =	simm.s32 @!p2 $0x0  }
0x16: {  	s3 =	sld [smem:$0x3FDB];
	s0 =	simm.s32 @p2 $0x1  }
0x17: {  	s4 =	simm.s32 $0x1BF5;
	[smem:$0x3F82] =	sst s0  }
0x18: {  	s0 =	sld [smem:$0x3F65];
	_ =	swait.ge [sflag:s4], $0x0  }
0x19: {  	s7 =	sld [smem:$0x3F66]  }
0x1a: {  	s8 =	sadd.s32 $0xFFFFE003, lr  }
0x1b: {  	s9 =	sadd.s32 $0xFFFFFEF7, lr;
	s5 =	simm.s32 $0xFFFFFFFF;
	p2 =	slt.u32 s8, $0xFFFFF086  }
0x1c: {  	p1 =	slt.u32 s9, $0xF7A;
	s5 =	simm.s32 @!p2 $0x0  }
0x1d: {  	s5 =	simm.s32 @p1 $0x1;
	p0 =	seq.s32 s7, s2  }
0x1e: {  	s7 =	smul.u32 @!p0 $0xF7A, s2;
	p2 =	seq.s32 @!p0 s5, $0x0  }
0x1f: {  	s9 =	smul.u32 $0xF7A, s1;
	s8 =	simm.s32 @!p0 $0x1BF5;
	p2 =	por !p2, p0  }
0x20: {  	[sflag:s8] =	ssyncset.s32 @!p0 $0xFFFFF086;
	s6 =	sadd.s32 @!p0 s3, s7;
	s7 =	simm.s32 @!p0 $0x108  }
0x21: {  	s3 =	sadd.s32 s3, s9;
	s6 =	sadd.s32 @!p0 $0x88, s6;
	s7 =	simm.s32 @p2 $0x1082  }
0x22: {  	[simem:s7], [sflag:s8] =	dma.local @!p0 [hbm:s6], $0xF7A  }
0x23: {  	s9 =	sor.u32 $0xD0000000, s2;
	s6 =	simm.s32 $0x108;
	_ =	swait.ge @!p0 [sflag:s8], $0x0  }
0x24: {  	s3 =	sadd.s32 $0x88, s3;
	s6 =	simm.s32 @!p1 $0x1082;
	[sflag:s4] =	ssyncset.s32 $0xFFFFF086  }
0x25: {  	[simem:s6], [sflag:s4] =	dma.local [hbm:s3], $0xF7A  }
0x26: {  	[smem:$0x3F66] =	sst s1;
	(tag) =	ssettag s2;
	_ =	strace s9  }
0x27: {  	s1 =	sld [smem:$0x3F76]  }
0x28: {  	s2 =	sld [smem:$0x3F77]  }
0x29: {  	s4 =	sld [smem:$0x3F79]  }
0x2a: {  	p0 =	seq.s32 s5, $0x0;
	s5 =	sld [smem:$0x3F7A]  }
0x2b: {  	s6 =	sld [smem:$0x3F7B]  }
0x2c: {  	s7 =	sld [smem:$0x3F7C]  }
0x2d: {  	s3 =	simm.s32 $0x108;
	s8 =	sld [smem:$0x3F7D]  }
0x2e: {  	s3 =	simm.s32 @!p0 $0x1082;
	s9 =	sld [smem:$0x3F7E]  }
0x2f: {  	lr =	sadd.s32 s0, s3;
	s0 =	sld [smem:$0x3F75]  }
0x30: {  	s3 =	sld [smem:$0x3F78]  }
0x31: {  	[smem:$0x3F81] =	sst s10  }
0x32: {  	s10 =	sld [smem:$0x3F7F];
	_ =	sdelay $0x3  }
0x33: {  	p0 =	seq.s32 s10, $0x1;
	s10 =	sld [smem:$0x3F81];
	_ =	sdelay $0x3  }
0x34: {  	[smem:$0x3F81] =	sst s10  }
0x35: {  	s10 =	sld [smem:$0x3F80];
	_ =	sdelay $0x3  }
0x36: {  	p1 =	seq.s32 s10, $0x1;
	s10 =	sld [smem:$0x3F81];
	_ =	sdelay $0x3  }
0x37: {  	[smem:$0x3F81] =	sst s10  }
0x38: {  	s10 =	sld [smem:$0x3F82]  }
0x39: {  	_ = 	snop;
	(pc) =	sbr.ind lr, $3  }
0x3a: {  	_ = 	snop  }
0x3b: {  	_ = 	snop  }
0x3c: {  	p2 =	seq.s32 s10, $0x1;
	s10 =	sld [smem:$0x3F81]  }
0x3d: {  	_ =	shalt  }
0x3e: {  	_ =	shalt  }
0x3f: {  	_ =	shalt  }
0x40: {  	_ =	shalt  }
0x41: {  	_ =	shalt  }
0x42: {  	_ =	shalt  }
0x43: {  	_ =	shalt  }
0x44: {  	_ =	shalt  }
0x45: {  	_ =	shalt  }
0x46: {  	_ =	shalt  }
0x47: {  	_ =	shalt  }
0x48: {  	_ =	shalt  }
0x49: {  	_ =	shalt  }
0x4a: {  	_ =	shalt  }
0x4b: {  	_ =	shalt  }
0x4c: {  	_ =	shalt  }
0x4d: {  	_ =	shalt  }
0x4e: {  	_ =	shalt  }
0x4f: {  	_ =	shalt  }
0x50: {  	_ =	shalt  }
0x51: {  	_ =	shalt  }
0x52: {  	_ =	shalt  }
0x53: {  	_ =	shalt  }
0x54: {  	_ =	shalt  }
0x55: {  	_ =	shalt  }
0x56: {  	_ =	shalt  }
0x57: {  	_ =	shalt  }
0x58: {  	_ =	shalt  }
0x59: {  	_ =	shalt  }
0x5a: {  	_ =	shalt  }
0x5b: {  	_ =	shalt  }
0x5c: {  	_ =	shalt  }
0x5d: {  	_ =	shalt  }
0x5e: {  	_ =	shalt  }
0x5f: {  	_ =	shalt  }
0x60: {  	_ =	shalt  }
0x61: {  	_ =	shalt  }
0x62: {  	_ =	shalt  }
0x63: {  	_ =	shalt  }
0x64: {  	_ =	shalt  }
0x65: {  	_ =	shalt  }
0x66: {  	_ =	shalt  }
0x67: {  	_ =	shalt  }
0x68: {  	_ =	shalt  }
0x69: {  	_ =	shalt  }
0x6a: {  	_ =	shalt  }
0x6b: {  	_ =	shalt  }
0x6c: {  	_ =	shalt  }
0x6d: {  	_ =	shalt  }
0x6e: {  	_ =	shalt  }
0x6f: {  	_ =	shalt  }
0x70: {  	_ =	shalt  }
0x71: {  	_ =	shalt  }
0x72: {  	_ =	shalt  }
0x73: {  	_ =	shalt  }
0x74: {  	_ =	shalt  }
0x75: {  	_ =	shalt  }
0x76: {  	_ =	shalt  }
0x77: {  	_ =	shalt  }
0x78: {  	_ =	shalt  }
0x79: {  	_ =	shalt  }
0x7a: {  	_ =	shalt  }
0x7b: {  	_ =	shalt  }
0x7c: {  	_ =	shalt  }
0x7d: {  	_ =	shalt  }
0x7e: {  	_ =	shalt  }
0x7f: {  	_ =	shalt  }
0x80: {  	_ =	shalt  }
0x81: {  	_ =	shalt  }
0x82: {  	_ =	shalt  }
0x83: {  	_ =	shalt  }
0x84: {  	_ =	shalt  }
0x85: {  	_ =	shalt  }
0x86: {  	_ =	shalt  }
0x87: {  	_ =	shalt  }
.Lfunc_end0:
.L_simem_size_0:
called_computation.3_lowered:
.L_overlay_start_0:
0x88: {  	s2 =	sld [smem:$0x3FD9]  }
0x89: {  	s3 =	sld [smem:$0x3FFE];
	_ =	sdelay $0x1  }
0x8a: {  	s1 =	srdreg.scid  }
0x8b: {  	s0 =	sand.u32 $0x1, s1  }
0x8c: {  	s14 =	sshll.u32 s0, $0xA;
	s2 =	sadd.s32 s3, s2  }
0x8d: {  	s2 =	sadd.s32 s2, s14  }
0x8e: {  	[smem:$0x3F8D] =	sst s2  }
0x8f: {  	_ = 	snop  }
0x90: {  	s2 =	sld [smem:$0x3FD0];
	_ =	sdelay $0x2  }
0x91: {  	s15 =	simm.s32 $0xA;
	s4 =	simm.s32 $0x10  }
0x92: {  	[smem:s4], [sflag:s15] =	dma.local [hbm:s2], $0x1  }
0x93: {  	_ =	swait.eq [sflag:s15], $0x1  }
0x94: {  	[sflag:s15] =	ssyncset.done $0x0  }
0x95: {  	[sflag:s15] =	ssyncadd.s32 $0xFFFFFFFF  }
0x96: {  	s16 =	sld [smem:$0x10];
	(tm) =	ssettm $0x1  }
0x97: {  	s17 =	sld [smem:$0x3FFB];
	_ =	sdelay $0x3  }
0x98: {  	_ =	strace s17  }
0x99: {  	s3 =	sld [smem:$0x3FFC];
	_ =	sdelay $0x3  }
0x9a: {  	_ =	strace s3  }
0x9b: {  	s3 =	sld [smem:$0x3FFD];
	_ =	sdelay $0x3  }
0x9c: {  	_ =	strace s3  }
0x9d: {  	_ =	strace $0x8FFFFFFF  }
0x9e: {  	s18 =	sld [smem:$0x3FDB];
	_ =	sdelay $0x1  }
0x9f: {  	s19 =	simm.s32 $_scs_section_size  }
0xa0: {  	s5 =	simm.s32 $_size__tile_overlayer_lowered;
	s6 =	simm.s32 $_tile_overlayer_lowered  }
0xa1: {  	s22 =	simm.s32 $0x1BFF;
	s21 =	sshll.u32 s6, $0x1;
	s3 =	sadd.s32 s19, s18  }
0xa2: {  	s7 =	simm.s32 $0x0;
	s20 =	sshll.u32 s5, $0x1;
	s5 =	sadd.s32 s21, s3  }
0xa3: {  	[timem:s7], [sflag:s22] =	dma.local [hbm:s5], s20  }
0xa4: {  	_ =	swait.ge [sflag:s22], s20  }
0xa5: {  	s4 =	ssub.s32 $0x0, s20;
	[sflag:s22] =	ssyncset.done $0x0  }
0xa6: {  	[sflag:s22] =	ssyncadd.s32 s4;
	_ =	sdelay $0x1  }
0xa7: {  	s23 =	simm.s32 $0x1B8B  }
0xa8: {  	_ =	swait.ge [sflag:s23], $0x1  }
0xa9: {  	[sflag:s23] =	ssyncset.done $0x0  }
0xaa: {  	s25 =	simm.s32 $0x1B8E;
	s24 =	sld [smem:$0x3FFE];
	[sflag:s23] =	ssyncadd.s32 $0xFFFFFFFF  }
0xab: {  	s26 =	simm.s32 $execute0_lowered;
	[smem:$0x3FD2] =	sst s25  }
0xac: {  	s5 =	sshll.u32 s26, $0x1;
	_ =	strace $0x8000004F;
	[dreg:$0x1] =	wrdreg $0xFFFFFFFF  }
0xad: {  	s28 =	simm.s32 $_size_execute0_lowered;
	s3 =	sadd.s32 s3, s5;
	[dreg:$0x0] =	wrdreg $0x0  }
0xae: {  	s5 =	sshll.u32 s28, $0x1;
	[dreg:$0x2] =	wrdreg s3  }
0xaf: {  	[dreg:$0x3] =	wrdreg s5  }
0xb0: {  	[dreg:$0x4] =	wrdreg $0xC0  }
0xb1: {  	_ =	task [dreg:s7], $0x5FFFF  }
0xb2: {  	[dreg:$0x1] =	wrdreg $0xFFFFFFFF  }
0xb3: {  	[dreg:$0x0] =	wrdreg $0x60  }
0xb4: {  	[dreg:$0x2] =	wrdreg s24  }
0xb5: {  	[dreg:$0x3] =	wrdreg s16  }
0xb6: {  	[dreg:$0x4] =	wrdreg $0x4C000  }
0xb7: {  	[dreg:$0x5] =	wrdreg $0x9  }
0xb8: {  	_ =	task.clear_ibuf [dreg:s7], $0x6FFFF;
	_ =	strace $0x9000004F  }
0xb9: {  	s29 =	simm.s32 $0x9;
	_ =	strace $0x80000051  }
0xba: {  	_ =	swait.ge [sflag:s29], $0x1  }
0xbb: {  	[sflag:s29] =	ssyncadd.s32 $0xFFFFFFFF  }
0xbc: {  	_ =	strace $0x90000051  }
0xbd: {  	_ =	sfence  }
0xbe: {  	s30 =	sld [smem:$0x0];
	_ =	sdelay $0x2  }
0xbf: {  	s31 =	sshll.u32 s1, $0xD;
	s1 =	sshrl.u32 s1, $0x2  }
0xc0: {  	s3 =	sand.u32 $0x4000, s31;
	s1 =	sadd.s32 s1, s30  }
0xc1: {  	s0 =	sor.u32 s3, s0;
	s1 =	sshll.u32 s1, $0x11  }
0xc2: {  	s0 =	sor.u32 s1, s0  }
0xc3: {  	s0 =	sadd.s32 $0x8F2B, s0  }
0xc4: {  	[sflag:s0] =	ssyncadd.remote.s32 $0x1  }
0xc5: {  	_ =	sfence.sel $0xFFFF  }
0xc6: {  	[dreg:$0x0] =	wrdreg $0xFFFFFFFF;
	(pc) =	sbr.abs _section_cstart, $3  }
0xc7: {  	[dreg:$0x1] =	wrdreg $0xFFFFFFFF  }
0xc8: {  	_ =	task.clear_ibuf [dreg:s7], $0x2FFFF;
	_ =	strace $0x9FFFFFFF  }
0xc9: {  	(tm) =	ssettm $0x7FFFFFFF  }
tec
execute0_lowered:
.L_overlay_start_1:
0x0: {  	(tag) =	ssettag $0x1  }
0x1: {  	s7 =	rddreg [dreg:$0x0]  }
0x2: {  	s2 =	rddreg [dreg:$0x1]  }
0x3: {  	s3 =	rddreg [dreg:$0x2];
	s1 =	stileid.u32  }
0x4: {  	s0 =	rddreg [dreg:$0x3];
	s4 =	simm.s32 $0x0;
	s5 =	smul.u32 $0xA000, s1  }
0x5: {  	s8 =	srdreg.scid;
	s13 =	simm.s32 $0xC00;
	s6 =	smul.u32 $0x180, s1  }
0x6: {  	s14 =	simm.s32 $0x80;
	s17 =	simm.s32 $0x0;
	s9 =	smul.u32 $0x2780, s1  }
0x7: {  	[smem:$0x7FF] =	sst s4;
	s10 =	sand.u32 $0x1, s8;
	s11 =	smul.u32 $0x4F000, s1  }
0x8: {  	s15 =	sadd.s32 $0x128400, s3;
	s31 =	sshll.u32 s1, $0x6;
	p1 =	seq.s32 s1, $0xF  }
0x9: {  	_ =	strace $0x80000050;
	s8 =	ssub.s32 $0x2, s10;
	p0 =	sne.s32 s10, $0x0  }
0xa: {  	s10 =	simm.s32 $0x1;
	s15 =	sshrl.u32 @p1 s15, $0x3;
	s12 =	sadd.s32 s5, s7  }
.Ltmp0:
0xb: {  	s28 =	sadd.s32 s6, s7;
	s29 =	sshrl.u32 s8, $0x1;
	(pc) =	sbr.rel .LBB2_1-.Ltmp0, $4  }
0xc: {  	s9 =	sadd.s32 s9, s7;
	s30 =	sshrl.u32 s11, $0x2;
	s7 =	sadd.s32 $0x31080, s7  }
0xd: {  	s11 =	sor.u32 $0x1C01, s31;
	s8 =	ssub.s32 s8, s29;
	s5 =	sadd.s32 $0x19C400, s28  }
0xe: {  	s16 =	sadd.s32 s30, s3;
	s6 =	sadd.s32 $0xC000, s9;
	s9 =	sadd.s32 $0x5C400, s12  }
0xf: {  	s8 =	smax.u32 s8, $0x1;
	s12 =	sshrl.u32 s16, $0x3;
	s16 =	sshrl.u32 @!p1 s16, $0x3  }
.LBB2_4:
0x10: {  	[sflag:s10] =	ssyncadd.s32 $0xFFFFC000  }
0x11: {  	s18 =	simm.s32 @p1 $0x1;
	[bflag:$0x0] =	sbarrier.arrive $0xFFFF  }
0x12: {  	[hbm:s7], [sflag:s11] =	dma.local @p1 [spmem:s15], $0x2080  }
0x13: {  	_ =	swait.ge @p1 [sflag:s18], $0x2080  }
0x14: {  	[sflag:s18] =	ssyncset.done @p1 $0x0  }
0x15: {  	[sflag:s18] =	ssyncadd.s32 @p1 $0xFFFFDF80;
	s18 =	simm.s32 @!p1 $0x1  }
0x16: {  	[hbm:s6], [sflag:s11] =	dma.local @!p1 [spmem:s16], $0x2780  }
0x17: {  	_ =	swait.ge @!p1 [sflag:s18], $0x2780  }
0x18: {  	[sflag:s18] =	ssyncset.done @!p1 $0x0  }
0x19: {  	[sflag:s18] =	ssyncadd.s32 @!p1 $0xFFFFD880  }
.LBB2_5:
0x1a: {  	s17 =	sadd.s32 $0x1, s17  }
0x1b: {  	p2 =	sne.s32 s17, s8  }
.Ltmp1:
0x1c: {  	_ = 	snop;
	(pc) =	sbr.rel @!p2 .LBB2_6-.Ltmp1, $1  }
0x1d: {  	_ =	sdelay $0x3  }
.LBB2_1:
.Ltmp2:
0x1e: {  	(pc) =	sbr.rel @p0 .LBB2_5-.Ltmp2, $4  }
0x1f: {  	[tilespmem:s4], [sflag:$0x1] =	stream.linear.gather [hbm4b:s5+s4], $0xA00, $0x38;
	[tilespmem:$0x18800] =	vst v63  }
0x20: {  	_ =	swait.ge [sflag:s10], $0xA00  }
0x21: {  	[sflag:s10] =	ssyncset.done $0x0  }
0x22: {  	[sflag:s10] =	ssyncadd.s32 $0xFFFFF600  }
0x23: {  	[spmem:s12], [sflag:s11] =	dma.local [hbm:s2], $0x2780  }
0x24: {  	_ =	swait.ge [sflag:s10], $0x2780  }
0x25: {  	[sflag:s10] =	ssyncset.done $0x0  }
0x26: {  	[sflag:s10] =	ssyncadd.s32 $0xFFFFD880  }
0x27: {  	[bflag:$0x0] =	sbarrier.arrive $0xFFFF  }
0x28: {  	[tilespmem:s13], [sflag:$0x1] =	stream.linear.gather [hbm4b:s9+s4], $0x4000, $0x38;
	[tilespmem:$0x18800] =	vst v63  }
0x29: {  	_ =	swait.ge [sflag:s10], $0x4000  }
0x2a: {  	[sflag:s10] =	ssyncset.done $0x0  }
0x2b: {  	s18 =	simm.s32 $0x0;
	[sflag:s10] =	ssyncadd.s32 $0xFFFFC000  }
0x2c: {  	[spmem:s3] =	stream.indirect.scatter.add.f32 [tilespmem:s13], [sflag:$0x1], $0x80, s18, s14, $0xb8;
	[tilespmem:$0x18800] =	vst v63  }
0x2d: {  	_ =	swait.ge [sflag:s10], $0x4000  }
0x2e: {  	s19 =	smov.u32 s9;
	s18 =	simm.s32 $0x200;
	[sflag:s10] =	ssyncset.done $0x0  }
.LBB2_3:
0x2f: {  	p2 =	sne.s32 s18, $0x2600;
	[sflag:s10] =	ssyncadd.s32 $0xFFFFC000;
	s19 =	sadd.s32 $0x800, s19  }
0x30: {  	[tilespmem:s13], [sflag:$0x1] =	stream.linear.gather [hbm4b:s19+s4], $0x4000, $0x38;
	[tilespmem:$0x18800] =	vst v63  }
0x31: {  	s20 =	smov.u32 s18;
	s18 =	sadd.s32 $0x200, s18;
	_ =	swait.ge [sflag:s10], $0x4000  }
.Ltmp3:
0x32: {  	[sflag:s10] =	ssyncset.done $0x0;
	(pc) =	sbr.rel @p2 .LBB2_3-.Ltmp3, $4  }
0x33: {  	s20 =	sshra.s32 s20, $0x2;
	[sflag:s10] =	ssyncadd.s32 $0xFFFFC000  }
0x34: {  	[spmem:s3] =	stream.indirect.scatter.add.f32 [tilespmem:s13], [sflag:$0x1], $0x80, s20, s14, $0xb8;
	[tilespmem:$0x18800] =	vst v63  }
0x35: {  	_ =	swait.ge [sflag:s10], $0x4000  }
0x36: {  	[sflag:s10] =	ssyncset.done $0x0  }
.Ltmp4:
0x37: {  	_ = 	snop;
	(pc) =	sbr.rel .LBB2_4-.Ltmp4, $1  }
0x38: {  	_ =	sdelay $0x3  }
.LBB2_6:
0x39: {  	_ =	sfence.sel $0x180000  }
0x3a: {  	[bflag:$0x0] =	sbarrier.arrive $0xFFFF  }
0x3b: {  	p0 =	sne.s32 s1, $0x0;
	_ =	strace $0x90000050  }
0x3c: {  	s0 =	sadd.s32 @!p0 $0x100000, s0;
	[bflag:$0x2] =	sbarrier.arrive $0xFFFF  }
0x3d: {  	[sflag:s0] =	ssyncadd.tile.s32 @!p0 $0x1;
	_ =	shalt  }
.Lfunc_end2:
_tile_overlayer_lowered:
.L_overlay_start_2:
0x3e: {  	(tag) =	ssettag $0x2  }
0x3f: {  	s0 =	rddreg [dreg:$0x0];
	s2 =	stileid.u32  }
0x40: {  	s1 =	rddreg [dreg:$0x1];
	p0 =	sne.s32 s2, $0x0  }
0x41: {  	s3 =	rddreg [dreg:$0x2];
	[bflag:$0x3] =	sbarrier.arrive $0xFFFF;
	s2 =	simm.s32 @!p0 $0x1C01  }
0x42: {  	[timem:s3], [sflag:s2] =	dma.local @!p0 [hbm:s0], s1  }
0x43: {  	s0 =	simm.s32 @!p0 $0x1  }
0x44: {  	_ =	swait.ge @!p0 [sflag:s0], s1  }
0x45: {  	s1 =	ssub.s32 @!p0 $0x0, s1;
	[sflag:s0] =	ssyncset.done @!p0 $0x0  }
0x46: {  	[sflag:s0] =	ssyncadd.s32 @!p0 s1  }
0x47: {  	[bflag:$0x3] =	sbarrier.arrive $0xFFFF  }
0x48: {  	_ =	shalt  }

// kernel: kernel.33.cloned.1.call-start
scs
__scs_entry_jumppad:
0x0: {  	(pc) =	sbr.rel $0x88, $3  }
0x1: {  	(tag) =	ssettag $0x0;
	lr =	simm.s32 $0x1  }
0x2: {  	[smem:$0x3F66] =	sst lr;
	_ =	strace $0xD0000000  }
0x3: {  	_ = 	snop  }
0x4: {  	_ = 	snop  }
0x5: {  	_ = 	snop  }
0x6: {  	_ = 	snop  }
0x7: {  	_ = 	snop  }
__scs_overlays_trampoline_lowered:
0x8: {  	[smem:$0x3F75] =	sst s0  }
0x9: {  	[smem:$0x3F76] =	sst s1  }
0xa: {  	[smem:$0x3F77] =	sst s2  }
0xb: {  	[smem:$0x3F78] =	sst s3  }
0xc: {  	[smem:$0x3F79] =	sst s4  }
0xd: {  	[smem:$0x3F7A] =	sst s5  }
0xe: {  	[smem:$0x3F7B] =	sst s6  }
0xf: {  	[smem:$0x3F7C] =	sst s7  }
0x10: {  	[smem:$0x3F7D] =	sst s8  }
0x11: {  	[smem:$0x3F7E] =	sst s9;
	s0 =	simm.s32 @!p0 $0x0  }
0x12: {  	s1 =	sld [smem:$0x3F64];
	s0 =	simm.s32 @p0 $0x1  }
0x13: {  	[smem:$0x3F7F] =	sst s0;
	s0 =	simm.s32 @!p1 $0x0  }
0x14: {  	s2 =	sld [smem:$0x3F63];
	s0 =	simm.s32 @p1 $0x1  }
0x15: {  	[smem:$0x3F80] =	sst s0;
	s0 =	simm.s32 @!p2 $0x0  }
0x16: {  	s3 =	sld [smem:$0x3FDB];
	s0 =	simm.s32 @p2 $0x1  }
0x17: {  	s4 =	simm.s32 $0x1BF5;
	[smem:$0x3F82] =	sst s0  }
0x18: {  	s0 =	sld [smem:$0x3F65];
	_ =	swait.ge [sflag:s4], $0x0  }
0x19: {  	s7 =	sld [smem:$0x3F66]  }
0x1a: {  	s8 =	sadd.s32 $0xFFFFE003, lr  }
0x1b: {  	s9 =	sadd.s32 $0xFFFFFEF7, lr;
	s5 =	simm.s32 $0xFFFFFFFF;
	p2 =	slt.u32 s8, $0xFFFFF086  }
0x1c: {  	p1 =	slt.u32 s9, $0xF7A;
	s5 =	simm.s32 @!p2 $0x0  }
0x1d: {  	s5 =	simm.s32 @p1 $0x1;
	p0 =	seq.s32 s7, s2  }
0x1e: {  	s7 =	smul.u32 @!p0 $0xF7A, s2;
	p2 =	seq.s32 @!p0 s5, $0x0  }
0x1f: {  	s9 =	smul.u32 $0xF7A, s1;
	s8 =	simm.s32 @!p0 $0x1BF5;
	p2 =	por !p2, p0  }
0x20: {  	[sflag:s8] =	ssyncset.s32 @!p0 $0xFFFFF086;
	s6 =	sadd.s32 @!p0 s3, s7;
	s7 =	simm.s32 @!p0 $0x108  }
0x21: {  	s3 =	sadd.s32 s3, s9;
	s6 =	sadd.s32 @!p0 $0x88, s6;
	s7 =	simm.s32 @p2 $0x1082  }
0x22: {  	[simem:s7], [sflag:s8] =	dma.local @!p0 [hbm:s6], $0xF7A  }
0x23: {  	s9 =	sor.u32 $0xD0000000, s2;
	s6 =	simm.s32 $0x108;
	_ =	swait.ge @!p0 [sflag:s8], $0x0  }
0x24: {  	s3 =	sadd.s32 $0x88, s3;
	s6 =	simm.s32 @!p1 $0x1082;
	[sflag:s4] =	ssyncset.s32 $0xFFFFF086  }
0x25: {  	[simem:s6], [sflag:s4] =	dma.local [hbm:s3], $0xF7A  }
0x26: {  	[smem:$0x3F66] =	sst s1;
	(tag) =	ssettag s2;
	_ =	strace s9  }
0x27: {  	s1 =	sld [smem:$0x3F76]  }
0x28: {  	s2 =	sld [smem:$0x3F77]  }
0x29: {  	s4 =	sld [smem:$0x3F79]  }
0x2a: {  	p0 =	seq.s32 s5, $0x0;
	s5 =	sld [smem:$0x3F7A]  }
0x2b: {  	s6 =	sld [smem:$0x3F7B]  }
0x2c: {  	s7 =	sld [smem:$0x3F7C]  }
0x2d: {  	s3 =	simm.s32 $0x108;
	s8 =	sld [smem:$0x3F7D]  }
0x2e: {  	s3 =	simm.s32 @!p0 $0x1082;
	s9 =	sld [smem:$0x3F7E]  }
0x2f: {  	lr =	sadd.s32 s0, s3;
	s0 =	sld [smem:$0x3F75]  }
0x30: {  	s3 =	sld [smem:$0x3F78]  }
0x31: {  	[smem:$0x3F81] =	sst s10  }
0x32: {  	s10 =	sld [smem:$0x3F7F];
	_ =	sdelay $0x3  }
0x33: {  	p0 =	seq.s32 s10, $0x1;
	s10 =	sld [smem:$0x3F81];
	_ =	sdelay $0x3  }
0x34: {  	[smem:$0x3F81] =	sst s10  }
0x35: {  	s10 =	sld [smem:$0x3F80];
	_ =	sdelay $0x3  }
0x36: {  	p1 =	seq.s32 s10, $0x1;
	s10 =	sld [smem:$0x3F81];
	_ =	sdelay $0x3  }
0x37: {  	[smem:$0x3F81] =	sst s10  }
0x38: {  	s10 =	sld [smem:$0x3F82]  }
0x39: {  	_ = 	snop;
	(pc) =	sbr.ind lr, $3  }
0x3a: {  	_ = 	snop  }
0x3b: {  	_ = 	snop  }
0x3c: {  	p2 =	seq.s32 s10, $0x1;
	s10 =	sld [smem:$0x3F81]  }
0x3d: {  	_ =	shalt  }
0x3e: {  	_ =	shalt  }
0x3f: {  	_ =	shalt  }
0x40: {  	_ =	shalt  }
0x41: {  	_ =	shalt  }
0x42: {  	_ =	shalt  }
0x43: {  	_ =	shalt  }
0x44: {  	_ =	shalt  }
0x45: {  	_ =	shalt  }
0x46: {  	_ =	shalt  }
0x47: {  	_ =	shalt  }
0x48: {  	_ =	shalt  }
0x49: {  	_ =	shalt  }
0x4a: {  	_ =	shalt  }
0x4b: {  	_ =	shalt  }
0x4c: {  	_ =	shalt  }
0x4d: {  	_ =	shalt  }
0x4e: {  	_ =	shalt  }
0x4f: {  	_ =	shalt  }
0x50: {  	_ =	shalt  }
0x51: {  	_ =	shalt  }
0x52: {  	_ =	shalt  }
0x53: {  	_ =	shalt  }
0x54: {  	_ =	shalt  }
0x55: {  	_ =	shalt  }
0x56: {  	_ =	shalt  }
0x57: {  	_ =	shalt  }
0x58: {  	_ =	shalt  }
0x59: {  	_ =	shalt  }
0x5a: {  	_ =	shalt  }
0x5b: {  	_ =	shalt  }
0x5c: {  	_ =	shalt  }
0x5d: {  	_ =	shalt  }
0x5e: {  	_ =	shalt  }
0x5f: {  	_ =	shalt  }
0x60: {  	_ =	shalt  }
0x61: {  	_ =	shalt  }
0x62: {  	_ =	shalt  }
0x63: {  	_ =	shalt  }
0x64: {  	_ =	shalt  }
0x65: {  	_ =	shalt  }
0x66: {  	_ =	shalt  }
0x67: {  	_ =	shalt  }
0x68: {  	_ =	shalt  }
0x69: {  	_ =	shalt  }
0x6a: {  	_ =	shalt  }
0x6b: {  	_ =	shalt  }
0x6c: {  	_ =	shalt  }
0x6d: {  	_ =	shalt  }
0x6e: {  	_ =	shalt  }
0x6f: {  	_ =	shalt  }
0x70: {  	_ =	shalt  }
0x71: {  	_ =	shalt  }
0x72: {  	_ =	shalt  }
0x73: {  	_ =	shalt  }
0x74: {  	_ =	shalt  }
0x75: {  	_ =	shalt  }
0x76: {  	_ =	shalt  }
0x77: {  	_ =	shalt  }
0x78: {  	_ =	shalt  }
0x79: {  	_ =	shalt  }
0x7a: {  	_ =	shalt  }
0x7b: {  	_ =	shalt  }
0x7c: {  	_ =	shalt  }
0x7d: {  	_ =	shalt  }
0x7e: {  	_ =	shalt  }
0x7f: {  	_ =	shalt  }
0x80: {  	_ =	shalt  }
0x81: {  	_ =	shalt  }
0x82: {  	_ =	shalt  }
0x83: {  	_ =	shalt  }
0x84: {  	_ =	shalt  }
0x85: {  	_ =	shalt  }
0x86: {  	_ =	shalt  }
0x87: {  	_ =	shalt  }
.Lfunc_end0:
.L_simem_size_0:
called_computation.4_lowered:
.L_overlay_start_0:
0x88: {  	s2 =	sld [smem:$0x3FD9]  }
0x89: {  	s3 =	sld [smem:$0x3FFE];
	_ =	sdelay $0x1  }
0x8a: {  	s1 =	srdreg.scid  }
0x8b: {  	s0 =	sand.u32 $0x1, s1  }
0x8c: {  	s16 =	sshll.u32 s0, $0xA;
	s2 =	sadd.s32 s3, s2  }
0x8d: {  	s2 =	sadd.s32 s2, s16  }
0x8e: {  	[smem:$0x3F8D] =	sst s2  }
0x8f: {  	_ = 	snop  }
0x90: {  	(tm) =	ssettm $0x1  }
0x91: {  	s17 =	sld [smem:$0x3FFB];
	_ =	sdelay $0x3  }
0x92: {  	_ =	strace s17  }
0x93: {  	s2 =	sld [smem:$0x3FFC];
	_ =	sdelay $0x3  }
0x94: {  	_ =	strace s2  }
0x95: {  	s2 =	sld [smem:$0x3FFD];
	_ =	sdelay $0x3  }
0x96: {  	_ =	strace s2  }
0x97: {  	_ =	strace $0x8FFFFFFF  }
0x98: {  	s18 =	sld [smem:$0x3FDB];
	_ =	sdelay $0x1  }
0x99: {  	s19 =	simm.s32 $_scs_section_size  }
0x9a: {  	s4 =	simm.s32 $_size__tile_overlayer_lowered;
	s5 =	simm.s32 $_tile_overlayer_lowered  }
0x9b: {  	s22 =	simm.s32 $0x1BFF;
	s21 =	sshll.u32 s5, $0x1;
	s2 =	sadd.s32 s19, s18  }
0x9c: {  	s6 =	simm.s32 $0x0;
	s20 =	sshll.u32 s4, $0x1;
	s4 =	sadd.s32 s21, s2  }
0x9d: {  	[timem:s6], [sflag:s22] =	dma.local [hbm:s4], s20  }
0x9e: {  	_ =	swait.ge [sflag:s22], s20  }
0x9f: {  	s3 =	ssub.s32 $0x0, s20;
	[sflag:s22] =	ssyncset.done $0x0  }
0xa0: {  	[sflag:s22] =	ssyncadd.s32 s3;
	_ =	sdelay $0x1  }
0xa1: {  	s23 =	simm.s32 $0x1B8B  }
0xa2: {  	_ =	swait.ge [sflag:s23], $0x1  }
0xa3: {  	[sflag:s23] =	ssyncset.done $0x0  }
0xa4: {  	s25 =	simm.s32 $0x1B8E;
	s24 =	sld [smem:$0x3FFE];
	[sflag:s23] =	ssyncadd.s32 $0xFFFFFFFF  }
0xa5: {  	s26 =	simm.s32 $execute0_lowered;
	[smem:$0x3FD2] =	sst s25  }
0xa6: {  	s4 =	sshll.u32 s26, $0x1;
	_ =	strace $0x80000052;
	[dreg:$0x1] =	wrdreg $0xFFFFFFFF  }
0xa7: {  	s28 =	simm.s32 $_size_execute0_lowered;
	s2 =	sadd.s32 s2, s4;
	[dreg:$0x0] =	wrdreg $0x0  }
0xa8: {  	s4 =	sshll.u32 s28, $0x1;
	[dreg:$0x2] =	wrdreg s2  }
0xa9: {  	[dreg:$0x3] =	wrdreg s4  }
0xaa: {  	[dreg:$0x4] =	wrdreg $0xC0  }
0xab: {  	_ =	task [dreg:s6], $0x5FFFF  }
0xac: {  	[dreg:$0x1] =	wrdreg $0xFFFFFFFF  }
0xad: {  	[dreg:$0x0] =	wrdreg $0x60  }
0xae: {  	[dreg:$0x2] =	wrdreg s24  }
0xaf: {  	[dreg:$0x3] =	wrdreg $0x9  }
0xb0: {  	_ =	task.clear_ibuf [dreg:s6], $0x4FFFF;
	_ =	strace $0x90000052  }
0xb1: {  	s29 =	simm.s32 $0x9;
	_ =	strace $0x80000054  }
0xb2: {  	_ =	swait.ge [sflag:s29], $0x1  }
0xb3: {  	[sflag:s29] =	ssyncadd.s32 $0xFFFFFFFF  }
0xb4: {  	_ =	strace $0x90000054  }
0xb5: {  	_ =	sfence  }
0xb6: {  	s30 =	sld [smem:$0x0];
	_ =	sdelay $0x2  }
0xb7: {  	s31 =	sshll.u32 s1, $0xD;
	s1 =	sshrl.u32 s1, $0x2  }
0xb8: {  	s3 =	sand.u32 $0x4000, s31;
	s1 =	sadd.s32 s1, s30  }
0xb9: {  	s0 =	sor.u32 s3, s0;
	s1 =	sshll.u32 s1, $0x11  }
0xba: {  	s0 =	sor.u32 s1, s0  }
0xbb: {  	s0 =	sadd.s32 $0x8F2B, s0  }
0xbc: {  	[sflag:s0] =	ssyncadd.remote.s32 $0x1  }
0xbd: {  	_ =	sfence.sel $0xFFFF  }
0xbe: {  	[dreg:$0x0] =	wrdreg $0xFFFFFFFF;
	(pc) =	sbr.abs _section_cstart, $3  }
0xbf: {  	[dreg:$0x1] =	wrdreg $0xFFFFFFFF  }
0xc0: {  	_ =	task.clear_ibuf [dreg:s6], $0x2FFFF;
	_ =	strace $0x9FFFFFFF  }
0xc1: {  	(tm) =	ssettm $0x7FFFFFFF  }
tec
execute0_lowered:
.L_overlay_start_1:
0x0: {  	(tag) =	ssettag $0x1  }
0x1: {  	s0 =	srdreg.scid  }
0x2: {  	s11 =	stileid.u32;
	s4 =	rddreg [dreg:$0x0]  }
0x3: {  	s2 =	simm.s32 $0x0;
	s15 =	simm.s32 $0x9;
	s16 =	simm.s32 $0x2800  }
0x4: {  	s17 =	simm.s32 $0x80;
	s18 =	simm.s32 $0x5000;
	s19 =	simm.s32 $0x9000  }
0x5: {  	s20 =	simm.s32 $0xD000;
	s28 =	simm.s32 $0x5;
	s9 =	smul.u32 $0x280000, s11  }
0x6: {  	s29 =	simm.s32 $0x6;
	s0 =	sand.u32 $0x1, s0;
	s13 =	smul.u32 $0x50000, s11  }
0x7: {  	s30 =	simm.s32 $0x7;
	s1 =	sshll.u32 s11, $0x1;
	s10 =	smul.u32 $0x140000, s0  }
0x8: {  	s1 =	sor.u32 s0, s1;
	s6 =	ssub.s32 $0x2, s0;
	s0 =	smul.u32 $0x28000, s0  }
0x9: {  	[smem:$0x7FF] =	sst s2;
	s12 =	sadd.s32 $0x19DC00, s4;
	s3 =	smul.u32 $0x2800, s1  }
0xa: {  	s31 =	simm.s32 $0x8;
	_ =	strace $0x80000053;
	s7 =	smul.u32 $0x140000, s1  }
0xb: {  	s8 =	sshrl.u32 s6, $0x1;
	s1 =	smul.u32 $0x28000, s1;
	s26 =	sadd.s32 s13, s12  }
0xc: {  	s6 =	ssub.s32 s6, s8;
	s10 =	sadd.s32 s10, s9;
	s5 =	sshrl.u32 s3, $0x3  }
0xd: {  	s3 =	sadd.s32 $0x8F0C00, s4;
	s23 =	sshrl.u32 s7, $0x3;
	s6 =	smax.u32 s6, $0x1  }
0xe: {  	s1 =	sor.u32 $0x800, s1;
	s24 =	sor.u32 $0x8000, s10;
	s5 =	sadd.s32 s5, s4  }
0xf: {  	s4 =	sadd.s32 $0xDD2C00, s4;
	[dreg:$0x4] =	wrdreg s6;
	s7 =	sadd.s32 s12, s23  }
0x10: {  	s8 =	sadd.s32 s12, s1;
	s25 =	sshrl.u32 s24, $0x3;
	s24 =	simm.s32 $0x2  }
0x11: {  	s22 =	sadd.s32 $0x106400, s5;
	s5 =	sadd.s32 $0xFC400, s5;
	s9 =	sadd.s32 s4, s23  }
0x12: {  	s10 =	sadd.s32 s4, s1;
	s11 =	sadd.s32 s25, s4;
	s4 =	sadd.s32 s13, s4  }
0x13: {  	s12 =	sadd.s32 s25, s12;
	s23 =	simm.s32 $0x1;
	[dreg:$0x2] =	wrdreg s22  }
0x14: {  	s25 =	simm.s32 $0x3;
	s1 =	simm.s32 $0x0;
	[dreg:$0x3] =	wrdreg s5  }
0x15: {  	s5 =	sadd.s32 s0, s26;
	s0 =	sadd.s32 s0, s4;
	s22 =	simm.s32 $0x11000  }
0x16: {  	s26 =	simm.s32 $0x4;
	s13 =	sadd.s32 $0x1800, s5;
	s14 =	sadd.s32 $0x1800, s0  }
.LBB2_1:
0x17: {  	s0 =	rddreg [dreg:$0x2]  }
0x18: {  	[tilespmem:s2], [sflag:$0x9] =	stream.linear.gather [hbm4b:s0+s2], $0x2800, $0x38;
	[tilespmem:$0x15000] =	vst v63  }
0x19: {  	_ =	swait.ge [sflag:s15], $0x2800  }
0x1a: {  	[sflag:s15] =	ssyncset.done $0x0  }
0x1b: {  	s21 =	rddreg [dreg:$0x3];
	[sflag:s15] =	ssyncadd.s32 $0xFFFFD800  }
0x1c: {  	[tilespmem:s16], [sflag:$0x9] =	stream.linear.gather [hbm4b:s21+s2], $0x2800, $0x38;
	[tilespmem:$0x15000] =	vst v63  }
0x1d: {  	_ =	swait.ge [sflag:s15], $0x2800  }
0x1e: {  	[sflag:s15] =	ssyncset.done $0x0  }
0x1f: {  	[sflag:s15] =	ssyncadd.s32 $0xFFFFD800  }
0x20: {  	[tilespmem:s18], [sflag:$0x1] =	stream.indirect.gather [hbm4b:s3+s17], $0x80, s2, s17, $0xb8;
	[tilespmem:$0x15000] =	vst v63  }
0x21: {  	_ = 	snop  }
0x22: {  	[tilespmem:s19], [sflag:$0x2] =	stream.indirect.gather [hbm4b:s3+s17], $0x80, s17, s17, $0xb8;
	[tilespmem:$0x15000] =	vst v63  }
0x23: {  	_ = 	snop  }
0x24: {  	[tilespmem:s20], [sflag:$0x3] =	stream.indirect.gather [hbm4b:s3+s17], $0x80, s16, s17, $0xb8;
	[tilespmem:$0x15000] =	vst v63  }
0x25: {  	s4 =	simm.s32 $0x2880  }
0x26: {  	[tilespmem:s22], [sflag:$0x4] =	stream.indirect.gather [hbm4b:s3+s17], $0x80, s4, s17, $0xb8;
	[tilespmem:$0x15000] =	vst v63  }
0x27: {  	_ =	swait.ge [sflag:s23], $0x4000  }
0x28: {  	[sflag:s23] =	ssyncset.done $0x0  }
0x29: {  	[sflag:s23] =	ssyncadd.s32 $0xFFFFC000  }
0x2a: {  	[hbm4b:s7+s2] =	stream.linear.scatter [tilespmem:s18], [sflag:$0x5], $0x4000, $0x38;
	[tilespmem:$0x15000] =	vst v63  }
0x2b: {  	_ =	swait.ge [sflag:s24], $0x4000  }
0x2c: {  	[sflag:s24] =	ssyncset.done $0x0  }
0x2d: {  	[sflag:s24] =	ssyncadd.s32 $0xFFFFC000  }
0x2e: {  	[hbm4b:s8+s2] =	stream.linear.scatter [tilespmem:s19], [sflag:$0x6], $0x4000, $0x38;
	[tilespmem:$0x15000] =	vst v63  }
0x2f: {  	_ =	swait.ge [sflag:s25], $0x4000  }
0x30: {  	[sflag:s25] =	ssyncset.done $0x0  }
0x31: {  	[sflag:s25] =	ssyncadd.s32 $0xFFFFC000  }
0x32: {  	[hbm4b:s9+s2] =	stream.linear.scatter [tilespmem:s20], [sflag:$0x7], $0x4000, $0x38;
	[tilespmem:$0x15000] =	vst v63  }
0x33: {  	_ =	swait.ge [sflag:s26], $0x4000  }
0x34: {  	[sflag:s26] =	ssyncset.done $0x0  }
0x35: {  	[sflag:s26] =	ssyncadd.s32 $0xFFFFC000  }
0x36: {  	[hbm4b:s10+s2] =	stream.linear.scatter [tilespmem:s22], [sflag:$0x8], $0x4000, $0x38;
	[tilespmem:$0x15000] =	vst v63  }
0x37: {  	_ =	swait.ge [sflag:s28], $0x4000  }
0x38: {  	[sflag:s28] =	ssyncset.done $0x0  }
0x39: {  	s5 =	simm.s32 $0x100;
	[sflag:s28] =	ssyncadd.s32 $0xFFFFC000  }
0x3a: {  	[tilespmem:s18], [sflag:$0x1] =	stream.indirect.gather [hbm4b:s3+s17], $0x80, s5, s17, $0xb8;
	[tilespmem:$0x15000] =	vst v63  }
0x3b: {  	_ =	swait.ge [sflag:s29], $0x4000  }
0x3c: {  	[sflag:s29] =	ssyncset.done $0x0  }
0x3d: {  	s6 =	simm.s32 $0x180;
	[sflag:s29] =	ssyncadd.s32 $0xFFFFC000  }
0x3e: {  	[tilespmem:s19], [sflag:$0x2] =	stream.indirect.gather [hbm4b:s3+s17], $0x80, s6, s17, $0xb8;
	[tilespmem:$0x15000] =	vst v63  }
0x3f: {  	_ =	swait.ge [sflag:s30], $0x4000  }
0x40: {  	[sflag:s30] =	ssyncset.done $0x0  }
0x41: {  	s21 =	simm.s32 $0x2900;
	[sflag:s30] =	ssyncadd.s32 $0xFFFFC000  }
0x42: {  	[tilespmem:s20], [sflag:$0x3] =	stream.indirect.gather [hbm4b:s3+s17], $0x80, s21, s17, $0xb8;
	[tilespmem:$0x15000] =	vst v63  }
0x43: {  	_ =	swait.ge [sflag:s31], $0x4000  }
0x44: {  	[sflag:s31] =	ssyncset.done $0x0  }
0x45: {  	s4 =	simm.s32 $0x2980;
	[sflag:s31] =	ssyncadd.s32 $0xFFFFC000  }
0x46: {  	[tilespmem:s22], [sflag:$0x4] =	stream.indirect.gather [hbm4b:s3+s17], $0x80, s4, s17, $0xb8;
	[tilespmem:$0x15000] =	vst v63  }
0x47: {  	_ =	swait.ge [sflag:s23], $0x4000  }
0x48: {  	[sflag:s23] =	ssyncset.done $0x0  }
0x49: {  	s5 =	sadd.s32 $0x0, s12;
	[sflag:s23] =	ssyncadd.s32 $0xFFFFC000  }
0x4a: {  	[hbm4b:s5+s2] =	stream.linear.scatter [tilespmem:s18], [sflag:$0x5], $0x4000, $0x38;
	[tilespmem:$0x15000] =	vst v63  }
0x4b: {  	_ =	swait.ge [sflag:s24], $0x4000  }
0x4c: {  	[sflag:s24] =	ssyncset.done $0x0  }
0x4d: {  	s6 =	sadd.s32 $0x0, s13;
	[sflag:s24] =	ssyncadd.s32 $0xFFFFC000  }
0x4e: {  	[hbm4b:s6+s2] =	stream.linear.scatter [tilespmem:s19], [sflag:$0x6], $0x4000, $0x38;
	[tilespmem:$0x15000] =	vst v63  }
0x4f: {  	_ =	swait.ge [sflag:s25], $0x4000  }
0x50: {  	[sflag:s25] =	ssyncset.done $0x0  }
0x51: {  	s21 =	sadd.s32 $0x0, s11;
	[sflag:s25] =	ssyncadd.s32 $0xFFFFC000  }
0x52: {  	[hbm4b:s21+s2] =	stream.linear.scatter [tilespmem:s20], [sflag:$0x7], $0x4000, $0x38;
	[tilespmem:$0x15000] =	vst v63  }
0x53: {  	_ =	swait.ge [sflag:s26], $0x4000  }
0x54: {  	s0 =	simm.s32 $0x1000;
	s4 =	simm.s32 $0x2A80;
	[sflag:s26] =	ssyncset.done $0x0  }
0x55: {  	s5 =	sadd.s32 $0x0, s14;
	s21 =	simm.s32 $0x280;
	[sflag:s26] =	ssyncadd.s32 $0xFFFFC000  }
.LBB2_2:
0x56: {  	[hbm4b:s5+s2] =	stream.linear.scatter [tilespmem:s22], [sflag:$0x8], $0x4000, $0x38;
	[tilespmem:$0x15000] =	vst v63  }
0x57: {  	s5 =	smov.u32 s0  }
0x58: {  	p0 =	sne.s32 s0, $0x26000;
	s0 =	sadd.s32 $0x1000, s0;
	_ =	swait.ge [sflag:s28], $0x4000  }
0x59: {  	[sflag:s28] =	ssyncset.done $0x0  }
0x5a: {  	s6 =	sadd.s32 $0xFFFFFF80, s21;
	[sflag:s28] =	ssyncadd.s32 $0xFFFFC000  }
0x5b: {  	[tilespmem:s18], [sflag:$0x1] =	stream.indirect.gather [hbm4b:s3+s17], $0x80, s6, s17, $0xb8;
	[tilespmem:$0x15000] =	vst v63  }
0x5c: {  	_ =	swait.ge [sflag:s29], $0x4000  }
0x5d: {  	[sflag:s29] =	ssyncset.done $0x0  }
0x5e: {  	[sflag:s29] =	ssyncadd.s32 $0xFFFFC000  }
0x5f: {  	[tilespmem:s19], [sflag:$0x2] =	stream.indirect.gather [hbm4b:s3+s17], $0x80, s21, s17, $0xb8;
	[tilespmem:$0x15000] =	vst v63  }
0x60: {  	_ =	swait.ge [sflag:s30], $0x4000  }
0x61: {  	[sflag:s30] =	ssyncset.done $0x0  }
0x62: {  	s6 =	sadd.s32 $0xFFFFFF80, s4;
	[sflag:s30] =	ssyncadd.s32 $0xFFFFC000  }
0x63: {  	[tilespmem:s20], [sflag:$0x3] =	stream.indirect.gather [hbm4b:s3+s17], $0x80, s6, s17, $0xb8;
	[tilespmem:$0x15000] =	vst v63  }
0x64: {  	_ =	swait.ge [sflag:s31], $0x4000  }
0x65: {  	[sflag:s31] =	ssyncset.done $0x0  }
0x66: {  	[sflag:s31] =	ssyncadd.s32 $0xFFFFC000  }
0x67: {  	[tilespmem:s22], [sflag:$0x4] =	stream.indirect.gather [hbm4b:s3+s17], $0x80, s4, s17, $0xb8;
	[tilespmem:$0x15000] =	vst v63  }
0x68: {  	_ =	swait.ge [sflag:s23], $0x4000  }
0x69: {  	[sflag:s23] =	ssyncset.done $0x0  }
0x6a: {  	s6 =	sadd.s32 s5, s12;
	[sflag:s23] =	ssyncadd.s32 $0xFFFFC000  }
0x6b: {  	[hbm4b:s6+s2] =	stream.linear.scatter [tilespmem:s18], [sflag:$0x5], $0x4000, $0x38;
	[tilespmem:$0x15000] =	vst v63  }
0x6c: {  	_ =	swait.ge [sflag:s24], $0x4000  }
0x6d: {  	[sflag:s24] =	ssyncset.done $0x0  }
0x6e: {  	s6 =	sadd.s32 s5, s13;
	[sflag:s24] =	ssyncadd.s32 $0xFFFFC000  }
0x6f: {  	[hbm4b:s6+s2] =	stream.linear.scatter [tilespmem:s19], [sflag:$0x6], $0x4000, $0x38;
	[tilespmem:$0x15000] =	vst v63  }
0x70: {  	_ =	swait.ge [sflag:s25], $0x4000  }
0x71: {  	[sflag:s25] =	ssyncset.done $0x0  }
.Ltmp0:
0x72: {  	s6 =	sadd.s32 s5, s11;
	[sflag:s25] =	ssyncadd.s32 $0xFFFFC000;
	(pc) =	sbr.rel @p0 .LBB2_2-.Ltmp0, $4  }
0x73: {  	[hbm4b:s6+s2] =	stream.linear.scatter [tilespmem:s20], [sflag:$0x7], $0x4000, $0x38;
	[tilespmem:$0x15000] =	vst v63  }
0x74: {  	_ =	swait.ge [sflag:s26], $0x4000  }
0x75: {  	s21 =	sadd.s32 $0x100, s21;
	[sflag:s26] =	ssyncset.done $0x0  }
0x76: {  	s4 =	sadd.s32 $0x100, s4;
	s5 =	sadd.s32 s5, s14;
	[sflag:s26] =	ssyncadd.s32 $0xFFFFC000  }
0x77: {  	[hbm4b:s5+s2] =	stream.linear.scatter [tilespmem:s22], [sflag:$0x8], $0x4000, $0x38;
	[tilespmem:$0x15000] =	vst v63  }
0x78: {  	_ =	swait.ge [sflag:s28], $0x4000  }
0x79: {  	[sflag:s28] =	ssyncset.done $0x0  }
0x7a: {  	[sflag:s28] =	ssyncadd.s32 $0xFFFFC000  }
0x7b: {  	_ =	swait.ge [sflag:s29], $0x4000  }
0x7c: {  	[sflag:s29] =	ssyncset.done $0x0  }
0x7d: {  	[sflag:s29] =	ssyncadd.s32 $0xFFFFC000  }
0x7e: {  	_ =	swait.ge [sflag:s30], $0x4000  }
0x7f: {  	[sflag:s30] =	ssyncset.done $0x0  }
0x80: {  	[sflag:s30] =	ssyncadd.s32 $0xFFFFC000  }
0x81: {  	_ =	swait.ge [sflag:s31], $0x4000  }
0x82: {  	s1 =	sadd.s32 $0x1, s1;
	s0 =	rddreg [dreg:$0x4]  }
0x83: {  	p0 =	sne.s32 s1, s0  }
.Ltmp1:
0x84: {  	_ = 	snop;
	(pc) =	sbr.rel @p0 .LBB2_1-.Ltmp1, $3  }
0x85: {  	_ =	sdelay $0x1  }
0x86: {  	[sflag:s31] =	ssyncset.done $0x0  }
0x87: {  	[sflag:s31] =	ssyncadd.s32 $0xFFFFC000  }
0x88: {  	_ =	sfence.sel $0x180000  }
0x89: {  	[bflag:$0x0] =	sbarrier.arrive $0xFFFF  }
0x8a: {  	_ =	strace $0x90000053  }
0x8b: {  	s0 =	stileid.u32;
	[bflag:$0x2] =	sbarrier.arrive $0xFFFF  }
0x8c: {  	p0 =	sne.s32 s0, $0x0;
	s0 =	rddreg [dreg:$0x1]  }
0x8d: {  	s0 =	sadd.s32 @!p0 $0x100000, s0  }
0x8e: {  	[sflag:s0] =	ssyncadd.tile.s32 @!p0 $0x1;
	_ =	shalt  }
.Lfunc_end2:
_tile_overlayer_lowered:
.L_overlay_start_2:
0x8f: {  	(tag) =	ssettag $0x2  }
0x90: {  	s0 =	rddreg [dreg:$0x0];
	s2 =	stileid.u32  }
0x91: {  	s1 =	rddreg [dreg:$0x1];
	p0 =	sne.s32 s2, $0x0  }
0x92: {  	s3 =	rddreg [dreg:$0x2];
	[bflag:$0x3] =	sbarrier.arrive $0xFFFF;
	s2 =	simm.s32 @!p0 $0x1C09  }
0x93: {  	[timem:s3], [sflag:s2] =	dma.local @!p0 [hbm:s0], s1  }
0x94: {  	s0 =	simm.s32 @!p0 $0x9  }
0x95: {  	_ =	swait.ge @!p0 [sflag:s0], s1  }
0x96: {  	s1 =	ssub.s32 @!p0 $0x0, s1;
	[sflag:s0] =	ssyncset.done @!p0 $0x0  }
0x97: {  	[sflag:s0] =	ssyncadd.s32 @!p0 s1  }
0x98: {  	[bflag:$0x3] =	sbarrier.arrive $0xFFFF  }
0x99: {  	_ =	shalt  }

// kernel: kernel.36.cloned.1.call-start
scs
__scs_entry_jumppad:
0x0: {  	(pc) =	sbr.rel $0x88, $3  }
0x1: {  	(tag) =	ssettag $0x0;
	lr =	simm.s32 $0x1  }
0x2: {  	[smem:$0x3F66] =	sst lr;
	_ =	strace $0xD0000000  }
0x3: {  	_ = 	snop  }
0x4: {  	_ = 	snop  }
0x5: {  	_ = 	snop  }
0x6: {  	_ = 	snop  }
0x7: {  	_ = 	snop  }
__scs_overlays_trampoline_lowered:
0x8: {  	[smem:$0x3F75] =	sst s0  }
0x9: {  	[smem:$0x3F76] =	sst s1  }
0xa: {  	[smem:$0x3F77] =	sst s2  }
0xb: {  	[smem:$0x3F78] =	sst s3  }
0xc: {  	[smem:$0x3F79] =	sst s4  }
0xd: {  	[smem:$0x3F7A] =	sst s5  }
0xe: {  	[smem:$0x3F7B] =	sst s6  }
0xf: {  	[smem:$0x3F7C] =	sst s7  }
0x10: {  	[smem:$0x3F7D] =	sst s8  }
0x11: {  	[smem:$0x3F7E] =	sst s9;
	s0 =	simm.s32 @!p0 $0x0  }
0x12: {  	s1 =	sld [smem:$0x3F64];
	s0 =	simm.s32 @p0 $0x1  }
0x13: {  	[smem:$0x3F7F] =	sst s0;
	s0 =	simm.s32 @!p1 $0x0  }
0x14: {  	s2 =	sld [smem:$0x3F63];
	s0 =	simm.s32 @p1 $0x1  }
0x15: {  	[smem:$0x3F80] =	sst s0;
	s0 =	simm.s32 @!p2 $0x0  }
0x16: {  	s3 =	sld [smem:$0x3FDB];
	s0 =	simm.s32 @p2 $0x1  }
0x17: {  	s4 =	simm.s32 $0x1BF5;
	[smem:$0x3F82] =	sst s0  }
0x18: {  	s0 =	sld [smem:$0x3F65];
	_ =	swait.ge [sflag:s4], $0x0  }
0x19: {  	s7 =	sld [smem:$0x3F66]  }
0x1a: {  	s8 =	sadd.s32 $0xFFFFE003, lr  }
0x1b: {  	s9 =	sadd.s32 $0xFFFFFEF7, lr;
	s5 =	simm.s32 $0xFFFFFFFF;
	p2 =	slt.u32 s8, $0xFFFFF086  }
0x1c: {  	p1 =	slt.u32 s9, $0xF7A;
	s5 =	simm.s32 @!p2 $0x0  }
0x1d: {  	s5 =	simm.s32 @p1 $0x1;
	p0 =	seq.s32 s7, s2  }
0x1e: {  	s7 =	smul.u32 @!p0 $0xF7A, s2;
	p2 =	seq.s32 @!p0 s5, $0x0  }
0x1f: {  	s9 =	smul.u32 $0xF7A, s1;
	s8 =	simm.s32 @!p0 $0x1BF5;
	p2 =	por !p2, p0  }
0x20: {  	[sflag:s8] =	ssyncset.s32 @!p0 $0xFFFFF086;
	s6 =	sadd.s32 @!p0 s3, s7;
	s7 =	simm.s32 @!p0 $0x108  }
0x21: {  	s3 =	sadd.s32 s3, s9;
	s6 =	sadd.s32 @!p0 $0x88, s6;
	s7 =	simm.s32 @p2 $0x1082  }
0x22: {  	[simem:s7], [sflag:s8] =	dma.local @!p0 [hbm:s6], $0xF7A  }
0x23: {  	s9 =	sor.u32 $0xD0000000, s2;
	s6 =	simm.s32 $0x108;
	_ =	swait.ge @!p0 [sflag:s8], $0x0  }
0x24: {  	s3 =	sadd.s32 $0x88, s3;
	s6 =	simm.s32 @!p1 $0x1082;
	[sflag:s4] =	ssyncset.s32 $0xFFFFF086  }
0x25: {  	[simem:s6], [sflag:s4] =	dma.local [hbm:s3], $0xF7A  }
0x26: {  	[smem:$0x3F66] =	sst s1;
	(tag) =	ssettag s2;
	_ =	strace s9  }
0x27: {  	s1 =	sld [smem:$0x3F76]  }
0x28: {  	s2 =	sld [smem:$0x3F77]  }
0x29: {  	s4 =	sld [smem:$0x3F79]  }
0x2a: {  	p0 =	seq.s32 s5, $0x0;
	s5 =	sld [smem:$0x3F7A]  }
0x2b: {  	s6 =	sld [smem:$0x3F7B]  }
0x2c: {  	s7 =	sld [smem:$0x3F7C]  }
0x2d: {  	s3 =	simm.s32 $0x108;
	s8 =	sld [smem:$0x3F7D]  }
0x2e: {  	s3 =	simm.s32 @!p0 $0x1082;
	s9 =	sld [smem:$0x3F7E]  }
0x2f: {  	lr =	sadd.s32 s0, s3;
	s0 =	sld [smem:$0x3F75]  }
0x30: {  	s3 =	sld [smem:$0x3F78]  }
0x31: {  	[smem:$0x3F81] =	sst s10  }
0x32: {  	s10 =	sld [smem:$0x3F7F];
	_ =	sdelay $0x3  }
0x33: {  	p0 =	seq.s32 s10, $0x1;
	s10 =	sld [smem:$0x3F81];
	_ =	sdelay $0x3  }
0x34: {  	[smem:$0x3F81] =	sst s10  }
0x35: {  	s10 =	sld [smem:$0x3F80];
	_ =	sdelay $0x3  }
0x36: {  	p1 =	seq.s32 s10, $0x1;
	s10 =	sld [smem:$0x3F81];
	_ =	sdelay $0x3  }
0x37: {  	[smem:$0x3F81] =	sst s10  }
0x38: {  	s10 =	sld [smem:$0x3F82]  }
0x39: {  	_ = 	snop;
	(pc) =	sbr.ind lr, $3  }
0x3a: {  	_ = 	snop  }
0x3b: {  	_ = 	snop  }
0x3c: {  	p2 =	seq.s32 s10, $0x1;
	s10 =	sld [smem:$0x3F81]  }
0x3d: {  	_ =	shalt  }
0x3e: {  	_ =	shalt  }
0x3f: {  	_ =	shalt  }
0x40: {  	_ =	shalt  }
0x41: {  	_ =	shalt  }
0x42: {  	_ =	shalt  }
0x43: {  	_ =	shalt  }
0x44: {  	_ =	shalt  }
0x45: {  	_ =	shalt  }
0x46: {  	_ =	shalt  }
0x47: {  	_ =	shalt  }
0x48: {  	_ =	shalt  }
0x49: {  	_ =	shalt  }
0x4a: {  	_ =	shalt  }
0x4b: {  	_ =	shalt  }
0x4c: {  	_ =	shalt  }
0x4d: {  	_ =	shalt  }
0x4e: {  	_ =	shalt  }
0x4f: {  	_ =	shalt  }
0x50: {  	_ =	shalt  }
0x51: {  	_ =	shalt  }
0x52: {  	_ =	shalt  }
0x53: {  	_ =	shalt  }
0x54: {  	_ =	shalt  }
0x55: {  	_ =	shalt  }
0x56: {  	_ =	shalt  }
0x57: {  	_ =	shalt  }
0x58: {  	_ =	shalt  }
0x59: {  	_ =	shalt  }
0x5a: {  	_ =	shalt  }
0x5b: {  	_ =	shalt  }
0x5c: {  	_ =	shalt  }
0x5d: {  	_ =	shalt  }
0x5e: {  	_ =	shalt  }
0x5f: {  	_ =	shalt  }
0x60: {  	_ =	shalt  }
0x61: {  	_ =	shalt  }
0x62: {  	_ =	shalt  }
0x63: {  	_ =	shalt  }
0x64: {  	_ =	shalt  }
0x65: {  	_ =	shalt  }
0x66: {  	_ =	shalt  }
0x67: {  	_ =	shalt  }
0x68: {  	_ =	shalt  }
0x69: {  	_ =	shalt  }
0x6a: {  	_ =	shalt  }
0x6b: {  	_ =	shalt  }
0x6c: {  	_ =	shalt  }
0x6d: {  	_ =	shalt  }
0x6e: {  	_ =	shalt  }
0x6f: {  	_ =	shalt  }
0x70: {  	_ =	shalt  }
0x71: {  	_ =	shalt  }
0x72: {  	_ =	shalt  }
0x73: {  	_ =	shalt  }
0x74: {  	_ =	shalt  }
0x75: {  	_ =	shalt  }
0x76: {  	_ =	shalt  }
0x77: {  	_ =	shalt  }
0x78: {  	_ =	shalt  }
0x79: {  	_ =	shalt  }
0x7a: {  	_ =	shalt  }
0x7b: {  	_ =	shalt  }
0x7c: {  	_ =	shalt  }
0x7d: {  	_ =	shalt  }
0x7e: {  	_ =	shalt  }
0x7f: {  	_ =	shalt  }
0x80: {  	_ =	shalt  }
0x81: {  	_ =	shalt  }
0x82: {  	_ =	shalt  }
0x83: {  	_ =	shalt  }
0x84: {  	_ =	shalt  }
0x85: {  	_ =	shalt  }
0x86: {  	_ =	shalt  }
0x87: {  	_ =	shalt  }
.Lfunc_end0:
.L_simem_size_0:
called_computation.5_lowered:
.L_overlay_start_0:
0x88: {  	s2 =	sld [smem:$0x3FD9]  }
0x89: {  	s3 =	sld [smem:$0x3FFE];
	_ =	sdelay $0x1  }
0x8a: {  	s1 =	srdreg.scid  }
0x8b: {  	s0 =	sand.u32 $0x1, s1  }
0x8c: {  	s14 =	sshll.u32 s0, $0xA;
	s2 =	sadd.s32 s3, s2  }
0x8d: {  	s2 =	sadd.s32 s2, s14  }
0x8e: {  	[smem:$0x3F8D] =	sst s2  }
0x8f: {  	_ = 	snop  }
0x90: {  	s2 =	sld [smem:$0x3FD0];
	_ =	sdelay $0x2  }
0x91: {  	s15 =	simm.s32 $0xA;
	s4 =	simm.s32 $0x10  }
0x92: {  	[smem:s4], [sflag:s15] =	dma.local [hbm:s2], $0x1  }
0x93: {  	_ =	swait.eq [sflag:s15], $0x1  }
0x94: {  	[sflag:s15] =	ssyncset.done $0x0  }
0x95: {  	[sflag:s15] =	ssyncadd.s32 $0xFFFFFFFF  }
0x96: {  	s16 =	sld [smem:$0x10];
	(tm) =	ssettm $0x1  }
0x97: {  	s17 =	sld [smem:$0x3FFB];
	_ =	sdelay $0x3  }
0x98: {  	_ =	strace s17  }
0x99: {  	s3 =	sld [smem:$0x3FFC];
	_ =	sdelay $0x3  }
0x9a: {  	_ =	strace s3  }
0x9b: {  	s3 =	sld [smem:$0x3FFD];
	_ =	sdelay $0x3  }
0x9c: {  	_ =	strace s3  }
0x9d: {  	_ =	strace $0x8FFFFFFF  }
0x9e: {  	s18 =	sld [smem:$0x3FDB];
	_ =	sdelay $0x1  }
0x9f: {  	s19 =	simm.s32 $_scs_section_size  }
0xa0: {  	s5 =	simm.s32 $_size__tile_overlayer_lowered;
	s6 =	simm.s32 $_tile_overlayer_lowered  }
0xa1: {  	s22 =	simm.s32 $0x1BFF;
	s21 =	sshll.u32 s6, $0x1;
	s3 =	sadd.s32 s19, s18  }
0xa2: {  	s7 =	simm.s32 $0x0;
	s20 =	sshll.u32 s5, $0x1;
	s5 =	sadd.s32 s21, s3  }
0xa3: {  	[timem:s7], [sflag:s22] =	dma.local [hbm:s5], s20  }
0xa4: {  	_ =	swait.ge [sflag:s22], s20  }
0xa5: {  	s4 =	ssub.s32 $0x0, s20;
	[sflag:s22] =	ssyncset.done $0x0  }
0xa6: {  	[sflag:s22] =	ssyncadd.s32 s4;
	_ =	sdelay $0x1  }
0xa7: {  	s23 =	simm.s32 $0x1B8B  }
0xa8: {  	_ =	swait.ge [sflag:s23], $0x1  }
0xa9: {  	[sflag:s23] =	ssyncset.done $0x0  }
0xaa: {  	s25 =	simm.s32 $0x1B8E;
	s24 =	sld [smem:$0x3FFE];
	[sflag:s23] =	ssyncadd.s32 $0xFFFFFFFF  }
0xab: {  	s26 =	simm.s32 $execute0_lowered;
	[smem:$0x3FD2] =	sst s25  }
0xac: {  	s5 =	sshll.u32 s26, $0x1;
	_ =	strace $0x80000055;
	[dreg:$0x1] =	wrdreg $0xFFFFFFFF  }
0xad: {  	s28 =	simm.s32 $_size_execute0_lowered;
	s3 =	sadd.s32 s3, s5;
	[dreg:$0x0] =	wrdreg $0x0  }
0xae: {  	s5 =	sshll.u32 s28, $0x1;
	[dreg:$0x2] =	wrdreg s3  }
0xaf: {  	[dreg:$0x3] =	wrdreg s5  }
0xb0: {  	[dreg:$0x4] =	wrdreg $0xC0  }
0xb1: {  	_ =	task [dreg:s7], $0x5FFFF  }
0xb2: {  	[dreg:$0x1] =	wrdreg $0xFFFFFFFF  }
0xb3: {  	[dreg:$0x0] =	wrdreg $0x60  }
0xb4: {  	[dreg:$0x2] =	wrdreg s24  }
0xb5: {  	[dreg:$0x3] =	wrdreg s16  }
0xb6: {  	[dreg:$0x4] =	wrdreg $0x4C000  }
0xb7: {  	[dreg:$0x5] =	wrdreg $0x9  }
0xb8: {  	_ =	task.clear_ibuf [dreg:s7], $0x6FFFF;
	_ =	strace $0x90000055  }
0xb9: {  	s29 =	simm.s32 $0x9;
	_ =	strace $0x80000057  }
0xba: {  	_ =	swait.ge [sflag:s29], $0x1  }
0xbb: {  	[sflag:s29] =	ssyncadd.s32 $0xFFFFFFFF  }
0xbc: {  	_ =	strace $0x90000057  }
0xbd: {  	_ =	sfence  }
0xbe: {  	s30 =	sld [smem:$0x0];
	_ =	sdelay $0x2  }
0xbf: {  	s31 =	sshll.u32 s1, $0xD;
	s1 =	sshrl.u32 s1, $0x2  }
0xc0: {  	s3 =	sand.u32 $0x4000, s31;
	s1 =	sadd.s32 s1, s30  }
0xc1: {  	s0 =	sor.u32 s3, s0;
	s1 =	sshll.u32 s1, $0x11  }
0xc2: {  	s0 =	sor.u32 s1, s0  }
0xc3: {  	s0 =	sadd.s32 $0x8F2B, s0  }
0xc4: {  	[sflag:s0] =	ssyncadd.remote.s32 $0x1  }
0xc5: {  	_ =	sfence.sel $0xFFFF  }
0xc6: {  	[dreg:$0x0] =	wrdreg $0xFFFFFFFF;
	(pc) =	sbr.abs _section_cstart, $3  }
0xc7: {  	[dreg:$0x1] =	wrdreg $0xFFFFFFFF  }
0xc8: {  	_ =	task.clear_ibuf [dreg:s7], $0x2FFFF;
	_ =	strace $0x9FFFFFFF  }
0xc9: {  	(tm) =	ssettm $0x7FFFFFFF  }
tec
execute0_lowered:
.L_overlay_start_1:
0x0: {  	(tag) =	ssettag $0x1  }
0x1: {  	s4 =	srdreg.scid  }
0x2: {  	s11 =	sand.u32 $0x1, s4  }
0x3: {  	s4 =	stileid.u32;
	s6 =	smul.u32 $0x280000, s11  }
0x4: {  	s5 =	rddreg [dreg:$0x0];
	s7 =	smul.u32 $0x180, s4  }
0x5: {  	s1 =	rddreg [dreg:$0x1];
	s15 =	smul.u32 $0x278, s4  }
0x6: {  	s2 =	rddreg [dreg:$0x2];
	s3 =	simm.s32 $0x0;
	s9 =	smul.u32 $0x4F000, s4  }
0x7: {  	[smem:$0x7FF] =	sst s3;
	s16 =	sadd.s32 $0xDD2C00, s5;
	s20 =	smul.u32 $0x9C40, s11  }
0x8: {  	_ =	strace $0x80000056;
	s19 =	ssub.s32 $0x2, s11;
	s23 =	smul.u32 $0x4E2000, s11  }
0x9: {  	s10 =	sshll.u32 s11, $0x2;
	s30 =	smul.u32 $0xA000, s4;
	p0 =	seq.s32 s4, $0xF  }
0xa: {  	s8 =	sshrl.u32 s19, $0x1;
	s12 =	sor.u32 $0x1, s10;
	s18 =	sor.u32 $0x2, s10  }
0xb: {  	s14 =	sadd.s32 s6, s5;
	s7 =	sadd.s32 s7, s5;
	s13 =	smul.u32 $0x2710, s12  }
0xc: {  	s17 =	ssub.s32 s19, s8;
	s21 =	sshrl.u32 s9, $0x2;
	s12 =	smul.u32 $0x138800, s12  }
0xd: {  	s22 =	sadd.s32 s15, s20;
	s8 =	sadd.s32 $0x128400, s2;
	s25 =	smul.u32 $0x2710, s18  }
0xe: {  	s9 =	sshrl.u32 s23, $0x3;
	s18 =	smul.u32 $0x138800, s18;
	s19 =	sshllo.u32 s11, $0x2  }
0xf: {  	s23 =	simm.s32 $0x80;
	s5 =	sadd.s32 $0x19C400, s7;
	s6 =	sadd.s32 s21, s2  }
0x10: {  	s24 =	sshll.u32 s22, $0x4;
	s9 =	sadd.s32 s16, s9;
	s20 =	smul.u32 $0x2710, s19  }
0x11: {  	s29 =	smul.u32 $0x138800, s19;
	s31 =	sadd.s32 s30, s14;
	s17 =	smax.u32 s17, $0x1  }
0x12: {  	s21 =	simm.s32 $0x1;
	s22 =	simm.s32 $0xC00;
	s7 =	sadd.s32 s16, s24  }
0x13: {  	s13 =	sadd.s32 s15, s13;
	s9 =	sadd.s32 $0x25080, s9;
	s12 =	sshrl.u32 s12, $0x3  }
0x14: {  	s26 =	sadd.s32 s15, s25;
	s28 =	sshrl.u32 s18, $0x3;
	s19 =	sadd.s32 $0x1912C00, s31  }
0x15: {  	s24 =	simm.s32 $0x0;
	s13 =	sshll.u32 s13, $0x4;
	s12 =	sadd.s32 s16, s12  }
0x16: {  	s15 =	sadd.s32 s15, s20;
	s18 =	sshrl.u32 s29, $0x3;
	s20 =	sadd.s32 $0x19B2C00, s31  }
0x17: {  	s10 =	sadd.s32 s16, s13;
	s11 =	sadd.s32 $0x25080, s12;
	s12 =	sshll.u32 s26, $0x4  }
0x18: {  	s13 =	sadd.s32 s16, s28;
	s15 =	sshll.u32 s15, $0x4;
	s18 =	sadd.s32 s16, s18  }
0x19: {  	s13 =	sadd.s32 $0x25080, s13;
	s14 =	sadd.s32 s16, s15;
	s15 =	sadd.s32 $0x25080, s18  }
0x1a: {  	s12 =	sadd.s32 s16, s12;
	s16 =	sadd.s32 $0x17D2C00, s31;
	s18 =	sadd.s32 $0x1872C00, s31  }
.LBB2_1:
0x1b: {  	[tilespmem:s3], [sflag:$0x1] =	stream.linear.gather [hbm4b:s5+s3], $0xA00, $0x38;
	[tilespmem:$0x18800] =	vst v63  }
0x1c: {  	_ =	swait.ge [sflag:s21], $0xA00  }
0x1d: {  	s25 =	sshll.u32 s4, $0x6;
	[sflag:s21] =	ssyncset.done $0x0  }
0x1e: {  	s26 =	sshrl.u32 s6, $0x3;
	s25 =	sor.u32 $0x1C01, s25;
	[sflag:s21] =	ssyncadd.s32 $0xFFFFF600  }
0x1f: {  	[spmem:s26], [sflag:s25] =	dma.local [hbm:s1], $0x2780  }
0x20: {  	_ =	swait.ge [sflag:s21], $0x2780  }
0x21: {  	[sflag:s21] =	ssyncset.done $0x0  }
0x22: {  	[sflag:s21] =	ssyncadd.s32 $0xFFFFD880  }
0x23: {  	[bflag:$0x0] =	sbarrier.arrive $0xFFFF  }
0x24: {  	[tilespmem:s22], [sflag:$0x1] =	stream.linear.gather [hbm4b:s16+s3], $0x4000, $0x38;
	[tilespmem:$0x18800] =	vst v63  }
0x25: {  	_ =	swait.ge [sflag:s21], $0x4000  }
0x26: {  	[sflag:s21] =	ssyncset.done $0x0  }
0x27: {  	s28 =	simm.s32 $0x0;
	[sflag:s21] =	ssyncadd.s32 $0xFFFFC000  }
0x28: {  	[spmem:s2] =	stream.indirect.scatter.add.f32 [tilespmem:s22], [sflag:$0x1], $0x80, s28, s23, $0xb8;
	[tilespmem:$0x18800] =	vst v63  }
0x29: {  	_ =	swait.ge [sflag:s21], $0x4000  }
0x2a: {  	s29 =	smov.u32 s16;
	s28 =	simm.s32 $0x200;
	[sflag:s21] =	ssyncset.done $0x0  }
.LBB2_2:
0x2b: {  	p1 =	sne.s32 s28, $0x2600;
	[sflag:s21] =	ssyncadd.s32 $0xFFFFC000;
	s29 =	sadd.s32 $0x800, s29  }
0x2c: {  	[tilespmem:s22], [sflag:$0x1] =	stream.linear.gather [hbm4b:s29+s3], $0x4000, $0x38;
	[tilespmem:$0x18800] =	vst v63  }
0x2d: {  	s30 =	smov.u32 s28;
	s28 =	sadd.s32 $0x200, s28;
	_ =	swait.ge [sflag:s21], $0x4000  }
.Ltmp0:
0x2e: {  	[sflag:s21] =	ssyncset.done $0x0;
	(pc) =	sbr.rel @p1 .LBB2_2-.Ltmp0, $4  }
0x2f: {  	s30 =	sshra.s32 s30, $0x2;
	[sflag:s21] =	ssyncadd.s32 $0xFFFFC000  }
0x30: {  	[spmem:s2] =	stream.indirect.scatter.add.f32 [tilespmem:s22], [sflag:$0x1], $0x80, s30, s23, $0xb8;
	[tilespmem:$0x18800] =	vst v63  }
0x31: {  	_ =	swait.ge [sflag:s21], $0x4000  }
0x32: {  	[sflag:s21] =	ssyncset.done $0x0  }
0x33: {  	[sflag:s21] =	ssyncadd.s32 $0xFFFFC000  }
0x34: {  	s28 =	sshrl.u32 @p0 s8, $0x3;
	s29 =	simm.s32 @p0 $0x1;
	[bflag:$0x0] =	sbarrier.arrive $0xFFFF  }
0x35: {  	[hbm:s9], [sflag:s25] =	dma.local @p0 [spmem:s28], $0x2080  }
0x36: {  	_ =	swait.ge @p0 [sflag:s29], $0x2080  }
0x37: {  	[sflag:s29] =	ssyncset.done @p0 $0x0  }
0x38: {  	s30 =	simm.s32 @!p0 $0x1;
	[sflag:s29] =	ssyncadd.s32 @p0 $0xFFFFDF80;
	s29 =	sshrl.u32 @!p0 s6, $0x3  }
0x39: {  	[hbm:s7], [sflag:s25] =	dma.local @!p0 [spmem:s29], $0x2780  }
0x3a: {  	_ =	swait.ge @!p0 [sflag:s30], $0x2780  }
0x3b: {  	[sflag:s30] =	ssyncset.done @!p0 $0x0  }
0x3c: {  	[sflag:s30] =	ssyncadd.s32 @!p0 $0xFFFFD880  }
0x3d: {  	[spmem:s26], [sflag:s25] =	dma.local [hbm:s1], $0x2780  }
0x3e: {  	_ =	swait.ge [sflag:s21], $0x2780  }
0x3f: {  	[sflag:s21] =	ssyncset.done $0x0  }
0x40: {  	[sflag:s21] =	ssyncadd.s32 $0xFFFFD880  }
0x41: {  	[bflag:$0x0] =	sbarrier.arrive $0xFFFF  }
0x42: {  	[tilespmem:s22], [sflag:$0x1] =	stream.linear.gather [hbm4b:s18+s3], $0x4000, $0x38;
	[tilespmem:$0x18800] =	vst v63  }
0x43: {  	_ =	swait.ge [sflag:s21], $0x4000  }
0x44: {  	[sflag:s21] =	ssyncset.done $0x0  }
0x45: {  	s30 =	simm.s32 $0x0;
	[sflag:s21] =	ssyncadd.s32 $0xFFFFC000  }
0x46: {  	[spmem:s2] =	stream.indirect.scatter.add.f32 [tilespmem:s22], [sflag:$0x1], $0x80, s30, s23, $0xb8;
	[tilespmem:$0x18800] =	vst v63  }
0x47: {  	_ =	swait.ge [sflag:s21], $0x4000  }
0x48: {  	s31 =	smov.u32 s18;
	s30 =	simm.s32 $0x200;
	[sflag:s21] =	ssyncset.done $0x0  }
.LBB2_4:
0x49: {  	p1 =	sne.s32 s30, $0x2600;
	[sflag:s21] =	ssyncadd.s32 $0xFFFFC000;
	s31 =	sadd.s32 $0x800, s31  }
0x4a: {  	[tilespmem:s22], [sflag:$0x1] =	stream.linear.gather [hbm4b:s31+s3], $0x4000, $0x38;
	[tilespmem:$0x18800] =	vst v63  }
0x4b: {  	s0 =	smov.u32 s30;
	s30 =	sadd.s32 $0x200, s30;
	_ =	swait.ge [sflag:s21], $0x4000  }
.Ltmp1:
0x4c: {  	[sflag:s21] =	ssyncset.done $0x0;
	(pc) =	sbr.rel @p1 .LBB2_4-.Ltmp1, $4  }
0x4d: {  	s0 =	sshra.s32 s0, $0x2;
	[sflag:s21] =	ssyncadd.s32 $0xFFFFC000  }
0x4e: {  	[spmem:s2] =	stream.indirect.scatter.add.f32 [tilespmem:s22], [sflag:$0x1], $0x80, s0, s23, $0xb8;
	[tilespmem:$0x18800] =	vst v63  }
0x4f: {  	_ =	swait.ge [sflag:s21], $0x4000  }
0x50: {  	[sflag:s21] =	ssyncset.done $0x0  }
0x51: {  	[sflag:s21] =	ssyncadd.s32 $0xFFFFC000  }
0x52: {  	s0 =	simm.s32 @p0 $0x1;
	[bflag:$0x0] =	sbarrier.arrive $0xFFFF  }
0x53: {  	[hbm:s11], [sflag:s25] =	dma.local @p0 [spmem:s28], $0x2080  }
0x54: {  	_ =	swait.ge @p0 [sflag:s0], $0x2080  }
0x55: {  	[sflag:s0] =	ssyncset.done @p0 $0x0  }
0x56: {  	[sflag:s0] =	ssyncadd.s32 @p0 $0xFFFFDF80;
	s0 =	simm.s32 @!p0 $0x1  }
0x57: {  	[hbm:s10], [sflag:s25] =	dma.local @!p0 [spmem:s29], $0x2780  }
0x58: {  	_ =	swait.ge @!p0 [sflag:s0], $0x2780  }
0x59: {  	[sflag:s0] =	ssyncset.done @!p0 $0x0  }
0x5a: {  	[sflag:s0] =	ssyncadd.s32 @!p0 $0xFFFFD880  }
0x5b: {  	[spmem:s26], [sflag:s25] =	dma.local [hbm:s1], $0x2780  }
0x5c: {  	_ =	swait.ge [sflag:s21], $0x2780  }
0x5d: {  	[sflag:s21] =	ssyncset.done $0x0  }
0x5e: {  	[sflag:s21] =	ssyncadd.s32 $0xFFFFD880  }
0x5f: {  	[bflag:$0x0] =	sbarrier.arrive $0xFFFF  }
0x60: {  	[tilespmem:s22], [sflag:$0x1] =	stream.linear.gather [hbm4b:s19+s3], $0x4000, $0x38;
	[tilespmem:$0x18800] =	vst v63  }
0x61: {  	_ =	swait.ge [sflag:s21], $0x4000  }
0x62: {  	[sflag:s21] =	ssyncset.done $0x0  }
0x63: {  	s0 =	simm.s32 $0x0;
	[sflag:s21] =	ssyncadd.s32 $0xFFFFC000  }
0x64: {  	[spmem:s2] =	stream.indirect.scatter.add.f32 [tilespmem:s22], [sflag:$0x1], $0x80, s0, s23, $0xb8;
	[tilespmem:$0x18800] =	vst v63  }
0x65: {  	_ =	swait.ge [sflag:s21], $0x4000  }
0x66: {  	s30 =	simm.s32 $0x200;
	s31 =	smov.u32 s19;
	[sflag:s21] =	ssyncset.done $0x0  }
.LBB2_6:
0x67: {  	p1 =	sne.s32 s30, $0x2600;
	[sflag:s21] =	ssyncadd.s32 $0xFFFFC000;
	s31 =	sadd.s32 $0x800, s31  }
0x68: {  	[tilespmem:s22], [sflag:$0x1] =	stream.linear.gather [hbm4b:s31+s3], $0x4000, $0x38;
	[tilespmem:$0x18800] =	vst v63  }
0x69: {  	s0 =	smov.u32 s30;
	s30 =	sadd.s32 $0x200, s30;
	_ =	swait.ge [sflag:s21], $0x4000  }
.Ltmp2:
0x6a: {  	[sflag:s21] =	ssyncset.done $0x0;
	(pc) =	sbr.rel @p1 .LBB2_6-.Ltmp2, $4  }
0x6b: {  	s0 =	sshra.s32 s0, $0x2;
	[sflag:s21] =	ssyncadd.s32 $0xFFFFC000  }
0x6c: {  	[spmem:s2] =	stream.indirect.scatter.add.f32 [tilespmem:s22], [sflag:$0x1], $0x80, s0, s23, $0xb8;
	[tilespmem:$0x18800] =	vst v63  }
0x6d: {  	_ =	swait.ge [sflag:s21], $0x4000  }
0x6e: {  	[sflag:s21] =	ssyncset.done $0x0  }
0x6f: {  	[sflag:s21] =	ssyncadd.s32 $0xFFFFC000  }
0x70: {  	s0 =	simm.s32 @p0 $0x1;
	[bflag:$0x0] =	sbarrier.arrive $0xFFFF  }
0x71: {  	[hbm:s13], [sflag:s25] =	dma.local @p0 [spmem:s28], $0x2080  }
0x72: {  	_ =	swait.ge @p0 [sflag:s0], $0x2080  }
0x73: {  	[sflag:s0] =	ssyncset.done @p0 $0x0  }
0x74: {  	[sflag:s0] =	ssyncadd.s32 @p0 $0xFFFFDF80;
	s0 =	simm.s32 @!p0 $0x1  }
0x75: {  	[hbm:s12], [sflag:s25] =	dma.local @!p0 [spmem:s29], $0x2780  }
0x76: {  	_ =	swait.ge @!p0 [sflag:s0], $0x2780  }
0x77: {  	[sflag:s0] =	ssyncset.done @!p0 $0x0  }
0x78: {  	[sflag:s0] =	ssyncadd.s32 @!p0 $0xFFFFD880  }
0x79: {  	[spmem:s26], [sflag:s25] =	dma.local [hbm:s1], $0x2780  }
0x7a: {  	_ =	swait.ge [sflag:s21], $0x2780  }
0x7b: {  	[sflag:s21] =	ssyncset.done $0x0  }
0x7c: {  	[sflag:s21] =	ssyncadd.s32 $0xFFFFD880  }
0x7d: {  	[bflag:$0x0] =	sbarrier.arrive $0xFFFF  }
0x7e: {  	[tilespmem:s22], [sflag:$0x1] =	stream.linear.gather [hbm4b:s20+s3], $0x4000, $0x38;
	[tilespmem:$0x18800] =	vst v63  }
0x7f: {  	_ =	swait.ge [sflag:s21], $0x4000  }
0x80: {  	[sflag:s21] =	ssyncset.done $0x0  }
0x81: {  	s31 =	simm.s32 $0x0;
	[sflag:s21] =	ssyncadd.s32 $0xFFFFC000  }
0x82: {  	[spmem:s2] =	stream.indirect.scatter.add.f32 [tilespmem:s22], [sflag:$0x1], $0x80, s31, s23, $0xb8;
	[tilespmem:$0x18800] =	vst v63  }
0x83: {  	_ =	swait.ge [sflag:s21], $0x4000  }
0x84: {  	s30 =	smov.u32 s20;
	s26 =	simm.s32 $0x200;
	[sflag:s21] =	ssyncset.done $0x0  }
.LBB2_8:
0x85: {  	p1 =	sne.s32 s26, $0x2600;
	[sflag:s21] =	ssyncadd.s32 $0xFFFFC000;
	s30 =	sadd.s32 $0x800, s30  }
0x86: {  	[tilespmem:s22], [sflag:$0x1] =	stream.linear.gather [hbm4b:s30+s3], $0x4000, $0x38;
	[tilespmem:$0x18800] =	vst v63  }
0x87: {  	s0 =	smov.u32 s26;
	s26 =	sadd.s32 $0x200, s26;
	_ =	swait.ge [sflag:s21], $0x4000  }
.Ltmp3:
0x88: {  	[sflag:s21] =	ssyncset.done $0x0;
	(pc) =	sbr.rel @p1 .LBB2_8-.Ltmp3, $4  }
0x89: {  	s0 =	sshra.s32 s0, $0x2;
	[sflag:s21] =	ssyncadd.s32 $0xFFFFC000  }
0x8a: {  	[spmem:s2] =	stream.indirect.scatter.add.f32 [tilespmem:s22], [sflag:$0x1], $0x80, s0, s23, $0xb8;
	[tilespmem:$0x18800] =	vst v63  }
0x8b: {  	_ =	swait.ge [sflag:s21], $0x4000  }
0x8c: {  	[sflag:s21] =	ssyncset.done $0x0  }
0x8d: {  	[sflag:s21] =	ssyncadd.s32 $0xFFFFC000  }
0x8e: {  	s0 =	simm.s32 @p0 $0x1;
	[bflag:$0x0] =	sbarrier.arrive $0xFFFF  }
0x8f: {  	[hbm:s15], [sflag:s25] =	dma.local @p0 [spmem:s28], $0x2080  }
0x90: {  	s24 =	sadd.s32 $0x1, s24;
	_ =	swait.ge @p0 [sflag:s0], $0x2080  }
0x91: {  	p1 =	sne.s32 s24, s17;
	[sflag:s0] =	ssyncset.done @p0 $0x0  }
.Ltmp4:
0x92: {  	[sflag:s0] =	ssyncadd.s32 @p0 $0xFFFFDF80;
	s0 =	simm.s32 @!p0 $0x1;
	(pc) =	sbr.rel @p1 .LBB2_1-.Ltmp4, $4  }
0x93: {  	[hbm:s14], [sflag:s25] =	dma.local @!p0 [spmem:s29], $0x2780  }
0x94: {  	_ =	swait.ge @!p0 [sflag:s0], $0x2780  }
0x95: {  	[sflag:s0] =	ssyncset.done @!p0 $0x0  }
0x96: {  	[sflag:s0] =	ssyncadd.s32 @!p0 $0xFFFFD880  }
0x97: {  	_ =	sfence.sel $0x180000  }
0x98: {  	[bflag:$0x0] =	sbarrier.arrive $0xFFFF  }
0x99: {  	_ =	strace $0x90000056  }
0x9a: {  	[bflag:$0x2] =	sbarrier.arrive $0xFFFF  }
0x9b: {  	p0 =	sne.s32 s4, $0x0;
	s0 =	rddreg [dreg:$0x3]  }
0x9c: {  	s0 =	sadd.s32 @!p0 $0x100000, s0  }
0x9d: {  	[sflag:s0] =	ssyncadd.tile.s32 @!p0 $0x1;
	_ =	shalt  }
.Lfunc_end2:
_tile_overlayer_lowered:
.L_overlay_start_2:
0x9e: {  	(tag) =	ssettag $0x2  }
0x9f: {  	s0 =	rddreg [dreg:$0x0];
	s2 =	stileid.u32  }
0xa0: {  	s1 =	rddreg [dreg:$0x1];
	p0 =	sne.s32 s2, $0x0  }
0xa1: {  	s3 =	rddreg [dreg:$0x2];
	[bflag:$0x3] =	sbarrier.arrive $0xFFFF;
	s2 =	simm.s32 @!p0 $0x1C01  }
0xa2: {  	[timem:s3], [sflag:s2] =	dma.local @!p0 [hbm:s0], s1  }
0xa3: {  	s0 =	simm.s32 @!p0 $0x1  }
0xa4: {  	_ =	swait.ge @!p0 [sflag:s0], s1  }
0xa5: {  	s1 =	ssub.s32 @!p0 $0x0, s1;
	[sflag:s0] =	ssyncset.done @!p0 $0x0  }
0xa6: {  	[sflag:s0] =	ssyncadd.s32 @!p0 s1  }
0xa7: {  	[bflag:$0x3] =	sbarrier.arrive $0xFFFF  }
0xa8: {  	_ =	shalt  }

// kernel: kernel.39.cloned.1.call-start
scs
__scs_entry_jumppad:
0x0: {  	(pc) =	sbr.rel $0x88, $3  }
0x1: {  	(tag) =	ssettag $0x0;
	lr =	simm.s32 $0x1  }
0x2: {  	[smem:$0x3F66] =	sst lr;
	_ =	strace $0xD0000000  }
0x3: {  	_ = 	snop  }
0x4: {  	_ = 	snop  }
0x5: {  	_ = 	snop  }
0x6: {  	_ = 	snop  }
0x7: {  	_ = 	snop  }
__scs_overlays_trampoline_lowered:
0x8: {  	[smem:$0x3F75] =	sst s0  }
0x9: {  	[smem:$0x3F76] =	sst s1  }
0xa: {  	[smem:$0x3F77] =	sst s2  }
0xb: {  	[smem:$0x3F78] =	sst s3  }
0xc: {  	[smem:$0x3F79] =	sst s4  }
0xd: {  	[smem:$0x3F7A] =	sst s5  }
0xe: {  	[smem:$0x3F7B] =	sst s6  }
0xf: {  	[smem:$0x3F7C] =	sst s7  }
0x10: {  	[smem:$0x3F7D] =	sst s8  }
0x11: {  	[smem:$0x3F7E] =	sst s9;
	s0 =	simm.s32 @!p0 $0x0  }
0x12: {  	s1 =	sld [smem:$0x3F64];
	s0 =	simm.s32 @p0 $0x1  }
0x13: {  	[smem:$0x3F7F] =	sst s0;
	s0 =	simm.s32 @!p1 $0x0  }
0x14: {  	s2 =	sld [smem:$0x3F63];
	s0 =	simm.s32 @p1 $0x1  }
0x15: {  	[smem:$0x3F80] =	sst s0;
	s0 =	simm.s32 @!p2 $0x0  }
0x16: {  	s3 =	sld [smem:$0x3FDB];
	s0 =	simm.s32 @p2 $0x1  }
0x17: {  	s4 =	simm.s32 $0x1BF5;
	[smem:$0x3F82] =	sst s0  }
0x18: {  	s0 =	sld [smem:$0x3F65];
	_ =	swait.ge [sflag:s4], $0x0  }
0x19: {  	s7 =	sld [smem:$0x3F66]  }
0x1a: {  	s8 =	sadd.s32 $0xFFFFE003, lr  }
0x1b: {  	s9 =	sadd.s32 $0xFFFFFEF7, lr;
	s5 =	simm.s32 $0xFFFFFFFF;
	p2 =	slt.u32 s8, $0xFFFFF086  }
0x1c: {  	p1 =	slt.u32 s9, $0xF7A;
	s5 =	simm.s32 @!p2 $0x0  }
0x1d: {  	s5 =	simm.s32 @p1 $0x1;
	p0 =	seq.s32 s7, s2  }
0x1e: {  	s7 =	smul.u32 @!p0 $0xF7A, s2;
	p2 =	seq.s32 @!p0 s5, $0x0  }
0x1f: {  	s9 =	smul.u32 $0xF7A, s1;
	s8 =	simm.s32 @!p0 $0x1BF5;
	p2 =	por !p2, p0  }
0x20: {  	[sflag:s8] =	ssyncset.s32 @!p0 $0xFFFFF086;
	s6 =	sadd.s32 @!p0 s3, s7;
	s7 =	simm.s32 @!p0 $0x108  }
0x21: {  	s3 =	sadd.s32 s3, s9;
	s6 =	sadd.s32 @!p0 $0x88, s6;
	s7 =	simm.s32 @p2 $0x1082  }
0x22: {  	[simem:s7], [sflag:s8] =	dma.local @!p0 [hbm:s6], $0xF7A  }
0x23: {  	s9 =	sor.u32 $0xD0000000, s2;
	s6 =	simm.s32 $0x108;
	_ =	swait.ge @!p0 [sflag:s8], $0x0  }
0x24: {  	s3 =	sadd.s32 $0x88, s3;
	s6 =	simm.s32 @!p1 $0x1082;
	[sflag:s4] =	ssyncset.s32 $0xFFFFF086  }
0x25: {  	[simem:s6], [sflag:s4] =	dma.local [hbm:s3], $0xF7A  }
0x26: {  	[smem:$0x3F66] =	sst s1;
	(tag) =	ssettag s2;
	_ =	strace s9  }
0x27: {  	s1 =	sld [smem:$0x3F76]  }
0x28: {  	s2 =	sld [smem:$0x3F77]  }
0x29: {  	s4 =	sld [smem:$0x3F79]  }
0x2a: {  	p0 =	seq.s32 s5, $0x0;
	s5 =	sld [smem:$0x3F7A]  }
0x2b: {  	s6 =	sld [smem:$0x3F7B]  }
0x2c: {  	s7 =	sld [smem:$0x3F7C]  }
0x2d: {  	s3 =	simm.s32 $0x108;
	s8 =	sld [smem:$0x3F7D]  }
0x2e: {  	s3 =	simm.s32 @!p0 $0x1082;
	s9 =	sld [smem:$0x3F7E]  }
0x2f: {  	lr =	sadd.s32 s0, s3;
	s0 =	sld [smem:$0x3F75]  }
0x30: {  	s3 =	sld [smem:$0x3F78]  }
0x31: {  	[smem:$0x3F81] =	sst s10  }
0x32: {  	s10 =	sld [smem:$0x3F7F];
	_ =	sdelay $0x3  }
0x33: {  	p0 =	seq.s32 s10, $0x1;
	s10 =	sld [smem:$0x3F81];
	_ =	sdelay $0x3  }
0x34: {  	[smem:$0x3F81] =	sst s10  }
0x35: {  	s10 =	sld [smem:$0x3F80];
	_ =	sdelay $0x3  }
0x36: {  	p1 =	seq.s32 s10, $0x1;
	s10 =	sld [smem:$0x3F81];
	_ =	sdelay $0x3  }
0x37: {  	[smem:$0x3F81] =	sst s10  }
0x38: {  	s10 =	sld [smem:$0x3F82]  }
0x39: {  	_ = 	snop;
	(pc) =	sbr.ind lr, $3  }
0x3a: {  	_ = 	snop  }
0x3b: {  	_ = 	snop  }
0x3c: {  	p2 =	seq.s32 s10, $0x1;
	s10 =	sld [smem:$0x3F81]  }
0x3d: {  	_ =	shalt  }
0x3e: {  	_ =	shalt  }
0x3f: {  	_ =	shalt  }
0x40: {  	_ =	shalt  }
0x41: {  	_ =	shalt  }
0x42: {  	_ =	shalt  }
0x43: {  	_ =	shalt  }
0x44: {  	_ =	shalt  }
0x45: {  	_ =	shalt  }
0x46: {  	_ =	shalt  }
0x47: {  	_ =	shalt  }
0x48: {  	_ =	shalt  }
0x49: {  	_ =	shalt  }
0x4a: {  	_ =	shalt  }
0x4b: {  	_ =	shalt  }
0x4c: {  	_ =	shalt  }
0x4d: {  	_ =	shalt  }
0x4e: {  	_ =	shalt  }
0x4f: {  	_ =	shalt  }
0x50: {  	_ =	shalt  }
0x51: {  	_ =	shalt  }
0x52: {  	_ =	shalt  }
0x53: {  	_ =	shalt  }
0x54: {  	_ =	shalt  }
0x55: {  	_ =	shalt  }
0x56: {  	_ =	shalt  }
0x57: {  	_ =	shalt  }
0x58: {  	_ =	shalt  }
0x59: {  	_ =	shalt  }
0x5a: {  	_ =	shalt  }
0x5b: {  	_ =	shalt  }
0x5c: {  	_ =	shalt  }
0x5d: {  	_ =	shalt  }
0x5e: {  	_ =	shalt  }
0x5f: {  	_ =	shalt  }
0x60: {  	_ =	shalt  }
0x61: {  	_ =	shalt  }
0x62: {  	_ =	shalt  }
0x63: {  	_ =	shalt  }
0x64: {  	_ =	shalt  }
0x65: {  	_ =	shalt  }
0x66: {  	_ =	shalt  }
0x67: {  	_ =	shalt  }
0x68: {  	_ =	shalt  }
0x69: {  	_ =	shalt  }
0x6a: {  	_ =	shalt  }
0x6b: {  	_ =	shalt  }
0x6c: {  	_ =	shalt  }
0x6d: {  	_ =	shalt  }
0x6e: {  	_ =	shalt  }
0x6f: {  	_ =	shalt  }
0x70: {  	_ =	shalt  }
0x71: {  	_ =	shalt  }
0x72: {  	_ =	shalt  }
0x73: {  	_ =	shalt  }
0x74: {  	_ =	shalt  }
0x75: {  	_ =	shalt  }
0x76: {  	_ =	shalt  }
0x77: {  	_ =	shalt  }
0x78: {  	_ =	shalt  }
0x79: {  	_ =	shalt  }
0x7a: {  	_ =	shalt  }
0x7b: {  	_ =	shalt  }
0x7c: {  	_ =	shalt  }
0x7d: {  	_ =	shalt  }
0x7e: {  	_ =	shalt  }
0x7f: {  	_ =	shalt  }
0x80: {  	_ =	shalt  }
0x81: {  	_ =	shalt  }
0x82: {  	_ =	shalt  }
0x83: {  	_ =	shalt  }
0x84: {  	_ =	shalt  }
0x85: {  	_ =	shalt  }
0x86: {  	_ =	shalt  }
0x87: {  	_ =	shalt  }
.Lfunc_end0:
.L_simem_size_0:
called_computation.6_lowered:
.L_overlay_start_0:
0x88: {  	s2 =	sld [smem:$0x3FD9]  }
0x89: {  	s3 =	sld [smem:$0x3FFE];
	_ =	sdelay $0x1  }
0x8a: {  	s1 =	srdreg.scid  }
0x8b: {  	s0 =	sand.u32 $0x1, s1  }
0x8c: {  	s16 =	sshll.u32 s0, $0xA;
	s2 =	sadd.s32 s3, s2  }
0x8d: {  	s2 =	sadd.s32 s2, s16  }
0x8e: {  	[smem:$0x3F8D] =	sst s2  }
0x8f: {  	_ = 	snop  }
0x90: {  	(tm) =	ssettm $0x1  }
0x91: {  	s17 =	sld [smem:$0x3FFB];
	_ =	sdelay $0x3  }
0x92: {  	_ =	strace s17  }
0x93: {  	s2 =	sld [smem:$0x3FFC];
	_ =	sdelay $0x3  }
0x94: {  	_ =	strace s2  }
0x95: {  	s2 =	sld [smem:$0x3FFD];
	_ =	sdelay $0x3  }
0x96: {  	_ =	strace s2  }
0x97: {  	_ =	strace $0x8FFFFFFF  }
0x98: {  	s18 =	sld [smem:$0x3FDB];
	_ =	sdelay $0x1  }
0x99: {  	s19 =	simm.s32 $_scs_section_size  }
0x9a: {  	s4 =	simm.s32 $_size__tile_overlayer_lowered;
	s5 =	simm.s32 $_tile_overlayer_lowered  }
0x9b: {  	s22 =	simm.s32 $0x1BFF;
	s21 =	sshll.u32 s5, $0x1;
	s2 =	sadd.s32 s19, s18  }
0x9c: {  	s6 =	simm.s32 $0x0;
	s20 =	sshll.u32 s4, $0x1;
	s4 =	sadd.s32 s21, s2  }
0x9d: {  	[timem:s6], [sflag:s22] =	dma.local [hbm:s4], s20  }
0x9e: {  	_ =	swait.ge [sflag:s22], s20  }
0x9f: {  	s3 =	ssub.s32 $0x0, s20;
	[sflag:s22] =	ssyncset.done $0x0  }
0xa0: {  	[sflag:s22] =	ssyncadd.s32 s3;
	_ =	sdelay $0x1  }
0xa1: {  	s23 =	simm.s32 $0x1B8B  }
0xa2: {  	_ =	swait.ge [sflag:s23], $0x1  }
0xa3: {  	[sflag:s23] =	ssyncset.done $0x0  }
0xa4: {  	s25 =	simm.s32 $0x1B8E;
	s24 =	sld [smem:$0x3FFE];
	[sflag:s23] =	ssyncadd.s32 $0xFFFFFFFF  }
0xa5: {  	s26 =	simm.s32 $execute0_lowered;
	[smem:$0x3FD2] =	sst s25  }
0xa6: {  	s4 =	sshll.u32 s26, $0x1;
	_ =	strace $0x80000058;
	[dreg:$0x1] =	wrdreg $0xFFFFFFFF  }
0xa7: {  	s28 =	simm.s32 $_size_execute0_lowered;
	s2 =	sadd.s32 s2, s4;
	[dreg:$0x0] =	wrdreg $0x0  }
0xa8: {  	s4 =	sshll.u32 s28, $0x1;
	[dreg:$0x2] =	wrdreg s2  }
0xa9: {  	[dreg:$0x3] =	wrdreg s4  }
0xaa: {  	[dreg:$0x4] =	wrdreg $0xC0  }
0xab: {  	_ =	task [dreg:s6], $0x5FFFF  }
0xac: {  	[dreg:$0x1] =	wrdreg $0xFFFFFFFF  }
0xad: {  	[dreg:$0x0] =	wrdreg $0x60  }
0xae: {  	[dreg:$0x2] =	wrdreg s24  }
0xaf: {  	[dreg:$0x3] =	wrdreg $0x9  }
0xb0: {  	_ =	task.clear_ibuf [dreg:s6], $0x4FFFF;
	_ =	strace $0x90000058  }
0xb1: {  	s29 =	simm.s32 $0x9;
	_ =	strace $0x8000005A  }
0xb2: {  	_ =	swait.ge [sflag:s29], $0x1  }
0xb3: {  	[sflag:s29] =	ssyncadd.s32 $0xFFFFFFFF  }
0xb4: {  	_ =	strace $0x9000005A  }
0xb5: {  	_ =	sfence  }
0xb6: {  	s30 =	sld [smem:$0x0];
	_ =	sdelay $0x2  }
0xb7: {  	s31 =	sshll.u32 s1, $0xD;
	s1 =	sshrl.u32 s1, $0x2  }
0xb8: {  	s3 =	sand.u32 $0x4000, s31;
	s1 =	sadd.s32 s1, s30  }
0xb9: {  	s0 =	sor.u32 s3, s0;
	s1 =	sshll.u32 s1, $0x11  }
0xba: {  	s0 =	sor.u32 s1, s0  }
0xbb: {  	s0 =	sadd.s32 $0x8F2B, s0  }
0xbc: {  	[sflag:s0] =	ssyncadd.remote.s32 $0x1  }
0xbd: {  	_ =	sfence.sel $0xFFFF  }
0xbe: {  	[dreg:$0x0] =	wrdreg $0xFFFFFFFF;
	(pc) =	sbr.abs _section_cstart, $3  }
0xbf: {  	[dreg:$0x1] =	wrdreg $0xFFFFFFFF  }
0xc0: {  	_ =	task.clear_ibuf [dreg:s6], $0x2FFFF;
	_ =	strace $0x9FFFFFFF  }
0xc1: {  	(tm) =	ssettm $0x7FFFFFFF  }
tec
execute0_lowered:
.L_overlay_start_1:
0x0: {  	(tag) =	ssettag $0x1  }
0x1: {  	s0 =	srdreg.scid  }
0x2: {  	s11 =	stileid.u32;
	s4 =	rddreg [dreg:$0x0]  }
0x3: {  	s2 =	simm.s32 $0x0;
	s15 =	simm.s32 $0x9;
	s16 =	simm.s32 $0x2800  }
0x4: {  	s17 =	simm.s32 $0x80;
	s18 =	simm.s32 $0x5000;
	s19 =	simm.s32 $0x9000  }
0x5: {  	s20 =	simm.s32 $0xD000;
	s28 =	simm.s32 $0x5;
	s9 =	smul.u32 $0x280000, s11  }
0x6: {  	s29 =	simm.s32 $0x6;
	s0 =	sand.u32 $0x1, s0;
	s13 =	smul.u32 $0x50000, s11  }
0x7: {  	s30 =	simm.s32 $0x7;
	s1 =	sshll.u32 s11, $0x1;
	s10 =	smul.u32 $0x140000, s0  }
0x8: {  	s1 =	sor.u32 s0, s1;
	s6 =	ssub.s32 $0x2, s0;
	s0 =	smul.u32 $0x28000, s0  }
0x9: {  	[smem:$0x7FF] =	sst s2;
	s12 =	sadd.s32 $0x19DC00, s4;
	s3 =	smul.u32 $0x2800, s1  }
0xa: {  	s31 =	simm.s32 $0x8;
	_ =	strace $0x80000059;
	s7 =	smul.u32 $0x140000, s1  }
0xb: {  	s8 =	sshrl.u32 s6, $0x1;
	s1 =	smul.u32 $0x28000, s1;
	s26 =	sadd.s32 s13, s12  }
0xc: {  	s6 =	ssub.s32 s6, s8;
	s10 =	sadd.s32 s10, s9;
	s5 =	sshrl.u32 s3, $0x3  }
0xd: {  	s3 =	sadd.s32 $0xF0B400, s4;
	s23 =	sshrl.u32 s7, $0x3;
	s6 =	smax.u32 s6, $0x1  }
0xe: {  	s1 =	sor.u32 $0x800, s1;
	s24 =	sor.u32 $0x8000, s10;
	s5 =	sadd.s32 s5, s4  }
0xf: {  	s4 =	sadd.s32 $0x69DC00, s4;
	[dreg:$0x4] =	wrdreg s6;
	s7 =	sadd.s32 s12, s23  }
0x10: {  	s8 =	sadd.s32 s12, s1;
	s25 =	sshrl.u32 s24, $0x3;
	s24 =	simm.s32 $0x2  }
0x11: {  	s22 =	sadd.s32 $0x106400, s5;
	s5 =	sadd.s32 $0xFC400, s5;
	s9 =	sadd.s32 s4, s23  }
0x12: {  	s10 =	sadd.s32 s4, s1;
	s11 =	sadd.s32 s25, s4;
	s4 =	sadd.s32 s13, s4  }
0x13: {  	s12 =	sadd.s32 s25, s12;
	s23 =	simm.s32 $0x1;
	[dreg:$0x2] =	wrdreg s22  }
0x14: {  	s25 =	simm.s32 $0x3;
	s1 =	simm.s32 $0x0;
	[dreg:$0x3] =	wrdreg s5  }
0x15: {  	s5 =	sadd.s32 s0, s26;
	s0 =	sadd.s32 s0, s4;
	s22 =	simm.s32 $0x11000  }
0x16: {  	s26 =	simm.s32 $0x4;
	s13 =	sadd.s32 $0x1800, s5;
	s14 =	sadd.s32 $0x1800, s0  }
.LBB2_1:
0x17: {  	s0 =	rddreg [dreg:$0x2]  }
0x18: {  	[tilespmem:s2], [sflag:$0x9] =	stream.linear.gather [hbm4b:s0+s2], $0x2800, $0x38;
	[tilespmem:$0x15000] =	vst v63  }
0x19: {  	_ =	swait.ge [sflag:s15], $0x2800  }
0x1a: {  	[sflag:s15] =	ssyncset.done $0x0  }
0x1b: {  	s21 =	rddreg [dreg:$0x3];
	[sflag:s15] =	ssyncadd.s32 $0xFFFFD800  }
0x1c: {  	[tilespmem:s16], [sflag:$0x9] =	stream.linear.gather [hbm4b:s21+s2], $0x2800, $0x38;
	[tilespmem:$0x15000] =	vst v63  }
0x1d: {  	_ =	swait.ge [sflag:s15], $0x2800  }
0x1e: {  	[sflag:s15] =	ssyncset.done $0x0  }
0x1f: {  	[sflag:s15] =	ssyncadd.s32 $0xFFFFD800  }
0x20: {  	[tilespmem:s18], [sflag:$0x1] =	stream.indirect.gather [hbm4b:s3+s17], $0x80, s2, s17, $0xb8;
	[tilespmem:$0x15000] =	vst v63  }
0x21: {  	_ = 	snop  }
0x22: {  	[tilespmem:s19], [sflag:$0x2] =	stream.indirect.gather [hbm4b:s3+s17], $0x80, s17, s17, $0xb8;
	[tilespmem:$0x15000] =	vst v63  }
0x23: {  	_ = 	snop  }
0x24: {  	[tilespmem:s20], [sflag:$0x3] =	stream.indirect.gather [hbm4b:s3+s17], $0x80, s16, s17, $0xb8;
	[tilespmem:$0x15000] =	vst v63  }
0x25: {  	s4 =	simm.s32 $0x2880  }
0x26: {  	[tilespmem:s22], [sflag:$0x4] =	stream.indirect.gather [hbm4b:s3+s17], $0x80, s4, s17, $0xb8;
	[tilespmem:$0x15000] =	vst v63  }
0x27: {  	_ =	swait.ge [sflag:s23], $0x4000  }
0x28: {  	[sflag:s23] =	ssyncset.done $0x0  }
0x29: {  	[sflag:s23] =	ssyncadd.s32 $0xFFFFC000  }
0x2a: {  	[hbm4b:s7+s2] =	stream.linear.scatter [tilespmem:s18], [sflag:$0x5], $0x4000, $0x38;
	[tilespmem:$0x15000] =	vst v63  }
0x2b: {  	_ =	swait.ge [sflag:s24], $0x4000  }
0x2c: {  	[sflag:s24] =	ssyncset.done $0x0  }
0x2d: {  	[sflag:s24] =	ssyncadd.s32 $0xFFFFC000  }
0x2e: {  	[hbm4b:s8+s2] =	stream.linear.scatter [tilespmem:s19], [sflag:$0x6], $0x4000, $0x38;
	[tilespmem:$0x15000] =	vst v63  }
0x2f: {  	_ =	swait.ge [sflag:s25], $0x4000  }
0x30: {  	[sflag:s25] =	ssyncset.done $0x0  }
0x31: {  	[sflag:s25] =	ssyncadd.s32 $0xFFFFC000  }
0x32: {  	[hbm4b:s9+s2] =	stream.linear.scatter [tilespmem:s20], [sflag:$0x7], $0x4000, $0x38;
	[tilespmem:$0x15000] =	vst v63  }
0x33: {  	_ =	swait.ge [sflag:s26], $0x4000  }
0x34: {  	[sflag:s26] =	ssyncset.done $0x0  }
0x35: {  	[sflag:s26] =	ssyncadd.s32 $0xFFFFC000  }
0x36: {  	[hbm4b:s10+s2] =	stream.linear.scatter [tilespmem:s22], [sflag:$0x8], $0x4000, $0x38;
	[tilespmem:$0x15000] =	vst v63  }
0x37: {  	_ =	swait.ge [sflag:s28], $0x4000  }
0x38: {  	[sflag:s28] =	ssyncset.done $0x0  }
0x39: {  	s5 =	simm.s32 $0x100;
	[sflag:s28] =	ssyncadd.s32 $0xFFFFC000  }
0x3a: {  	[tilespmem:s18], [sflag:$0x1] =	stream.indirect.gather [hbm4b:s3+s17], $0x80, s5, s17, $0xb8;
	[tilespmem:$0x15000] =	vst v63  }
0x3b: {  	_ =	swait.ge [sflag:s29], $0x4000  }
0x3c: {  	[sflag:s29] =	ssyncset.done $0x0  }
0x3d: {  	s6 =	simm.s32 $0x180;
	[sflag:s29] =	ssyncadd.s32 $0xFFFFC000  }
0x3e: {  	[tilespmem:s19], [sflag:$0x2] =	stream.indirect.gather [hbm4b:s3+s17], $0x80, s6, s17, $0xb8;
	[tilespmem:$0x15000] =	vst v63  }
0x3f: {  	_ =	swait.ge [sflag:s30], $0x4000  }
0x40: {  	[sflag:s30] =	ssyncset.done $0x0  }
0x41: {  	s21 =	simm.s32 $0x2900;
	[sflag:s30] =	ssyncadd.s32 $0xFFFFC000  }
0x42: {  	[tilespmem:s20], [sflag:$0x3] =	stream.indirect.gather [hbm4b:s3+s17], $0x80, s21, s17, $0xb8;
	[tilespmem:$0x15000] =	vst v63  }
0x43: {  	_ =	swait.ge [sflag:s31], $0x4000  }
0x44: {  	[sflag:s31] =	ssyncset.done $0x0  }
0x45: {  	s4 =	simm.s32 $0x2980;
	[sflag:s31] =	ssyncadd.s32 $0xFFFFC000  }
0x46: {  	[tilespmem:s22], [sflag:$0x4] =	stream.indirect.gather [hbm4b:s3+s17], $0x80, s4, s17, $0xb8;
	[tilespmem:$0x15000] =	vst v63  }
0x47: {  	_ =	swait.ge [sflag:s23], $0x4000  }
0x48: {  	[sflag:s23] =	ssyncset.done $0x0  }
0x49: {  	s5 =	sadd.s32 $0x0, s12;
	[sflag:s23] =	ssyncadd.s32 $0xFFFFC000  }
0x4a: {  	[hbm4b:s5+s2] =	stream.linear.scatter [tilespmem:s18], [sflag:$0x5], $0x4000, $0x38;
	[tilespmem:$0x15000] =	vst v63  }
0x4b: {  	_ =	swait.ge [sflag:s24], $0x4000  }
0x4c: {  	[sflag:s24] =	ssyncset.done $0x0  }
0x4d: {  	s6 =	sadd.s32 $0x0, s13;
	[sflag:s24] =	ssyncadd.s32 $0xFFFFC000  }
0x4e: {  	[hbm4b:s6+s2] =	stream.linear.scatter [tilespmem:s19], [sflag:$0x6], $0x4000, $0x38;
	[tilespmem:$0x15000] =	vst v63  }
0x4f: {  	_ =	swait.ge [sflag:s25], $0x4000  }
0x50: {  	[sflag:s25] =	ssyncset.done $0x0  }
0x51: {  	s21 =	sadd.s32 $0x0, s11;
	[sflag:s25] =	ssyncadd.s32 $0xFFFFC000  }
0x52: {  	[hbm4b:s21+s2] =	stream.linear.scatter [tilespmem:s20], [sflag:$0x7], $0x4000, $0x38;
	[tilespmem:$0x15000] =	vst v63  }
0x53: {  	_ =	swait.ge [sflag:s26], $0x4000  }
0x54: {  	s0 =	simm.s32 $0x1000;
	s4 =	simm.s32 $0x2A80;
	[sflag:s26] =	ssyncset.done $0x0  }
0x55: {  	s5 =	sadd.s32 $0x0, s14;
	s21 =	simm.s32 $0x280;
	[sflag:s26] =	ssyncadd.s32 $0xFFFFC000  }
.LBB2_2:
0x56: {  	[hbm4b:s5+s2] =	stream.linear.scatter [tilespmem:s22], [sflag:$0x8], $0x4000, $0x38;
	[tilespmem:$0x15000] =	vst v63  }
0x57: {  	s5 =	smov.u32 s0  }
0x58: {  	p0 =	sne.s32 s0, $0x26000;
	s0 =	sadd.s32 $0x1000, s0;
	_ =	swait.ge [sflag:s28], $0x4000  }
0x59: {  	[sflag:s28] =	ssyncset.done $0x0  }
0x5a: {  	s6 =	sadd.s32 $0xFFFFFF80, s21;
	[sflag:s28] =	ssyncadd.s32 $0xFFFFC000  }
0x5b: {  	[tilespmem:s18], [sflag:$0x1] =	stream.indirect.gather [hbm4b:s3+s17], $0x80, s6, s17, $0xb8;
	[tilespmem:$0x15000] =	vst v63  }
0x5c: {  	_ =	swait.ge [sflag:s29], $0x4000  }
0x5d: {  	[sflag:s29] =	ssyncset.done $0x0  }
0x5e: {  	[sflag:s29] =	ssyncadd.s32 $0xFFFFC000  }
0x5f: {  	[tilespmem:s19], [sflag:$0x2] =	stream.indirect.gather [hbm4b:s3+s17], $0x80, s21, s17, $0xb8;
	[tilespmem:$0x15000] =	vst v63  }
0x60: {  	_ =	swait.ge [sflag:s30], $0x4000  }
0x61: {  	[sflag:s30] =	ssyncset.done $0x0  }
0x62: {  	s6 =	sadd.s32 $0xFFFFFF80, s4;
	[sflag:s30] =	ssyncadd.s32 $0xFFFFC000  }
0x63: {  	[tilespmem:s20], [sflag:$0x3] =	stream.indirect.gather [hbm4b:s3+s17], $0x80, s6, s17, $0xb8;
	[tilespmem:$0x15000] =	vst v63  }
0x64: {  	_ =	swait.ge [sflag:s31], $0x4000  }
0x65: {  	[sflag:s31] =	ssyncset.done $0x0  }
0x66: {  	[sflag:s31] =	ssyncadd.s32 $0xFFFFC000  }
0x67: {  	[tilespmem:s22], [sflag:$0x4] =	stream.indirect.gather [hbm4b:s3+s17], $0x80, s4, s17, $0xb8;
	[tilespmem:$0x15000] =	vst v63  }
0x68: {  	_ =	swait.ge [sflag:s23], $0x4000  }
0x69: {  	[sflag:s23] =	ssyncset.done $0x0  }
0x6a: {  	s6 =	sadd.s32 s5, s12;
	[sflag:s23] =	ssyncadd.s32 $0xFFFFC000  }
0x6b: {  	[hbm4b:s6+s2] =	stream.linear.scatter [tilespmem:s18], [sflag:$0x5], $0x4000, $0x38;
	[tilespmem:$0x15000] =	vst v63  }
0x6c: {  	_ =	swait.ge [sflag:s24], $0x4000  }
0x6d: {  	[sflag:s24] =	ssyncset.done $0x0  }
0x6e: {  	s6 =	sadd.s32 s5, s13;
	[sflag:s24] =	ssyncadd.s32 $0xFFFFC000  }
0x6f: {  	[hbm4b:s6+s2] =	stream.linear.scatter [tilespmem:s19], [sflag:$0x6], $0x4000, $0x38;
	[tilespmem:$0x15000] =	vst v63  }
0x70: {  	_ =	swait.ge [sflag:s25], $0x4000  }
0x71: {  	[sflag:s25] =	ssyncset.done $0x0  }
.Ltmp0:
0x72: {  	s6 =	sadd.s32 s5, s11;
	[sflag:s25] =	ssyncadd.s32 $0xFFFFC000;
	(pc) =	sbr.rel @p0 .LBB2_2-.Ltmp0, $4  }
0x73: {  	[hbm4b:s6+s2] =	stream.linear.scatter [tilespmem:s20], [sflag:$0x7], $0x4000, $0x38;
	[tilespmem:$0x15000] =	vst v63  }
0x74: {  	_ =	swait.ge [sflag:s26], $0x4000  }
0x75: {  	s21 =	sadd.s32 $0x100, s21;
	[sflag:s26] =	ssyncset.done $0x0  }
0x76: {  	s4 =	sadd.s32 $0x100, s4;
	s5 =	sadd.s32 s5, s14;
	[sflag:s26] =	ssyncadd.s32 $0xFFFFC000  }
0x77: {  	[hbm4b:s5+s2] =	stream.linear.scatter [tilespmem:s22], [sflag:$0x8], $0x4000, $0x38;
	[tilespmem:$0x15000] =	vst v63  }
0x78: {  	_ =	swait.ge [sflag:s28], $0x4000  }
0x79: {  	[sflag:s28] =	ssyncset.done $0x0  }
0x7a: {  	[sflag:s28] =	ssyncadd.s32 $0xFFFFC000  }
0x7b: {  	_ =	swait.ge [sflag:s29], $0x4000  }
0x7c: {  	[sflag:s29] =	ssyncset.done $0x0  }
0x7d: {  	[sflag:s29] =	ssyncadd.s32 $0xFFFFC000  }
0x7e: {  	_ =	swait.ge [sflag:s30], $0x4000  }
0x7f: {  	[sflag:s30] =	ssyncset.done $0x0  }
0x80: {  	[sflag:s30] =	ssyncadd.s32 $0xFFFFC000  }
0x81: {  	_ =	swait.ge [sflag:s31], $0x4000  }
0x82: {  	s1 =	sadd.s32 $0x1, s1;
	s0 =	rddreg [dreg:$0x4]  }
0x83: {  	p0 =	sne.s32 s1, s0  }
.Ltmp1:
0x84: {  	_ = 	snop;
	(pc) =	sbr.rel @p0 .LBB2_1-.Ltmp1, $3  }
0x85: {  	_ =	sdelay $0x1  }
0x86: {  	[sflag:s31] =	ssyncset.done $0x0  }
0x87: {  	[sflag:s31] =	ssyncadd.s32 $0xFFFFC000  }
0x88: {  	_ =	sfence.sel $0x180000  }
0x89: {  	[bflag:$0x0] =	sbarrier.arrive $0xFFFF  }
0x8a: {  	_ =	strace $0x90000059  }
0x8b: {  	s0 =	stileid.u32;
	[bflag:$0x2] =	sbarrier.arrive $0xFFFF  }
0x8c: {  	p0 =	sne.s32 s0, $0x0;
	s0 =	rddreg [dreg:$0x1]  }
0x8d: {  	s0 =	sadd.s32 @!p0 $0x100000, s0  }
0x8e: {  	[sflag:s0] =	ssyncadd.tile.s32 @!p0 $0x1;
	_ =	shalt  }
.Lfunc_end2:
_tile_overlayer_lowered:
.L_overlay_start_2:
0x8f: {  	(tag) =	ssettag $0x2  }
0x90: {  	s0 =	rddreg [dreg:$0x0];
	s2 =	stileid.u32  }
0x91: {  	s1 =	rddreg [dreg:$0x1];
	p0 =	sne.s32 s2, $0x0  }
0x92: {  	s3 =	rddreg [dreg:$0x2];
	[bflag:$0x3] =	sbarrier.arrive $0xFFFF;
	s2 =	simm.s32 @!p0 $0x1C09  }
0x93: {  	[timem:s3], [sflag:s2] =	dma.local @!p0 [hbm:s0], s1  }
0x94: {  	s0 =	simm.s32 @!p0 $0x9  }
0x95: {  	_ =	swait.ge @!p0 [sflag:s0], s1  }
0x96: {  	s1 =	ssub.s32 @!p0 $0x0, s1;
	[sflag:s0] =	ssyncset.done @!p0 $0x0  }
0x97: {  	[sflag:s0] =	ssyncadd.s32 @!p0 s1  }
0x98: {  	[bflag:$0x3] =	sbarrier.arrive $0xFFFF  }
0x99: {  	_ =	shalt  }

// kernel: kernel.42.cloned.1.call-start
scs
__scs_entry_jumppad:
0x0: {  	(pc) =	sbr.rel $0x88, $3  }
0x1: {  	(tag) =	ssettag $0x0;
	lr =	simm.s32 $0x1  }
0x2: {  	[smem:$0x3F66] =	sst lr;
	_ =	strace $0xD0000000  }
0x3: {  	_ = 	snop  }
0x4: {  	_ = 	snop  }
0x5: {  	_ = 	snop  }
0x6: {  	_ = 	snop  }
0x7: {  	_ = 	snop  }
__scs_overlays_trampoline_lowered:
0x8: {  	[smem:$0x3F75] =	sst s0  }
0x9: {  	[smem:$0x3F76] =	sst s1  }
0xa: {  	[smem:$0x3F77] =	sst s2  }
0xb: {  	[smem:$0x3F78] =	sst s3  }
0xc: {  	[smem:$0x3F79] =	sst s4  }
0xd: {  	[smem:$0x3F7A] =	sst s5  }
0xe: {  	[smem:$0x3F7B] =	sst s6  }
0xf: {  	[smem:$0x3F7C] =	sst s7  }
0x10: {  	[smem:$0x3F7D] =	sst s8  }
0x11: {  	[smem:$0x3F7E] =	sst s9;
	s0 =	simm.s32 @!p0 $0x0  }
0x12: {  	s1 =	sld [smem:$0x3F64];
	s0 =	simm.s32 @p0 $0x1  }
0x13: {  	[smem:$0x3F7F] =	sst s0;
	s0 =	simm.s32 @!p1 $0x0  }
0x14: {  	s2 =	sld [smem:$0x3F63];
	s0 =	simm.s32 @p1 $0x1  }
0x15: {  	[smem:$0x3F80] =	sst s0;
	s0 =	simm.s32 @!p2 $0x0  }
0x16: {  	s3 =	sld [smem:$0x3FDB];
	s0 =	simm.s32 @p2 $0x1  }
0x17: {  	s4 =	simm.s32 $0x1BF5;
	[smem:$0x3F82] =	sst s0  }
0x18: {  	s0 =	sld [smem:$0x3F65];
	_ =	swait.ge [sflag:s4], $0x0  }
0x19: {  	s7 =	sld [smem:$0x3F66]  }
0x1a: {  	s8 =	sadd.s32 $0xFFFFE003, lr  }
0x1b: {  	s9 =	sadd.s32 $0xFFFFFEF7, lr;
	s5 =	simm.s32 $0xFFFFFFFF;
	p2 =	slt.u32 s8, $0xFFFFF086  }
0x1c: {  	p1 =	slt.u32 s9, $0xF7A;
	s5 =	simm.s32 @!p2 $0x0  }
0x1d: {  	s5 =	simm.s32 @p1 $0x1;
	p0 =	seq.s32 s7, s2  }
0x1e: {  	s7 =	smul.u32 @!p0 $0xF7A, s2;
	p2 =	seq.s32 @!p0 s5, $0x0  }
0x1f: {  	s9 =	smul.u32 $0xF7A, s1;
	s8 =	simm.s32 @!p0 $0x1BF5;
	p2 =	por !p2, p0  }
0x20: {  	[sflag:s8] =	ssyncset.s32 @!p0 $0xFFFFF086;
	s6 =	sadd.s32 @!p0 s3, s7;
	s7 =	simm.s32 @!p0 $0x108  }
0x21: {  	s3 =	sadd.s32 s3, s9;
	s6 =	sadd.s32 @!p0 $0x88, s6;
	s7 =	simm.s32 @p2 $0x1082  }
0x22: {  	[simem:s7], [sflag:s8] =	dma.local @!p0 [hbm:s6], $0xF7A  }
0x23: {  	s9 =	sor.u32 $0xD0000000, s2;
	s6 =	simm.s32 $0x108;
	_ =	swait.ge @!p0 [sflag:s8], $0x0  }
0x24: {  	s3 =	sadd.s32 $0x88, s3;
	s6 =	simm.s32 @!p1 $0x1082;
	[sflag:s4] =	ssyncset.s32 $0xFFFFF086  }
0x25: {  	[simem:s6], [sflag:s4] =	dma.local [hbm:s3], $0xF7A  }
0x26: {  	[smem:$0x3F66] =	sst s1;
	(tag) =	ssettag s2;
	_ =	strace s9  }
0x27: {  	s1 =	sld [smem:$0x3F76]  }
0x28: {  	s2 =	sld [smem:$0x3F77]  }
0x29: {  	s4 =	sld [smem:$0x3F79]  }
0x2a: {  	p0 =	seq.s32 s5, $0x0;
	s5 =	sld [smem:$0x3F7A]  }
0x2b: {  	s6 =	sld [smem:$0x3F7B]  }
0x2c: {  	s7 =	sld [smem:$0x3F7C]  }
0x2d: {  	s3 =	simm.s32 $0x108;
	s8 =	sld [smem:$0x3F7D]  }
0x2e: {  	s3 =	simm.s32 @!p0 $0x1082;
	s9 =	sld [smem:$0x3F7E]  }
0x2f: {  	lr =	sadd.s32 s0, s3;
	s0 =	sld [smem:$0x3F75]  }
0x30: {  	s3 =	sld [smem:$0x3F78]  }
0x31: {  	[smem:$0x3F81] =	sst s10  }
0x32: {  	s10 =	sld [smem:$0x3F7F];
	_ =	sdelay $0x3  }
0x33: {  	p0 =	seq.s32 s10, $0x1;
	s10 =	sld [smem:$0x3F81];
	_ =	sdelay $0x3  }
0x34: {  	[smem:$0x3F81] =	sst s10  }
0x35: {  	s10 =	sld [smem:$0x3F80];
	_ =	sdelay $0x3  }
0x36: {  	p1 =	seq.s32 s10, $0x1;
	s10 =	sld [smem:$0x3F81];
	_ =	sdelay $0x3  }
0x37: {  	[smem:$0x3F81] =	sst s10  }
0x38: {  	s10 =	sld [smem:$0x3F82]  }
0x39: {  	_ = 	snop;
	(pc) =	sbr.ind lr, $3  }
0x3a: {  	_ = 	snop  }
0x3b: {  	_ = 	snop  }
0x3c: {  	p2 =	seq.s32 s10, $0x1;
	s10 =	sld [smem:$0x3F81]  }
0x3d: {  	_ =	shalt  }
0x3e: {  	_ =	shalt  }
0x3f: {  	_ =	shalt  }
0x40: {  	_ =	shalt  }
0x41: {  	_ =	shalt  }
0x42: {  	_ =	shalt  }
0x43: {  	_ =	shalt  }
0x44: {  	_ =	shalt  }
0x45: {  	_ =	shalt  }
0x46: {  	_ =	shalt  }
0x47: {  	_ =	shalt  }
0x48: {  	_ =	shalt  }
0x49: {  	_ =	shalt  }
0x4a: {  	_ =	shalt  }
0x4b: {  	_ =	shalt  }
0x4c: {  	_ =	shalt  }
0x4d: {  	_ =	shalt  }
0x4e: {  	_ =	shalt  }
0x4f: {  	_ =	shalt  }
0x50: {  	_ =	shalt  }
0x51: {  	_ =	shalt  }
0x52: {  	_ =	shalt  }
0x53: {  	_ =	shalt  }
0x54: {  	_ =	shalt  }
0x55: {  	_ =	shalt  }
0x56: {  	_ =	shalt  }
0x57: {  	_ =	shalt  }
0x58: {  	_ =	shalt  }
0x59: {  	_ =	shalt  }
0x5a: {  	_ =	shalt  }
0x5b: {  	_ =	shalt  }
0x5c: {  	_ =	shalt  }
0x5d: {  	_ =	shalt  }
0x5e: {  	_ =	shalt  }
0x5f: {  	_ =	shalt  }
0x60: {  	_ =	shalt  }
0x61: {  	_ =	shalt  }
0x62: {  	_ =	shalt  }
0x63: {  	_ =	shalt  }
0x64: {  	_ =	shalt  }
0x65: {  	_ =	shalt  }
0x66: {  	_ =	shalt  }
0x67: {  	_ =	shalt  }
0x68: {  	_ =	shalt  }
0x69: {  	_ =	shalt  }
0x6a: {  	_ =	shalt  }
0x6b: {  	_ =	shalt  }
0x6c: {  	_ =	shalt  }
0x6d: {  	_ =	shalt  }
0x6e: {  	_ =	shalt  }
0x6f: {  	_ =	shalt  }
0x70: {  	_ =	shalt  }
0x71: {  	_ =	shalt  }
0x72: {  	_ =	shalt  }
0x73: {  	_ =	shalt  }
0x74: {  	_ =	shalt  }
0x75: {  	_ =	shalt  }
0x76: {  	_ =	shalt  }
0x77: {  	_ =	shalt  }
0x78: {  	_ =	shalt  }
0x79: {  	_ =	shalt  }
0x7a: {  	_ =	shalt  }
0x7b: {  	_ =	shalt  }
0x7c: {  	_ =	shalt  }
0x7d: {  	_ =	shalt  }
0x7e: {  	_ =	shalt  }
0x7f: {  	_ =	shalt  }
0x80: {  	_ =	shalt  }
0x81: {  	_ =	shalt  }
0x82: {  	_ =	shalt  }
0x83: {  	_ =	shalt  }
0x84: {  	_ =	shalt  }
0x85: {  	_ =	shalt  }
0x86: {  	_ =	shalt  }
0x87: {  	_ =	shalt  }
.Lfunc_end0:
.L_simem_size_0:
called_computation.7_lowered:
.L_overlay_start_0:
0x88: {  	s2 =	sld [smem:$0x3FD9]  }
0x89: {  	s3 =	sld [smem:$0x3FFE];
	_ =	sdelay $0x1  }
0x8a: {  	s1 =	srdreg.scid  }
0x8b: {  	s0 =	sand.u32 $0x1, s1  }
0x8c: {  	s14 =	sshll.u32 s0, $0xA;
	s2 =	sadd.s32 s3, s2  }
0x8d: {  	s2 =	sadd.s32 s2, s14  }
0x8e: {  	[smem:$0x3F8D] =	sst s2  }
0x8f: {  	_ = 	snop  }
0x90: {  	s2 =	sld [smem:$0x3FD0];
	_ =	sdelay $0x2  }
0x91: {  	s15 =	simm.s32 $0xA;
	s4 =	simm.s32 $0x10  }
0x92: {  	[smem:s4], [sflag:s15] =	dma.local [hbm:s2], $0x1  }
0x93: {  	_ =	swait.eq [sflag:s15], $0x1  }
0x94: {  	[sflag:s15] =	ssyncset.done $0x0  }
0x95: {  	[sflag:s15] =	ssyncadd.s32 $0xFFFFFFFF  }
0x96: {  	s16 =	sld [smem:$0x10];
	(tm) =	ssettm $0x1  }
0x97: {  	s17 =	sld [smem:$0x3FFB];
	_ =	sdelay $0x3  }
0x98: {  	_ =	strace s17  }
0x99: {  	s3 =	sld [smem:$0x3FFC];
	_ =	sdelay $0x3  }
0x9a: {  	_ =	strace s3  }
0x9b: {  	s3 =	sld [smem:$0x3FFD];
	_ =	sdelay $0x3  }
0x9c: {  	_ =	strace s3  }
0x9d: {  	_ =	strace $0x8FFFFFFF  }
0x9e: {  	s18 =	sld [smem:$0x3FDB];
	_ =	sdelay $0x1  }
0x9f: {  	s19 =	simm.s32 $_scs_section_size  }
0xa0: {  	s5 =	simm.s32 $_size__tile_overlayer_lowered;
	s6 =	simm.s32 $_tile_overlayer_lowered  }
0xa1: {  	s22 =	simm.s32 $0x1BFF;
	s21 =	sshll.u32 s6, $0x1;
	s3 =	sadd.s32 s19, s18  }
0xa2: {  	s7 =	simm.s32 $0x0;
	s20 =	sshll.u32 s5, $0x1;
	s5 =	sadd.s32 s21, s3  }
0xa3: {  	[timem:s7], [sflag:s22] =	dma.local [hbm:s5], s20  }
0xa4: {  	_ =	swait.ge [sflag:s22], s20  }
0xa5: {  	s4 =	ssub.s32 $0x0, s20;
	[sflag:s22] =	ssyncset.done $0x0  }
0xa6: {  	[sflag:s22] =	ssyncadd.s32 s4;
	_ =	sdelay $0x1  }
0xa7: {  	s23 =	simm.s32 $0x1B8B  }
0xa8: {  	_ =	swait.ge [sflag:s23], $0x1  }
0xa9: {  	[sflag:s23] =	ssyncset.done $0x0  }
0xaa: {  	s25 =	simm.s32 $0x1B8E;
	s24 =	sld [smem:$0x3FFE];
	[sflag:s23] =	ssyncadd.s32 $0xFFFFFFFF  }
0xab: {  	s26 =	simm.s32 $execute0_lowered;
	[smem:$0x3FD2] =	sst s25  }
0xac: {  	s5 =	sshll.u32 s26, $0x1;
	_ =	strace $0x8000005B;
	[dreg:$0x1] =	wrdreg $0xFFFFFFFF  }
0xad: {  	s28 =	simm.s32 $_size_execute0_lowered;
	s3 =	sadd.s32 s3, s5;
	[dreg:$0x0] =	wrdreg $0x0  }
0xae: {  	s5 =	sshll.u32 s28, $0x1;
	[dreg:$0x2] =	wrdreg s3  }
0xaf: {  	[dreg:$0x3] =	wrdreg s5  }
0xb0: {  	[dreg:$0x4] =	wrdreg $0xC0  }
0xb1: {  	_ =	task [dreg:s7], $0x5FFFF  }
0xb2: {  	[dreg:$0x1] =	wrdreg $0xFFFFFFFF  }
0xb3: {  	[dreg:$0x0] =	wrdreg $0x60  }
0xb4: {  	[dreg:$0x2] =	wrdreg s24  }
0xb5: {  	[dreg:$0x3] =	wrdreg s16  }
0xb6: {  	[dreg:$0x4] =	wrdreg $0x4C000  }
0xb7: {  	[dreg:$0x5] =	wrdreg $0x9  }
0xb8: {  	_ =	task.clear_ibuf [dreg:s7], $0x6FFFF;
	_ =	strace $0x9000005B  }
0xb9: {  	s29 =	simm.s32 $0x9;
	_ =	strace $0x8000005D  }
0xba: {  	_ =	swait.ge [sflag:s29], $0x1  }
0xbb: {  	[sflag:s29] =	ssyncadd.s32 $0xFFFFFFFF  }
0xbc: {  	_ =	strace $0x9000005D  }
0xbd: {  	_ =	sfence  }
0xbe: {  	s30 =	sld [smem:$0x0];
	_ =	sdelay $0x2  }
0xbf: {  	s31 =	sshll.u32 s1, $0xD;
	s1 =	sshrl.u32 s1, $0x2  }
0xc0: {  	s3 =	sand.u32 $0x4000, s31;
	s1 =	sadd.s32 s1, s30  }
0xc1: {  	s0 =	sor.u32 s3, s0;
	s1 =	sshll.u32 s1, $0x11  }
0xc2: {  	s0 =	sor.u32 s1, s0  }
0xc3: {  	s0 =	sadd.s32 $0x8F2B, s0  }
0xc4: {  	[sflag:s0] =	ssyncadd.remote.s32 $0x1  }
0xc5: {  	_ =	sfence.sel $0xFFFF  }
0xc6: {  	[dreg:$0x0] =	wrdreg $0xFFFFFFFF;
	(pc) =	sbr.abs _section_cstart, $3  }
0xc7: {  	[dreg:$0x1] =	wrdreg $0xFFFFFFFF  }
0xc8: {  	_ =	task.clear_ibuf [dreg:s7], $0x2FFFF;
	_ =	strace $0x9FFFFFFF  }
0xc9: {  	(tm) =	ssettm $0x7FFFFFFF  }
tec
execute0_lowered:
.L_overlay_start_1:
0x0: {  	(tag) =	ssettag $0x1  }
0x1: {  	s4 =	srdreg.scid  }
0x2: {  	s11 =	sand.u32 $0x1, s4  }
0x3: {  	s4 =	stileid.u32;
	s6 =	smul.u32 $0x280000, s11  }
0x4: {  	s5 =	rddreg [dreg:$0x0];
	s7 =	smul.u32 $0x180, s4  }
0x5: {  	s1 =	rddreg [dreg:$0x1];
	s15 =	smul.u32 $0x278, s4  }
0x6: {  	s2 =	rddreg [dreg:$0x2];
	s3 =	simm.s32 $0x0;
	s9 =	smul.u32 $0x4F000, s4  }
0x7: {  	[smem:$0x7FF] =	sst s3;
	s16 =	sadd.s32 $0xC000, s5;
	s20 =	smul.u32 $0x9C40, s11  }
0x8: {  	_ =	strace $0x8000005C;
	s19 =	ssub.s32 $0x2, s11;
	s23 =	smul.u32 $0x4E2000, s11  }
0x9: {  	s10 =	sshll.u32 s11, $0x2;
	s30 =	smul.u32 $0xA000, s4;
	p0 =	seq.s32 s4, $0xF  }
0xa: {  	s8 =	sshrl.u32 s19, $0x1;
	s12 =	sor.u32 $0x1, s10;
	s18 =	sor.u32 $0x2, s10  }
0xb: {  	s14 =	sadd.s32 s6, s5;
	s7 =	sadd.s32 s7, s5;
	s13 =	smul.u32 $0x2710, s12  }
0xc: {  	s17 =	ssub.s32 s19, s8;
	s21 =	sshrl.u32 s9, $0x2;
	s12 =	smul.u32 $0x138800, s12  }
0xd: {  	s22 =	sadd.s32 s15, s20;
	s8 =	sadd.s32 $0x128400, s2;
	s25 =	smul.u32 $0x2710, s18  }
0xe: {  	s9 =	sshrl.u32 s23, $0x3;
	s18 =	smul.u32 $0x138800, s18;
	s19 =	sshllo.u32 s11, $0x2  }
0xf: {  	s23 =	simm.s32 $0x80;
	s5 =	sadd.s32 $0x19C400, s7;
	s6 =	sadd.s32 s21, s2  }
0x10: {  	s24 =	sshll.u32 s22, $0x4;
	s9 =	sadd.s32 s16, s9;
	s20 =	smul.u32 $0x2710, s19  }
0x11: {  	s29 =	smul.u32 $0x138800, s19;
	s31 =	sadd.s32 s30, s14;
	s17 =	smax.u32 s17, $0x1  }
0x12: {  	s21 =	simm.s32 $0x1;
	s22 =	simm.s32 $0xC00;
	s7 =	sadd.s32 s16, s24  }
0x13: {  	s13 =	sadd.s32 s15, s13;
	s9 =	sadd.s32 $0x25080, s9;
	s12 =	sshrl.u32 s12, $0x3  }
0x14: {  	s26 =	sadd.s32 s15, s25;
	s28 =	sshrl.u32 s18, $0x3;
	s19 =	sadd.s32 $0x1912C00, s31  }
0x15: {  	s24 =	simm.s32 $0x0;
	s13 =	sshll.u32 s13, $0x4;
	s12 =	sadd.s32 s16, s12  }
0x16: {  	s15 =	sadd.s32 s15, s20;
	s18 =	sshrl.u32 s29, $0x3;
	s20 =	sadd.s32 $0x19B2C00, s31  }
0x17: {  	s10 =	sadd.s32 s16, s13;
	s11 =	sadd.s32 $0x25080, s12;
	s12 =	sshll.u32 s26, $0x4  }
0x18: {  	s13 =	sadd.s32 s16, s28;
	s15 =	sshll.u32 s15, $0x4;
	s18 =	sadd.s32 s16, s18  }
0x19: {  	s13 =	sadd.s32 $0x25080, s13;
	s14 =	sadd.s32 s16, s15;
	s15 =	sadd.s32 $0x25080, s18  }
0x1a: {  	s12 =	sadd.s32 s16, s12;
	s16 =	sadd.s32 $0x17D2C00, s31;
	s18 =	sadd.s32 $0x1872C00, s31  }
.LBB2_1:
0x1b: {  	[tilespmem:s3], [sflag:$0x1] =	stream.linear.gather [hbm4b:s5+s3], $0xA00, $0x38;
	[tilespmem:$0x18800] =	vst v63  }
0x1c: {  	_ =	swait.ge [sflag:s21], $0xA00  }
0x1d: {  	s25 =	sshll.u32 s4, $0x6;
	[sflag:s21] =	ssyncset.done $0x0  }
0x1e: {  	s26 =	sshrl.u32 s6, $0x3;
	s25 =	sor.u32 $0x1C01, s25;
	[sflag:s21] =	ssyncadd.s32 $0xFFFFF600  }
0x1f: {  	[spmem:s26], [sflag:s25] =	dma.local [hbm:s1], $0x2780  }
0x20: {  	_ =	swait.ge [sflag:s21], $0x2780  }
0x21: {  	[sflag:s21] =	ssyncset.done $0x0  }
0x22: {  	[sflag:s21] =	ssyncadd.s32 $0xFFFFD880  }
0x23: {  	[bflag:$0x0] =	sbarrier.arrive $0xFFFF  }
0x24: {  	[tilespmem:s22], [sflag:$0x1] =	stream.linear.gather [hbm4b:s16+s3], $0x4000, $0x38;
	[tilespmem:$0x18800] =	vst v63  }
0x25: {  	_ =	swait.ge [sflag:s21], $0x4000  }
0x26: {  	[sflag:s21] =	ssyncset.done $0x0  }
0x27: {  	s28 =	simm.s32 $0x0;
	[sflag:s21] =	ssyncadd.s32 $0xFFFFC000  }
0x28: {  	[spmem:s2] =	stream.indirect.scatter.add.f32 [tilespmem:s22], [sflag:$0x1], $0x80, s28, s23, $0xb8;
	[tilespmem:$0x18800] =	vst v63  }
0x29: {  	_ =	swait.ge [sflag:s21], $0x4000  }
0x2a: {  	s29 =	smov.u32 s16;
	s28 =	simm.s32 $0x200;
	[sflag:s21] =	ssyncset.done $0x0  }
.LBB2_2:
0x2b: {  	p1 =	sne.s32 s28, $0x2600;
	[sflag:s21] =	ssyncadd.s32 $0xFFFFC000;
	s29 =	sadd.s32 $0x800, s29  }
0x2c: {  	[tilespmem:s22], [sflag:$0x1] =	stream.linear.gather [hbm4b:s29+s3], $0x4000, $0x38;
	[tilespmem:$0x18800] =	vst v63  }
0x2d: {  	s30 =	smov.u32 s28;
	s28 =	sadd.s32 $0x200, s28;
	_ =	swait.ge [sflag:s21], $0x4000  }
.Ltmp0:
0x2e: {  	[sflag:s21] =	ssyncset.done $0x0;
	(pc) =	sbr.rel @p1 .LBB2_2-.Ltmp0, $4  }
0x2f: {  	s30 =	sshra.s32 s30, $0x2;
	[sflag:s21] =	ssyncadd.s32 $0xFFFFC000  }
0x30: {  	[spmem:s2] =	stream.indirect.scatter.add.f32 [tilespmem:s22], [sflag:$0x1], $0x80, s30, s23, $0xb8;
	[tilespmem:$0x18800] =	vst v63  }
0x31: {  	_ =	swait.ge [sflag:s21], $0x4000  }
0x32: {  	[sflag:s21] =	ssyncset.done $0x0  }
0x33: {  	[sflag:s21] =	ssyncadd.s32 $0xFFFFC000  }
0x34: {  	s28 =	sshrl.u32 @p0 s8, $0x3;
	s29 =	simm.s32 @p0 $0x1;
	[bflag:$0x0] =	sbarrier.arrive $0xFFFF  }
0x35: {  	[hbm:s9], [sflag:s25] =	dma.local @p0 [spmem:s28], $0x2080  }
0x36: {  	_ =	swait.ge @p0 [sflag:s29], $0x2080  }
0x37: {  	[sflag:s29] =	ssyncset.done @p0 $0x0  }
0x38: {  	s30 =	simm.s32 @!p0 $0x1;
	[sflag:s29] =	ssyncadd.s32 @p0 $0xFFFFDF80;
	s29 =	sshrl.u32 @!p0 s6, $0x3  }
0x39: {  	[hbm:s7], [sflag:s25] =	dma.local @!p0 [spmem:s29], $0x2780  }
0x3a: {  	_ =	swait.ge @!p0 [sflag:s30], $0x2780  }
0x3b: {  	[sflag:s30] =	ssyncset.done @!p0 $0x0  }
0x3c: {  	[sflag:s30] =	ssyncadd.s32 @!p0 $0xFFFFD880  }
0x3d: {  	[spmem:s26], [sflag:s25] =	dma.local [hbm:s1], $0x2780  }
0x3e: {  	_ =	swait.ge [sflag:s21], $0x2780  }
0x3f: {  	[sflag:s21] =	ssyncset.done $0x0  }
0x40: {  	[sflag:s21] =	ssyncadd.s32 $0xFFFFD880  }
0x41: {  	[bflag:$0x0] =	sbarrier.arrive $0xFFFF  }
0x42: {  	[tilespmem:s22], [sflag:$0x1] =	stream.linear.gather [hbm4b:s18+s3], $0x4000, $0x38;
	[tilespmem:$0x18800] =	vst v63  }
0x43: {  	_ =	swait.ge [sflag:s21], $0x4000  }
0x44: {  	[sflag:s21] =	ssyncset.done $0x0  }
0x45: {  	s30 =	simm.s32 $0x0;
	[sflag:s21] =	ssyncadd.s32 $0xFFFFC000  }
0x46: {  	[spmem:s2] =	stream.indirect.scatter.add.f32 [tilespmem:s22], [sflag:$0x1], $0x80, s30, s23, $0xb8;
	[tilespmem:$0x18800] =	vst v63  }
0x47: {  	_ =	swait.ge [sflag:s21], $0x4000  }
0x48: {  	s31 =	smov.u32 s18;
	s30 =	simm.s32 $0x200;
	[sflag:s21] =	ssyncset.done $0x0  }
.LBB2_4:
0x49: {  	p1 =	sne.s32 s30, $0x2600;
	[sflag:s21] =	ssyncadd.s32 $0xFFFFC000;
	s31 =	sadd.s32 $0x800, s31  }
0x4a: {  	[tilespmem:s22], [sflag:$0x1] =	stream.linear.gather [hbm4b:s31+s3], $0x4000, $0x38;
	[tilespmem:$0x18800] =	vst v63  }
0x4b: {  	s0 =	smov.u32 s30;
	s30 =	sadd.s32 $0x200, s30;
	_ =	swait.ge [sflag:s21], $0x4000  }
.Ltmp1:
0x4c: {  	[sflag:s21] =	ssyncset.done $0x0;
	(pc) =	sbr.rel @p1 .LBB2_4-.Ltmp1, $4  }
0x4d: {  	s0 =	sshra.s32 s0, $0x2;
	[sflag:s21] =	ssyncadd.s32 $0xFFFFC000  }
0x4e: {  	[spmem:s2] =	stream.indirect.scatter.add.f32 [tilespmem:s22], [sflag:$0x1], $0x80, s0, s23, $0xb8;
	[tilespmem:$0x18800] =	vst v63  }
0x4f: {  	_ =	swait.ge [sflag:s21], $0x4000  }
0x50: {  	[sflag:s21] =	ssyncset.done $0x0  }
0x51: {  	[sflag:s21] =	ssyncadd.s32 $0xFFFFC000  }
0x52: {  	s0 =	simm.s32 @p0 $0x1;
	[bflag:$0x0] =	sbarrier.arrive $0xFFFF  }
0x53: {  	[hbm:s11], [sflag:s25] =	dma.local @p0 [spmem:s28], $0x2080  }
0x54: {  	_ =	swait.ge @p0 [sflag:s0], $0x2080  }
0x55: {  	[sflag:s0] =	ssyncset.done @p0 $0x0  }
0x56: {  	[sflag:s0] =	ssyncadd.s32 @p0 $0xFFFFDF80;
	s0 =	simm.s32 @!p0 $0x1  }
0x57: {  	[hbm:s10], [sflag:s25] =	dma.local @!p0 [spmem:s29], $0x2780  }
0x58: {  	_ =	swait.ge @!p0 [sflag:s0], $0x2780  }
0x59: {  	[sflag:s0] =	ssyncset.done @!p0 $0x0  }
0x5a: {  	[sflag:s0] =	ssyncadd.s32 @!p0 $0xFFFFD880  }
0x5b: {  	[spmem:s26], [sflag:s25] =	dma.local [hbm:s1], $0x2780  }
0x5c: {  	_ =	swait.ge [sflag:s21], $0x2780  }
0x5d: {  	[sflag:s21] =	ssyncset.done $0x0  }
0x5e: {  	[sflag:s21] =	ssyncadd.s32 $0xFFFFD880  }
0x5f: {  	[bflag:$0x0] =	sbarrier.arrive $0xFFFF  }
0x60: {  	[tilespmem:s22], [sflag:$0x1] =	stream.linear.gather [hbm4b:s19+s3], $0x4000, $0x38;
	[tilespmem:$0x18800] =	vst v63  }
0x61: {  	_ =	swait.ge [sflag:s21], $0x4000  }
0x62: {  	[sflag:s21] =	ssyncset.done $0x0  }
0x63: {  	s0 =	simm.s32 $0x0;
	[sflag:s21] =	ssyncadd.s32 $0xFFFFC000  }
0x64: {  	[spmem:s2] =	stream.indirect.scatter.add.f32 [tilespmem:s22], [sflag:$0x1], $0x80, s0, s23, $0xb8;
	[tilespmem:$0x18800] =	vst v63  }
0x65: {  	_ =	swait.ge [sflag:s21], $0x4000  }
0x66: {  	s30 =	simm.s32 $0x200;
	s31 =	smov.u32 s19;
	[sflag:s21] =	ssyncset.done $0x0  }
.LBB2_6:
0x67: {  	p1 =	sne.s32 s30, $0x2600;
	[sflag:s21] =	ssyncadd.s32 $0xFFFFC000;
	s31 =	sadd.s32 $0x800, s31  }
0x68: {  	[tilespmem:s22], [sflag:$0x1] =	stream.linear.gather [hbm4b:s31+s3], $0x4000, $0x38;
	[tilespmem:$0x18800] =	vst v63  }
0x69: {  	s0 =	smov.u32 s30;
	s30 =	sadd.s32 $0x200, s30;
	_ =	swait.ge [sflag:s21], $0x4000  }
.Ltmp2:
0x6a: {  	[sflag:s21] =	ssyncset.done $0x0;
	(pc) =	sbr.rel @p1 .LBB2_6-.Ltmp2, $4  }
0x6b: {  	s0 =	sshra.s32 s0, $0x2;
	[sflag:s21] =	ssyncadd.s32 $0xFFFFC000  }
0x6c: {  	[spmem:s2] =	stream.indirect.scatter.add.f32 [tilespmem:s22], [sflag:$0x1], $0x80, s0, s23, $0xb8;
	[tilespmem:$0x18800] =	vst v63  }
0x6d: {  	_ =	swait.ge [sflag:s21], $0x4000  }
0x6e: {  	[sflag:s21] =	ssyncset.done $0x0  }
0x6f: {  	[sflag:s21] =	ssyncadd.s32 $0xFFFFC000  }
0x70: {  	s0 =	simm.s32 @p0 $0x1;
	[bflag:$0x0] =	sbarrier.arrive $0xFFFF  }
0x71: {  	[hbm:s13], [sflag:s25] =	dma.local @p0 [spmem:s28], $0x2080  }
0x72: {  	_ =	swait.ge @p0 [sflag:s0], $0x2080  }
0x73: {  	[sflag:s0] =	ssyncset.done @p0 $0x0  }
0x74: {  	[sflag:s0] =	ssyncadd.s32 @p0 $0xFFFFDF80;
	s0 =	simm.s32 @!p0 $0x1  }
0x75: {  	[hbm:s12], [sflag:s25] =	dma.local @!p0 [spmem:s29], $0x2780  }
0x76: {  	_ =	swait.ge @!p0 [sflag:s0], $0x2780  }
0x77: {  	[sflag:s0] =	ssyncset.done @!p0 $0x0  }
0x78: {  	[sflag:s0] =	ssyncadd.s32 @!p0 $0xFFFFD880  }
0x79: {  	[spmem:s26], [sflag:s25] =	dma.local [hbm:s1], $0x2780  }
0x7a: {  	_ =	swait.ge [sflag:s21], $0x2780  }
0x7b: {  	[sflag:s21] =	ssyncset.done $0x0  }
0x7c: {  	[sflag:s21] =	ssyncadd.s32 $0xFFFFD880  }
0x7d: {  	[bflag:$0x0] =	sbarrier.arrive $0xFFFF  }
0x7e: {  	[tilespmem:s22], [sflag:$0x1] =	stream.linear.gather [hbm4b:s20+s3], $0x4000, $0x38;
	[tilespmem:$0x18800] =	vst v63  }
0x7f: {  	_ =	swait.ge [sflag:s21], $0x4000  }
0x80: {  	[sflag:s21] =	ssyncset.done $0x0  }
0x81: {  	s31 =	simm.s32 $0x0;
	[sflag:s21] =	ssyncadd.s32 $0xFFFFC000  }
0x82: {  	[spmem:s2] =	stream.indirect.scatter.add.f32 [tilespmem:s22], [sflag:$0x1], $0x80, s31, s23, $0xb8;
	[tilespmem:$0x18800] =	vst v63  }
0x83: {  	_ =	swait.ge [sflag:s21], $0x4000  }
0x84: {  	s30 =	smov.u32 s20;
	s26 =	simm.s32 $0x200;
	[sflag:s21] =	ssyncset.done $0x0  }
.LBB2_8:
0x85: {  	p1 =	sne.s32 s26, $0x2600;
	[sflag:s21] =	ssyncadd.s32 $0xFFFFC000;
	s30 =	sadd.s32 $0x800, s30  }
0x86: {  	[tilespmem:s22], [sflag:$0x1] =	stream.linear.gather [hbm4b:s30+s3], $0x4000, $0x38;
	[tilespmem:$0x18800] =	vst v63  }
0x87: {  	s0 =	smov.u32 s26;
	s26 =	sadd.s32 $0x200, s26;
	_ =	swait.ge [sflag:s21], $0x4000  }
.Ltmp3:
0x88: {  	[sflag:s21] =	ssyncset.done $0x0;
	(pc) =	sbr.rel @p1 .LBB2_8-.Ltmp3, $4  }
0x89: {  	s0 =	sshra.s32 s0, $0x2;
	[sflag:s21] =	ssyncadd.s32 $0xFFFFC000  }
0x8a: {  	[spmem:s2] =	stream.indirect.scatter.add.f32 [tilespmem:s22], [sflag:$0x1], $0x80, s0, s23, $0xb8;
	[tilespmem:$0x18800] =	vst v63  }
0x8b: {  	_ =	swait.ge [sflag:s21], $0x4000  }
0x8c: {  	[sflag:s21] =	ssyncset.done $0x0  }
0x8d: {  	[sflag:s21] =	ssyncadd.s32 $0xFFFFC000  }
0x8e: {  	s0 =	simm.s32 @p0 $0x1;
	[bflag:$0x0] =	sbarrier.arrive $0xFFFF  }
0x8f: {  	[hbm:s15], [sflag:s25] =	dma.local @p0 [spmem:s28], $0x2080  }
0x90: {  	s24 =	sadd.s32 $0x1, s24;
	_ =	swait.ge @p0 [sflag:s0], $0x2080  }
0x91: {  	p1 =	sne.s32 s24, s17;
	[sflag:s0] =	ssyncset.done @p0 $0x0  }
.Ltmp4:
0x92: {  	[sflag:s0] =	ssyncadd.s32 @p0 $0xFFFFDF80;
	s0 =	simm.s32 @!p0 $0x1;
	(pc) =	sbr.rel @p1 .LBB2_1-.Ltmp4, $4  }
0x93: {  	[hbm:s14], [sflag:s25] =	dma.local @!p0 [spmem:s29], $0x2780  }
0x94: {  	_ =	swait.ge @!p0 [sflag:s0], $0x2780  }
0x95: {  	[sflag:s0] =	ssyncset.done @!p0 $0x0  }
0x96: {  	[sflag:s0] =	ssyncadd.s32 @!p0 $0xFFFFD880  }
0x97: {  	_ =	sfence.sel $0x180000  }
0x98: {  	[bflag:$0x0] =	sbarrier.arrive $0xFFFF  }
0x99: {  	_ =	strace $0x9000005C  }
0x9a: {  	[bflag:$0x2] =	sbarrier.arrive $0xFFFF  }
0x9b: {  	p0 =	sne.s32 s4, $0x0;
	s0 =	rddreg [dreg:$0x3]  }
0x9c: {  	s0 =	sadd.s32 @!p0 $0x100000, s0  }
0x9d: {  	[sflag:s0] =	ssyncadd.tile.s32 @!p0 $0x1;
	_ =	shalt  }
.Lfunc_end2:
_tile_overlayer_lowered:
.L_overlay_start_2:
0x9e: {  	(tag) =	ssettag $0x2  }
0x9f: {  	s0 =	rddreg [dreg:$0x0];
	s2 =	stileid.u32  }
0xa0: {  	s1 =	rddreg [dreg:$0x1];
	p0 =	sne.s32 s2, $0x0  }
0xa1: {  	s3 =	rddreg [dreg:$0x2];
	[bflag:$0x3] =	sbarrier.arrive $0xFFFF;
	s2 =	simm.s32 @!p0 $0x1C01  }
0xa2: {  	[timem:s3], [sflag:s2] =	dma.local @!p0 [hbm:s0], s1  }
0xa3: {  	s0 =	simm.s32 @!p0 $0x1  }
0xa4: {  	_ =	swait.ge @!p0 [sflag:s0], s1  }
0xa5: {  	s1 =	ssub.s32 @!p0 $0x0, s1;
	[sflag:s0] =	ssyncset.done @!p0 $0x0  }
0xa6: {  	[sflag:s0] =	ssyncadd.s32 @!p0 s1  }
0xa7: {  	[bflag:$0x3] =	sbarrier.arrive $0xFFFF  }
0xa8: {  	_ =	shalt  }

</sc_bundles>
